<compile_context>
chip_gen: v7x
topology: tpu7x:2x2x1
jax: 0.10.2.dev20260603
libtpu: 0.0.44.dev20260713+nightly
codegen_flags: <defaults>
</compile_context>

<pallas_src>
import functools

import jax
import jax.numpy as jnp
from jax.experimental import pallas as pl
from jax.experimental.pallas import tpu as pltpu
from jax.experimental.pallas import tpu_sc as plsc

D_MODEL = 768
D_FF = 512
NUM_EXPERTS = 64
TOP_K = 2
T = 2048
NPAIR = T * TOP_K
TM = 64
NT = 128
NP = NT * TM
RC = 128
NRC = NPAIR // RC


def _route_kernel(x_ref, gw_ref, slot_ref, wflat_ref, ts_ref, tc_ref, pad_ref):
    x = x_ref[...]
    logits = jnp.dot(x, gw_ref[...], preferred_element_type=jnp.float32)
    iota = jax.lax.broadcasted_iota(jnp.int32, (T, NUM_EXPERTS), 1)
    m1 = jnp.max(logits, axis=1, keepdims=True)
    a1 = jnp.min(jnp.where(logits == m1, iota, NUM_EXPERTS), axis=1, keepdims=True)
    l2 = jnp.where(iota == a1, -jnp.inf, logits)
    m2 = jnp.max(l2, axis=1, keepdims=True)
    a2 = jnp.min(jnp.where(l2 == m2, iota, NUM_EXPERTS), axis=1, keepdims=True)
    eexp = jnp.exp(m2 - m1)
    w1c = 1.0 / (1.0 + eexp)
    w2c = eexp * w1c
    wflat_ref[...] = jnp.concatenate([w1c, w2c], axis=0)

    ohA = (iota == a1).astype(jnp.float32)
    ohB = (iota == a2).astype(jnp.float32)
    oh = jnp.concatenate([ohA, ohB], axis=0)

    ri = jax.lax.broadcasted_iota(jnp.int32, (RC, RC), 0)
    ci = jax.lax.broadcasted_iota(jnp.int32, (RC, RC), 1)
    lexc = (ci < ri).astype(jnp.float32)
    base = jnp.zeros((1, NUM_EXPERTS), jnp.float32)
    ranks = []
    for c in range(NRC):
        blk = oh[c * RC:(c + 1) * RC]
        ranks.append(jnp.dot(lexc, blk, preferred_element_type=jnp.float32) + base)
        base = base + jnp.sum(blk, axis=0, keepdims=True)
    rank_mat = jnp.concatenate(ranks, axis=0)
    counts = base

    tiles = jnp.ceil(counts * (1.0 / TM))
    ei = jax.lax.broadcasted_iota(jnp.int32, (NUM_EXPERTS, NUM_EXPERTS), 0)
    ej = jax.lax.broadcasted_iota(jnp.int32, (NUM_EXPERTS, NUM_EXPERTS), 1)
    uincl = (ei <= ej).astype(jnp.float32)
    cumt = jnp.dot(tiles, uincl, preferred_element_type=jnp.float32)
    tstart = cumt - tiles
    poff = tstart * TM
    slotf = jnp.sum(oh * (rank_mat + poff), axis=1, keepdims=True)
    slot_ref[...] = slotf.astype(jnp.int32)
    ts_ref[...] = tstart.astype(jnp.int32)
    tc_ref[...] = tiles.astype(jnp.int32)

    ks = jax.lax.broadcasted_iota(jnp.int32, (TM, NUM_EXPERTS), 0)
    cnt_i = counts.astype(jnp.int32)
    lim_i = (tiles * TM).astype(jnp.int32)
    poff_i = poff.astype(jnp.int32)
    valid = (cnt_i + ks) < lim_i
    pad_ref[...] = jnp.where(valid, poff_i + cnt_i + ks, NP - 1)


_NWORK = 32
_PER_W = NPAIR // _NWORK


def _sc_invert(slot, wflat, padidx):
    mesh = plsc.VectorSubcoreMesh(core_axis_name="c", subcore_axis_name="s")

    @functools.partial(
        pl.kernel, mesh=mesh,
        out_type=[jax.ShapeDtypeStruct((NP,), jnp.int32),
                  jax.ShapeDtypeStruct((NP,), jnp.float32)],
        scratch_types=[pltpu.VMEM((_PER_W,), jnp.int32),
                       pltpu.VMEM((_PER_W,), jnp.int32),
                       pltpu.VMEM((_PER_W,), jnp.int32),
                       pltpu.VMEM((_PER_W,), jnp.float32),
                       pltpu.VMEM((_PER_W,), jnp.int32),
                       pltpu.VMEM((_PER_W,), jnp.float32),
                       pltpu.SemaphoreType.DMA],
    )
    def k(slot_hbm, w_hbm, pad_hbm, srctok_hbm, pairw_hbm,
          idx_v, pidx_v, tok_v, w_v, zi_v, zf_v, sem):
        wid = jax.lax.axis_index("s") * 2 + jax.lax.axis_index("c")
        base = wid * _PER_W
        pltpu.sync_copy(slot_hbm.at[pl.ds(base, _PER_W)], idx_v)
        pltpu.sync_copy(pad_hbm.at[pl.ds(base, _PER_W)], pidx_v)
        pltpu.sync_copy(w_hbm.at[pl.ds(base, _PER_W)], w_v)
        lane = jax.lax.iota(jnp.int32, 16)
        zero16 = lane * 0
        for c in range(_PER_W // 16):
            tok_v[pl.ds(c * 16, 16)] = (base + c * 16 + lane) & (T - 1)
            zi_v[pl.ds(c * 16, 16)] = zero16
            zf_v[pl.ds(c * 16, 16)] = zero16.astype(jnp.float32)
        pltpu.async_copy(tok_v, srctok_hbm.at[idx_v], sem).wait()
        pltpu.async_copy(w_v, pairw_hbm.at[idx_v], sem).wait()
        pltpu.async_copy(zi_v, srctok_hbm.at[pidx_v], sem).wait()
        pltpu.async_copy(zf_v, pairw_hbm.at[pidx_v], sem).wait()

    return k(slot, wflat, padidx)


def _moe_kernel(tstart_ref, tcnt_ref, src_ref, x_ref, pw_ref, w1_ref, w2_ref,
                out_ref, xg_ref):
    e = pl.program_id(0)

    @pl.when(e == 0)
    def _init():
        out_ref[...] = jnp.zeros_like(out_ref)

    t0 = tstart_ref[e]

    def _chunk(t, carry):
        base = (t0 + t) * TM
        for r in range(TM):
            s = src_ref[base + r]
            xg_ref[r:r + 1, :] = x_ref[pl.ds(s, 1), :]
        h = jnp.dot(xg_ref[...], w1_ref[0], preferred_element_type=jnp.float32,
                    precision=jax.lax.Precision.DEFAULT)
        h = h * jax.nn.sigmoid(h)
        y = jnp.dot(h, w2_ref[0], preferred_element_type=jnp.float32,
                    precision=jax.lax.Precision.DEFAULT)
        y = y * pw_ref[pl.ds(t0 + t, 1)][0]
        for r in range(TM):
            s = src_ref[base + r]
            out_ref[pl.ds(s, 1), :] += y[r:r + 1, :]
        return carry

    jax.lax.fori_loop(0, tcnt_ref[e], _chunk, 0)


@functools.partial(jax.jit, static_argnames=("interpret",))
def _run(inputs, gate_w, w1, w2, interpret=False):
    x = inputs.reshape(-1, D_MODEL)

    slot, wflat, ts, tc, padidx = pl.pallas_call(
        _route_kernel,
        out_shape=[jax.ShapeDtypeStruct((NPAIR, 1), jnp.int32),
                   jax.ShapeDtypeStruct((NPAIR, 1), jnp.float32),
                   jax.ShapeDtypeStruct((1, NUM_EXPERTS), jnp.int32),
                   jax.ShapeDtypeStruct((1, NUM_EXPERTS), jnp.int32),
                   jax.ShapeDtypeStruct((TM, NUM_EXPERTS), jnp.int32)],
        interpret=interpret,
    )(x, gate_w)

    slot = slot.reshape(-1)
    if interpret:
        tok = jnp.arange(NPAIR, dtype=jnp.int32) % T
        srctok = jnp.zeros(NP, jnp.int32).at[slot].set(tok)
        pairw = jnp.zeros(NP, jnp.float32).at[slot].set(wflat.reshape(-1))
    else:
        srctok, pairw = _sc_invert(slot, wflat.reshape(-1), padidx.reshape(-1))
    tstart = ts.reshape(-1)
    tcnt = tc.reshape(-1)

    grid_spec = pltpu.PrefetchScalarGridSpec(
        num_scalar_prefetch=3,
        grid=(NUM_EXPERTS,),
        in_specs=[
            pl.BlockSpec((T, D_MODEL), lambda e, tsr, tcr, src: (0, 0)),
            pl.BlockSpec((NT, TM, 1), lambda e, tsr, tcr, src: (0, 0, 0)),
            pl.BlockSpec((1, D_MODEL, D_FF), lambda e, tsr, tcr, src: (e, 0, 0)),
            pl.BlockSpec((1, D_FF, D_MODEL), lambda e, tsr, tcr, src: (e, 0, 0)),
        ],
        out_specs=pl.BlockSpec((T, D_MODEL), lambda e, tsr, tcr, src: (0, 0)),
        scratch_shapes=[pltpu.VMEM((TM, D_MODEL), jnp.float32)],
    )
    out = pl.pallas_call(
        _moe_kernel,
        grid_spec=grid_spec,
        out_shape=jax.ShapeDtypeStruct((T, D_MODEL), jnp.float32),
        interpret=interpret,
    )(tstart, tcnt, srctok, x, pairw.reshape(NT, TM, 1), w1, w2)
    return out.reshape(inputs.shape)


def kernel(inputs, gate_w, w1, w2):
    return _run(inputs, gate_w, w1, w2)

# --- scband reference (transcript-rebuilt; emitter-appended) ---
"""Pipeline reference for scband-moe-layer-67465346286036 (READ-ONLY COPY).

The authoritative reference and input builder live on the scoring server;
editing this copy changes nothing except your own understanding.
"""

import jax, jax.numpy as jnp
import numpy as np

D_MODEL = 768
D_FF = 512
NUM_EXPERTS = 64
TOP_K = 2


def setup_inputs(seed: int = 0) -> dict:
    key = jax.random.key(seed)
    k1, k2, k3, k4 = jax.random.split(key, 4)
    inputs = jax.random.normal(k1, (1, 2048, D_MODEL), dtype=jnp.float32)
    gate_w = jax.random.normal(k2, (D_MODEL, NUM_EXPERTS), dtype=jnp.float32) * (1.0 / np.sqrt(D_MODEL))
    w1 = jax.random.normal(k3, (NUM_EXPERTS, D_MODEL, D_FF), dtype=jnp.float32) * (1.0 / np.sqrt(D_MODEL))
    w2 = jax.random.normal(k4, (NUM_EXPERTS, D_FF, D_MODEL), dtype=jnp.float32) * (1.0 / np.sqrt(D_FF))
    return {"inputs": inputs, "gate_w": gate_w, "w1": w1, "w2": w2}


def reference(inputs, gate_w, w1, w2):
    inputs_shape = inputs.shape
    x = inputs.reshape(-1, inputs_shape[-1])  # [T, d_model]
    gate_logits = x @ gate_w  # [T, E]
    weights, selected_experts = jax.lax.top_k(gate_logits, TOP_K)  # [T, top_k]
    weights = jax.nn.softmax(weights.astype(jnp.float32), axis=1).astype(x.dtype)
    results = jnp.zeros_like(x)
    for i in range(NUM_EXPERTS):
        # per-token combine weight for expert i (0 if token did not select expert i)
        w_i = jnp.sum(jnp.where(selected_experts == i, weights, 0.0), axis=1)  # [T]
        expert_out = jax.nn.silu(x @ w1[i]) @ w2[i]  # [T, d_model]
        results = results + w_i[:, None] * expert_out
    return results.reshape(inputs_shape)

if __name__ == "__main__":
    import jax
    _d = setup_inputs()
    print(jax.jit(kernel)(*tuple(_d.values())))

</pallas_src>

<mosaic_0001>
#map = affine_map<(d0, d1) -> (0)>
module attributes {stable_mosaic.version = 14 : i64} {
  func.func @k(%arg0: i32, %arg1: i32, %arg2: memref<4096xi32, #tpu.memory_space<hbm>>, %arg3: memref<4096xf32, #tpu.memory_space<hbm>>, %arg4: memref<4096xi32, #tpu.memory_space<hbm>>, %arg5: memref<8192xi32, #tpu.memory_space<hbm>>, %arg6: memref<8192xf32, #tpu.memory_space<hbm>>, %arg7: memref<128xi32, #tpu.memory_space<vmem>>, %arg8: memref<128xi32, #tpu.memory_space<vmem>>, %arg9: memref<128xi32, #tpu.memory_space<vmem>>, %arg10: memref<128xf32, #tpu.memory_space<vmem>>, %arg11: memref<128xi32, #tpu.memory_space<vmem>>, %arg12: memref<128xf32, #tpu.memory_space<vmem>>, %arg13: memref<!tpu.dma_semaphore, #tpu.memory_space<semaphore_mem>>) attributes {dimension_semantics = [#tpu.dimension_semantics<core_parallel>, #tpu.dimension_semantics<subcore_parallel>], iteration_bounds = array<i64: 2, 16>, scalar_prefetch = 0 : i64, scratch_operands = 7 : i64, tpu.core_type = #tpu.core_type<sc_vector_subcore>, window_params = [{transform_indices = #map}, {transform_indices = #map}, {transform_indices = #map}, {transform_indices = #map}, {transform_indices = #map}]} {
    %mul3A = arith.constant 2 : i32
    %mul3A_0 = arith.muli %arg1, %mul3A : i32
    %add3A = arith.addi %mul3A_0, %arg0 : i32
    %mul3A_1 = arith.constant 128 : i32
    %mul3A_2 = arith.muli %add3A, %mul3A_1 : i32
    "tpu.region"() ({
      %run_scoped3A = tpu.sem_alloc : memref<!tpu.dma_semaphore, #tpu.memory_space<semaphore_mem>>
      %dma_start3A_177 = tpu.memref_slice %arg2[%mul3A_2] : memref<4096xi32, #tpu.memory_space<hbm>> -> memref<128xi32, #tpu.memory_space<hbm>>
      %dma_start3A_178 = tpu.memref_slice %arg2[%mul3A_2] : memref<4096xi32, #tpu.memory_space<hbm>> -> memref<128xi32, #tpu.memory_space<hbm>>
      tpu.enqueue_dma source(%dma_start3A_178 : memref<128xi32, #tpu.memory_space<hbm>>) target(%arg7 : memref<128xi32, #tpu.memory_space<vmem>>) target_semaphore(%run_scoped3A : memref<!tpu.dma_semaphore, #tpu.memory_space<semaphore_mem>>)
      %dma_wait3A_179 = tpu.memref_slice %arg2[%mul3A_2] : memref<4096xi32, #tpu.memory_space<hbm>> -> memref<128xi32, #tpu.memory_space<hbm>>
      %dma_wait3A_180 = tpu.memref_slice %arg2[%mul3A_2] : memref<4096xi32, #tpu.memory_space<hbm>> -> memref<128xi32, #tpu.memory_space<hbm>>
      tpu.wait_dma2 semaphore(%run_scoped3A : memref<!tpu.dma_semaphore, #tpu.memory_space<semaphore_mem>>) src(%dma_wait3A_180 : memref<128xi32, #tpu.memory_space<hbm>>) dst(%arg7 : memref<128xi32, #tpu.memory_space<vmem>>)
      tpu.yield
    }) : () -> ()
    "tpu.region"() ({
      %run_scoped3A = tpu.sem_alloc : memref<!tpu.dma_semaphore, #tpu.memory_space<semaphore_mem>>
      %dma_start3A_177 = tpu.memref_slice %arg4[%mul3A_2] : memref<4096xi32, #tpu.memory_space<hbm>> -> memref<128xi32, #tpu.memory_space<hbm>>
      %dma_start3A_178 = tpu.memref_slice %arg4[%mul3A_2] : memref<4096xi32, #tpu.memory_space<hbm>> -> memref<128xi32, #tpu.memory_space<hbm>>
      tpu.enqueue_dma source(%dma_start3A_178 : memref<128xi32, #tpu.memory_space<hbm>>) target(%arg8 : memref<128xi32, #tpu.memory_space<vmem>>) target_semaphore(%run_scoped3A : memref<!tpu.dma_semaphore, #tpu.memory_space<semaphore_mem>>)
      %dma_wait3A_179 = tpu.memref_slice %arg4[%mul3A_2] : memref<4096xi32, #tpu.memory_space<hbm>> -> memref<128xi32, #tpu.memory_space<hbm>>
      %dma_wait3A_180 = tpu.memref_slice %arg4[%mul3A_2] : memref<4096xi32, #tpu.memory_space<hbm>> -> memref<128xi32, #tpu.memory_space<hbm>>
      tpu.wait_dma2 semaphore(%run_scoped3A : memref<!tpu.dma_semaphore, #tpu.memory_space<semaphore_mem>>) src(%dma_wait3A_180 : memref<128xi32, #tpu.memory_space<hbm>>) dst(%arg8 : memref<128xi32, #tpu.memory_space<vmem>>)
      tpu.yield
    }) : () -> ()
    "tpu.region"() ({
      %run_scoped3A = tpu.sem_alloc : memref<!tpu.dma_semaphore, #tpu.memory_space<semaphore_mem>>
      %dma_start3A_177 = tpu.memref_slice %arg3[%mul3A_2] : memref<4096xf32, #tpu.memory_space<hbm>> -> memref<128xf32, #tpu.memory_space<hbm>>
      %dma_start3A_178 = tpu.memref_slice %arg3[%mul3A_2] : memref<4096xf32, #tpu.memory_space<hbm>> -> memref<128xf32, #tpu.memory_space<hbm>>
      tpu.enqueue_dma source(%dma_start3A_178 : memref<128xf32, #tpu.memory_space<hbm>>) target(%arg10 : memref<128xf32, #tpu.memory_space<vmem>>) target_semaphore(%run_scoped3A : memref<!tpu.dma_semaphore, #tpu.memory_space<semaphore_mem>>)
      %dma_wait3A_179 = tpu.memref_slice %arg3[%mul3A_2] : memref<4096xf32, #tpu.memory_space<hbm>> -> memref<128xf32, #tpu.memory_space<hbm>>
      %dma_wait3A_180 = tpu.memref_slice %arg3[%mul3A_2] : memref<4096xf32, #tpu.memory_space<hbm>> -> memref<128xf32, #tpu.memory_space<hbm>>
      tpu.wait_dma2 semaphore(%run_scoped3A : memref<!tpu.dma_semaphore, #tpu.memory_space<semaphore_mem>>) src(%dma_wait3A_180 : memref<128xf32, #tpu.memory_space<hbm>>) dst(%arg10 : memref<128xf32, #tpu.memory_space<vmem>>)
      tpu.yield
    }) : () -> ()
    %iota3A = tpu.iota {dimensions = array<i32: 0>} : vector<16xi32>
    %mul3A_3 = arith.constant 0 : i32
    %mul3A_4 = vector.broadcast %mul3A_3 : i32 to vector<16xi32>
    %mul3A_5 = arith.muli %iota3A, %mul3A_4 : vector<16xi32>
    %add3A_6 = arith.constant 0 : i32
    %add3A_7 = arith.addi %mul3A_2, %add3A_6 : i32
    %add3A_8 = vector.broadcast %add3A_7 : i32 to vector<16xi32>
    %add3A_9 = arith.addi %add3A_8, %iota3A : vector<16xi32>
    %and3A = arith.constant 2047 : i32
    %and3A_10 = vector.broadcast %and3A : i32 to vector<16xi32>
    %and3A_11 = arith.andi %add3A_9, %and3A_10 : vector<16xi32>
    %swap3A = arith.constant 0 : index
    %swap3A_12 = tpu.vector_load %arg9[%swap3A] {strides = array<i32>} : memref<128xi32, #tpu.memory_space<vmem>>, vector<16xi32>,
    %swap3A_13 = vector.shape_cast %swap3A_12 : vector<16xi32> to vector<16xi32>
    %swap3A_14 = vector.shape_cast %and3A_11 : vector<16xi32> to vector<16xi32>
    tpu.vector_store %arg9[%swap3A], %swap3A_14 {strides = array<i32>} : memref<128xi32, #tpu.memory_space<vmem>>, vector<16xi32>,
    %swap3A_15 = arith.constant 0 : index
    %swap3A_16 = tpu.vector_load %arg11[%swap3A_15] {strides = array<i32>} : memref<128xi32, #tpu.memory_space<vmem>>, vector<16xi32>,
    %swap3A_17 = vector.shape_cast %swap3A_16 : vector<16xi32> to vector<16xi32>
    %swap3A_18 = vector.shape_cast %mul3A_5 : vector<16xi32> to vector<16xi32>
    tpu.vector_store %arg11[%swap3A_15], %swap3A_18 {strides = array<i32>} : memref<128xi32, #tpu.memory_space<vmem>>, vector<16xi32>,
    %convert_element_type3A = arith.sitofp %mul3A_5 : vector<16xi32> to vector<16xf32>
    %swap3A_19 = arith.constant 0 : index
    %swap3A_20 = tpu.vector_load %arg12[%swap3A_19] {strides = array<i32>} : memref<128xf32, #tpu.memory_space<vmem>>, vector<16xf32>,
    %swap3A_21 = vector.shape_cast %swap3A_20 : vector<16xf32> to vector<16xf32>
    %swap3A_22 = vector.shape_cast %convert_element_type3A : vector<16xf32> to vector<16xf32>
    tpu.vector_store %arg12[%swap3A_19], %swap3A_22 {strides = array<i32>} : memref<128xf32, #tpu.memory_space<vmem>>, vector<16xf32>,
    %add3A_23 = arith.constant 16 : i32
    %add3A_24 = arith.addi %mul3A_2, %add3A_23 : i32
    %add3A_25 = vector.broadcast %add3A_24 : i32 to vector<16xi32>
    %add3A_26 = arith.addi %add3A_25, %iota3A : vector<16xi32>
    %and3A_27 = arith.constant 2047 : i32
    %and3A_28 = vector.broadcast %and3A_27 : i32 to vector<16xi32>
    %and3A_29 = arith.andi %add3A_26, %and3A_28 : vector<16xi32>
    %swap3A_30 = arith.constant 16 : index
    %swap3A_31 = tpu.vector_load %arg9[%swap3A_30] {strides = array<i32>} : memref<128xi32, #tpu.memory_space<vmem>>, vector<16xi32>,
    %swap3A_32 = vector.shape_cast %swap3A_31 : vector<16xi32> to vector<16xi32>
    %swap3A_33 = vector.shape_cast %and3A_29 : vector<16xi32> to vector<16xi32>
    tpu.vector_store %arg9[%swap3A_30], %swap3A_33 {strides = array<i32>} : memref<128xi32, #tpu.memory_space<vmem>>, vector<16xi32>,
    %swap3A_34 = arith.constant 16 : index
    %swap3A_35 = tpu.vector_load %arg11[%swap3A_34] {strides = array<i32>} : memref<128xi32, #tpu.memory_space<vmem>>, vector<16xi32>,
    %swap3A_36 = vector.shape_cast %swap3A_35 : vector<16xi32> to vector<16xi32>
    %swap3A_37 = vector.shape_cast %mul3A_5 : vector<16xi32> to vector<16xi32>
    tpu.vector_store %arg11[%swap3A_34], %swap3A_37 {strides = array<i32>} : memref<128xi32, #tpu.memory_space<vmem>>, vector<16xi32>,
    %convert_element_type3A_38 = arith.sitofp %mul3A_5 : vector<16xi32> to vector<16xf32>
    %swap3A_39 = arith.constant 16 : index
    %swap3A_40 = tpu.vector_load %arg12[%swap3A_39] {strides = array<i32>} : memref<128xf32, #tpu.memory_space<vmem>>, vector<16xf32>,
    %swap3A_41 = vector.shape_cast %swap3A_40 : vector<16xf32> to vector<16xf32>
    %swap3A_42 = vector.shape_cast %convert_element_type3A_38 : vector<16xf32> to vector<16xf32>
    tpu.vector_store %arg12[%swap3A_39], %swap3A_42 {strides = array<i32>} : memref<128xf32, #tpu.memory_space<vmem>>, vector<16xf32>,
    %add3A_43 = arith.constant 32 : i32
    %add3A_44 = arith.addi %mul3A_2, %add3A_43 : i32
    %add3A_45 = vector.broadcast %add3A_44 : i32 to vector<16xi32>
    %add3A_46 = arith.addi %add3A_45, %iota3A : vector<16xi32>
    %and3A_47 = arith.constant 2047 : i32
    %and3A_48 = vector.broadcast %and3A_47 : i32 to vector<16xi32>
    %and3A_49 = arith.andi %add3A_46, %and3A_48 : vector<16xi32>
    %swap3A_50 = arith.constant 32 : index
    %swap3A_51 = tpu.vector_load %arg9[%swap3A_50] {strides = array<i32>} : memref<128xi32, #tpu.memory_space<vmem>>, vector<16xi32>,
    %swap3A_52 = vector.shape_cast %swap3A_51 : vector<16xi32> to vector<16xi32>
    %swap3A_53 = vector.shape_cast %and3A_49 : vector<16xi32> to vector<16xi32>
    tpu.vector_store %arg9[%swap3A_50], %swap3A_53 {strides = array<i32>} : memref<128xi32, #tpu.memory_space<vmem>>, vector<16xi32>,
    %swap3A_54 = arith.constant 32 : index
    %swap3A_55 = tpu.vector_load %arg11[%swap3A_54] {strides = array<i32>} : memref<128xi32, #tpu.memory_space<vmem>>, vector<16xi32>,
    %swap3A_56 = vector.shape_cast %swap3A_55 : vector<16xi32> to vector<16xi32>
    %swap3A_57 = vector.shape_cast %mul3A_5 : vector<16xi32> to vector<16xi32>
    tpu.vector_store %arg11[%swap3A_54], %swap3A_57 {strides = array<i32>} : memref<128xi32, #tpu.memory_space<vmem>>, vector<16xi32>,
    %convert_element_type3A_58 = arith.sitofp %mul3A_5 : vector<16xi32> to vector<16xf32>
    %swap3A_59 = arith.constant 32 : index
    %swap3A_60 = tpu.vector_load %arg12[%swap3A_59] {strides = array<i32>} : memref<128xf32, #tpu.memory_space<vmem>>, vector<16xf32>,
    %swap3A_61 = vector.shape_cast %swap3A_60 : vector<16xf32> to vector<16xf32>
    %swap3A_62 = vector.shape_cast %convert_element_type3A_58 : vector<16xf32> to vector<16xf32>
    tpu.vector_store %arg12[%swap3A_59], %swap3A_62 {strides = array<i32>} : memref<128xf32, #tpu.memory_space<vmem>>, vector<16xf32>,
    %add3A_63 = arith.constant 48 : i32
    %add3A_64 = arith.addi %mul3A_2, %add3A_63 : i32
    %add3A_65 = vector.broadcast %add3A_64 : i32 to vector<16xi32>
    %add3A_66 = arith.addi %add3A_65, %iota3A : vector<16xi32>
    %and3A_67 = arith.constant 2047 : i32
    %and3A_68 = vector.broadcast %and3A_67 : i32 to vector<16xi32>
    %and3A_69 = arith.andi %add3A_66, %and3A_68 : vector<16xi32>
    %swap3A_70 = arith.constant 48 : index
    %swap3A_71 = tpu.vector_load %arg9[%swap3A_70] {strides = array<i32>} : memref<128xi32, #tpu.memory_space<vmem>>, vector<16xi32>,
    %swap3A_72 = vector.shape_cast %swap3A_71 : vector<16xi32> to vector<16xi32>
    %swap3A_73 = vector.shape_cast %and3A_69 : vector<16xi32> to vector<16xi32>
    tpu.vector_store %arg9[%swap3A_70], %swap3A_73 {strides = array<i32>} : memref<128xi32, #tpu.memory_space<vmem>>, vector<16xi32>,
    %swap3A_74 = arith.constant 48 : index
    %swap3A_75 = tpu.vector_load %arg11[%swap3A_74] {strides = array<i32>} : memref<128xi32, #tpu.memory_space<vmem>>, vector<16xi32>,
    %swap3A_76 = vector.shape_cast %swap3A_75 : vector<16xi32> to vector<16xi32>
    %swap3A_77 = vector.shape_cast %mul3A_5 : vector<16xi32> to vector<16xi32>
    tpu.vector_store %arg11[%swap3A_74], %swap3A_77 {strides = array<i32>} : memref<128xi32, #tpu.memory_space<vmem>>, vector<16xi32>,
    %convert_element_type3A_78 = arith.sitofp %mul3A_5 : vector<16xi32> to vector<16xf32>
    %swap3A_79 = arith.constant 48 : index
    %swap3A_80 = tpu.vector_load %arg12[%swap3A_79] {strides = array<i32>} : memref<128xf32, #tpu.memory_space<vmem>>, vector<16xf32>,
    %swap3A_81 = vector.shape_cast %swap3A_80 : vector<16xf32> to vector<16xf32>
    %swap3A_82 = vector.shape_cast %convert_element_type3A_78 : vector<16xf32> to vector<16xf32>
    tpu.vector_store %arg12[%swap3A_79], %swap3A_82 {strides = array<i32>} : memref<128xf32, #tpu.memory_space<vmem>>, vector<16xf32>,
    %add3A_83 = arith.constant 64 : i32
    %add3A_84 = arith.addi %mul3A_2, %add3A_83 : i32
    %add3A_85 = vector.broadcast %add3A_84 : i32 to vector<16xi32>
    %add3A_86 = arith.addi %add3A_85, %iota3A : vector<16xi32>
    %and3A_87 = arith.constant 2047 : i32
    %and3A_88 = vector.broadcast %and3A_87 : i32 to vector<16xi32>
    %and3A_89 = arith.andi %add3A_86, %and3A_88 : vector<16xi32>
    %swap3A_90 = arith.constant 64 : index
    %swap3A_91 = tpu.vector_load %arg9[%swap3A_90] {strides = array<i32>} : memref<128xi32, #tpu.memory_space<vmem>>, vector<16xi32>,
    %swap3A_92 = vector.shape_cast %swap3A_91 : vector<16xi32> to vector<16xi32>
    %swap3A_93 = vector.shape_cast %and3A_89 : vector<16xi32> to vector<16xi32>
    tpu.vector_store %arg9[%swap3A_90], %swap3A_93 {strides = array<i32>} : memref<128xi32, #tpu.memory_space<vmem>>, vector<16xi32>,
    %swap3A_94 = arith.constant 64 : index
    %swap3A_95 = tpu.vector_load %arg11[%swap3A_94] {strides = array<i32>} : memref<128xi32, #tpu.memory_space<vmem>>, vector<16xi32>,
    %swap3A_96 = vector.shape_cast %swap3A_95 : vector<16xi32> to vector<16xi32>
    %swap3A_97 = vector.shape_cast %mul3A_5 : vector<16xi32> to vector<16xi32>
    tpu.vector_store %arg11[%swap3A_94], %swap3A_97 {strides = array<i32>} : memref<128xi32, #tpu.memory_space<vmem>>, vector<16xi32>,
    %convert_element_type3A_98 = arith.sitofp %mul3A_5 : vector<16xi32> to vector<16xf32>
    %swap3A_99 = arith.constant 64 : index
    %swap3A_100 = tpu.vector_load %arg12[%swap3A_99] {strides = array<i32>} : memref<128xf32, #tpu.memory_space<vmem>>, vector<16xf32>,
    %swap3A_101 = vector.shape_cast %swap3A_100 : vector<16xf32> to vector<16xf32>
    %swap3A_102 = vector.shape_cast %convert_element_type3A_98 : vector<16xf32> to vector<16xf32>
    tpu.vector_store %arg12[%swap3A_99], %swap3A_102 {strides = array<i32>} : memref<128xf32, #tpu.memory_space<vmem>>, vector<16xf32>,
    %add3A_103 = arith.constant 80 : i32
    %add3A_104 = arith.addi %mul3A_2, %add3A_103 : i32
    %add3A_105 = vector.broadcast %add3A_104 : i32 to vector<16xi32>
    %add3A_106 = arith.addi %add3A_105, %iota3A : vector<16xi32>
    %and3A_107 = arith.constant 2047 : i32
    %and3A_108 = vector.broadcast %and3A_107 : i32 to vector<16xi32>
    %and3A_109 = arith.andi %add3A_106, %and3A_108 : vector<16xi32>
    %swap3A_110 = arith.constant 80 : index
    %swap3A_111 = tpu.vector_load %arg9[%swap3A_110] {strides = array<i32>} : memref<128xi32, #tpu.memory_space<vmem>>, vector<16xi32>,
    %swap3A_112 = vector.shape_cast %swap3A_111 : vector<16xi32> to vector<16xi32>
    %swap3A_113 = vector.shape_cast %and3A_109 : vector<16xi32> to vector<16xi32>
    tpu.vector_store %arg9[%swap3A_110], %swap3A_113 {strides = array<i32>} : memref<128xi32, #tpu.memory_space<vmem>>, vector<16xi32>,
    %swap3A_114 = arith.constant 80 : index
    %swap3A_115 = tpu.vector_load %arg11[%swap3A_114] {strides = array<i32>} : memref<128xi32, #tpu.memory_space<vmem>>, vector<16xi32>,
    %swap3A_116 = vector.shape_cast %swap3A_115 : vector<16xi32> to vector<16xi32>
    %swap3A_117 = vector.shape_cast %mul3A_5 : vector<16xi32> to vector<16xi32>
    tpu.vector_store %arg11[%swap3A_114], %swap3A_117 {strides = array<i32>} : memref<128xi32, #tpu.memory_space<vmem>>, vector<16xi32>,
    %convert_element_type3A_118 = arith.sitofp %mul3A_5 : vector<16xi32> to vector<16xf32>
    %swap3A_119 = arith.constant 80 : index
    %swap3A_120 = tpu.vector_load %arg12[%swap3A_119] {strides = array<i32>} : memref<128xf32, #tpu.memory_space<vmem>>, vector<16xf32>,
    %swap3A_121 = vector.shape_cast %swap3A_120 : vector<16xf32> to vector<16xf32>
    %swap3A_122 = vector.shape_cast %convert_element_type3A_118 : vector<16xf32> to vector<16xf32>
    tpu.vector_store %arg12[%swap3A_119], %swap3A_122 {strides = array<i32>} : memref<128xf32, #tpu.memory_space<vmem>>, vector<16xf32>,
    %add3A_123 = arith.constant 96 : i32
    %add3A_124 = arith.addi %mul3A_2, %add3A_123 : i32
    %add3A_125 = vector.broadcast %add3A_124 : i32 to vector<16xi32>
    %add3A_126 = arith.addi %add3A_125, %iota3A : vector<16xi32>
    %and3A_127 = arith.constant 2047 : i32
    %and3A_128 = vector.broadcast %and3A_127 : i32 to vector<16xi32>
    %and3A_129 = arith.andi %add3A_126, %and3A_128 : vector<16xi32>
    %swap3A_130 = arith.constant 96 : index
    %swap3A_131 = tpu.vector_load %arg9[%swap3A_130] {strides = array<i32>} : memref<128xi32, #tpu.memory_space<vmem>>, vector<16xi32>,
    %swap3A_132 = vector.shape_cast %swap3A_131 : vector<16xi32> to vector<16xi32>
    %swap3A_133 = vector.shape_cast %and3A_129 : vector<16xi32> to vector<16xi32>
    tpu.vector_store %arg9[%swap3A_130], %swap3A_133 {strides = array<i32>} : memref<128xi32, #tpu.memory_space<vmem>>, vector<16xi32>,
    %swap3A_134 = arith.constant 96 : index
    %swap3A_135 = tpu.vector_load %arg11[%swap3A_134] {strides = array<i32>} : memref<128xi32, #tpu.memory_space<vmem>>, vector<16xi32>,
    %swap3A_136 = vector.shape_cast %swap3A_135 : vector<16xi32> to vector<16xi32>
    %swap3A_137 = vector.shape_cast %mul3A_5 : vector<16xi32> to vector<16xi32>
    tpu.vector_store %arg11[%swap3A_134], %swap3A_137 {strides = array<i32>} : memref<128xi32, #tpu.memory_space<vmem>>, vector<16xi32>,
    %convert_element_type3A_138 = arith.sitofp %mul3A_5 : vector<16xi32> to vector<16xf32>
    %swap3A_139 = arith.constant 96 : index
    %swap3A_140 = tpu.vector_load %arg12[%swap3A_139] {strides = array<i32>} : memref<128xf32, #tpu.memory_space<vmem>>, vector<16xf32>,
    %swap3A_141 = vector.shape_cast %swap3A_140 : vector<16xf32> to vector<16xf32>
    %swap3A_142 = vector.shape_cast %convert_element_type3A_138 : vector<16xf32> to vector<16xf32>
    tpu.vector_store %arg12[%swap3A_139], %swap3A_142 {strides = array<i32>} : memref<128xf32, #tpu.memory_space<vmem>>, vector<16xf32>,
    %add3A_143 = arith.constant 112 : i32
    %add3A_144 = arith.addi %mul3A_2, %add3A_143 : i32
    %add3A_145 = vector.broadcast %add3A_144 : i32 to vector<16xi32>
    %add3A_146 = arith.addi %add3A_145, %iota3A : vector<16xi32>
    %and3A_147 = arith.constant 2047 : i32
    %and3A_148 = vector.broadcast %and3A_147 : i32 to vector<16xi32>
    %and3A_149 = arith.andi %add3A_146, %and3A_148 : vector<16xi32>
    %swap3A_150 = arith.constant 112 : index
    %swap3A_151 = tpu.vector_load %arg9[%swap3A_150] {strides = array<i32>} : memref<128xi32, #tpu.memory_space<vmem>>, vector<16xi32>,
    %swap3A_152 = vector.shape_cast %swap3A_151 : vector<16xi32> to vector<16xi32>
    %swap3A_153 = vector.shape_cast %and3A_149 : vector<16xi32> to vector<16xi32>
    tpu.vector_store %arg9[%swap3A_150], %swap3A_153 {strides = array<i32>} : memref<128xi32, #tpu.memory_space<vmem>>, vector<16xi32>,
    %swap3A_154 = arith.constant 112 : index
    %swap3A_155 = tpu.vector_load %arg11[%swap3A_154] {strides = array<i32>} : memref<128xi32, #tpu.memory_space<vmem>>, vector<16xi32>,
    %swap3A_156 = vector.shape_cast %swap3A_155 : vector<16xi32> to vector<16xi32>
    %swap3A_157 = vector.shape_cast %mul3A_5 : vector<16xi32> to vector<16xi32>
    tpu.vector_store %arg11[%swap3A_154], %swap3A_157 {strides = array<i32>} : memref<128xi32, #tpu.memory_space<vmem>>, vector<16xi32>,
    %convert_element_type3A_158 = arith.sitofp %mul3A_5 : vector<16xi32> to vector<16xf32>
    %swap3A_159 = arith.constant 112 : index
    %swap3A_160 = tpu.vector_load %arg12[%swap3A_159] {strides = array<i32>} : memref<128xf32, #tpu.memory_space<vmem>>, vector<16xf32>,
    %swap3A_161 = vector.shape_cast %swap3A_160 : vector<16xf32> to vector<16xf32>
    %swap3A_162 = vector.shape_cast %convert_element_type3A_158 : vector<16xf32> to vector<16xf32>
    tpu.vector_store %arg12[%swap3A_159], %swap3A_162 {strides = array<i32>} : memref<128xf32, #tpu.memory_space<vmem>>, vector<16xf32>,
    %dma_start3A = arith.constant 0 : i32
    %dma_start3A_163 = tpu.memref_slice %arg5[%dma_start3A] : memref<8192xi32, #tpu.memory_space<hbm>> -> memref<8192xi32, #tpu.memory_space<hbm>>
    tpu.enqueue_indirect_dma source(%arg9 : memref<128xi32, #tpu.memory_space<vmem>>) target(%dma_start3A_163 : memref<8192xi32, #tpu.memory_space<hbm>>) offsets(%arg7 : memref<128xi32, #tpu.memory_space<vmem>>) semaphore(%arg13 : memref<!tpu.dma_semaphore, #tpu.memory_space<semaphore_mem>>)
    %dma_wait3A = arith.constant 0 : i32
    %dma_wait3A_164 = tpu.memref_slice %arg5[%dma_wait3A] : memref<8192xi32, #tpu.memory_space<hbm>> -> memref<8192xi32, #tpu.memory_space<hbm>>
    tpu.wait_indirect_dma semaphore(%arg13 : memref<!tpu.dma_semaphore, #tpu.memory_space<semaphore_mem>>) src(%arg9 : memref<128xi32, #tpu.memory_space<vmem>>) dst(%dma_wait3A_164 : memref<8192xi32, #tpu.memory_space<hbm>>)
    %dma_start3A_165 = arith.constant 0 : i32
    %dma_start3A_166 = tpu.memref_slice %arg6[%dma_start3A_165] : memref<8192xf32, #tpu.memory_space<hbm>> -> memref<8192xf32, #tpu.memory_space<hbm>>
    tpu.enqueue_indirect_dma source(%arg10 : memref<128xf32, #tpu.memory_space<vmem>>) target(%dma_start3A_166 : memref<8192xf32, #tpu.memory_space<hbm>>) offsets(%arg7 : memref<128xi32, #tpu.memory_space<vmem>>) semaphore(%arg13 : memref<!tpu.dma_semaphore, #tpu.memory_space<semaphore_mem>>)
    %dma_wait3A_167 = arith.constant 0 : i32
    %dma_wait3A_168 = tpu.memref_slice %arg6[%dma_wait3A_167] : memref<8192xf32, #tpu.memory_space<hbm>> -> memref<8192xf32, #tpu.memory_space<hbm>>
    tpu.wait_indirect_dma semaphore(%arg13 : memref<!tpu.dma_semaphore, #tpu.memory_space<semaphore_mem>>) src(%arg10 : memref<128xf32, #tpu.memory_space<vmem>>) dst(%dma_wait3A_168 : memref<8192xf32, #tpu.memory_space<hbm>>)
    %dma_start3A_169 = arith.constant 0 : i32
    %dma_start3A_170 = tpu.memref_slice %arg5[%dma_start3A_169] : memref<8192xi32, #tpu.memory_space<hbm>> -> memref<8192xi32, #tpu.memory_space<hbm>>
    tpu.enqueue_indirect_dma source(%arg11 : memref<128xi32, #tpu.memory_space<vmem>>) target(%dma_start3A_170 : memref<8192xi32, #tpu.memory_space<hbm>>) offsets(%arg8 : memref<128xi32, #tpu.memory_space<vmem>>) semaphore(%arg13 : memref<!tpu.dma_semaphore, #tpu.memory_space<semaphore_mem>>)
    %dma_wait3A_171 = arith.constant 0 : i32
    %dma_wait3A_172 = tpu.memref_slice %arg5[%dma_wait3A_171] : memref<8192xi32, #tpu.memory_space<hbm>> -> memref<8192xi32, #tpu.memory_space<hbm>>
    tpu.wait_indirect_dma semaphore(%arg13 : memref<!tpu.dma_semaphore, #tpu.memory_space<semaphore_mem>>) src(%arg11 : memref<128xi32, #tpu.memory_space<vmem>>) dst(%dma_wait3A_172 : memref<8192xi32, #tpu.memory_space<hbm>>)
    %dma_start3A_173 = arith.constant 0 : i32
    %dma_start3A_174 = tpu.memref_slice %arg6[%dma_start3A_173] : memref<8192xf32, #tpu.memory_space<hbm>> -> memref<8192xf32, #tpu.memory_space<hbm>>
    tpu.enqueue_indirect_dma source(%arg12 : memref<128xf32, #tpu.memory_space<vmem>>) target(%dma_start3A_174 : memref<8192xf32, #tpu.memory_space<hbm>>) offsets(%arg8 : memref<128xi32, #tpu.memory_space<vmem>>) semaphore(%arg13 : memref<!tpu.dma_semaphore, #tpu.memory_space<semaphore_mem>>)
    %dma_wait3A_175 = arith.constant 0 : i32
    %dma_wait3A_176 = tpu.memref_slice %arg6[%dma_wait3A_175] : memref<8192xf32, #tpu.memory_space<hbm>> -> memref<8192xf32, #tpu.memory_space<hbm>>
    tpu.wait_indirect_dma semaphore(%arg13 : memref<!tpu.dma_semaphore, #tpu.memory_space<semaphore_mem>>) src(%arg12 : memref<128xf32, #tpu.memory_space<vmem>>) dst(%dma_wait3A_176 : memref<8192xf32, #tpu.memory_space<hbm>>)
    return
  }
}

module attributes {stable_mosaic.version = 14 : i64} {
  func.func @_route_kernel(%arg0: memref<2048x768xf32, #tpu.memory_space<vmem>>, %arg1: memref<768x64xf32, #tpu.memory_space<vmem>>, %arg2: memref<4096x1xi32, #tpu.memory_space<vmem>>, %arg3: memref<4096x1xf32, #tpu.memory_space<vmem>>, %arg4: memref<1x64xi32, #tpu.memory_space<vmem>>, %arg5: memref<1x64xi32, #tpu.memory_space<vmem>>, %arg6: memref<64x64xi32, #tpu.memory_space<vmem>>) attributes {dimension_semantics = [], scalar_prefetch = 0 : i64, scratch_operands = 0 : i64, tpu.core_type = #tpu.core_type<tc>} {
    %get3A = arith.constant 0 : index
    %get3A_0 = arith.constant 0 : index
    %get3A_1 = vector.load %arg0[%get3A, %get3A_0] : memref<2048x768xf32, #tpu.memory_space<vmem>>, vector<2048x768xf32>
    %get3A_2 = arith.constant 0 : index
    %get3A_3 = arith.constant 0 : index
    %get3A_4 = vector.load %arg1[%get3A_2, %get3A_3] : memref<768x64xf32, #tpu.memory_space<vmem>>, vector<768x64xf32>
    %dot_general3A = arith.constant dense<0.000000e+00> : vector<2048x64xf32>
    %dot_general3A_5 = tpu.matmul %get3A_1, %get3A_4, %dot_general3A {dimension_numbers = #tpu.dot_dimension_numbers<[1], [0], [0], [1], [0, 0, 1, 1], [], []>, transpose_lhs_hint = false} : vector<2048x768xf32>, vector<768x64xf32>, vector<2048x64xf32> -> vector<2048x64xf32>
    %iota3A = tpu.iota {dimensions = array<i32: 1>} : vector<2048x64xi32>
    %reduce_max3A = arith.constant dense<0xFF800000> : vector<2048xf32>
    %reduce_max3A_6 = vector.multi_reduction <maximumf>, %dot_general3A_5, %reduce_max3A [1] : vector<2048x64xf32> to vector<2048xf32>
    %broadcast_in_dim3A = vector.shape_cast %reduce_max3A_6 : vector<2048xf32> to vector<2048x1xf32>
    %eq3A = vector.broadcast %broadcast_in_dim3A : vector<2048x1xf32> to vector<2048x64xf32>
    %eq3A_7 = arith.cmpf oeq, %dot_general3A_5, %eq3A : vector<2048x64xf32>
    %jit3A = arith.constant 64 : i32
    %broadcast_in_dim3A_8 = vector.broadcast %jit3A : i32 to vector<2048x64xi32>
    %select_n3A = arith.select %eq3A_7, %iota3A, %broadcast_in_dim3A_8 : vector<2048x64xi1>, vector<2048x64xi32>
    %reduce_min3A = arith.constant dense<2147483647> : vector<2048xi32>
    %reduce_min3A_9 = vector.multi_reduction <minsi>, %select_n3A, %reduce_min3A [1] : vector<2048x64xi32> to vector<2048xi32>
    %broadcast_in_dim3A_10 = vector.shape_cast %reduce_min3A_9 : vector<2048xi32> to vector<2048x1xi32>
    %eq3A_11 = vector.broadcast %broadcast_in_dim3A_10 : vector<2048x1xi32> to vector<2048x64xi32>
    %eq3A_12 = arith.cmpi eq, %iota3A, %eq3A_11 : vector<2048x64xi32>
    %jit3A_13 = arith.constant 0xFF800000 : f32
    %broadcast_in_dim3A_14 = vector.broadcast %jit3A_13 : f32 to vector<2048x64xf32>
    %select_n3A_15 = arith.select %eq3A_12, %broadcast_in_dim3A_14, %dot_general3A_5 : vector<2048x64xi1>, vector<2048x64xf32>
    %reduce_max3A_16 = arith.constant dense<0xFF800000> : vector<2048xf32>
    %reduce_max3A_17 = vector.multi_reduction <maximumf>, %select_n3A_15, %reduce_max3A_16 [1] : vector<2048x64xf32> to vector<2048xf32>
    %broadcast_in_dim3A_18 = vector.shape_cast %reduce_max3A_17 : vector<2048xf32> to vector<2048x1xf32>
    %eq3A_19 = vector.broadcast %broadcast_in_dim3A_18 : vector<2048x1xf32> to vector<2048x64xf32>
    %eq3A_20 = arith.cmpf oeq, %select_n3A_15, %eq3A_19 : vector<2048x64xf32>
    %jit3A_21 = arith.constant 64 : i32
    %broadcast_in_dim3A_22 = vector.broadcast %jit3A_21 : i32 to vector<2048x64xi32>
    %select_n3A_23 = arith.select %eq3A_20, %iota3A, %broadcast_in_dim3A_22 : vector<2048x64xi1>, vector<2048x64xi32>
    %reduce_min3A_24 = arith.constant dense<2147483647> : vector<2048xi32>
    %reduce_min3A_25 = vector.multi_reduction <minsi>, %select_n3A_23, %reduce_min3A_24 [1] : vector<2048x64xi32> to vector<2048xi32>
    %broadcast_in_dim3A_26 = vector.shape_cast %reduce_min3A_25 : vector<2048xi32> to vector<2048x1xi32>
    %sub3A = arith.subf %broadcast_in_dim3A_18, %broadcast_in_dim3A : vector<2048x1xf32>
    %exp3A = math.exp %sub3A : vector<2048x1xf32>
    %add3A = arith.constant 1.000000e+00 : f32
    %add3A_27 = vector.broadcast %add3A : f32 to vector<2048x1xf32>
    %add3A_28 = arith.addf %add3A_27, %exp3A : vector<2048x1xf32>
    %div3A = arith.constant 1.000000e+00 : f32
    %div3A_29 = vector.broadcast %div3A : f32 to vector<2048x1xf32>
    %div3A_30 = arith.divf %div3A_29, %add3A_28 : vector<2048x1xf32>
    %mul3A = arith.mulf %exp3A, %div3A_30 : vector<2048x1xf32>
    %concatenate3A = tpu.concatenate %div3A_30, %mul3A in 0 : vector<2048x1xf32>, vector<2048x1xf32> -> vector<4096x1xf32>
    %swap3A = arith.constant 0 : index
    %swap3A_31 = arith.constant 0 : index
    %swap3A_32 = vector.load %arg3[%swap3A, %swap3A_31] : memref<4096x1xf32, #tpu.memory_space<vmem>>, vector<4096x1xf32>
    tpu.vector_store %arg3[%swap3A, %swap3A_31], %concatenate3A {strides = array<i32>} : memref<4096x1xf32, #tpu.memory_space<vmem>>, vector<4096x1xf32>,
    %eq3A_33 = vector.broadcast %broadcast_in_dim3A_10 : vector<2048x1xi32> to vector<2048x64xi32>
    %eq3A_34 = arith.cmpi eq, %iota3A, %eq3A_33 : vector<2048x64xi32>
    %convert_element_type3A = arith.extui %eq3A_34 : vector<2048x64xi1> to vector<2048x64xi32>
    %convert_element_type3A_35 = arith.sitofp %convert_element_type3A : vector<2048x64xi32> to vector<2048x64xf32>
    %eq3A_36 = vector.broadcast %broadcast_in_dim3A_26 : vector<2048x1xi32> to vector<2048x64xi32>
    %eq3A_37 = arith.cmpi eq, %iota3A, %eq3A_36 : vector<2048x64xi32>
    %convert_element_type3A_38 = arith.extui %eq3A_37 : vector<2048x64xi1> to vector<2048x64xi32>
    %convert_element_type3A_39 = arith.sitofp %convert_element_type3A_38 : vector<2048x64xi32> to vector<2048x64xf32>
    %concatenate3A_40 = tpu.concatenate %convert_element_type3A_35, %convert_element_type3A_39 in 0 : vector<2048x64xf32>, vector<2048x64xf32> -> vector<4096x64xf32>
    %iota3A_41 = tpu.iota {dimensions = array<i32: 0>} : vector<128x128xi32>
    %iota3A_42 = tpu.iota {dimensions = array<i32: 1>} : vector<128x128xi32>
    %lt3A = arith.cmpi slt, %iota3A_42, %iota3A_41 : vector<128x128xi32>
    %convert_element_type3A_43 = arith.extui %lt3A : vector<128x128xi1> to vector<128x128xi32>
    %convert_element_type3A_44 = arith.sitofp %convert_element_type3A_43 : vector<128x128xi32> to vector<128x128xf32>
    %broadcast_in_dim3A_45 = arith.constant 0.000000e+00 : f32
    %broadcast_in_dim3A_46 = vector.broadcast %broadcast_in_dim3A_45 : f32 to vector<1x64xf32>
    %slice3A = vector.extract_strided_slice %concatenate3A_40 {offsets = [0, 0], sizes = [128, 64], strides = [1, 1]} : vector<4096x64xf32> to vector<128x64xf32>
    %dot_general3A_47 = arith.constant dense<0.000000e+00> : vector<128x64xf32>
    %dot_general3A_48 = tpu.matmul %convert_element_type3A_44, %slice3A, %dot_general3A_47 {dimension_numbers = #tpu.dot_dimension_numbers<[1], [0], [0], [1], [0, 0, 1, 1], [], []>, transpose_lhs_hint = false} : vector<128x128xf32>, vector<128x64xf32>, vector<128x64xf32> -> vector<128x64xf32>
    %add3A_49 = vector.broadcast %broadcast_in_dim3A_46 : vector<1x64xf32> to vector<128x64xf32>
    %add3A_50 = arith.addf %dot_general3A_48, %add3A_49 : vector<128x64xf32>
    %reduce_sum3A = arith.constant dense<0.000000e+00> : vector<64xf32>
    %reduce_sum3A_51 = vector.multi_reduction <add>, %slice3A, %reduce_sum3A [0] : vector<128x64xf32> to vector<64xf32>
    %broadcast_in_dim3A_52 = vector.shape_cast %reduce_sum3A_51 : vector<64xf32> to vector<1x64xf32>
    %add3A_53 = arith.addf %broadcast_in_dim3A_46, %broadcast_in_dim3A_52 : vector<1x64xf32>
    %slice3A_54 = vector.extract_strided_slice %concatenate3A_40 {offsets = [128, 0], sizes = [128, 64], strides = [1, 1]} : vector<4096x64xf32> to vector<128x64xf32>
    %dot_general3A_55 = arith.constant dense<0.000000e+00> : vector<128x64xf32>
    %dot_general3A_56 = tpu.matmul %convert_element_type3A_44, %slice3A_54, %dot_general3A_55 {dimension_numbers = #tpu.dot_dimension_numbers<[1], [0], [0], [1], [0, 0, 1, 1], [], []>, transpose_lhs_hint = false} : vector<128x128xf32>, vector<128x64xf32>, vector<128x64xf32> -> vector<128x64xf32>
    %add3A_57 = vector.broadcast %add3A_53 : vector<1x64xf32> to vector<128x64xf32>
    %add3A_58 = arith.addf %dot_general3A_56, %add3A_57 : vector<128x64xf32>
    %reduce_sum3A_59 = arith.constant dense<0.000000e+00> : vector<64xf32>
    %reduce_sum3A_60 = vector.multi_reduction <add>, %slice3A_54, %reduce_sum3A_59 [0] : vector<128x64xf32> to vector<64xf32>
    %broadcast_in_dim3A_61 = vector.shape_cast %reduce_sum3A_60 : vector<64xf32> to vector<1x64xf32>
    %add3A_62 = arith.addf %add3A_53, %broadcast_in_dim3A_61 : vector<1x64xf32>
    %slice3A_63 = vector.extract_strided_slice %concatenate3A_40 {offsets = [256, 0], sizes = [128, 64], strides = [1, 1]} : vector<4096x64xf32> to vector<128x64xf32>
    %dot_general3A_64 = arith.constant dense<0.000000e+00> : vector<128x64xf32>
    %dot_general3A_65 = tpu.matmul %convert_element_type3A_44, %slice3A_63, %dot_general3A_64 {dimension_numbers = #tpu.dot_dimension_numbers<[1], [0], [0], [1], [0, 0, 1, 1], [], []>, transpose_lhs_hint = false} : vector<128x128xf32>, vector<128x64xf32>, vector<128x64xf32> -> vector<128x64xf32>
    %add3A_66 = vector.broadcast %add3A_62 : vector<1x64xf32> to vector<128x64xf32>
    %add3A_67 = arith.addf %dot_general3A_65, %add3A_66 : vector<128x64xf32>
    %reduce_sum3A_68 = arith.constant dense<0.000000e+00> : vector<64xf32>
    %reduce_sum3A_69 = vector.multi_reduction <add>, %slice3A_63, %reduce_sum3A_68 [0] : vector<128x64xf32> to vector<64xf32>
    %broadcast_in_dim3A_70 = vector.shape_cast %reduce_sum3A_69 : vector<64xf32> to vector<1x64xf32>
    %add3A_71 = arith.addf %add3A_62, %broadcast_in_dim3A_70 : vector<1x64xf32>
    %slice3A_72 = vector.extract_strided_slice %concatenate3A_40 {offsets = [384, 0], sizes = [128, 64], strides = [1, 1]} : vector<4096x64xf32> to vector<128x64xf32>
    %dot_general3A_73 = arith.constant dense<0.000000e+00> : vector<128x64xf32>
    %dot_general3A_74 = tpu.matmul %convert_element_type3A_44, %slice3A_72, %dot_general3A_73 {dimension_numbers = #tpu.dot_dimension_numbers<[1], [0], [0], [1], [0, 0, 1, 1], [], []>, transpose_lhs_hint = false} : vector<128x128xf32>, vector<128x64xf32>, vector<128x64xf32> -> vector<128x64xf32>
    %add3A_75 = vector.broadcast %add3A_71 : vector<1x64xf32> to vector<128x64xf32>
    %add3A_76 = arith.addf %dot_general3A_74, %add3A_75 : vector<128x64xf32>
    %reduce_sum3A_77 = arith.constant dense<0.000000e+00> : vector<64xf32>
    %reduce_sum3A_78 = vector.multi_reduction <add>, %slice3A_72, %reduce_sum3A_77 [0] : vector<128x64xf32> to vector<64xf32>
    %broadcast_in_dim3A_79 = vector.shape_cast %reduce_sum3A_78 : vector<64xf32> to vector<1x64xf32>
    %add3A_80 = arith.addf %add3A_71, %broadcast_in_dim3A_79 : vector<1x64xf32>
    %slice3A_81 = vector.extract_strided_slice %concatenate3A_40 {offsets = [512, 0], sizes = [128, 64], strides = [1, 1]} : vector<4096x64xf32> to vector<128x64xf32>
    %dot_general3A_82 = arith.constant dense<0.000000e+00> : vector<128x64xf32>
    %dot_general3A_83 = tpu.matmul %convert_element_type3A_44, %slice3A_81, %dot_general3A_82 {dimension_numbers = #tpu.dot_dimension_numbers<[1], [0], [0], [1], [0, 0, 1, 1], [], []>, transpose_lhs_hint = false} : vector<128x128xf32>, vector<128x64xf32>, vector<128x64xf32> -> vector<128x64xf32>
    %add3A_84 = vector.broadcast %add3A_80 : vector<1x64xf32> to vector<128x64xf32>
    %add3A_85 = arith.addf %dot_general3A_83, %add3A_84 : vector<128x64xf32>
    %reduce_sum3A_86 = arith.constant dense<0.000000e+00> : vector<64xf32>
    %reduce_sum3A_87 = vector.multi_reduction <add>, %slice3A_81, %reduce_sum3A_86 [0] : vector<128x64xf32> to vector<64xf32>
    %broadcast_in_dim3A_88 = vector.shape_cast %reduce_sum3A_87 : vector<64xf32> to vector<1x64xf32>
    %add3A_89 = arith.addf %add3A_80, %broadcast_in_dim3A_88 : vector<1x64xf32>
    %slice3A_90 = vector.extract_strided_slice %concatenate3A_40 {offsets = [640, 0], sizes = [128, 64], strides = [1, 1]} : vector<4096x64xf32> to vector<128x64xf32>
    %dot_general3A_91 = arith.constant dense<0.000000e+00> : vector<128x64xf32>
    %dot_general3A_92 = tpu.matmul %convert_element_type3A_44, %slice3A_90, %dot_general3A_91 {dimension_numbers = #tpu.dot_dimension_numbers<[1], [0], [0], [1], [0, 0, 1, 1], [], []>, transpose_lhs_hint = false} : vector<128x128xf32>, vector<128x64xf32>, vector<128x64xf32> -> vector<128x64xf32>
    %add3A_93 = vector.broadcast %add3A_89 : vector<1x64xf32> to vector<128x64xf32>
    %add3A_94 = arith.addf %dot_general3A_92, %add3A_93 : vector<128x64xf32>
    %reduce_sum3A_95 = arith.constant dense<0.000000e+00> : vector<64xf32>
    %reduce_sum3A_96 = vector.multi_reduction <add>, %slice3A_90, %reduce_sum3A_95 [0] : vector<128x64xf32> to vector<64xf32>
    %broadcast_in_dim3A_97 = vector.shape_cast %reduce_sum3A_96 : vector<64xf32> to vector<1x64xf32>
    %add3A_98 = arith.addf %add3A_89, %broadcast_in_dim3A_97 : vector<1x64xf32>
    %slice3A_99 = vector.extract_strided_slice %concatenate3A_40 {offsets = [768, 0], sizes = [128, 64], strides = [1, 1]} : vector<4096x64xf32> to vector<128x64xf32>
    %dot_general3A_100 = arith.constant dense<0.000000e+00> : vector<128x64xf32>
    %dot_general3A_101 = tpu.matmul %convert_element_type3A_44, %slice3A_99, %dot_general3A_100 {dimension_numbers = #tpu.dot_dimension_numbers<[1], [0], [0], [1], [0, 0, 1, 1], [], []>, transpose_lhs_hint = false} : vector<128x128xf32>, vector<128x64xf32>, vector<128x64xf32> -> vector<128x64xf32>
    %add3A_102 = vector.broadcast %add3A_98 : vector<1x64xf32> to vector<128x64xf32>
    %add3A_103 = arith.addf %dot_general3A_101, %add3A_102 : vector<128x64xf32>
    %reduce_sum3A_104 = arith.constant dense<0.000000e+00> : vector<64xf32>
    %reduce_sum3A_105 = vector.multi_reduction <add>, %slice3A_99, %reduce_sum3A_104 [0] : vector<128x64xf32> to vector<64xf32>
    %broadcast_in_dim3A_106 = vector.shape_cast %reduce_sum3A_105 : vector<64xf32> to vector<1x64xf32>
    %add3A_107 = arith.addf %add3A_98, %broadcast_in_dim3A_106 : vector<1x64xf32>
    %slice3A_108 = vector.extract_strided_slice %concatenate3A_40 {offsets = [896, 0], sizes = [128, 64], strides = [1, 1]} : vector<4096x64xf32> to vector<128x64xf32>
    %dot_general3A_109 = arith.constant dense<0.000000e+00> : vector<128x64xf32>
    %dot_general3A_110 = tpu.matmul %convert_element_type3A_44, %slice3A_108, %dot_general3A_109 {dimension_numbers = #tpu.dot_dimension_numbers<[1], [0], [0], [1], [0, 0, 1, 1], [], []>, transpose_lhs_hint = false} : vector<128x128xf32>, vector<128x64xf32>, vector<128x64xf32> -> vector<128x64xf32>
    %add3A_111 = vector.broadcast %add3A_107 : vector<1x64xf32> to vector<128x64xf32>
    %add3A_112 = arith.addf %dot_general3A_110, %add3A_111 : vector<128x64xf32>
    %reduce_sum3A_113 = arith.constant dense<0.000000e+00> : vector<64xf32>
    %reduce_sum3A_114 = vector.multi_reduction <add>, %slice3A_108, %reduce_sum3A_113 [0] : vector<128x64xf32> to vector<64xf32>
    %broadcast_in_dim3A_115 = vector.shape_cast %reduce_sum3A_114 : vector<64xf32> to vector<1x64xf32>
    %add3A_116 = arith.addf %add3A_107, %broadcast_in_dim3A_115 : vector<1x64xf32>
    %slice3A_117 = vector.extract_strided_slice %concatenate3A_40 {offsets = [1024, 0], sizes = [128, 64], strides = [1, 1]} : vector<4096x64xf32> to vector<128x64xf32>
    %dot_general3A_118 = arith.constant dense<0.000000e+00> : vector<128x64xf32>
    %dot_general3A_119 = tpu.matmul %convert_element_type3A_44, %slice3A_117, %dot_general3A_118 {dimension_numbers = #tpu.dot_dimension_numbers<[1], [0], [0], [1], [0, 0, 1, 1], [], []>, transpose_lhs_hint = false} : vector<128x128xf32>, vector<128x64xf32>, vector<128x64xf32> -> vector<128x64xf32>
    %add3A_120 = vector.broadcast %add3A_116 : vector<1x64xf32> to vector<128x64xf32>
    %add3A_121 = arith.addf %dot_general3A_119, %add3A_120 : vector<128x64xf32>
    %reduce_sum3A_122 = arith.constant dense<0.000000e+00> : vector<64xf32>
    %reduce_sum3A_123 = vector.multi_reduction <add>, %slice3A_117, %reduce_sum3A_122 [0] : vector<128x64xf32> to vector<64xf32>
    %broadcast_in_dim3A_124 = vector.shape_cast %reduce_sum3A_123 : vector<64xf32> to vector<1x64xf32>
    %add3A_125 = arith.addf %add3A_116, %broadcast_in_dim3A_124 : vector<1x64xf32>
    %slice3A_126 = vector.extract_strided_slice %concatenate3A_40 {offsets = [1152, 0], sizes = [128, 64], strides = [1, 1]} : vector<4096x64xf32> to vector<128x64xf32>
    %dot_general3A_127 = arith.constant dense<0.000000e+00> : vector<128x64xf32>
    %dot_general3A_128 = tpu.matmul %convert_element_type3A_44, %slice3A_126, %dot_general3A_127 {dimension_numbers = #tpu.dot_dimension_numbers<[1], [0], [0], [1], [0, 0, 1, 1], [], []>, transpose_lhs_hint = false} : vector<128x128xf32>, vector<128x64xf32>, vector<128x64xf32> -> vector<128x64xf32>
    %add3A_129 = vector.broadcast %add3A_125 : vector<1x64xf32> to vector<128x64xf32>
    %add3A_130 = arith.addf %dot_general3A_128, %add3A_129 : vector<128x64xf32>
    %reduce_sum3A_131 = arith.constant dense<0.000000e+00> : vector<64xf32>
    %reduce_sum3A_132 = vector.multi_reduction <add>, %slice3A_126, %reduce_sum3A_131 [0] : vector<128x64xf32> to vector<64xf32>
    %broadcast_in_dim3A_133 = vector.shape_cast %reduce_sum3A_132 : vector<64xf32> to vector<1x64xf32>
    %add3A_134 = arith.addf %add3A_125, %broadcast_in_dim3A_133 : vector<1x64xf32>
    %slice3A_135 = vector.extract_strided_slice %concatenate3A_40 {offsets = [1280, 0], sizes = [128, 64], strides = [1, 1]} : vector<4096x64xf32> to vector<128x64xf32>
    %dot_general3A_136 = arith.constant dense<0.000000e+00> : vector<128x64xf32>
    %dot_general3A_137 = tpu.matmul %convert_element_type3A_44, %slice3A_135, %dot_general3A_136 {dimension_numbers = #tpu.dot_dimension_numbers<[1], [0], [0], [1], [0, 0, 1, 1], [], []>, transpose_lhs_hint = false} : vector<128x128xf32>, vector<128x64xf32>, vector<128x64xf32> -> vector<128x64xf32>
    %add3A_138 = vector.broadcast %add3A_134 : vector<1x64xf32> to vector<128x64xf32>
    %add3A_139 = arith.addf %dot_general3A_137, %add3A_138 : vector<128x64xf32>
    %reduce_sum3A_140 = arith.constant dense<0.000000e+00> : vector<64xf32>
    %reduce_sum3A_141 = vector.multi_reduction <add>, %slice3A_135, %reduce_sum3A_140 [0] : vector<128x64xf32> to vector<64xf32>
    %broadcast_in_dim3A_142 = vector.shape_cast %reduce_sum3A_141 : vector<64xf32> to vector<1x64xf32>
    %add3A_143 = arith.addf %add3A_134, %broadcast_in_dim3A_142 : vector<1x64xf32>
    %slice3A_144 = vector.extract_strided_slice %concatenate3A_40 {offsets = [1408, 0], sizes = [128, 64], strides = [1, 1]} : vector<4096x64xf32> to vector<128x64xf32>
    %dot_general3A_145 = arith.constant dense<0.000000e+00> : vector<128x64xf32>
    %dot_general3A_146 = tpu.matmul %convert_element_type3A_44, %slice3A_144, %dot_general3A_145 {dimension_numbers = #tpu.dot_dimension_numbers<[1], [0], [0], [1], [0, 0, 1, 1], [], []>, transpose_lhs_hint = false} : vector<128x128xf32>, vector<128x64xf32>, vector<128x64xf32> -> vector<128x64xf32>
    %add3A_147 = vector.broadcast %add3A_143 : vector<1x64xf32> to vector<128x64xf32>
    %add3A_148 = arith.addf %dot_general3A_146, %add3A_147 : vector<128x64xf32>
    %reduce_sum3A_149 = arith.constant dense<0.000000e+00> : vector<64xf32>
    %reduce_sum3A_150 = vector.multi_reduction <add>, %slice3A_144, %reduce_sum3A_149 [0] : vector<128x64xf32> to vector<64xf32>
    %broadcast_in_dim3A_151 = vector.shape_cast %reduce_sum3A_150 : vector<64xf32> to vector<1x64xf32>
    %add3A_152 = arith.addf %add3A_143, %broadcast_in_dim3A_151 : vector<1x64xf32>
    %slice3A_153 = vector.extract_strided_slice %concatenate3A_40 {offsets = [1536, 0], sizes = [128, 64], strides = [1, 1]} : vector<4096x64xf32> to vector<128x64xf32>
    %dot_general3A_154 = arith.constant dense<0.000000e+00> : vector<128x64xf32>
    %dot_general3A_155 = tpu.matmul %convert_element_type3A_44, %slice3A_153, %dot_general3A_154 {dimension_numbers = #tpu.dot_dimension_numbers<[1], [0], [0], [1], [0, 0, 1, 1], [], []>, transpose_lhs_hint = false} : vector<128x128xf32>, vector<128x64xf32>, vector<128x64xf32> -> vector<128x64xf32>
    %add3A_156 = vector.broadcast %add3A_152 : vector<1x64xf32> to vector<128x64xf32>
    %add3A_157 = arith.addf %dot_general3A_155, %add3A_156 : vector<128x64xf32>
    %reduce_sum3A_158 = arith.constant dense<0.000000e+00> : vector<64xf32>
    %reduce_sum3A_159 = vector.multi_reduction <add>, %slice3A_153, %reduce_sum3A_158 [0] : vector<128x64xf32> to vector<64xf32>
    %broadcast_in_dim3A_160 = vector.shape_cast %reduce_sum3A_159 : vector<64xf32> to vector<1x64xf32>
    %add3A_161 = arith.addf %add3A_152, %broadcast_in_dim3A_160 : vector<1x64xf32>
    %slice3A_162 = vector.extract_strided_slice %concatenate3A_40 {offsets = [1664, 0], sizes = [128, 64], strides = [1, 1]} : vector<4096x64xf32> to vector<128x64xf32>
    %dot_general3A_163 = arith.constant dense<0.000000e+00> : vector<128x64xf32>
    %dot_general3A_164 = tpu.matmul %convert_element_type3A_44, %slice3A_162, %dot_general3A_163 {dimension_numbers = #tpu.dot_dimension_numbers<[1], [0], [0], [1], [0, 0, 1, 1], [], []>, transpose_lhs_hint = false} : vector<128x128xf32>, vector<128x64xf32>, vector<128x64xf32> -> vector<128x64xf32>
    %add3A_165 = vector.broadcast %add3A_161 : vector<1x64xf32> to vector<128x64xf32>
    %add3A_166 = arith.addf %dot_general3A_164, %add3A_165 : vector<128x64xf32>
    %reduce_sum3A_167 = arith.constant dense<0.000000e+00> : vector<64xf32>
    %reduce_sum3A_168 = vector.multi_reduction <add>, %slice3A_162, %reduce_sum3A_167 [0] : vector<128x64xf32> to vector<64xf32>
    %broadcast_in_dim3A_169 = vector.shape_cast %reduce_sum3A_168 : vector<64xf32> to vector<1x64xf32>
    %add3A_170 = arith.addf %add3A_161, %broadcast_in_dim3A_169 : vector<1x64xf32>
    %slice3A_171 = vector.extract_strided_slice %concatenate3A_40 {offsets = [1792, 0], sizes = [128, 64], strides = [1, 1]} : vector<4096x64xf32> to vector<128x64xf32>
    %dot_general3A_172 = arith.constant dense<0.000000e+00> : vector<128x64xf32>
    %dot_general3A_173 = tpu.matmul %convert_element_type3A_44, %slice3A_171, %dot_general3A_172 {dimension_numbers = #tpu.dot_dimension_numbers<[1], [0], [0], [1], [0, 0, 1, 1], [], []>, transpose_lhs_hint = false} : vector<128x128xf32>, vector<128x64xf32>, vector<128x64xf32> -> vector<128x64xf32>
    %add3A_174 = vector.broadcast %add3A_170 : vector<1x64xf32> to vector<128x64xf32>
    %add3A_175 = arith.addf %dot_general3A_173, %add3A_174 : vector<128x64xf32>
    %reduce_sum3A_176 = arith.constant dense<0.000000e+00> : vector<64xf32>
    %reduce_sum3A_177 = vector.multi_reduction <add>, %slice3A_171, %reduce_sum3A_176 [0] : vector<128x64xf32> to vector<64xf32>
    %broadcast_in_dim3A_178 = vector.shape_cast %reduce_sum3A_177 : vector<64xf32> to vector<1x64xf32>
    %add3A_179 = arith.addf %add3A_170, %broadcast_in_dim3A_178 : vector<1x64xf32>
    %slice3A_180 = vector.extract_strided_slice %concatenate3A_40 {offsets = [1920, 0], sizes = [128, 64], strides = [1, 1]} : vector<4096x64xf32> to vector<128x64xf32>
    %dot_general3A_181 = arith.constant dense<0.000000e+00> : vector<128x64xf32>
    %dot_general3A_182 = tpu.matmul %convert_element_type3A_44, %slice3A_180, %dot_general3A_181 {dimension_numbers = #tpu.dot_dimension_numbers<[1], [0], [0], [1], [0, 0, 1, 1], [], []>, transpose_lhs_hint = false} : vector<128x128xf32>, vector<128x64xf32>, vector<128x64xf32> -> vector<128x64xf32>
    %add3A_183 = vector.broadcast %add3A_179 : vector<1x64xf32> to vector<128x64xf32>
    %add3A_184 = arith.addf %dot_general3A_182, %add3A_183 : vector<128x64xf32>
    %reduce_sum3A_185 = arith.constant dense<0.000000e+00> : vector<64xf32>
    %reduce_sum3A_186 = vector.multi_reduction <add>, %slice3A_180, %reduce_sum3A_185 [0] : vector<128x64xf32> to vector<64xf32>
    %broadcast_in_dim3A_187 = vector.shape_cast %reduce_sum3A_186 : vector<64xf32> to vector<1x64xf32>
    %add3A_188 = arith.addf %add3A_179, %broadcast_in_dim3A_187 : vector<1x64xf32>
    %slice3A_189 = vector.extract_strided_slice %concatenate3A_40 {offsets = [2048, 0], sizes = [128, 64], strides = [1, 1]} : vector<4096x64xf32> to vector<128x64xf32>
    %dot_general3A_190 = arith.constant dense<0.000000e+00> : vector<128x64xf32>
    %dot_general3A_191 = tpu.matmul %convert_element_type3A_44, %slice3A_189, %dot_general3A_190 {dimension_numbers = #tpu.dot_dimension_numbers<[1], [0], [0], [1], [0, 0, 1, 1], [], []>, transpose_lhs_hint = false} : vector<128x128xf32>, vector<128x64xf32>, vector<128x64xf32> -> vector<128x64xf32>
    %add3A_192 = vector.broadcast %add3A_188 : vector<1x64xf32> to vector<128x64xf32>
    %add3A_193 = arith.addf %dot_general3A_191, %add3A_192 : vector<128x64xf32>
    %reduce_sum3A_194 = arith.constant dense<0.000000e+00> : vector<64xf32>
    %reduce_sum3A_195 = vector.multi_reduction <add>, %slice3A_189, %reduce_sum3A_194 [0] : vector<128x64xf32> to vector<64xf32>
    %broadcast_in_dim3A_196 = vector.shape_cast %reduce_sum3A_195 : vector<64xf32> to vector<1x64xf32>
    %add3A_197 = arith.addf %add3A_188, %broadcast_in_dim3A_196 : vector<1x64xf32>
    %slice3A_198 = vector.extract_strided_slice %concatenate3A_40 {offsets = [2176, 0], sizes = [128, 64], strides = [1, 1]} : vector<4096x64xf32> to vector<128x64xf32>
    %dot_general3A_199 = arith.constant dense<0.000000e+00> : vector<128x64xf32>
    %dot_general3A_200 = tpu.matmul %convert_element_type3A_44, %slice3A_198, %dot_general3A_199 {dimension_numbers = #tpu.dot_dimension_numbers<[1], [0], [0], [1], [0, 0, 1, 1], [], []>, transpose_lhs_hint = false} : vector<128x128xf32>, vector<128x64xf32>, vector<128x64xf32> -> vector<128x64xf32>
    %add3A_201 = vector.broadcast %add3A_197 : vector<1x64xf32> to vector<128x64xf32>
    %add3A_202 = arith.addf %dot_general3A_200, %add3A_201 : vector<128x64xf32>
    %reduce_sum3A_203 = arith.constant dense<0.000000e+00> : vector<64xf32>
    %reduce_sum3A_204 = vector.multi_reduction <add>, %slice3A_198, %reduce_sum3A_203 [0] : vector<128x64xf32> to vector<64xf32>
    %broadcast_in_dim3A_205 = vector.shape_cast %reduce_sum3A_204 : vector<64xf32> to vector<1x64xf32>
    %add3A_206 = arith.addf %add3A_197, %broadcast_in_dim3A_205 : vector<1x64xf32>
    %slice3A_207 = vector.extract_strided_slice %concatenate3A_40 {offsets = [2304, 0], sizes = [128, 64], strides = [1, 1]} : vector<4096x64xf32> to vector<128x64xf32>
    %dot_general3A_208 = arith.constant dense<0.000000e+00> : vector<128x64xf32>
    %dot_general3A_209 = tpu.matmul %convert_element_type3A_44, %slice3A_207, %dot_general3A_208 {dimension_numbers = #tpu.dot_dimension_numbers<[1], [0], [0], [1], [0, 0, 1, 1], [], []>, transpose_lhs_hint = false} : vector<128x128xf32>, vector<128x64xf32>, vector<128x64xf32> -> vector<128x64xf32>
    %add3A_210 = vector.broadcast %add3A_206 : vector<1x64xf32> to vector<128x64xf32>
    %add3A_211 = arith.addf %dot_general3A_209, %add3A_210 : vector<128x64xf32>
    %reduce_sum3A_212 = arith.constant dense<0.000000e+00> : vector<64xf32>
    %reduce_sum3A_213 = vector.multi_reduction <add>, %slice3A_207, %reduce_sum3A_212 [0] : vector<128x64xf32> to vector<64xf32>
    %broadcast_in_dim3A_214 = vector.shape_cast %reduce_sum3A_213 : vector<64xf32> to vector<1x64xf32>
    %add3A_215 = arith.addf %add3A_206, %broadcast_in_dim3A_214 : vector<1x64xf32>
    %slice3A_216 = vector.extract_strided_slice %concatenate3A_40 {offsets = [2432, 0], sizes = [128, 64], strides = [1, 1]} : vector<4096x64xf32> to vector<128x64xf32>
    %dot_general3A_217 = arith.constant dense<0.000000e+00> : vector<128x64xf32>
    %dot_general3A_218 = tpu.matmul %convert_element_type3A_44, %slice3A_216, %dot_general3A_217 {dimension_numbers = #tpu.dot_dimension_numbers<[1], [0], [0], [1], [0, 0, 1, 1], [], []>, transpose_lhs_hint = false} : vector<128x128xf32>, vector<128x64xf32>, vector<128x64xf32> -> vector<128x64xf32>
    %add3A_219 = vector.broadcast %add3A_215 : vector<1x64xf32> to vector<128x64xf32>
    %add3A_220 = arith.addf %dot_general3A_218, %add3A_219 : vector<128x64xf32>
    %reduce_sum3A_221 = arith.constant dense<0.000000e+00> : vector<64xf32>
    %reduce_sum3A_222 = vector.multi_reduction <add>, %slice3A_216, %reduce_sum3A_221 [0] : vector<128x64xf32> to vector<64xf32>
    %broadcast_in_dim3A_223 = vector.shape_cast %reduce_sum3A_222 : vector<64xf32> to vector<1x64xf32>
    %add3A_224 = arith.addf %add3A_215, %broadcast_in_dim3A_223 : vector<1x64xf32>
    %slice3A_225 = vector.extract_strided_slice %concatenate3A_40 {offsets = [2560, 0], sizes = [128, 64], strides = [1, 1]} : vector<4096x64xf32> to vector<128x64xf32>
    %dot_general3A_226 = arith.constant dense<0.000000e+00> : vector<128x64xf32>
    %dot_general3A_227 = tpu.matmul %convert_element_type3A_44, %slice3A_225, %dot_general3A_226 {dimension_numbers = #tpu.dot_dimension_numbers<[1], [0], [0], [1], [0, 0, 1, 1], [], []>, transpose_lhs_hint = false} : vector<128x128xf32>, vector<128x64xf32>, vector<128x64xf32> -> vector<128x64xf32>
    %add3A_228 = vector.broadcast %add3A_224 : vector<1x64xf32> to vector<128x64xf32>
    %add3A_229 = arith.addf %dot_general3A_227, %add3A_228 : vector<128x64xf32>
    %reduce_sum3A_230 = arith.constant dense<0.000000e+00> : vector<64xf32>
    %reduce_sum3A_231 = vector.multi_reduction <add>, %slice3A_225, %reduce_sum3A_230 [0] : vector<128x64xf32> to vector<64xf32>
    %broadcast_in_dim3A_232 = vector.shape_cast %reduce_sum3A_231 : vector<64xf32> to vector<1x64xf32>
    %add3A_233 = arith.addf %add3A_224, %broadcast_in_dim3A_232 : vector<1x64xf32>
    %slice3A_234 = vector.extract_strided_slice %concatenate3A_40 {offsets = [2688, 0], sizes = [128, 64], strides = [1, 1]} : vector<4096x64xf32> to vector<128x64xf32>
    %dot_general3A_235 = arith.constant dense<0.000000e+00> : vector<128x64xf32>
    %dot_general3A_236 = tpu.matmul %convert_element_type3A_44, %slice3A_234, %dot_general3A_235 {dimension_numbers = #tpu.dot_dimension_numbers<[1], [0], [0], [1], [0, 0, 1, 1], [], []>, transpose_lhs_hint = false} : vector<128x128xf32>, vector<128x64xf32>, vector<128x64xf32> -> vector<128x64xf32>
    %add3A_237 = vector.broadcast %add3A_233 : vector<1x64xf32> to vector<128x64xf32>
    %add3A_238 = arith.addf %dot_general3A_236, %add3A_237 : vector<128x64xf32>
    %reduce_sum3A_239 = arith.constant dense<0.000000e+00> : vector<64xf32>
    %reduce_sum3A_240 = vector.multi_reduction <add>, %slice3A_234, %reduce_sum3A_239 [0] : vector<128x64xf32> to vector<64xf32>
    %broadcast_in_dim3A_241 = vector.shape_cast %reduce_sum3A_240 : vector<64xf32> to vector<1x64xf32>
    %add3A_242 = arith.addf %add3A_233, %broadcast_in_dim3A_241 : vector<1x64xf32>
    %slice3A_243 = vector.extract_strided_slice %concatenate3A_40 {offsets = [2816, 0], sizes = [128, 64], strides = [1, 1]} : vector<4096x64xf32> to vector<128x64xf32>
    %dot_general3A_244 = arith.constant dense<0.000000e+00> : vector<128x64xf32>
    %dot_general3A_245 = tpu.matmul %convert_element_type3A_44, %slice3A_243, %dot_general3A_244 {dimension_numbers = #tpu.dot_dimension_numbers<[1], [0], [0], [1], [0, 0, 1, 1], [], []>, transpose_lhs_hint = false} : vector<128x128xf32>, vector<128x64xf32>, vector<128x64xf32> -> vector<128x64xf32>
    %add3A_246 = vector.broadcast %add3A_242 : vector<1x64xf32> to vector<128x64xf32>
    %add3A_247 = arith.addf %dot_general3A_245, %add3A_246 : vector<128x64xf32>
    %reduce_sum3A_248 = arith.constant dense<0.000000e+00> : vector<64xf32>
    %reduce_sum3A_249 = vector.multi_reduction <add>, %slice3A_243, %reduce_sum3A_248 [0] : vector<128x64xf32> to vector<64xf32>
    %broadcast_in_dim3A_250 = vector.shape_cast %reduce_sum3A_249 : vector<64xf32> to vector<1x64xf32>
    %add3A_251 = arith.addf %add3A_242, %broadcast_in_dim3A_250 : vector<1x64xf32>
    %slice3A_252 = vector.extract_strided_slice %concatenate3A_40 {offsets = [2944, 0], sizes = [128, 64], strides = [1, 1]} : vector<4096x64xf32> to vector<128x64xf32>
    %dot_general3A_253 = arith.constant dense<0.000000e+00> : vector<128x64xf32>
    %dot_general3A_254 = tpu.matmul %convert_element_type3A_44, %slice3A_252, %dot_general3A_253 {dimension_numbers = #tpu.dot_dimension_numbers<[1], [0], [0], [1], [0, 0, 1, 1], [], []>, transpose_lhs_hint = false} : vector<128x128xf32>, vector<128x64xf32>, vector<128x64xf32> -> vector<128x64xf32>
    %add3A_255 = vector.broadcast %add3A_251 : vector<1x64xf32> to vector<128x64xf32>
    %add3A_256 = arith.addf %dot_general3A_254, %add3A_255 : vector<128x64xf32>
    %reduce_sum3A_257 = arith.constant dense<0.000000e+00> : vector<64xf32>
    %reduce_sum3A_258 = vector.multi_reduction <add>, %slice3A_252, %reduce_sum3A_257 [0] : vector<128x64xf32> to vector<64xf32>
    %broadcast_in_dim3A_259 = vector.shape_cast %reduce_sum3A_258 : vector<64xf32> to vector<1x64xf32>
    %add3A_260 = arith.addf %add3A_251, %broadcast_in_dim3A_259 : vector<1x64xf32>
    %slice3A_261 = vector.extract_strided_slice %concatenate3A_40 {offsets = [3072, 0], sizes = [128, 64], strides = [1, 1]} : vector<4096x64xf32> to vector<128x64xf32>
    %dot_general3A_262 = arith.constant dense<0.000000e+00> : vector<128x64xf32>
    %dot_general3A_263 = tpu.matmul %convert_element_type3A_44, %slice3A_261, %dot_general3A_262 {dimension_numbers = #tpu.dot_dimension_numbers<[1], [0], [0], [1], [0, 0, 1, 1], [], []>, transpose_lhs_hint = false} : vector<128x128xf32>, vector<128x64xf32>, vector<128x64xf32> -> vector<128x64xf32>
    %add3A_264 = vector.broadcast %add3A_260 : vector<1x64xf32> to vector<128x64xf32>
    %add3A_265 = arith.addf %dot_general3A_263, %add3A_264 : vector<128x64xf32>
    %reduce_sum3A_266 = arith.constant dense<0.000000e+00> : vector<64xf32>
    %reduce_sum3A_267 = vector.multi_reduction <add>, %slice3A_261, %reduce_sum3A_266 [0] : vector<128x64xf32> to vector<64xf32>
    %broadcast_in_dim3A_268 = vector.shape_cast %reduce_sum3A_267 : vector<64xf32> to vector<1x64xf32>
    %add3A_269 = arith.addf %add3A_260, %broadcast_in_dim3A_268 : vector<1x64xf32>
    %slice3A_270 = vector.extract_strided_slice %concatenate3A_40 {offsets = [3200, 0], sizes = [128, 64], strides = [1, 1]} : vector<4096x64xf32> to vector<128x64xf32>
    %dot_general3A_271 = arith.constant dense<0.000000e+00> : vector<128x64xf32>
    %dot_general3A_272 = tpu.matmul %convert_element_type3A_44, %slice3A_270, %dot_general3A_271 {dimension_numbers = #tpu.dot_dimension_numbers<[1], [0], [0], [1], [0, 0, 1, 1], [], []>, transpose_lhs_hint = false} : vector<128x128xf32>, vector<128x64xf32>, vector<128x64xf32> -> vector<128x64xf32>
    %add3A_273 = vector.broadcast %add3A_269 : vector<1x64xf32> to vector<128x64xf32>
    %add3A_274 = arith.addf %dot_general3A_272, %add3A_273 : vector<128x64xf32>
    %reduce_sum3A_275 = arith.constant dense<0.000000e+00> : vector<64xf32>
    %reduce_sum3A_276 = vector.multi_reduction <add>, %slice3A_270, %reduce_sum3A_275 [0] : vector<128x64xf32> to vector<64xf32>
    %broadcast_in_dim3A_277 = vector.shape_cast %reduce_sum3A_276 : vector<64xf32> to vector<1x64xf32>
    %add3A_278 = arith.addf %add3A_269, %broadcast_in_dim3A_277 : vector<1x64xf32>
    %slice3A_279 = vector.extract_strided_slice %concatenate3A_40 {offsets = [3328, 0], sizes = [128, 64], strides = [1, 1]} : vector<4096x64xf32> to vector<128x64xf32>
    %dot_general3A_280 = arith.constant dense<0.000000e+00> : vector<128x64xf32>
    %dot_general3A_281 = tpu.matmul %convert_element_type3A_44, %slice3A_279, %dot_general3A_280 {dimension_numbers = #tpu.dot_dimension_numbers<[1], [0], [0], [1], [0, 0, 1, 1], [], []>, transpose_lhs_hint = false} : vector<128x128xf32>, vector<128x64xf32>, vector<128x64xf32> -> vector<128x64xf32>
    %add3A_282 = vector.broadcast %add3A_278 : vector<1x64xf32> to vector<128x64xf32>
    %add3A_283 = arith.addf %dot_general3A_281, %add3A_282 : vector<128x64xf32>
    %reduce_sum3A_284 = arith.constant dense<0.000000e+00> : vector<64xf32>
    %reduce_sum3A_285 = vector.multi_reduction <add>, %slice3A_279, %reduce_sum3A_284 [0] : vector<128x64xf32> to vector<64xf32>
    %broadcast_in_dim3A_286 = vector.shape_cast %reduce_sum3A_285 : vector<64xf32> to vector<1x64xf32>
    %add3A_287 = arith.addf %add3A_278, %broadcast_in_dim3A_286 : vector<1x64xf32>
    %slice3A_288 = vector.extract_strided_slice %concatenate3A_40 {offsets = [3456, 0], sizes = [128, 64], strides = [1, 1]} : vector<4096x64xf32> to vector<128x64xf32>
    %dot_general3A_289 = arith.constant dense<0.000000e+00> : vector<128x64xf32>
    %dot_general3A_290 = tpu.matmul %convert_element_type3A_44, %slice3A_288, %dot_general3A_289 {dimension_numbers = #tpu.dot_dimension_numbers<[1], [0], [0], [1], [0, 0, 1, 1], [], []>, transpose_lhs_hint = false} : vector<128x128xf32>, vector<128x64xf32>, vector<128x64xf32> -> vector<128x64xf32>
    %add3A_291 = vector.broadcast %add3A_287 : vector<1x64xf32> to vector<128x64xf32>
    %add3A_292 = arith.addf %dot_general3A_290, %add3A_291 : vector<128x64xf32>
    %reduce_sum3A_293 = arith.constant dense<0.000000e+00> : vector<64xf32>
    %reduce_sum3A_294 = vector.multi_reduction <add>, %slice3A_288, %reduce_sum3A_293 [0] : vector<128x64xf32> to vector<64xf32>
    %broadcast_in_dim3A_295 = vector.shape_cast %reduce_sum3A_294 : vector<64xf32> to vector<1x64xf32>
    %add3A_296 = arith.addf %add3A_287, %broadcast_in_dim3A_295 : vector<1x64xf32>
    %slice3A_297 = vector.extract_strided_slice %concatenate3A_40 {offsets = [3584, 0], sizes = [128, 64], strides = [1, 1]} : vector<4096x64xf32> to vector<128x64xf32>
    %dot_general3A_298 = arith.constant dense<0.000000e+00> : vector<128x64xf32>
    %dot_general3A_299 = tpu.matmul %convert_element_type3A_44, %slice3A_297, %dot_general3A_298 {dimension_numbers = #tpu.dot_dimension_numbers<[1], [0], [0], [1], [0, 0, 1, 1], [], []>, transpose_lhs_hint = false} : vector<128x128xf32>, vector<128x64xf32>, vector<128x64xf32> -> vector<128x64xf32>
    %add3A_300 = vector.broadcast %add3A_296 : vector<1x64xf32> to vector<128x64xf32>
    %add3A_301 = arith.addf %dot_general3A_299, %add3A_300 : vector<128x64xf32>
    %reduce_sum3A_302 = arith.constant dense<0.000000e+00> : vector<64xf32>
    %reduce_sum3A_303 = vector.multi_reduction <add>, %slice3A_297, %reduce_sum3A_302 [0] : vector<128x64xf32> to vector<64xf32>
    %broadcast_in_dim3A_304 = vector.shape_cast %reduce_sum3A_303 : vector<64xf32> to vector<1x64xf32>
    %add3A_305 = arith.addf %add3A_296, %broadcast_in_dim3A_304 : vector<1x64xf32>
    %slice3A_306 = vector.extract_strided_slice %concatenate3A_40 {offsets = [3712, 0], sizes = [128, 64], strides = [1, 1]} : vector<4096x64xf32> to vector<128x64xf32>
    %dot_general3A_307 = arith.constant dense<0.000000e+00> : vector<128x64xf32>
    %dot_general3A_308 = tpu.matmul %convert_element_type3A_44, %slice3A_306, %dot_general3A_307 {dimension_numbers = #tpu.dot_dimension_numbers<[1], [0], [0], [1], [0, 0, 1, 1], [], []>, transpose_lhs_hint = false} : vector<128x128xf32>, vector<128x64xf32>, vector<128x64xf32> -> vector<128x64xf32>
    %add3A_309 = vector.broadcast %add3A_305 : vector<1x64xf32> to vector<128x64xf32>
    %add3A_310 = arith.addf %dot_general3A_308, %add3A_309 : vector<128x64xf32>
    %reduce_sum3A_311 = arith.constant dense<0.000000e+00> : vector<64xf32>
    %reduce_sum3A_312 = vector.multi_reduction <add>, %slice3A_306, %reduce_sum3A_311 [0] : vector<128x64xf32> to vector<64xf32>
    %broadcast_in_dim3A_313 = vector.shape_cast %reduce_sum3A_312 : vector<64xf32> to vector<1x64xf32>
    %add3A_314 = arith.addf %add3A_305, %broadcast_in_dim3A_313 : vector<1x64xf32>
    %slice3A_315 = vector.extract_strided_slice %concatenate3A_40 {offsets = [3840, 0], sizes = [128, 64], strides = [1, 1]} : vector<4096x64xf32> to vector<128x64xf32>
    %dot_general3A_316 = arith.constant dense<0.000000e+00> : vector<128x64xf32>
    %dot_general3A_317 = tpu.matmul %convert_element_type3A_44, %slice3A_315, %dot_general3A_316 {dimension_numbers = #tpu.dot_dimension_numbers<[1], [0], [0], [1], [0, 0, 1, 1], [], []>, transpose_lhs_hint = false} : vector<128x128xf32>, vector<128x64xf32>, vector<128x64xf32> -> vector<128x64xf32>
    %add3A_318 = vector.broadcast %add3A_314 : vector<1x64xf32> to vector<128x64xf32>
    %add3A_319 = arith.addf %dot_general3A_317, %add3A_318 : vector<128x64xf32>
    %reduce_sum3A_320 = arith.constant dense<0.000000e+00> : vector<64xf32>
    %reduce_sum3A_321 = vector.multi_reduction <add>, %slice3A_315, %reduce_sum3A_320 [0] : vector<128x64xf32> to vector<64xf32>
    %broadcast_in_dim3A_322 = vector.shape_cast %reduce_sum3A_321 : vector<64xf32> to vector<1x64xf32>
    %add3A_323 = arith.addf %add3A_314, %broadcast_in_dim3A_322 : vector<1x64xf32>
    %slice3A_324 = vector.extract_strided_slice %concatenate3A_40 {offsets = [3968, 0], sizes = [128, 64], strides = [1, 1]} : vector<4096x64xf32> to vector<128x64xf32>
    %dot_general3A_325 = arith.constant dense<0.000000e+00> : vector<128x64xf32>
    %dot_general3A_326 = tpu.matmul %convert_element_type3A_44, %slice3A_324, %dot_general3A_325 {dimension_numbers = #tpu.dot_dimension_numbers<[1], [0], [0], [1], [0, 0, 1, 1], [], []>, transpose_lhs_hint = false} : vector<128x128xf32>, vector<128x64xf32>, vector<128x64xf32> -> vector<128x64xf32>
    %add3A_327 = vector.broadcast %add3A_323 : vector<1x64xf32> to vector<128x64xf32>
    %add3A_328 = arith.addf %dot_general3A_326, %add3A_327 : vector<128x64xf32>
    %reduce_sum3A_329 = arith.constant dense<0.000000e+00> : vector<64xf32>
    %reduce_sum3A_330 = vector.multi_reduction <add>, %slice3A_324, %reduce_sum3A_329 [0] : vector<128x64xf32> to vector<64xf32>
    %broadcast_in_dim3A_331 = vector.shape_cast %reduce_sum3A_330 : vector<64xf32> to vector<1x64xf32>
    %add3A_332 = arith.addf %add3A_323, %broadcast_in_dim3A_331 : vector<1x64xf32>
    %concatenate3A_333 = tpu.concatenate %add3A_50, %add3A_58, %add3A_67, %add3A_76, %add3A_85, %add3A_94, %add3A_103, %add3A_112, %add3A_121, %add3A_130, %add3A_139, %add3A_148, %add3A_157, %add3A_166, %add3A_175, %add3A_184, %add3A_193, %add3A_202, %add3A_211, %add3A_220, %add3A_229, %add3A_238, %add3A_247, %add3A_256, %add3A_265, %add3A_274, %add3A_283, %add3A_292, %add3A_301, %add3A_310, %add3A_319, %add3A_328 in 0 : vector<128x64xf32>, vector<128x64xf32>, vector<128x64xf32>, vector<128x64xf32>, vector<128x64xf32>, vector<128x64xf32>, vector<128x64xf32>, vector<128x64xf32>, vector<128x64xf32>, vector<128x64xf32>, vector<128x64xf32>, vector<128x64xf32>, vector<128x64xf32>, vector<128x64xf32>, vector<128x64xf32>, vector<128x64xf32>, vector<128x64xf32>, vector<128x64xf32>, vector<128x64xf32>, vector<128x64xf32>, vector<128x64xf32>, vector<128x64xf32>, vector<128x64xf32>, vector<128x64xf32>, vector<128x64xf32>, vector<128x64xf32>, vector<128x64xf32>, vector<128x64xf32>, vector<128x64xf32>, vector<128x64xf32>, vector<128x64xf32>, vector<128x64xf32> -> vector<4096x64xf32>
    %mul3A_334 = arith.constant 1.562500e-02 : f32
    %mul3A_335 = vector.broadcast %mul3A_334 : f32 to vector<1x64xf32>
    %mul3A_336 = arith.mulf %add3A_332, %mul3A_335 : vector<1x64xf32>
    %ceil3A = math.ceil %mul3A_336 : vector<1x64xf32>
    %iota3A_337 = tpu.iota {dimensions = array<i32: 0>} : vector<64x64xi32>
    %iota3A_338 = tpu.iota {dimensions = array<i32: 1>} : vector<64x64xi32>
    %le3A = arith.cmpi sle, %iota3A_337, %iota3A_338 : vector<64x64xi32>
    %convert_element_type3A_339 = arith.extui %le3A : vector<64x64xi1> to vector<64x64xi32>
    %convert_element_type3A_340 = arith.sitofp %convert_element_type3A_339 : vector<64x64xi32> to vector<64x64xf32>
    %dot_general3A_341 = arith.constant dense<0.000000e+00> : vector<1x64xf32>
    %dot_general3A_342 = tpu.matmul %ceil3A, %convert_element_type3A_340, %dot_general3A_341 {dimension_numbers = #tpu.dot_dimension_numbers<[1], [0], [0], [1], [0, 0, 1, 1], [], []>, transpose_lhs_hint = false} : vector<1x64xf32>, vector<64x64xf32>, vector<1x64xf32> -> vector<1x64xf32>
    %sub3A_343 = arith.subf %dot_general3A_342, %ceil3A : vector<1x64xf32>
    %mul3A_344 = arith.constant 6.400000e+01 : f32
    %mul3A_345 = vector.broadcast %mul3A_344 : f32 to vector<1x64xf32>
    %mul3A_346 = arith.mulf %sub3A_343, %mul3A_345 : vector<1x64xf32>
    %add3A_347 = vector.broadcast %mul3A_346 : vector<1x64xf32> to vector<4096x64xf32>
    %add3A_348 = arith.addf %concatenate3A_333, %add3A_347 : vector<4096x64xf32>
    %mul3A_349 = arith.mulf %concatenate3A_40, %add3A_348 : vector<4096x64xf32>
    %reduce_sum3A_350 = arith.constant dense<0.000000e+00> : vector<4096xf32>
    %reduce_sum3A_351 = vector.multi_reduction <add>, %mul3A_349, %reduce_sum3A_350 [1] : vector<4096x64xf32> to vector<4096xf32>
    %broadcast_in_dim3A_352 = vector.shape_cast %reduce_sum3A_351 : vector<4096xf32> to vector<4096x1xf32>
    %convert_element_type3A_353 = arith.fptosi %broadcast_in_dim3A_352 : vector<4096x1xf32> to vector<4096x1xi32>
    %swap3A_354 = arith.constant 0 : index
    %swap3A_355 = arith.constant 0 : index
    %swap3A_356 = vector.load %arg2[%swap3A_354, %swap3A_355] : memref<4096x1xi32, #tpu.memory_space<vmem>>, vector<4096x1xi32>
    tpu.vector_store %arg2[%swap3A_354, %swap3A_355], %convert_element_type3A_353 {strides = array<i32>} : memref<4096x1xi32, #tpu.memory_space<vmem>>, vector<4096x1xi32>,
    %convert_element_type3A_357 = arith.fptosi %sub3A_343 : vector<1x64xf32> to vector<1x64xi32>
    %swap3A_358 = arith.constant 0 : index
    %swap3A_359 = arith.constant 0 : index
    %swap3A_360 = vector.load %arg4[%swap3A_358, %swap3A_359] : memref<1x64xi32, #tpu.memory_space<vmem>>, vector<1x64xi32>
    tpu.vector_store %arg4[%swap3A_358, %swap3A_359], %convert_element_type3A_357 {strides = array<i32>} : memref<1x64xi32, #tpu.memory_space<vmem>>, vector<1x64xi32>,
    %convert_element_type3A_361 = arith.fptosi %ceil3A : vector<1x64xf32> to vector<1x64xi32>
    %swap3A_362 = arith.constant 0 : index
    %swap3A_363 = arith.constant 0 : index
    %swap3A_364 = vector.load %arg5[%swap3A_362, %swap3A_363] : memref<1x64xi32, #tpu.memory_space<vmem>>, vector<1x64xi32>
    tpu.vector_store %arg5[%swap3A_362, %swap3A_363], %convert_element_type3A_361 {strides = array<i32>} : memref<1x64xi32, #tpu.memory_space<vmem>>, vector<1x64xi32>,
    %iota3A_365 = tpu.iota {dimensions = array<i32: 0>} : vector<64x64xi32>
    %convert_element_type3A_366 = arith.fptosi %add3A_332 : vector<1x64xf32> to vector<1x64xi32>
    %mul3A_367 = arith.constant 6.400000e+01 : f32
    %mul3A_368 = vector.broadcast %mul3A_367 : f32 to vector<1x64xf32>
    %mul3A_369 = arith.mulf %ceil3A, %mul3A_368 : vector<1x64xf32>
    %convert_element_type3A_370 = arith.fptosi %mul3A_369 : vector<1x64xf32> to vector<1x64xi32>
    %convert_element_type3A_371 = arith.fptosi %mul3A_346 : vector<1x64xf32> to vector<1x64xi32>
    %add3A_372 = vector.broadcast %convert_element_type3A_366 : vector<1x64xi32> to vector<64x64xi32>
    %add3A_373 = arith.addi %add3A_372, %iota3A_365 : vector<64x64xi32>
    %lt3A_374 = vector.broadcast %convert_element_type3A_370 : vector<1x64xi32> to vector<64x64xi32>
    %lt3A_375 = arith.cmpi slt, %add3A_373, %lt3A_374 : vector<64x64xi32>
    %add3A_376 = arith.addi %convert_element_type3A_371, %convert_element_type3A_366 : vector<1x64xi32>
    %add3A_377 = vector.broadcast %add3A_376 : vector<1x64xi32> to vector<64x64xi32>
    %add3A_378 = arith.addi %add3A_377, %iota3A_365 : vector<64x64xi32>
    %jit3A_379 = arith.constant 8191 : i32
    %broadcast_in_dim3A_380 = vector.broadcast %jit3A_379 : i32 to vector<64x64xi32>
    %select_n3A_381 = arith.select %lt3A_375, %add3A_378, %broadcast_in_dim3A_380 : vector<64x64xi1>, vector<64x64xi32>
    %swap3A_382 = arith.constant 0 : index
    %swap3A_383 = arith.constant 0 : index
    %swap3A_384 = vector.load %arg6[%swap3A_382, %swap3A_383] : memref<64x64xi32, #tpu.memory_space<vmem>>, vector<64x64xi32>
    tpu.vector_store %arg6[%swap3A_382, %swap3A_383], %select_n3A_381 {strides = array<i32>} : memref<64x64xi32, #tpu.memory_space<vmem>>, vector<64x64xi32>,
    return
  }
}

module attributes {stable_mosaic.version = 14 : i64} {
  func.func @_moe_kernel(%arg0: i32, %arg1: memref<64xi32, #tpu.memory_space<smem>>, %arg2: memref<64xi32, #tpu.memory_space<smem>>, %arg3: memref<8192xi32, #tpu.memory_space<smem>>, %arg4: memref<2048x768xf32, #tpu.memory_space<vmem>>, %arg5: memref<128x64x1xf32, #tpu.memory_space<vmem>>, %arg6: memref<1x768x512xf32, #tpu.memory_space<vmem>>, %arg7: memref<1x512x768xf32, #tpu.memory_space<vmem>>, %arg8: memref<2048x768xf32, #tpu.memory_space<vmem>>, %arg9: memref<64x768xf32, #tpu.memory_space<vmem>>) attributes {dimension_semantics = [#tpu.dimension_semantics<arbitrary>], iteration_bounds = array<i64: 64>, scalar_prefetch = 3 : i64, scratch_operands = 1 : i64, tpu.core_type = #tpu.core_type<tc>, window_params = [{pipeline_mode = #tpu.pipeline_mode<synchronous>, transform_indices = @transform_0, window_bounds = array<i64: 2048, 768>}, {pipeline_mode = #tpu.pipeline_mode<synchronous>, transform_indices = @transform_1, window_bounds = array<i64: 128, 64, 1>}, {transform_indices = @transform_2, window_bounds = array<i64: 1, 768, 512>}, {transform_indices = @transform_3, window_bounds = array<i64: 1, 512, 768>}, {pipeline_mode = #tpu.pipeline_mode<synchronous>, transform_indices = @transform_4, window_bounds = array<i64: 2048, 768>}]} {
    %eq3A = arith.constant 0 : i32
    %eq3A_0 = arith.cmpi eq, %arg0, %eq3A : i32
    %convert_element_type3A = arith.extui %eq3A_0 : i1 to i32
    %cond3A = arith.constant 0 : i32
    %cond3A_1 = arith.cmpi ne, %convert_element_type3A, %cond3A : i32
    scf.if %cond3A_1 {
      %broadcast_in_dim3A = arith.constant 0.000000e+00 : f32
      %broadcast_in_dim3A_14 = vector.broadcast %broadcast_in_dim3A : f32 to vector<2048x768xf32>
      %swap3A = arith.constant 0 : index
      %swap3A_15 = arith.constant 0 : index
      %swap3A_16 = vector.load %arg8[%swap3A, %swap3A_15] : memref<2048x768xf32, #tpu.memory_space<vmem>>, vector<2048x768xf32>
      tpu.vector_store %arg8[%swap3A, %swap3A_15], %broadcast_in_dim3A_14 {strides = array<i32>} : memref<2048x768xf32, #tpu.memory_space<vmem>>, vector<2048x768xf32>,
    } else {
    }
    %get3A = arith.index_cast %arg0 : i32 to index
    %get3A_2 = memref.load %arg1[%get3A] : memref<64xi32, #tpu.memory_space<smem>>
    %get3A_3 = arith.index_cast %arg0 : i32 to index
    %get3A_4 = memref.load %arg2[%get3A_3] : memref<64xi32, #tpu.memory_space<smem>>
    %while3A = arith.constant 0 : i32
    %while3A_5 = arith.constant 0 : i32
    %while3A_6 = arith.subi %get3A_4, %while3A_5 : i32
    %while3A_7 = arith.addi %while3A_5, %while3A_6 : i32
    %while3A_8 = arith.constant 1 : i32
    %while3A_9 = arith.divsi %while3A_6, %while3A_8 : i32
    %while3A_10 = arith.muli %while3A_9, %while3A_8 : i32
    %while3A_11 = arith.addi %while3A_5, %while3A_10 : i32
    %while3A_12 = arith.constant 1 : i32
    scf.for %while3A_14 = %while3A_5 to %while3A_11 step %while3A_12  : i32 {
      %add3A = arith.addi %get3A_2, %while3A_14 : i32
      %mul3A = arith.constant 64 : i32
      %mul3A_15 = arith.muli %add3A, %mul3A : i32
      %add3A_16 = arith.constant 0 : i32
      %add3A_17 = arith.addi %mul3A_15, %add3A_16 : i32
      %get3A_18 = arith.index_cast %add3A_17 : i32 to index
      %get3A_19 = memref.load %arg3[%get3A_18] : memref<8192xi32, #tpu.memory_space<smem>>
      %get3A_20 = arith.index_cast %get3A_19 : i32 to index
      %get3A_21 = arith.constant 0 : index
      %get3A_22 = vector.load %arg4[%get3A_20, %get3A_21] : memref<2048x768xf32, #tpu.memory_space<vmem>>, vector<1x768xf32>
      %swap3A = arith.constant 0 : index
      %swap3A_23 = arith.constant 0 : index
      %swap3A_24 = vector.load %arg9[%swap3A, %swap3A_23] : memref<64x768xf32, #tpu.memory_space<vmem>>, vector<1x768xf32>
      tpu.vector_store %arg9[%swap3A, %swap3A_23], %get3A_22 {strides = array<i32>} : memref<64x768xf32, #tpu.memory_space<vmem>>, vector<1x768xf32>,
      %add3A_25 = arith.constant 1 : i32
      %add3A_26 = arith.addi %mul3A_15, %add3A_25 : i32
      %get3A_27 = arith.index_cast %add3A_26 : i32 to index
      %get3A_28 = memref.load %arg3[%get3A_27] : memref<8192xi32, #tpu.memory_space<smem>>
      %get3A_29 = arith.index_cast %get3A_28 : i32 to index
      %get3A_30 = arith.constant 0 : index
      %get3A_31 = vector.load %arg4[%get3A_29, %get3A_30] : memref<2048x768xf32, #tpu.memory_space<vmem>>, vector<1x768xf32>
      %swap3A_32 = arith.constant 1 : index
      %swap3A_33 = arith.constant 0 : index
      %swap3A_34 = vector.load %arg9[%swap3A_32, %swap3A_33] : memref<64x768xf32, #tpu.memory_space<vmem>>, vector<1x768xf32>
      tpu.vector_store %arg9[%swap3A_32, %swap3A_33], %get3A_31 {strides = array<i32>} : memref<64x768xf32, #tpu.memory_space<vmem>>, vector<1x768xf32>,
      %add3A_35 = arith.constant 2 : i32
      %add3A_36 = arith.addi %mul3A_15, %add3A_35 : i32
      %get3A_37 = arith.index_cast %add3A_36 : i32 to index
      %get3A_38 = memref.load %arg3[%get3A_37] : memref<8192xi32, #tpu.memory_space<smem>>
      %get3A_39 = arith.index_cast %get3A_38 : i32 to index
      %get3A_40 = arith.constant 0 : index
      %get3A_41 = vector.load %arg4[%get3A_39, %get3A_40] : memref<2048x768xf32, #tpu.memory_space<vmem>>, vector<1x768xf32>
      %swap3A_42 = arith.constant 2 : index
      %swap3A_43 = arith.constant 0 : index
      %swap3A_44 = vector.load %arg9[%swap3A_42, %swap3A_43] : memref<64x768xf32, #tpu.memory_space<vmem>>, vector<1x768xf32>
      tpu.vector_store %arg9[%swap3A_42, %swap3A_43], %get3A_41 {strides = array<i32>} : memref<64x768xf32, #tpu.memory_space<vmem>>, vector<1x768xf32>,
      %add3A_45 = arith.constant 3 : i32
      %add3A_46 = arith.addi %mul3A_15, %add3A_45 : i32
      %get3A_47 = arith.index_cast %add3A_46 : i32 to index
      %get3A_48 = memref.load %arg3[%get3A_47] : memref<8192xi32, #tpu.memory_space<smem>>
      %get3A_49 = arith.index_cast %get3A_48 : i32 to index
      %get3A_50 = arith.constant 0 : index
      %get3A_51 = vector.load %arg4[%get3A_49, %get3A_50] : memref<2048x768xf32, #tpu.memory_space<vmem>>, vector<1x768xf32>
      %swap3A_52 = arith.constant 3 : index
      %swap3A_53 = arith.constant 0 : index
      %swap3A_54 = vector.load %arg9[%swap3A_52, %swap3A_53] : memref<64x768xf32, #tpu.memory_space<vmem>>, vector<1x768xf32>
      tpu.vector_store %arg9[%swap3A_52, %swap3A_53], %get3A_51 {strides = array<i32>} : memref<64x768xf32, #tpu.memory_space<vmem>>, vector<1x768xf32>,
      %add3A_55 = arith.constant 4 : i32
      %add3A_56 = arith.addi %mul3A_15, %add3A_55 : i32
      %get3A_57 = arith.index_cast %add3A_56 : i32 to index
      %get3A_58 = memref.load %arg3[%get3A_57] : memref<8192xi32, #tpu.memory_space<smem>>
      %get3A_59 = arith.index_cast %get3A_58 : i32 to index
      %get3A_60 = arith.constant 0 : index
      %get3A_61 = vector.load %arg4[%get3A_59, %get3A_60] : memref<2048x768xf32, #tpu.memory_space<vmem>>, vector<1x768xf32>
      %swap3A_62 = arith.constant 4 : index
      %swap3A_63 = arith.constant 0 : index
      %swap3A_64 = vector.load %arg9[%swap3A_62, %swap3A_63] : memref<64x768xf32, #tpu.memory_space<vmem>>, vector<1x768xf32>
      tpu.vector_store %arg9[%swap3A_62, %swap3A_63], %get3A_61 {strides = array<i32>} : memref<64x768xf32, #tpu.memory_space<vmem>>, vector<1x768xf32>,
      %add3A_65 = arith.constant 5 : i32
      %add3A_66 = arith.addi %mul3A_15, %add3A_65 : i32
      %get3A_67 = arith.index_cast %add3A_66 : i32 to index
      %get3A_68 = memref.load %arg3[%get3A_67] : memref<8192xi32, #tpu.memory_space<smem>>
      %get3A_69 = arith.index_cast %get3A_68 : i32 to index
      %get3A_70 = arith.constant 0 : index
      %get3A_71 = vector.load %arg4[%get3A_69, %get3A_70] : memref<2048x768xf32, #tpu.memory_space<vmem>>, vector<1x768xf32>
      %swap3A_72 = arith.constant 5 : index
      %swap3A_73 = arith.constant 0 : index
      %swap3A_74 = vector.load %arg9[%swap3A_72, %swap3A_73] : memref<64x768xf32, #tpu.memory_space<vmem>>, vector<1x768xf32>
      tpu.vector_store %arg9[%swap3A_72, %swap3A_73], %get3A_71 {strides = array<i32>} : memref<64x768xf32, #tpu.memory_space<vmem>>, vector<1x768xf32>,
      %add3A_75 = arith.constant 6 : i32
      %add3A_76 = arith.addi %mul3A_15, %add3A_75 : i32
      %get3A_77 = arith.index_cast %add3A_76 : i32 to index
      %get3A_78 = memref.load %arg3[%get3A_77] : memref<8192xi32, #tpu.memory_space<smem>>
      %get3A_79 = arith.index_cast %get3A_78 : i32 to index
      %get3A_80 = arith.constant 0 : index
      %get3A_81 = vector.load %arg4[%get3A_79, %get3A_80] : memref<2048x768xf32, #tpu.memory_space<vmem>>, vector<1x768xf32>
      %swap3A_82 = arith.constant 6 : index
      %swap3A_83 = arith.constant 0 : index
      %swap3A_84 = vector.load %arg9[%swap3A_82, %swap3A_83] : memref<64x768xf32, #tpu.memory_space<vmem>>, vector<1x768xf32>
      tpu.vector_store %arg9[%swap3A_82, %swap3A_83], %get3A_81 {strides = array<i32>} : memref<64x768xf32, #tpu.memory_space<vmem>>, vector<1x768xf32>,
      %add3A_85 = arith.constant 7 : i32
      %add3A_86 = arith.addi %mul3A_15, %add3A_85 : i32
      %get3A_87 = arith.index_cast %add3A_86 : i32 to index
      %get3A_88 = memref.load %arg3[%get3A_87] : memref<8192xi32, #tpu.memory_space<smem>>
      %get3A_89 = arith.index_cast %get3A_88 : i32 to index
      %get3A_90 = arith.constant 0 : index
      %get3A_91 = vector.load %arg4[%get3A_89, %get3A_90] : memref<2048x768xf32, #tpu.memory_space<vmem>>, vector<1x768xf32>
      %swap3A_92 = arith.constant 7 : index
      %swap3A_93 = arith.constant 0 : index
      %swap3A_94 = vector.load %arg9[%swap3A_92, %swap3A_93] : memref<64x768xf32, #tpu.memory_space<vmem>>, vector<1x768xf32>
      tpu.vector_store %arg9[%swap3A_92, %swap3A_93], %get3A_91 {strides = array<i32>} : memref<64x768xf32, #tpu.memory_space<vmem>>, vector<1x768xf32>,
      %add3A_95 = arith.constant 8 : i32
      %add3A_96 = arith.addi %mul3A_15, %add3A_95 : i32
      %get3A_97 = arith.index_cast %add3A_96 : i32 to index
      %get3A_98 = memref.load %arg3[%get3A_97] : memref<8192xi32, #tpu.memory_space<smem>>
      %get3A_99 = arith.index_cast %get3A_98 : i32 to index
      %get3A_100 = arith.constant 0 : index
      %get3A_101 = vector.load %arg4[%get3A_99, %get3A_100] : memref<2048x768xf32, #tpu.memory_space<vmem>>, vector<1x768xf32>
      %swap3A_102 = arith.constant 8 : index
      %swap3A_103 = arith.constant 0 : index
      %swap3A_104 = vector.load %arg9[%swap3A_102, %swap3A_103] : memref<64x768xf32, #tpu.memory_space<vmem>>, vector<1x768xf32>
      tpu.vector_store %arg9[%swap3A_102, %swap3A_103], %get3A_101 {strides = array<i32>} : memref<64x768xf32, #tpu.memory_space<vmem>>, vector<1x768xf32>,
      %add3A_105 = arith.constant 9 : i32
      %add3A_106 = arith.addi %mul3A_15, %add3A_105 : i32
      %get3A_107 = arith.index_cast %add3A_106 : i32 to index
      %get3A_108 = memref.load %arg3[%get3A_107] : memref<8192xi32, #tpu.memory_space<smem>>
      %get3A_109 = arith.index_cast %get3A_108 : i32 to index
      %get3A_110 = arith.constant 0 : index
      %get3A_111 = vector.load %arg4[%get3A_109, %get3A_110] : memref<2048x768xf32, #tpu.memory_space<vmem>>, vector<1x768xf32>
      %swap3A_112 = arith.constant 9 : index
      %swap3A_113 = arith.constant 0 : index
      %swap3A_114 = vector.load %arg9[%swap3A_112, %swap3A_113] : memref<64x768xf32, #tpu.memory_space<vmem>>, vector<1x768xf32>
      tpu.vector_store %arg9[%swap3A_112, %swap3A_113], %get3A_111 {strides = array<i32>} : memref<64x768xf32, #tpu.memory_space<vmem>>, vector<1x768xf32>,
      %add3A_115 = arith.constant 10 : i32
      %add3A_116 = arith.addi %mul3A_15, %add3A_115 : i32
      %get3A_117 = arith.index_cast %add3A_116 : i32 to index
      %get3A_118 = memref.load %arg3[%get3A_117] : memref<8192xi32, #tpu.memory_space<smem>>
      %get3A_119 = arith.index_cast %get3A_118 : i32 to index
      %get3A_120 = arith.constant 0 : index
      %get3A_121 = vector.load %arg4[%get3A_119, %get3A_120] : memref<2048x768xf32, #tpu.memory_space<vmem>>, vector<1x768xf32>
      %swap3A_122 = arith.constant 10 : index
      %swap3A_123 = arith.constant 0 : index
      %swap3A_124 = vector.load %arg9[%swap3A_122, %swap3A_123] : memref<64x768xf32, #tpu.memory_space<vmem>>, vector<1x768xf32>
      tpu.vector_store %arg9[%swap3A_122, %swap3A_123], %get3A_121 {strides = array<i32>} : memref<64x768xf32, #tpu.memory_space<vmem>>, vector<1x768xf32>,
      %add3A_125 = arith.constant 11 : i32
      %add3A_126 = arith.addi %mul3A_15, %add3A_125 : i32
      %get3A_127 = arith.index_cast %add3A_126 : i32 to index
      %get3A_128 = memref.load %arg3[%get3A_127] : memref<8192xi32, #tpu.memory_space<smem>>
      %get3A_129 = arith.index_cast %get3A_128 : i32 to index
      %get3A_130 = arith.constant 0 : index
      %get3A_131 = vector.load %arg4[%get3A_129, %get3A_130] : memref<2048x768xf32, #tpu.memory_space<vmem>>, vector<1x768xf32>
      %swap3A_132 = arith.constant 11 : index
      %swap3A_133 = arith.constant 0 : index
      %swap3A_134 = vector.load %arg9[%swap3A_132, %swap3A_133] : memref<64x768xf32, #tpu.memory_space<vmem>>, vector<1x768xf32>
      tpu.vector_store %arg9[%swap3A_132, %swap3A_133], %get3A_131 {strides = array<i32>} : memref<64x768xf32, #tpu.memory_space<vmem>>, vector<1x768xf32>,
      %add3A_135 = arith.constant 12 : i32
      %add3A_136 = arith.addi %mul3A_15, %add3A_135 : i32
      %get3A_137 = arith.index_cast %add3A_136 : i32 to index
      %get3A_138 = memref.load %arg3[%get3A_137] : memref<8192xi32, #tpu.memory_space<smem>>
      %get3A_139 = arith.index_cast %get3A_138 : i32 to index
      %get3A_140 = arith.constant 0 : index
      %get3A_141 = vector.load %arg4[%get3A_139, %get3A_140] : memref<2048x768xf32, #tpu.memory_space<vmem>>, vector<1x768xf32>
      %swap3A_142 = arith.constant 12 : index
      %swap3A_143 = arith.constant 0 : index
      %swap3A_144 = vector.load %arg9[%swap3A_142, %swap3A_143] : memref<64x768xf32, #tpu.memory_space<vmem>>, vector<1x768xf32>
      tpu.vector_store %arg9[%swap3A_142, %swap3A_143], %get3A_141 {strides = array<i32>} : memref<64x768xf32, #tpu.memory_space<vmem>>, vector<1x768xf32>,
      %add3A_145 = arith.constant 13 : i32
      %add3A_146 = arith.addi %mul3A_15, %add3A_145 : i32
      %get3A_147 = arith.index_cast %add3A_146 : i32 to index
      %get3A_148 = memref.load %arg3[%get3A_147] : memref<8192xi32, #tpu.memory_space<smem>>
      %get3A_149 = arith.index_cast %get3A_148 : i32 to index
      %get3A_150 = arith.constant 0 : index
      %get3A_151 = vector.load %arg4[%get3A_149, %get3A_150] : memref<2048x768xf32, #tpu.memory_space<vmem>>, vector<1x768xf32>
      %swap3A_152 = arith.constant 13 : index
      %swap3A_153 = arith.constant 0 : index
      %swap3A_154 = vector.load %arg9[%swap3A_152, %swap3A_153] : memref<64x768xf32, #tpu.memory_space<vmem>>, vector<1x768xf32>
      tpu.vector_store %arg9[%swap3A_152, %swap3A_153], %get3A_151 {strides = array<i32>} : memref<64x768xf32, #tpu.memory_space<vmem>>, vector<1x768xf32>,
      %add3A_155 = arith.constant 14 : i32
      %add3A_156 = arith.addi %mul3A_15, %add3A_155 : i32
      %get3A_157 = arith.index_cast %add3A_156 : i32 to index
      %get3A_158 = memref.load %arg3[%get3A_157] : memref<8192xi32, #tpu.memory_space<smem>>
      %get3A_159 = arith.index_cast %get3A_158 : i32 to index
      %get3A_160 = arith.constant 0 : index
      %get3A_161 = vector.load %arg4[%get3A_159, %get3A_160] : memref<2048x768xf32, #tpu.memory_space<vmem>>, vector<1x768xf32>
      %swap3A_162 = arith.constant 14 : index
      %swap3A_163 = arith.constant 0 : index
      %swap3A_164 = vector.load %arg9[%swap3A_162, %swap3A_163] : memref<64x768xf32, #tpu.memory_space<vmem>>, vector<1x768xf32>
      tpu.vector_store %arg9[%swap3A_162, %swap3A_163], %get3A_161 {strides = array<i32>} : memref<64x768xf32, #tpu.memory_space<vmem>>, vector<1x768xf32>,
      %add3A_165 = arith.constant 15 : i32
      %add3A_166 = arith.addi %mul3A_15, %add3A_165 : i32
      %get3A_167 = arith.index_cast %add3A_166 : i32 to index
      %get3A_168 = memref.load %arg3[%get3A_167] : memref<8192xi32, #tpu.memory_space<smem>>
      %get3A_169 = arith.index_cast %get3A_168 : i32 to index
      %get3A_170 = arith.constant 0 : index
      %get3A_171 = vector.load %arg4[%get3A_169, %get3A_170] : memref<2048x768xf32, #tpu.memory_space<vmem>>, vector<1x768xf32>
      %swap3A_172 = arith.constant 15 : index
      %swap3A_173 = arith.constant 0 : index
      %swap3A_174 = vector.load %arg9[%swap3A_172, %swap3A_173] : memref<64x768xf32, #tpu.memory_space<vmem>>, vector<1x768xf32>
      tpu.vector_store %arg9[%swap3A_172, %swap3A_173], %get3A_171 {strides = array<i32>} : memref<64x768xf32, #tpu.memory_space<vmem>>, vector<1x768xf32>,
      %add3A_175 = arith.constant 16 : i32
      %add3A_176 = arith.addi %mul3A_15, %add3A_175 : i32
      %get3A_177 = arith.index_cast %add3A_176 : i32 to index
      %get3A_178 = memref.load %arg3[%get3A_177] : memref<8192xi32, #tpu.memory_space<smem>>
      %get3A_179 = arith.index_cast %get3A_178 : i32 to index
      %get3A_180 = arith.constant 0 : index
      %get3A_181 = vector.load %arg4[%get3A_179, %get3A_180] : memref<2048x768xf32, #tpu.memory_space<vmem>>, vector<1x768xf32>
      %swap3A_182 = arith.constant 16 : index
      %swap3A_183 = arith.constant 0 : index
      %swap3A_184 = vector.load %arg9[%swap3A_182, %swap3A_183] : memref<64x768xf32, #tpu.memory_space<vmem>>, vector<1x768xf32>
      tpu.vector_store %arg9[%swap3A_182, %swap3A_183], %get3A_181 {strides = array<i32>} : memref<64x768xf32, #tpu.memory_space<vmem>>, vector<1x768xf32>,
      %add3A_185 = arith.constant 17 : i32
      %add3A_186 = arith.addi %mul3A_15, %add3A_185 : i32
      %get3A_187 = arith.index_cast %add3A_186 : i32 to index
      %get3A_188 = memref.load %arg3[%get3A_187] : memref<8192xi32, #tpu.memory_space<smem>>
      %get3A_189 = arith.index_cast %get3A_188 : i32 to index
      %get3A_190 = arith.constant 0 : index
      %get3A_191 = vector.load %arg4[%get3A_189, %get3A_190] : memref<2048x768xf32, #tpu.memory_space<vmem>>, vector<1x768xf32>
      %swap3A_192 = arith.constant 17 : index
      %swap3A_193 = arith.constant 0 : index
      %swap3A_194 = vector.load %arg9[%swap3A_192, %swap3A_193] : memref<64x768xf32, #tpu.memory_space<vmem>>, vector<1x768xf32>
      tpu.vector_store %arg9[%swap3A_192, %swap3A_193], %get3A_191 {strides = array<i32>} : memref<64x768xf32, #tpu.memory_space<vmem>>, vector<1x768xf32>,
      %add3A_195 = arith.constant 18 : i32
      %add3A_196 = arith.addi %mul3A_15, %add3A_195 : i32
      %get3A_197 = arith.index_cast %add3A_196 : i32 to index
      %get3A_198 = memref.load %arg3[%get3A_197] : memref<8192xi32, #tpu.memory_space<smem>>
      %get3A_199 = arith.index_cast %get3A_198 : i32 to index
      %get3A_200 = arith.constant 0 : index
      %get3A_201 = vector.load %arg4[%get3A_199, %get3A_200] : memref<2048x768xf32, #tpu.memory_space<vmem>>, vector<1x768xf32>
      %swap3A_202 = arith.constant 18 : index
      %swap3A_203 = arith.constant 0 : index
      %swap3A_204 = vector.load %arg9[%swap3A_202, %swap3A_203] : memref<64x768xf32, #tpu.memory_space<vmem>>, vector<1x768xf32>
      tpu.vector_store %arg9[%swap3A_202, %swap3A_203], %get3A_201 {strides = array<i32>} : memref<64x768xf32, #tpu.memory_space<vmem>>, vector<1x768xf32>,
      %add3A_205 = arith.constant 19 : i32
      %add3A_206 = arith.addi %mul3A_15, %add3A_205 : i32
      %get3A_207 = arith.index_cast %add3A_206 : i32 to index
      %get3A_208 = memref.load %arg3[%get3A_207] : memref<8192xi32, #tpu.memory_space<smem>>
      %get3A_209 = arith.index_cast %get3A_208 : i32 to index
      %get3A_210 = arith.constant 0 : index
      %get3A_211 = vector.load %arg4[%get3A_209, %get3A_210] : memref<2048x768xf32, #tpu.memory_space<vmem>>, vector<1x768xf32>
      %swap3A_212 = arith.constant 19 : index
      %swap3A_213 = arith.constant 0 : index
      %swap3A_214 = vector.load %arg9[%swap3A_212, %swap3A_213] : memref<64x768xf32, #tpu.memory_space<vmem>>, vector<1x768xf32>
      tpu.vector_store %arg9[%swap3A_212, %swap3A_213], %get3A_211 {strides = array<i32>} : memref<64x768xf32, #tpu.memory_space<vmem>>, vector<1x768xf32>,
      %add3A_215 = arith.constant 20 : i32
      %add3A_216 = arith.addi %mul3A_15, %add3A_215 : i32
      %get3A_217 = arith.index_cast %add3A_216 : i32 to index
      %get3A_218 = memref.load %arg3[%get3A_217] : memref<8192xi32, #tpu.memory_space<smem>>
      %get3A_219 = arith.index_cast %get3A_218 : i32 to index
      %get3A_220 = arith.constant 0 : index
      %get3A_221 = vector.load %arg4[%get3A_219, %get3A_220] : memref<2048x768xf32, #tpu.memory_space<vmem>>, vector<1x768xf32>
      %swap3A_222 = arith.constant 20 : index
      %swap3A_223 = arith.constant 0 : index
      %swap3A_224 = vector.load %arg9[%swap3A_222, %swap3A_223] : memref<64x768xf32, #tpu.memory_space<vmem>>, vector<1x768xf32>
      tpu.vector_store %arg9[%swap3A_222, %swap3A_223], %get3A_221 {strides = array<i32>} : memref<64x768xf32, #tpu.memory_space<vmem>>, vector<1x768xf32>,
      %add3A_225 = arith.constant 21 : i32
      %add3A_226 = arith.addi %mul3A_15, %add3A_225 : i32
      %get3A_227 = arith.index_cast %add3A_226 : i32 to index
      %get3A_228 = memref.load %arg3[%get3A_227] : memref<8192xi32, #tpu.memory_space<smem>>
      %get3A_229 = arith.index_cast %get3A_228 : i32 to index
      %get3A_230 = arith.constant 0 : index
      %get3A_231 = vector.load %arg4[%get3A_229, %get3A_230] : memref<2048x768xf32, #tpu.memory_space<vmem>>, vector<1x768xf32>
      %swap3A_232 = arith.constant 21 : index
      %swap3A_233 = arith.constant 0 : index
      %swap3A_234 = vector.load %arg9[%swap3A_232, %swap3A_233] : memref<64x768xf32, #tpu.memory_space<vmem>>, vector<1x768xf32>
      tpu.vector_store %arg9[%swap3A_232, %swap3A_233], %get3A_231 {strides = array<i32>} : memref<64x768xf32, #tpu.memory_space<vmem>>, vector<1x768xf32>,
      %add3A_235 = arith.constant 22 : i32
      %add3A_236 = arith.addi %mul3A_15, %add3A_235 : i32
      %get3A_237 = arith.index_cast %add3A_236 : i32 to index
      %get3A_238 = memref.load %arg3[%get3A_237] : memref<8192xi32, #tpu.memory_space<smem>>
      %get3A_239 = arith.index_cast %get3A_238 : i32 to index
      %get3A_240 = arith.constant 0 : index
      %get3A_241 = vector.load %arg4[%get3A_239, %get3A_240] : memref<2048x768xf32, #tpu.memory_space<vmem>>, vector<1x768xf32>
      %swap3A_242 = arith.constant 22 : index
      %swap3A_243 = arith.constant 0 : index
      %swap3A_244 = vector.load %arg9[%swap3A_242, %swap3A_243] : memref<64x768xf32, #tpu.memory_space<vmem>>, vector<1x768xf32>
      tpu.vector_store %arg9[%swap3A_242, %swap3A_243], %get3A_241 {strides = array<i32>} : memref<64x768xf32, #tpu.memory_space<vmem>>, vector<1x768xf32>,
      %add3A_245 = arith.constant 23 : i32
      %add3A_246 = arith.addi %mul3A_15, %add3A_245 : i32
      %get3A_247 = arith.index_cast %add3A_246 : i32 to index
      %get3A_248 = memref.load %arg3[%get3A_247] : memref<8192xi32, #tpu.memory_space<smem>>
      %get3A_249 = arith.index_cast %get3A_248 : i32 to index
      %get3A_250 = arith.constant 0 : index
      %get3A_251 = vector.load %arg4[%get3A_249, %get3A_250] : memref<2048x768xf32, #tpu.memory_space<vmem>>, vector<1x768xf32>
      %swap3A_252 = arith.constant 23 : index
      %swap3A_253 = arith.constant 0 : index
      %swap3A_254 = vector.load %arg9[%swap3A_252, %swap3A_253] : memref<64x768xf32, #tpu.memory_space<vmem>>, vector<1x768xf32>
      tpu.vector_store %arg9[%swap3A_252, %swap3A_253], %get3A_251 {strides = array<i32>} : memref<64x768xf32, #tpu.memory_space<vmem>>, vector<1x768xf32>,
      %add3A_255 = arith.constant 24 : i32
      %add3A_256 = arith.addi %mul3A_15, %add3A_255 : i32
      %get3A_257 = arith.index_cast %add3A_256 : i32 to index
      %get3A_258 = memref.load %arg3[%get3A_257] : memref<8192xi32, #tpu.memory_space<smem>>
      %get3A_259 = arith.index_cast %get3A_258 : i32 to index
      %get3A_260 = arith.constant 0 : index
      %get3A_261 = vector.load %arg4[%get3A_259, %get3A_260] : memref<2048x768xf32, #tpu.memory_space<vmem>>, vector<1x768xf32>
      %swap3A_262 = arith.constant 24 : index
      %swap3A_263 = arith.constant 0 : index
      %swap3A_264 = vector.load %arg9[%swap3A_262, %swap3A_263] : memref<64x768xf32, #tpu.memory_space<vmem>>, vector<1x768xf32>
      tpu.vector_store %arg9[%swap3A_262, %swap3A_263], %get3A_261 {strides = array<i32>} : memref<64x768xf32, #tpu.memory_space<vmem>>, vector<1x768xf32>,
      %add3A_265 = arith.constant 25 : i32
      %add3A_266 = arith.addi %mul3A_15, %add3A_265 : i32
      %get3A_267 = arith.index_cast %add3A_266 : i32 to index
      %get3A_268 = memref.load %arg3[%get3A_267] : memref<8192xi32, #tpu.memory_space<smem>>
      %get3A_269 = arith.index_cast %get3A_268 : i32 to index
      %get3A_270 = arith.constant 0 : index
      %get3A_271 = vector.load %arg4[%get3A_269, %get3A_270] : memref<2048x768xf32, #tpu.memory_space<vmem>>, vector<1x768xf32>
      %swap3A_272 = arith.constant 25 : index
      %swap3A_273 = arith.constant 0 : index
      %swap3A_274 = vector.load %arg9[%swap3A_272, %swap3A_273] : memref<64x768xf32, #tpu.memory_space<vmem>>, vector<1x768xf32>
      tpu.vector_store %arg9[%swap3A_272, %swap3A_273], %get3A_271 {strides = array<i32>} : memref<64x768xf32, #tpu.memory_space<vmem>>, vector<1x768xf32>,
      %add3A_275 = arith.constant 26 : i32
      %add3A_276 = arith.addi %mul3A_15, %add3A_275 : i32
      %get3A_277 = arith.index_cast %add3A_276 : i32 to index
      %get3A_278 = memref.load %arg3[%get3A_277] : memref<8192xi32, #tpu.memory_space<smem>>
      %get3A_279 = arith.index_cast %get3A_278 : i32 to index
      %get3A_280 = arith.constant 0 : index
      %get3A_281 = vector.load %arg4[%get3A_279, %get3A_280] : memref<2048x768xf32, #tpu.memory_space<vmem>>, vector<1x768xf32>
      %swap3A_282 = arith.constant 26 : index
      %swap3A_283 = arith.constant 0 : index
      %swap3A_284 = vector.load %arg9[%swap3A_282, %swap3A_283] : memref<64x768xf32, #tpu.memory_space<vmem>>, vector<1x768xf32>
      tpu.vector_store %arg9[%swap3A_282, %swap3A_283], %get3A_281 {strides = array<i32>} : memref<64x768xf32, #tpu.memory_space<vmem>>, vector<1x768xf32>,
      %add3A_285 = arith.constant 27 : i32
      %add3A_286 = arith.addi %mul3A_15, %add3A_285 : i32
      %get3A_287 = arith.index_cast %add3A_286 : i32 to index
      %get3A_288 = memref.load %arg3[%get3A_287] : memref<8192xi32, #tpu.memory_space<smem>>
      %get3A_289 = arith.index_cast %get3A_288 : i32 to index
      %get3A_290 = arith.constant 0 : index
      %get3A_291 = vector.load %arg4[%get3A_289, %get3A_290] : memref<2048x768xf32, #tpu.memory_space<vmem>>, vector<1x768xf32>
      %swap3A_292 = arith.constant 27 : index
      %swap3A_293 = arith.constant 0 : index
      %swap3A_294 = vector.load %arg9[%swap3A_292, %swap3A_293] : memref<64x768xf32, #tpu.memory_space<vmem>>, vector<1x768xf32>
      tpu.vector_store %arg9[%swap3A_292, %swap3A_293], %get3A_291 {strides = array<i32>} : memref<64x768xf32, #tpu.memory_space<vmem>>, vector<1x768xf32>,
      %add3A_295 = arith.constant 28 : i32
      %add3A_296 = arith.addi %mul3A_15, %add3A_295 : i32
      %get3A_297 = arith.index_cast %add3A_296 : i32 to index
      %get3A_298 = memref.load %arg3[%get3A_297] : memref<8192xi32, #tpu.memory_space<smem>>
      %get3A_299 = arith.index_cast %get3A_298 : i32 to index
      %get3A_300 = arith.constant 0 : index
      %get3A_301 = vector.load %arg4[%get3A_299, %get3A_300] : memref<2048x768xf32, #tpu.memory_space<vmem>>, vector<1x768xf32>
      %swap3A_302 = arith.constant 28 : index
      %swap3A_303 = arith.constant 0 : index
      %swap3A_304 = vector.load %arg9[%swap3A_302, %swap3A_303] : memref<64x768xf32, #tpu.memory_space<vmem>>, vector<1x768xf32>
      tpu.vector_store %arg9[%swap3A_302, %swap3A_303], %get3A_301 {strides = array<i32>} : memref<64x768xf32, #tpu.memory_space<vmem>>, vector<1x768xf32>,
      %add3A_305 = arith.constant 29 : i32
      %add3A_306 = arith.addi %mul3A_15, %add3A_305 : i32
      %get3A_307 = arith.index_cast %add3A_306 : i32 to index
      %get3A_308 = memref.load %arg3[%get3A_307] : memref<8192xi32, #tpu.memory_space<smem>>
      %get3A_309 = arith.index_cast %get3A_308 : i32 to index
      %get3A_310 = arith.constant 0 : index
      %get3A_311 = vector.load %arg4[%get3A_309, %get3A_310] : memref<2048x768xf32, #tpu.memory_space<vmem>>, vector<1x768xf32>
      %swap3A_312 = arith.constant 29 : index
      %swap3A_313 = arith.constant 0 : index
      %swap3A_314 = vector.load %arg9[%swap3A_312, %swap3A_313] : memref<64x768xf32, #tpu.memory_space<vmem>>, vector<1x768xf32>
      tpu.vector_store %arg9[%swap3A_312, %swap3A_313], %get3A_311 {strides = array<i32>} : memref<64x768xf32, #tpu.memory_space<vmem>>, vector<1x768xf32>,
      %add3A_315 = arith.constant 30 : i32
      %add3A_316 = arith.addi %mul3A_15, %add3A_315 : i32
      %get3A_317 = arith.index_cast %add3A_316 : i32 to index
      %get3A_318 = memref.load %arg3[%get3A_317] : memref<8192xi32, #tpu.memory_space<smem>>
      %get3A_319 = arith.index_cast %get3A_318 : i32 to index
      %get3A_320 = arith.constant 0 : index
      %get3A_321 = vector.load %arg4[%get3A_319, %get3A_320] : memref<2048x768xf32, #tpu.memory_space<vmem>>, vector<1x768xf32>
      %swap3A_322 = arith.constant 30 : index
      %swap3A_323 = arith.constant 0 : index
      %swap3A_324 = vector.load %arg9[%swap3A_322, %swap3A_323] : memref<64x768xf32, #tpu.memory_space<vmem>>, vector<1x768xf32>
      tpu.vector_store %arg9[%swap3A_322, %swap3A_323], %get3A_321 {strides = array<i32>} : memref<64x768xf32, #tpu.memory_space<vmem>>, vector<1x768xf32>,
      %add3A_325 = arith.constant 31 : i32
      %add3A_326 = arith.addi %mul3A_15, %add3A_325 : i32
      %get3A_327 = arith.index_cast %add3A_326 : i32 to index
      %get3A_328 = memref.load %arg3[%get3A_327] : memref<8192xi32, #tpu.memory_space<smem>>
      %get3A_329 = arith.index_cast %get3A_328 : i32 to index
      %get3A_330 = arith.constant 0 : index
      %get3A_331 = vector.load %arg4[%get3A_329, %get3A_330] : memref<2048x768xf32, #tpu.memory_space<vmem>>, vector<1x768xf32>
      %swap3A_332 = arith.constant 31 : index
      %swap3A_333 = arith.constant 0 : index
      %swap3A_334 = vector.load %arg9[%swap3A_332, %swap3A_333] : memref<64x768xf32, #tpu.memory_space<vmem>>, vector<1x768xf32>
      tpu.vector_store %arg9[%swap3A_332, %swap3A_333], %get3A_331 {strides = array<i32>} : memref<64x768xf32, #tpu.memory_space<vmem>>, vector<1x768xf32>,
      %add3A_335 = arith.constant 32 : i32
      %add3A_336 = arith.addi %mul3A_15, %add3A_335 : i32
      %get3A_337 = arith.index_cast %add3A_336 : i32 to index
      %get3A_338 = memref.load %arg3[%get3A_337] : memref<8192xi32, #tpu.memory_space<smem>>
      %get3A_339 = arith.index_cast %get3A_338 : i32 to index
      %get3A_340 = arith.constant 0 : index
      %get3A_341 = vector.load %arg4[%get3A_339, %get3A_340] : memref<2048x768xf32, #tpu.memory_space<vmem>>, vector<1x768xf32>
      %swap3A_342 = arith.constant 32 : index
      %swap3A_343 = arith.constant 0 : index
      %swap3A_344 = vector.load %arg9[%swap3A_342, %swap3A_343] : memref<64x768xf32, #tpu.memory_space<vmem>>, vector<1x768xf32>
      tpu.vector_store %arg9[%swap3A_342, %swap3A_343], %get3A_341 {strides = array<i32>} : memref<64x768xf32, #tpu.memory_space<vmem>>, vector<1x768xf32>,
      %add3A_345 = arith.constant 33 : i32
      %add3A_346 = arith.addi %mul3A_15, %add3A_345 : i32
      %get3A_347 = arith.index_cast %add3A_346 : i32 to index
      %get3A_348 = memref.load %arg3[%get3A_347] : memref<8192xi32, #tpu.memory_space<smem>>
      %get3A_349 = arith.index_cast %get3A_348 : i32 to index
      %get3A_350 = arith.constant 0 : index
      %get3A_351 = vector.load %arg4[%get3A_349, %get3A_350] : memref<2048x768xf32, #tpu.memory_space<vmem>>, vector<1x768xf32>
      %swap3A_352 = arith.constant 33 : index
      %swap3A_353 = arith.constant 0 : index
      %swap3A_354 = vector.load %arg9[%swap3A_352, %swap3A_353] : memref<64x768xf32, #tpu.memory_space<vmem>>, vector<1x768xf32>
      tpu.vector_store %arg9[%swap3A_352, %swap3A_353], %get3A_351 {strides = array<i32>} : memref<64x768xf32, #tpu.memory_space<vmem>>, vector<1x768xf32>,
      %add3A_355 = arith.constant 34 : i32
      %add3A_356 = arith.addi %mul3A_15, %add3A_355 : i32
      %get3A_357 = arith.index_cast %add3A_356 : i32 to index
      %get3A_358 = memref.load %arg3[%get3A_357] : memref<8192xi32, #tpu.memory_space<smem>>
      %get3A_359 = arith.index_cast %get3A_358 : i32 to index
      %get3A_360 = arith.constant 0 : index
      %get3A_361 = vector.load %arg4[%get3A_359, %get3A_360] : memref<2048x768xf32, #tpu.memory_space<vmem>>, vector<1x768xf32>
      %swap3A_362 = arith.constant 34 : index
      %swap3A_363 = arith.constant 0 : index
      %swap3A_364 = vector.load %arg9[%swap3A_362, %swap3A_363] : memref<64x768xf32, #tpu.memory_space<vmem>>, vector<1x768xf32>
      tpu.vector_store %arg9[%swap3A_362, %swap3A_363], %get3A_361 {strides = array<i32>} : memref<64x768xf32, #tpu.memory_space<vmem>>, vector<1x768xf32>,
      %add3A_365 = arith.constant 35 : i32
      %add3A_366 = arith.addi %mul3A_15, %add3A_365 : i32
      %get3A_367 = arith.index_cast %add3A_366 : i32 to index
      %get3A_368 = memref.load %arg3[%get3A_367] : memref<8192xi32, #tpu.memory_space<smem>>
      %get3A_369 = arith.index_cast %get3A_368 : i32 to index
      %get3A_370 = arith.constant 0 : index
      %get3A_371 = vector.load %arg4[%get3A_369, %get3A_370] : memref<2048x768xf32, #tpu.memory_space<vmem>>, vector<1x768xf32>
      %swap3A_372 = arith.constant 35 : index
      %swap3A_373 = arith.constant 0 : index
      %swap3A_374 = vector.load %arg9[%swap3A_372, %swap3A_373] : memref<64x768xf32, #tpu.memory_space<vmem>>, vector<1x768xf32>
      tpu.vector_store %arg9[%swap3A_372, %swap3A_373], %get3A_371 {strides = array<i32>} : memref<64x768xf32, #tpu.memory_space<vmem>>, vector<1x768xf32>,
      %add3A_375 = arith.constant 36 : i32
      %add3A_376 = arith.addi %mul3A_15, %add3A_375 : i32
      %get3A_377 = arith.index_cast %add3A_376 : i32 to index
      %get3A_378 = memref.load %arg3[%get3A_377] : memref<8192xi32, #tpu.memory_space<smem>>
      %get3A_379 = arith.index_cast %get3A_378 : i32 to index
      %get3A_380 = arith.constant 0 : index
      %get3A_381 = vector.load %arg4[%get3A_379, %get3A_380] : memref<2048x768xf32, #tpu.memory_space<vmem>>, vector<1x768xf32>
      %swap3A_382 = arith.constant 36 : index
      %swap3A_383 = arith.constant 0 : index
      %swap3A_384 = vector.load %arg9[%swap3A_382, %swap3A_383] : memref<64x768xf32, #tpu.memory_space<vmem>>, vector<1x768xf32>
      tpu.vector_store %arg9[%swap3A_382, %swap3A_383], %get3A_381 {strides = array<i32>} : memref<64x768xf32, #tpu.memory_space<vmem>>, vector<1x768xf32>,
      %add3A_385 = arith.constant 37 : i32
      %add3A_386 = arith.addi %mul3A_15, %add3A_385 : i32
      %get3A_387 = arith.index_cast %add3A_386 : i32 to index
      %get3A_388 = memref.load %arg3[%get3A_387] : memref<8192xi32, #tpu.memory_space<smem>>
      %get3A_389 = arith.index_cast %get3A_388 : i32 to index
      %get3A_390 = arith.constant 0 : index
      %get3A_391 = vector.load %arg4[%get3A_389, %get3A_390] : memref<2048x768xf32, #tpu.memory_space<vmem>>, vector<1x768xf32>
      %swap3A_392 = arith.constant 37 : index
      %swap3A_393 = arith.constant 0 : index
      %swap3A_394 = vector.load %arg9[%swap3A_392, %swap3A_393] : memref<64x768xf32, #tpu.memory_space<vmem>>, vector<1x768xf32>
      tpu.vector_store %arg9[%swap3A_392, %swap3A_393], %get3A_391 {strides = array<i32>} : memref<64x768xf32, #tpu.memory_space<vmem>>, vector<1x768xf32>,
      %add3A_395 = arith.constant 38 : i32
      %add3A_396 = arith.addi %mul3A_15, %add3A_395 : i32
      %get3A_397 = arith.index_cast %add3A_396 : i32 to index
      %get3A_398 = memref.load %arg3[%get3A_397] : memref<8192xi32, #tpu.memory_space<smem>>
      %get3A_399 = arith.index_cast %get3A_398 : i32 to index
      %get3A_400 = arith.constant 0 : index
      %get3A_401 = vector.load %arg4[%get3A_399, %get3A_400] : memref<2048x768xf32, #tpu.memory_space<vmem>>, vector<1x768xf32>
      %swap3A_402 = arith.constant 38 : index
      %swap3A_403 = arith.constant 0 : index
      %swap3A_404 = vector.load %arg9[%swap3A_402, %swap3A_403] : memref<64x768xf32, #tpu.memory_space<vmem>>, vector<1x768xf32>
      tpu.vector_store %arg9[%swap3A_402, %swap3A_403], %get3A_401 {strides = array<i32>} : memref<64x768xf32, #tpu.memory_space<vmem>>, vector<1x768xf32>,
      %add3A_405 = arith.constant 39 : i32
      %add3A_406 = arith.addi %mul3A_15, %add3A_405 : i32
      %get3A_407 = arith.index_cast %add3A_406 : i32 to index
      %get3A_408 = memref.load %arg3[%get3A_407] : memref<8192xi32, #tpu.memory_space<smem>>
      %get3A_409 = arith.index_cast %get3A_408 : i32 to index
      %get3A_410 = arith.constant 0 : index
      %get3A_411 = vector.load %arg4[%get3A_409, %get3A_410] : memref<2048x768xf32, #tpu.memory_space<vmem>>, vector<1x768xf32>
      %swap3A_412 = arith.constant 39 : index
      %swap3A_413 = arith.constant 0 : index
      %swap3A_414 = vector.load %arg9[%swap3A_412, %swap3A_413] : memref<64x768xf32, #tpu.memory_space<vmem>>, vector<1x768xf32>
      tpu.vector_store %arg9[%swap3A_412, %swap3A_413], %get3A_411 {strides = array<i32>} : memref<64x768xf32, #tpu.memory_space<vmem>>, vector<1x768xf32>,
      %add3A_415 = arith.constant 40 : i32
      %add3A_416 = arith.addi %mul3A_15, %add3A_415 : i32
      %get3A_417 = arith.index_cast %add3A_416 : i32 to index
      %get3A_418 = memref.load %arg3[%get3A_417] : memref<8192xi32, #tpu.memory_space<smem>>
      %get3A_419 = arith.index_cast %get3A_418 : i32 to index
      %get3A_420 = arith.constant 0 : index
      %get3A_421 = vector.load %arg4[%get3A_419, %get3A_420] : memref<2048x768xf32, #tpu.memory_space<vmem>>, vector<1x768xf32>
      %swap3A_422 = arith.constant 40 : index
      %swap3A_423 = arith.constant 0 : index
      %swap3A_424 = vector.load %arg9[%swap3A_422, %swap3A_423] : memref<64x768xf32, #tpu.memory_space<vmem>>, vector<1x768xf32>
      tpu.vector_store %arg9[%swap3A_422, %swap3A_423], %get3A_421 {strides = array<i32>} : memref<64x768xf32, #tpu.memory_space<vmem>>, vector<1x768xf32>,
      %add3A_425 = arith.constant 41 : i32
      %add3A_426 = arith.addi %mul3A_15, %add3A_425 : i32
      %get3A_427 = arith.index_cast %add3A_426 : i32 to index
      %get3A_428 = memref.load %arg3[%get3A_427] : memref<8192xi32, #tpu.memory_space<smem>>
      %get3A_429 = arith.index_cast %get3A_428 : i32 to index
      %get3A_430 = arith.constant 0 : index
      %get3A_431 = vector.load %arg4[%get3A_429, %get3A_430] : memref<2048x768xf32, #tpu.memory_space<vmem>>, vector<1x768xf32>
      %swap3A_432 = arith.constant 41 : index
      %swap3A_433 = arith.constant 0 : index
      %swap3A_434 = vector.load %arg9[%swap3A_432, %swap3A_433] : memref<64x768xf32, #tpu.memory_space<vmem>>, vector<1x768xf32>
      tpu.vector_store %arg9[%swap3A_432, %swap3A_433], %get3A_431 {strides = array<i32>} : memref<64x768xf32, #tpu.memory_space<vmem>>, vector<1x768xf32>,
      %add3A_435 = arith.constant 42 : i32
      %add3A_436 = arith.addi %mul3A_15, %add3A_435 : i32
      %get3A_437 = arith.index_cast %add3A_436 : i32 to index
      %get3A_438 = memref.load %arg3[%get3A_437] : memref<8192xi32, #tpu.memory_space<smem>>
      %get3A_439 = arith.index_cast %get3A_438 : i32 to index
      %get3A_440 = arith.constant 0 : index
      %get3A_441 = vector.load %arg4[%get3A_439, %get3A_440] : memref<2048x768xf32, #tpu.memory_space<vmem>>, vector<1x768xf32>
      %swap3A_442 = arith.constant 42 : index
      %swap3A_443 = arith.constant 0 : index
      %swap3A_444 = vector.load %arg9[%swap3A_442, %swap3A_443] : memref<64x768xf32, #tpu.memory_space<vmem>>, vector<1x768xf32>
      tpu.vector_store %arg9[%swap3A_442, %swap3A_443], %get3A_441 {strides = array<i32>} : memref<64x768xf32, #tpu.memory_space<vmem>>, vector<1x768xf32>,
      %add3A_445 = arith.constant 43 : i32
      %add3A_446 = arith.addi %mul3A_15, %add3A_445 : i32
      %get3A_447 = arith.index_cast %add3A_446 : i32 to index
      %get3A_448 = memref.load %arg3[%get3A_447] : memref<8192xi32, #tpu.memory_space<smem>>
      %get3A_449 = arith.index_cast %get3A_448 : i32 to index
      %get3A_450 = arith.constant 0 : index
      %get3A_451 = vector.load %arg4[%get3A_449, %get3A_450] : memref<2048x768xf32, #tpu.memory_space<vmem>>, vector<1x768xf32>
      %swap3A_452 = arith.constant 43 : index
      %swap3A_453 = arith.constant 0 : index
      %swap3A_454 = vector.load %arg9[%swap3A_452, %swap3A_453] : memref<64x768xf32, #tpu.memory_space<vmem>>, vector<1x768xf32>
      tpu.vector_store %arg9[%swap3A_452, %swap3A_453], %get3A_451 {strides = array<i32>} : memref<64x768xf32, #tpu.memory_space<vmem>>, vector<1x768xf32>,
      %add3A_455 = arith.constant 44 : i32
      %add3A_456 = arith.addi %mul3A_15, %add3A_455 : i32
      %get3A_457 = arith.index_cast %add3A_456 : i32 to index
      %get3A_458 = memref.load %arg3[%get3A_457] : memref<8192xi32, #tpu.memory_space<smem>>
      %get3A_459 = arith.index_cast %get3A_458 : i32 to index
      %get3A_460 = arith.constant 0 : index
      %get3A_461 = vector.load %arg4[%get3A_459, %get3A_460] : memref<2048x768xf32, #tpu.memory_space<vmem>>, vector<1x768xf32>
      %swap3A_462 = arith.constant 44 : index
      %swap3A_463 = arith.constant 0 : index
      %swap3A_464 = vector.load %arg9[%swap3A_462, %swap3A_463] : memref<64x768xf32, #tpu.memory_space<vmem>>, vector<1x768xf32>
      tpu.vector_store %arg9[%swap3A_462, %swap3A_463], %get3A_461 {strides = array<i32>} : memref<64x768xf32, #tpu.memory_space<vmem>>, vector<1x768xf32>,
      %add3A_465 = arith.constant 45 : i32
      %add3A_466 = arith.addi %mul3A_15, %add3A_465 : i32
      %get3A_467 = arith.index_cast %add3A_466 : i32 to index
      %get3A_468 = memref.load %arg3[%get3A_467] : memref<8192xi32, #tpu.memory_space<smem>>
      %get3A_469 = arith.index_cast %get3A_468 : i32 to index
      %get3A_470 = arith.constant 0 : index
      %get3A_471 = vector.load %arg4[%get3A_469, %get3A_470] : memref<2048x768xf32, #tpu.memory_space<vmem>>, vector<1x768xf32>
      %swap3A_472 = arith.constant 45 : index
      %swap3A_473 = arith.constant 0 : index
      %swap3A_474 = vector.load %arg9[%swap3A_472, %swap3A_473] : memref<64x768xf32, #tpu.memory_space<vmem>>, vector<1x768xf32>
      tpu.vector_store %arg9[%swap3A_472, %swap3A_473], %get3A_471 {strides = array<i32>} : memref<64x768xf32, #tpu.memory_space<vmem>>, vector<1x768xf32>,
      %add3A_475 = arith.constant 46 : i32
      %add3A_476 = arith.addi %mul3A_15, %add3A_475 : i32
      %get3A_477 = arith.index_cast %add3A_476 : i32 to index
      %get3A_478 = memref.load %arg3[%get3A_477] : memref<8192xi32, #tpu.memory_space<smem>>
      %get3A_479 = arith.index_cast %get3A_478 : i32 to index
      %get3A_480 = arith.constant 0 : index
      %get3A_481 = vector.load %arg4[%get3A_479, %get3A_480] : memref<2048x768xf32, #tpu.memory_space<vmem>>, vector<1x768xf32>
      %swap3A_482 = arith.constant 46 : index
      %swap3A_483 = arith.constant 0 : index
      %swap3A_484 = vector.load %arg9[%swap3A_482, %swap3A_483] : memref<64x768xf32, #tpu.memory_space<vmem>>, vector<1x768xf32>
      tpu.vector_store %arg9[%swap3A_482, %swap3A_483], %get3A_481 {strides = array<i32>} : memref<64x768xf32, #tpu.memory_space<vmem>>, vector<1x768xf32>,
      %add3A_485 = arith.constant 47 : i32
      %add3A_486 = arith.addi %mul3A_15, %add3A_485 : i32
      %get3A_487 = arith.index_cast %add3A_486 : i32 to index
      %get3A_488 = memref.load %arg3[%get3A_487] : memref<8192xi32, #tpu.memory_space<smem>>
      %get3A_489 = arith.index_cast %get3A_488 : i32 to index
      %get3A_490 = arith.constant 0 : index
      %get3A_491 = vector.load %arg4[%get3A_489, %get3A_490] : memref<2048x768xf32, #tpu.memory_space<vmem>>, vector<1x768xf32>
      %swap3A_492 = arith.constant 47 : index
      %swap3A_493 = arith.constant 0 : index
      %swap3A_494 = vector.load %arg9[%swap3A_492, %swap3A_493] : memref<64x768xf32, #tpu.memory_space<vmem>>, vector<1x768xf32>
      tpu.vector_store %arg9[%swap3A_492, %swap3A_493], %get3A_491 {strides = array<i32>} : memref<64x768xf32, #tpu.memory_space<vmem>>, vector<1x768xf32>,
      %add3A_495 = arith.constant 48 : i32
      %add3A_496 = arith.addi %mul3A_15, %add3A_495 : i32
      %get3A_497 = arith.index_cast %add3A_496 : i32 to index
      %get3A_498 = memref.load %arg3[%get3A_497] : memref<8192xi32, #tpu.memory_space<smem>>
      %get3A_499 = arith.index_cast %get3A_498 : i32 to index
      %get3A_500 = arith.constant 0 : index
      %get3A_501 = vector.load %arg4[%get3A_499, %get3A_500] : memref<2048x768xf32, #tpu.memory_space<vmem>>, vector<1x768xf32>
      %swap3A_502 = arith.constant 48 : index
      %swap3A_503 = arith.constant 0 : index
      %swap3A_504 = vector.load %arg9[%swap3A_502, %swap3A_503] : memref<64x768xf32, #tpu.memory_space<vmem>>, vector<1x768xf32>
      tpu.vector_store %arg9[%swap3A_502, %swap3A_503], %get3A_501 {strides = array<i32>} : memref<64x768xf32, #tpu.memory_space<vmem>>, vector<1x768xf32>,
      %add3A_505 = arith.constant 49 : i32
      %add3A_506 = arith.addi %mul3A_15, %add3A_505 : i32
      %get3A_507 = arith.index_cast %add3A_506 : i32 to index
      %get3A_508 = memref.load %arg3[%get3A_507] : memref<8192xi32, #tpu.memory_space<smem>>
      %get3A_509 = arith.index_cast %get3A_508 : i32 to index
      %get3A_510 = arith.constant 0 : index
      %get3A_511 = vector.load %arg4[%get3A_509, %get3A_510] : memref<2048x768xf32, #tpu.memory_space<vmem>>, vector<1x768xf32>
      %swap3A_512 = arith.constant 49 : index
      %swap3A_513 = arith.constant 0 : index
      %swap3A_514 = vector.load %arg9[%swap3A_512, %swap3A_513] : memref<64x768xf32, #tpu.memory_space<vmem>>, vector<1x768xf32>
      tpu.vector_store %arg9[%swap3A_512, %swap3A_513], %get3A_511 {strides = array<i32>} : memref<64x768xf32, #tpu.memory_space<vmem>>, vector<1x768xf32>,
      %add3A_515 = arith.constant 50 : i32
      %add3A_516 = arith.addi %mul3A_15, %add3A_515 : i32
      %get3A_517 = arith.index_cast %add3A_516 : i32 to index
      %get3A_518 = memref.load %arg3[%get3A_517] : memref<8192xi32, #tpu.memory_space<smem>>
      %get3A_519 = arith.index_cast %get3A_518 : i32 to index
      %get3A_520 = arith.constant 0 : index
      %get3A_521 = vector.load %arg4[%get3A_519, %get3A_520] : memref<2048x768xf32, #tpu.memory_space<vmem>>, vector<1x768xf32>
      %swap3A_522 = arith.constant 50 : index
      %swap3A_523 = arith.constant 0 : index
      %swap3A_524 = vector.load %arg9[%swap3A_522, %swap3A_523] : memref<64x768xf32, #tpu.memory_space<vmem>>, vector<1x768xf32>
      tpu.vector_store %arg9[%swap3A_522, %swap3A_523], %get3A_521 {strides = array<i32>} : memref<64x768xf32, #tpu.memory_space<vmem>>, vector<1x768xf32>,
      %add3A_525 = arith.constant 51 : i32
      %add3A_526 = arith.addi %mul3A_15, %add3A_525 : i32
      %get3A_527 = arith.index_cast %add3A_526 : i32 to index
      %get3A_528 = memref.load %arg3[%get3A_527] : memref<8192xi32, #tpu.memory_space<smem>>
      %get3A_529 = arith.index_cast %get3A_528 : i32 to index
      %get3A_530 = arith.constant 0 : index
      %get3A_531 = vector.load %arg4[%get3A_529, %get3A_530] : memref<2048x768xf32, #tpu.memory_space<vmem>>, vector<1x768xf32>
      %swap3A_532 = arith.constant 51 : index
      %swap3A_533 = arith.constant 0 : index
      %swap3A_534 = vector.load %arg9[%swap3A_532, %swap3A_533] : memref<64x768xf32, #tpu.memory_space<vmem>>, vector<1x768xf32>
      tpu.vector_store %arg9[%swap3A_532, %swap3A_533], %get3A_531 {strides = array<i32>} : memref<64x768xf32, #tpu.memory_space<vmem>>, vector<1x768xf32>,
      %add3A_535 = arith.constant 52 : i32
      %add3A_536 = arith.addi %mul3A_15, %add3A_535 : i32
      %get3A_537 = arith.index_cast %add3A_536 : i32 to index
      %get3A_538 = memref.load %arg3[%get3A_537] : memref<8192xi32, #tpu.memory_space<smem>>
      %get3A_539 = arith.index_cast %get3A_538 : i32 to index
      %get3A_540 = arith.constant 0 : index
      %get3A_541 = vector.load %arg4[%get3A_539, %get3A_540] : memref<2048x768xf32, #tpu.memory_space<vmem>>, vector<1x768xf32>
      %swap3A_542 = arith.constant 52 : index
      %swap3A_543 = arith.constant 0 : index
      %swap3A_544 = vector.load %arg9[%swap3A_542, %swap3A_543] : memref<64x768xf32, #tpu.memory_space<vmem>>, vector<1x768xf32>
      tpu.vector_store %arg9[%swap3A_542, %swap3A_543], %get3A_541 {strides = array<i32>} : memref<64x768xf32, #tpu.memory_space<vmem>>, vector<1x768xf32>,
      %add3A_545 = arith.constant 53 : i32
      %add3A_546 = arith.addi %mul3A_15, %add3A_545 : i32
      %get3A_547 = arith.index_cast %add3A_546 : i32 to index
      %get3A_548 = memref.load %arg3[%get3A_547] : memref<8192xi32, #tpu.memory_space<smem>>
      %get3A_549 = arith.index_cast %get3A_548 : i32 to index
      %get3A_550 = arith.constant 0 : index
      %get3A_551 = vector.load %arg4[%get3A_549, %get3A_550] : memref<2048x768xf32, #tpu.memory_space<vmem>>, vector<1x768xf32>
      %swap3A_552 = arith.constant 53 : index
      %swap3A_553 = arith.constant 0 : index
      %swap3A_554 = vector.load %arg9[%swap3A_552, %swap3A_553] : memref<64x768xf32, #tpu.memory_space<vmem>>, vector<1x768xf32>
      tpu.vector_store %arg9[%swap3A_552, %swap3A_553], %get3A_551 {strides = array<i32>} : memref<64x768xf32, #tpu.memory_space<vmem>>, vector<1x768xf32>,
      %add3A_555 = arith.constant 54 : i32
      %add3A_556 = arith.addi %mul3A_15, %add3A_555 : i32
      %get3A_557 = arith.index_cast %add3A_556 : i32 to index
      %get3A_558 = memref.load %arg3[%get3A_557] : memref<8192xi32, #tpu.memory_space<smem>>
      %get3A_559 = arith.index_cast %get3A_558 : i32 to index
      %get3A_560 = arith.constant 0 : index
      %get3A_561 = vector.load %arg4[%get3A_559, %get3A_560] : memref<2048x768xf32, #tpu.memory_space<vmem>>, vector<1x768xf32>
      %swap3A_562 = arith.constant 54 : index
      %swap3A_563 = arith.constant 0 : index
      %swap3A_564 = vector.load %arg9[%swap3A_562, %swap3A_563] : memref<64x768xf32, #tpu.memory_space<vmem>>, vector<1x768xf32>
      tpu.vector_store %arg9[%swap3A_562, %swap3A_563], %get3A_561 {strides = array<i32>} : memref<64x768xf32, #tpu.memory_space<vmem>>, vector<1x768xf32>,
      %add3A_565 = arith.constant 55 : i32
      %add3A_566 = arith.addi %mul3A_15, %add3A_565 : i32
      %get3A_567 = arith.index_cast %add3A_566 : i32 to index
      %get3A_568 = memref.load %arg3[%get3A_567] : memref<8192xi32, #tpu.memory_space<smem>>
      %get3A_569 = arith.index_cast %get3A_568 : i32 to index
      %get3A_570 = arith.constant 0 : index
      %get3A_571 = vector.load %arg4[%get3A_569, %get3A_570] : memref<2048x768xf32, #tpu.memory_space<vmem>>, vector<1x768xf32>
      %swap3A_572 = arith.constant 55 : index
      %swap3A_573 = arith.constant 0 : index
      %swap3A_574 = vector.load %arg9[%swap3A_572, %swap3A_573] : memref<64x768xf32, #tpu.memory_space<vmem>>, vector<1x768xf32>
      tpu.vector_store %arg9[%swap3A_572, %swap3A_573], %get3A_571 {strides = array<i32>} : memref<64x768xf32, #tpu.memory_space<vmem>>, vector<1x768xf32>,
      %add3A_575 = arith.constant 56 : i32
      %add3A_576 = arith.addi %mul3A_15, %add3A_575 : i32
      %get3A_577 = arith.index_cast %add3A_576 : i32 to index
      %get3A_578 = memref.load %arg3[%get3A_577] : memref<8192xi32, #tpu.memory_space<smem>>
      %get3A_579 = arith.index_cast %get3A_578 : i32 to index
      %get3A_580 = arith.constant 0 : index
      %get3A_581 = vector.load %arg4[%get3A_579, %get3A_580] : memref<2048x768xf32, #tpu.memory_space<vmem>>, vector<1x768xf32>
      %swap3A_582 = arith.constant 56 : index
      %swap3A_583 = arith.constant 0 : index
      %swap3A_584 = vector.load %arg9[%swap3A_582, %swap3A_583] : memref<64x768xf32, #tpu.memory_space<vmem>>, vector<1x768xf32>
      tpu.vector_store %arg9[%swap3A_582, %swap3A_583], %get3A_581 {strides = array<i32>} : memref<64x768xf32, #tpu.memory_space<vmem>>, vector<1x768xf32>,
      %add3A_585 = arith.constant 57 : i32
      %add3A_586 = arith.addi %mul3A_15, %add3A_585 : i32
      %get3A_587 = arith.index_cast %add3A_586 : i32 to index
      %get3A_588 = memref.load %arg3[%get3A_587] : memref<8192xi32, #tpu.memory_space<smem>>
      %get3A_589 = arith.index_cast %get3A_588 : i32 to index
      %get3A_590 = arith.constant 0 : index
      %get3A_591 = vector.load %arg4[%get3A_589, %get3A_590] : memref<2048x768xf32, #tpu.memory_space<vmem>>, vector<1x768xf32>
      %swap3A_592 = arith.constant 57 : index
      %swap3A_593 = arith.constant 0 : index
      %swap3A_594 = vector.load %arg9[%swap3A_592, %swap3A_593] : memref<64x768xf32, #tpu.memory_space<vmem>>, vector<1x768xf32>
      tpu.vector_store %arg9[%swap3A_592, %swap3A_593], %get3A_591 {strides = array<i32>} : memref<64x768xf32, #tpu.memory_space<vmem>>, vector<1x768xf32>,
      %add3A_595 = arith.constant 58 : i32
      %add3A_596 = arith.addi %mul3A_15, %add3A_595 : i32
      %get3A_597 = arith.index_cast %add3A_596 : i32 to index
      %get3A_598 = memref.load %arg3[%get3A_597] : memref<8192xi32, #tpu.memory_space<smem>>
      %get3A_599 = arith.index_cast %get3A_598 : i32 to index
      %get3A_600 = arith.constant 0 : index
      %get3A_601 = vector.load %arg4[%get3A_599, %get3A_600] : memref<2048x768xf32, #tpu.memory_space<vmem>>, vector<1x768xf32>
      %swap3A_602 = arith.constant 58 : index
      %swap3A_603 = arith.constant 0 : index
      %swap3A_604 = vector.load %arg9[%swap3A_602, %swap3A_603] : memref<64x768xf32, #tpu.memory_space<vmem>>, vector<1x768xf32>
      tpu.vector_store %arg9[%swap3A_602, %swap3A_603], %get3A_601 {strides = array<i32>} : memref<64x768xf32, #tpu.memory_space<vmem>>, vector<1x768xf32>,
      %add3A_605 = arith.constant 59 : i32
      %add3A_606 = arith.addi %mul3A_15, %add3A_605 : i32
      %get3A_607 = arith.index_cast %add3A_606 : i32 to index
      %get3A_608 = memref.load %arg3[%get3A_607] : memref<8192xi32, #tpu.memory_space<smem>>
      %get3A_609 = arith.index_cast %get3A_608 : i32 to index
      %get3A_610 = arith.constant 0 : index
      %get3A_611 = vector.load %arg4[%get3A_609, %get3A_610] : memref<2048x768xf32, #tpu.memory_space<vmem>>, vector<1x768xf32>
      %swap3A_612 = arith.constant 59 : index
      %swap3A_613 = arith.constant 0 : index
      %swap3A_614 = vector.load %arg9[%swap3A_612, %swap3A_613] : memref<64x768xf32, #tpu.memory_space<vmem>>, vector<1x768xf32>
      tpu.vector_store %arg9[%swap3A_612, %swap3A_613], %get3A_611 {strides = array<i32>} : memref<64x768xf32, #tpu.memory_space<vmem>>, vector<1x768xf32>,
      %add3A_615 = arith.constant 60 : i32
      %add3A_616 = arith.addi %mul3A_15, %add3A_615 : i32
      %get3A_617 = arith.index_cast %add3A_616 : i32 to index
      %get3A_618 = memref.load %arg3[%get3A_617] : memref<8192xi32, #tpu.memory_space<smem>>
      %get3A_619 = arith.index_cast %get3A_618 : i32 to index
      %get3A_620 = arith.constant 0 : index
      %get3A_621 = vector.load %arg4[%get3A_619, %get3A_620] : memref<2048x768xf32, #tpu.memory_space<vmem>>, vector<1x768xf32>
      %swap3A_622 = arith.constant 60 : index
      %swap3A_623 = arith.constant 0 : index
      %swap3A_624 = vector.load %arg9[%swap3A_622, %swap3A_623] : memref<64x768xf32, #tpu.memory_space<vmem>>, vector<1x768xf32>
      tpu.vector_store %arg9[%swap3A_622, %swap3A_623], %get3A_621 {strides = array<i32>} : memref<64x768xf32, #tpu.memory_space<vmem>>, vector<1x768xf32>,
      %add3A_625 = arith.constant 61 : i32
      %add3A_626 = arith.addi %mul3A_15, %add3A_625 : i32
      %get3A_627 = arith.index_cast %add3A_626 : i32 to index
      %get3A_628 = memref.load %arg3[%get3A_627] : memref<8192xi32, #tpu.memory_space<smem>>
      %get3A_629 = arith.index_cast %get3A_628 : i32 to index
      %get3A_630 = arith.constant 0 : index
      %get3A_631 = vector.load %arg4[%get3A_629, %get3A_630] : memref<2048x768xf32, #tpu.memory_space<vmem>>, vector<1x768xf32>
      %swap3A_632 = arith.constant 61 : index
      %swap3A_633 = arith.constant 0 : index
      %swap3A_634 = vector.load %arg9[%swap3A_632, %swap3A_633] : memref<64x768xf32, #tpu.memory_space<vmem>>, vector<1x768xf32>
      tpu.vector_store %arg9[%swap3A_632, %swap3A_633], %get3A_631 {strides = array<i32>} : memref<64x768xf32, #tpu.memory_space<vmem>>, vector<1x768xf32>,
      %add3A_635 = arith.constant 62 : i32
      %add3A_636 = arith.addi %mul3A_15, %add3A_635 : i32
      %get3A_637 = arith.index_cast %add3A_636 : i32 to index
      %get3A_638 = memref.load %arg3[%get3A_637] : memref<8192xi32, #tpu.memory_space<smem>>
      %get3A_639 = arith.index_cast %get3A_638 : i32 to index
      %get3A_640 = arith.constant 0 : index
      %get3A_641 = vector.load %arg4[%get3A_639, %get3A_640] : memref<2048x768xf32, #tpu.memory_space<vmem>>, vector<1x768xf32>
      %swap3A_642 = arith.constant 62 : index
      %swap3A_643 = arith.constant 0 : index
      %swap3A_644 = vector.load %arg9[%swap3A_642, %swap3A_643] : memref<64x768xf32, #tpu.memory_space<vmem>>, vector<1x768xf32>
      tpu.vector_store %arg9[%swap3A_642, %swap3A_643], %get3A_641 {strides = array<i32>} : memref<64x768xf32, #tpu.memory_space<vmem>>, vector<1x768xf32>,
      %add3A_645 = arith.constant 63 : i32
      %add3A_646 = arith.addi %mul3A_15, %add3A_645 : i32
      %get3A_647 = arith.index_cast %add3A_646 : i32 to index
      %get3A_648 = memref.load %arg3[%get3A_647] : memref<8192xi32, #tpu.memory_space<smem>>
      %get3A_649 = arith.index_cast %get3A_648 : i32 to index
      %get3A_650 = arith.constant 0 : index
      %get3A_651 = vector.load %arg4[%get3A_649, %get3A_650] : memref<2048x768xf32, #tpu.memory_space<vmem>>, vector<1x768xf32>
      %swap3A_652 = arith.constant 63 : index
      %swap3A_653 = arith.constant 0 : index
      %swap3A_654 = vector.load %arg9[%swap3A_652, %swap3A_653] : memref<64x768xf32, #tpu.memory_space<vmem>>, vector<1x768xf32>
      tpu.vector_store %arg9[%swap3A_652, %swap3A_653], %get3A_651 {strides = array<i32>} : memref<64x768xf32, #tpu.memory_space<vmem>>, vector<1x768xf32>,
      %get3A_655 = arith.constant 0 : index
      %get3A_656 = arith.constant 0 : index
      %get3A_657 = vector.load %arg9[%get3A_655, %get3A_656] : memref<64x768xf32, #tpu.memory_space<vmem>>, vector<64x768xf32>
      %get3A_658 = arith.constant 0 : index
      %get3A_659 = arith.constant 0 : index
      %get3A_660 = arith.constant 0 : index
      %get3A_661 = vector.load %arg6[%get3A_658, %get3A_659, %get3A_660] : memref<1x768x512xf32, #tpu.memory_space<vmem>>, vector<1x768x512xf32>
      %get3A_662 = vector.shape_cast %get3A_661 : vector<1x768x512xf32> to vector<768x512xf32>
      %dot_general3A = arith.constant dense<0.000000e+00> : vector<64x512xf32>
      %dot_general3A_663 = tpu.matmul %get3A_657, %get3A_662, %dot_general3A {dimension_numbers = #tpu.dot_dimension_numbers<[1], [0], [0], [1], [0, 0, 1, 1], [], []>, transpose_lhs_hint = false} : vector<64x768xf32>, vector<768x512xf32>, vector<64x512xf32> -> vector<64x512xf32>
      %logistic3A = arith.negf %dot_general3A_663 : vector<64x512xf32>
      %logistic3A_664 = math.exp %logistic3A : vector<64x512xf32>
      %logistic3A_665 = arith.constant 1.000000e+00 : f32
      %logistic3A_666 = vector.broadcast %logistic3A_665 : f32 to vector<64x512xf32>
      %logistic3A_667 = arith.addf %logistic3A_666, %logistic3A_664 : vector<64x512xf32>
      %logistic3A_668 = arith.divf %logistic3A_666, %logistic3A_667 : vector<64x512xf32>
      %mul3A_669 = arith.mulf %dot_general3A_663, %logistic3A_668 : vector<64x512xf32>
      %get3A_670 = arith.constant 0 : index
      %get3A_671 = arith.constant 0 : index
      %get3A_672 = arith.constant 0 : index
      %get3A_673 = vector.load %arg7[%get3A_670, %get3A_671, %get3A_672] : memref<1x512x768xf32, #tpu.memory_space<vmem>>, vector<1x512x768xf32>
      %get3A_674 = vector.shape_cast %get3A_673 : vector<1x512x768xf32> to vector<512x768xf32>
      %dot_general3A_675 = arith.constant dense<0.000000e+00> : vector<64x768xf32>
      %dot_general3A_676 = tpu.matmul %mul3A_669, %get3A_674, %dot_general3A_675 {dimension_numbers = #tpu.dot_dimension_numbers<[1], [0], [0], [1], [0, 0, 1, 1], [], []>, transpose_lhs_hint = false} : vector<64x512xf32>, vector<512x768xf32>, vector<64x768xf32> -> vector<64x768xf32>
      %add3A_677 = arith.addi %get3A_2, %while3A_14 : i32
      %get3A_678 = arith.index_cast %add3A_677 : i32 to index
      %get3A_679 = arith.constant 0 : index
      %get3A_680 = arith.constant 0 : index
      %get3A_681 = vector.load %arg5[%get3A_678, %get3A_679, %get3A_680] : memref<128x64x1xf32, #tpu.memory_space<vmem>>, vector<1x64x1xf32>
      %squeeze3A = vector.shape_cast %get3A_681 : vector<1x64x1xf32> to vector<64x1xf32>
      %mul3A_682 = vector.broadcast %squeeze3A : vector<64x1xf32> to vector<64x768xf32>
      %mul3A_683 = arith.mulf %dot_general3A_676, %mul3A_682 : vector<64x768xf32>
      %add3A_684 = arith.constant 0 : i32
      %add3A_685 = arith.addi %mul3A_15, %add3A_684 : i32
      %get3A_686 = arith.index_cast %add3A_685 : i32 to index
      %get3A_687 = memref.load %arg3[%get3A_686] : memref<8192xi32, #tpu.memory_space<smem>>
      %get3A_688 = arith.index_cast %get3A_687 : i32 to index
      %get3A_689 = arith.constant 0 : index
      %get3A_690 = vector.load %arg8[%get3A_688, %get3A_689] : memref<2048x768xf32, #tpu.memory_space<vmem>>, vector<1x768xf32>
      %slice3A = vector.extract_strided_slice %mul3A_683 {offsets = [0, 0], sizes = [1, 768], strides = [1, 1]} : vector<64x768xf32> to vector<1x768xf32>
      %add3A_691 = arith.addf %get3A_690, %slice3A : vector<1x768xf32>
      %swap3A_692 = arith.index_cast %get3A_687 : i32 to index
      %swap3A_693 = arith.constant 0 : index
      %swap3A_694 = vector.load %arg8[%swap3A_692, %swap3A_693] : memref<2048x768xf32, #tpu.memory_space<vmem>>, vector<1x768xf32>
      tpu.vector_store %arg8[%swap3A_692, %swap3A_693], %add3A_691 {strides = array<i32>} : memref<2048x768xf32, #tpu.memory_space<vmem>>, vector<1x768xf32>,
      %add3A_695 = arith.constant 1 : i32
      %add3A_696 = arith.addi %mul3A_15, %add3A_695 : i32
      %get3A_697 = arith.index_cast %add3A_696 : i32 to index
      %get3A_698 = memref.load %arg3[%get3A_697] : memref<8192xi32, #tpu.memory_space<smem>>
      %get3A_699 = arith.index_cast %get3A_698 : i32 to index
      %get3A_700 = arith.constant 0 : index
      %get3A_701 = vector.load %arg8[%get3A_699, %get3A_700] : memref<2048x768xf32, #tpu.memory_space<vmem>>, vector<1x768xf32>
      %slice3A_702 = vector.extract_strided_slice %mul3A_683 {offsets = [1, 0], sizes = [1, 768], strides = [1, 1]} : vector<64x768xf32> to vector<1x768xf32>
      %add3A_703 = arith.addf %get3A_701, %slice3A_702 : vector<1x768xf32>
      %swap3A_704 = arith.index_cast %get3A_698 : i32 to index
      %swap3A_705 = arith.constant 0 : index
      %swap3A_706 = vector.load %arg8[%swap3A_704, %swap3A_705] : memref<2048x768xf32, #tpu.memory_space<vmem>>, vector<1x768xf32>
      tpu.vector_store %arg8[%swap3A_704, %swap3A_705], %add3A_703 {strides = array<i32>} : memref<2048x768xf32, #tpu.memory_space<vmem>>, vector<1x768xf32>,
      %add3A_707 = arith.constant 2 : i32
      %add3A_708 = arith.addi %mul3A_15, %add3A_707 : i32
      %get3A_709 = arith.index_cast %add3A_708 : i32 to index
      %get3A_710 = memref.load %arg3[%get3A_709] : memref<8192xi32, #tpu.memory_space<smem>>
      %get3A_711 = arith.index_cast %get3A_710 : i32 to index
      %get3A_712 = arith.constant 0 : index
      %get3A_713 = vector.load %arg8[%get3A_711, %get3A_712] : memref<2048x768xf32, #tpu.memory_space<vmem>>, vector<1x768xf32>
      %slice3A_714 = vector.extract_strided_slice %mul3A_683 {offsets = [2, 0], sizes = [1, 768], strides = [1, 1]} : vector<64x768xf32> to vector<1x768xf32>
      %add3A_715 = arith.addf %get3A_713, %slice3A_714 : vector<1x768xf32>
      %swap3A_716 = arith.index_cast %get3A_710 : i32 to index
      %swap3A_717 = arith.constant 0 : index
      %swap3A_718 = vector.load %arg8[%swap3A_716, %swap3A_717] : memref<2048x768xf32, #tpu.memory_space<vmem>>, vector<1x768xf32>
      tpu.vector_store %arg8[%swap3A_716, %swap3A_717], %add3A_715 {strides = array<i32>} : memref<2048x768xf32, #tpu.memory_space<vmem>>, vector<1x768xf32>,
      %add3A_719 = arith.constant 3 : i32
      %add3A_720 = arith.addi %mul3A_15, %add3A_719 : i32
      %get3A_721 = arith.index_cast %add3A_720 : i32 to index
      %get3A_722 = memref.load %arg3[%get3A_721] : memref<8192xi32, #tpu.memory_space<smem>>
      %get3A_723 = arith.index_cast %get3A_722 : i32 to index
      %get3A_724 = arith.constant 0 : index
      %get3A_725 = vector.load %arg8[%get3A_723, %get3A_724] : memref<2048x768xf32, #tpu.memory_space<vmem>>, vector<1x768xf32>
      %slice3A_726 = vector.extract_strided_slice %mul3A_683 {offsets = [3, 0], sizes = [1, 768], strides = [1, 1]} : vector<64x768xf32> to vector<1x768xf32>
      %add3A_727 = arith.addf %get3A_725, %slice3A_726 : vector<1x768xf32>
      %swap3A_728 = arith.index_cast %get3A_722 : i32 to index
      %swap3A_729 = arith.constant 0 : index
      %swap3A_730 = vector.load %arg8[%swap3A_728, %swap3A_729] : memref<2048x768xf32, #tpu.memory_space<vmem>>, vector<1x768xf32>
      tpu.vector_store %arg8[%swap3A_728, %swap3A_729], %add3A_727 {strides = array<i32>} : memref<2048x768xf32, #tpu.memory_space<vmem>>, vector<1x768xf32>,
      %add3A_731 = arith.constant 4 : i32
      %add3A_732 = arith.addi %mul3A_15, %add3A_731 : i32
      %get3A_733 = arith.index_cast %add3A_732 : i32 to index
      %get3A_734 = memref.load %arg3[%get3A_733] : memref<8192xi32, #tpu.memory_space<smem>>
      %get3A_735 = arith.index_cast %get3A_734 : i32 to index
      %get3A_736 = arith.constant 0 : index
      %get3A_737 = vector.load %arg8[%get3A_735, %get3A_736] : memref<2048x768xf32, #tpu.memory_space<vmem>>, vector<1x768xf32>
      %slice3A_738 = vector.extract_strided_slice %mul3A_683 {offsets = [4, 0], sizes = [1, 768], strides = [1, 1]} : vector<64x768xf32> to vector<1x768xf32>
      %add3A_739 = arith.addf %get3A_737, %slice3A_738 : vector<1x768xf32>
      %swap3A_740 = arith.index_cast %get3A_734 : i32 to index
      %swap3A_741 = arith.constant 0 : index
      %swap3A_742 = vector.load %arg8[%swap3A_740, %swap3A_741] : memref<2048x768xf32, #tpu.memory_space<vmem>>, vector<1x768xf32>
      tpu.vector_store %arg8[%swap3A_740, %swap3A_741], %add3A_739 {strides = array<i32>} : memref<2048x768xf32, #tpu.memory_space<vmem>>, vector<1x768xf32>,
      %add3A_743 = arith.constant 5 : i32
      %add3A_744 = arith.addi %mul3A_15, %add3A_743 : i32
      %get3A_745 = arith.index_cast %add3A_744 : i32 to index
      %get3A_746 = memref.load %arg3[%get3A_745] : memref<8192xi32, #tpu.memory_space<smem>>
      %get3A_747 = arith.index_cast %get3A_746 : i32 to index
      %get3A_748 = arith.constant 0 : index
      %get3A_749 = vector.load %arg8[%get3A_747, %get3A_748] : memref<2048x768xf32, #tpu.memory_space<vmem>>, vector<1x768xf32>
      %slice3A_750 = vector.extract_strided_slice %mul3A_683 {offsets = [5, 0], sizes = [1, 768], strides = [1, 1]} : vector<64x768xf32> to vector<1x768xf32>
      %add3A_751 = arith.addf %get3A_749, %slice3A_750 : vector<1x768xf32>
      %swap3A_752 = arith.index_cast %get3A_746 : i32 to index
      %swap3A_753 = arith.constant 0 : index
      %swap3A_754 = vector.load %arg8[%swap3A_752, %swap3A_753] : memref<2048x768xf32, #tpu.memory_space<vmem>>, vector<1x768xf32>
      tpu.vector_store %arg8[%swap3A_752, %swap3A_753], %add3A_751 {strides = array<i32>} : memref<2048x768xf32, #tpu.memory_space<vmem>>, vector<1x768xf32>,
      %add3A_755 = arith.constant 6 : i32
      %add3A_756 = arith.addi %mul3A_15, %add3A_755 : i32
      %get3A_757 = arith.index_cast %add3A_756 : i32 to index
      %get3A_758 = memref.load %arg3[%get3A_757] : memref<8192xi32, #tpu.memory_space<smem>>
      %get3A_759 = arith.index_cast %get3A_758 : i32 to index
      %get3A_760 = arith.constant 0 : index
      %get3A_761 = vector.load %arg8[%get3A_759, %get3A_760] : memref<2048x768xf32, #tpu.memory_space<vmem>>, vector<1x768xf32>
      %slice3A_762 = vector.extract_strided_slice %mul3A_683 {offsets = [6, 0], sizes = [1, 768], strides = [1, 1]} : vector<64x768xf32> to vector<1x768xf32>
      %add3A_763 = arith.addf %get3A_761, %slice3A_762 : vector<1x768xf32>
      %swap3A_764 = arith.index_cast %get3A_758 : i32 to index
      %swap3A_765 = arith.constant 0 : index
      %swap3A_766 = vector.load %arg8[%swap3A_764, %swap3A_765] : memref<2048x768xf32, #tpu.memory_space<vmem>>, vector<1x768xf32>
      tpu.vector_store %arg8[%swap3A_764, %swap3A_765], %add3A_763 {strides = array<i32>} : memref<2048x768xf32, #tpu.memory_space<vmem>>, vector<1x768xf32>,
      %add3A_767 = arith.constant 7 : i32
      %add3A_768 = arith.addi %mul3A_15, %add3A_767 : i32
      %get3A_769 = arith.index_cast %add3A_768 : i32 to index
      %get3A_770 = memref.load %arg3[%get3A_769] : memref<8192xi32, #tpu.memory_space<smem>>
      %get3A_771 = arith.index_cast %get3A_770 : i32 to index
      %get3A_772 = arith.constant 0 : index
      %get3A_773 = vector.load %arg8[%get3A_771, %get3A_772] : memref<2048x768xf32, #tpu.memory_space<vmem>>, vector<1x768xf32>
      %slice3A_774 = vector.extract_strided_slice %mul3A_683 {offsets = [7, 0], sizes = [1, 768], strides = [1, 1]} : vector<64x768xf32> to vector<1x768xf32>
      %add3A_775 = arith.addf %get3A_773, %slice3A_774 : vector<1x768xf32>
      %swap3A_776 = arith.index_cast %get3A_770 : i32 to index
      %swap3A_777 = arith.constant 0 : index
      %swap3A_778 = vector.load %arg8[%swap3A_776, %swap3A_777] : memref<2048x768xf32, #tpu.memory_space<vmem>>, vector<1x768xf32>
      tpu.vector_store %arg8[%swap3A_776, %swap3A_777], %add3A_775 {strides = array<i32>} : memref<2048x768xf32, #tpu.memory_space<vmem>>, vector<1x768xf32>,
      %add3A_779 = arith.constant 8 : i32
      %add3A_780 = arith.addi %mul3A_15, %add3A_779 : i32
      %get3A_781 = arith.index_cast %add3A_780 : i32 to index
      %get3A_782 = memref.load %arg3[%get3A_781] : memref<8192xi32, #tpu.memory_space<smem>>
      %get3A_783 = arith.index_cast %get3A_782 : i32 to index
      %get3A_784 = arith.constant 0 : index
      %get3A_785 = vector.load %arg8[%get3A_783, %get3A_784] : memref<2048x768xf32, #tpu.memory_space<vmem>>, vector<1x768xf32>
      %slice3A_786 = vector.extract_strided_slice %mul3A_683 {offsets = [8, 0], sizes = [1, 768], strides = [1, 1]} : vector<64x768xf32> to vector<1x768xf32>
      %add3A_787 = arith.addf %get3A_785, %slice3A_786 : vector<1x768xf32>
      %swap3A_788 = arith.index_cast %get3A_782 : i32 to index
      %swap3A_789 = arith.constant 0 : index
      %swap3A_790 = vector.load %arg8[%swap3A_788, %swap3A_789] : memref<2048x768xf32, #tpu.memory_space<vmem>>, vector<1x768xf32>
      tpu.vector_store %arg8[%swap3A_788, %swap3A_789], %add3A_787 {strides = array<i32>} : memref<2048x768xf32, #tpu.memory_space<vmem>>, vector<1x768xf32>,
      %add3A_791 = arith.constant 9 : i32
      %add3A_792 = arith.addi %mul3A_15, %add3A_791 : i32
      %get3A_793 = arith.index_cast %add3A_792 : i32 to index
      %get3A_794 = memref.load %arg3[%get3A_793] : memref<8192xi32, #tpu.memory_space<smem>>
      %get3A_795 = arith.index_cast %get3A_794 : i32 to index
      %get3A_796 = arith.constant 0 : index
      %get3A_797 = vector.load %arg8[%get3A_795, %get3A_796] : memref<2048x768xf32, #tpu.memory_space<vmem>>, vector<1x768xf32>
      %slice3A_798 = vector.extract_strided_slice %mul3A_683 {offsets = [9, 0], sizes = [1, 768], strides = [1, 1]} : vector<64x768xf32> to vector<1x768xf32>
      %add3A_799 = arith.addf %get3A_797, %slice3A_798 : vector<1x768xf32>
      %swap3A_800 = arith.index_cast %get3A_794 : i32 to index
      %swap3A_801 = arith.constant 0 : index
      %swap3A_802 = vector.load %arg8[%swap3A_800, %swap3A_801] : memref<2048x768xf32, #tpu.memory_space<vmem>>, vector<1x768xf32>
      tpu.vector_store %arg8[%swap3A_800, %swap3A_801], %add3A_799 {strides = array<i32>} : memref<2048x768xf32, #tpu.memory_space<vmem>>, vector<1x768xf32>,
      %add3A_803 = arith.constant 10 : i32
      %add3A_804 = arith.addi %mul3A_15, %add3A_803 : i32
      %get3A_805 = arith.index_cast %add3A_804 : i32 to index
      %get3A_806 = memref.load %arg3[%get3A_805] : memref<8192xi32, #tpu.memory_space<smem>>
      %get3A_807 = arith.index_cast %get3A_806 : i32 to index
      %get3A_808 = arith.constant 0 : index
      %get3A_809 = vector.load %arg8[%get3A_807, %get3A_808] : memref<2048x768xf32, #tpu.memory_space<vmem>>, vector<1x768xf32>
      %slice3A_810 = vector.extract_strided_slice %mul3A_683 {offsets = [10, 0], sizes = [1, 768], strides = [1, 1]} : vector<64x768xf32> to vector<1x768xf32>
      %add3A_811 = arith.addf %get3A_809, %slice3A_810 : vector<1x768xf32>
      %swap3A_812 = arith.index_cast %get3A_806 : i32 to index
      %swap3A_813 = arith.constant 0 : index
      %swap3A_814 = vector.load %arg8[%swap3A_812, %swap3A_813] : memref<2048x768xf32, #tpu.memory_space<vmem>>, vector<1x768xf32>
      tpu.vector_store %arg8[%swap3A_812, %swap3A_813], %add3A_811 {strides = array<i32>} : memref<2048x768xf32, #tpu.memory_space<vmem>>, vector<1x768xf32>,
      %add3A_815 = arith.constant 11 : i32
      %add3A_816 = arith.addi %mul3A_15, %add3A_815 : i32
      %get3A_817 = arith.index_cast %add3A_816 : i32 to index
      %get3A_818 = memref.load %arg3[%get3A_817] : memref<8192xi32, #tpu.memory_space<smem>>
      %get3A_819 = arith.index_cast %get3A_818 : i32 to index
      %get3A_820 = arith.constant 0 : index
      %get3A_821 = vector.load %arg8[%get3A_819, %get3A_820] : memref<2048x768xf32, #tpu.memory_space<vmem>>, vector<1x768xf32>
      %slice3A_822 = vector.extract_strided_slice %mul3A_683 {offsets = [11, 0], sizes = [1, 768], strides = [1, 1]} : vector<64x768xf32> to vector<1x768xf32>
      %add3A_823 = arith.addf %get3A_821, %slice3A_822 : vector<1x768xf32>
      %swap3A_824 = arith.index_cast %get3A_818 : i32 to index
      %swap3A_825 = arith.constant 0 : index
      %swap3A_826 = vector.load %arg8[%swap3A_824, %swap3A_825] : memref<2048x768xf32, #tpu.memory_space<vmem>>, vector<1x768xf32>
      tpu.vector_store %arg8[%swap3A_824, %swap3A_825], %add3A_823 {strides = array<i32>} : memref<2048x768xf32, #tpu.memory_space<vmem>>, vector<1x768xf32>,
      %add3A_827 = arith.constant 12 : i32
      %add3A_828 = arith.addi %mul3A_15, %add3A_827 : i32
      %get3A_829 = arith.index_cast %add3A_828 : i32 to index
      %get3A_830 = memref.load %arg3[%get3A_829] : memref<8192xi32, #tpu.memory_space<smem>>
      %get3A_831 = arith.index_cast %get3A_830 : i32 to index
      %get3A_832 = arith.constant 0 : index
      %get3A_833 = vector.load %arg8[%get3A_831, %get3A_832] : memref<2048x768xf32, #tpu.memory_space<vmem>>, vector<1x768xf32>
      %slice3A_834 = vector.extract_strided_slice %mul3A_683 {offsets = [12, 0], sizes = [1, 768], strides = [1, 1]} : vector<64x768xf32> to vector<1x768xf32>
      %add3A_835 = arith.addf %get3A_833, %slice3A_834 : vector<1x768xf32>
      %swap3A_836 = arith.index_cast %get3A_830 : i32 to index
      %swap3A_837 = arith.constant 0 : index
      %swap3A_838 = vector.load %arg8[%swap3A_836, %swap3A_837] : memref<2048x768xf32, #tpu.memory_space<vmem>>, vector<1x768xf32>
      tpu.vector_store %arg8[%swap3A_836, %swap3A_837], %add3A_835 {strides = array<i32>} : memref<2048x768xf32, #tpu.memory_space<vmem>>, vector<1x768xf32>,
      %add3A_839 = arith.constant 13 : i32
      %add3A_840 = arith.addi %mul3A_15, %add3A_839 : i32
      %get3A_841 = arith.index_cast %add3A_840 : i32 to index
      %get3A_842 = memref.load %arg3[%get3A_841] : memref<8192xi32, #tpu.memory_space<smem>>
      %get3A_843 = arith.index_cast %get3A_842 : i32 to index
      %get3A_844 = arith.constant 0 : index
      %get3A_845 = vector.load %arg8[%get3A_843, %get3A_844] : memref<2048x768xf32, #tpu.memory_space<vmem>>, vector<1x768xf32>
      %slice3A_846 = vector.extract_strided_slice %mul3A_683 {offsets = [13, 0], sizes = [1, 768], strides = [1, 1]} : vector<64x768xf32> to vector<1x768xf32>
      %add3A_847 = arith.addf %get3A_845, %slice3A_846 : vector<1x768xf32>
      %swap3A_848 = arith.index_cast %get3A_842 : i32 to index
      %swap3A_849 = arith.constant 0 : index
      %swap3A_850 = vector.load %arg8[%swap3A_848, %swap3A_849] : memref<2048x768xf32, #tpu.memory_space<vmem>>, vector<1x768xf32>
      tpu.vector_store %arg8[%swap3A_848, %swap3A_849], %add3A_847 {strides = array<i32>} : memref<2048x768xf32, #tpu.memory_space<vmem>>, vector<1x768xf32>,
      %add3A_851 = arith.constant 14 : i32
      %add3A_852 = arith.addi %mul3A_15, %add3A_851 : i32
      %get3A_853 = arith.index_cast %add3A_852 : i32 to index
      %get3A_854 = memref.load %arg3[%get3A_853] : memref<8192xi32, #tpu.memory_space<smem>>
      %get3A_855 = arith.index_cast %get3A_854 : i32 to index
      %get3A_856 = arith.constant 0 : index
      %get3A_857 = vector.load %arg8[%get3A_855, %get3A_856] : memref<2048x768xf32, #tpu.memory_space<vmem>>, vector<1x768xf32>
      %slice3A_858 = vector.extract_strided_slice %mul3A_683 {offsets = [14, 0], sizes = [1, 768], strides = [1, 1]} : vector<64x768xf32> to vector<1x768xf32>
      %add3A_859 = arith.addf %get3A_857, %slice3A_858 : vector<1x768xf32>
      %swap3A_860 = arith.index_cast %get3A_854 : i32 to index
      %swap3A_861 = arith.constant 0 : index
      %swap3A_862 = vector.load %arg8[%swap3A_860, %swap3A_861] : memref<2048x768xf32, #tpu.memory_space<vmem>>, vector<1x768xf32>
      tpu.vector_store %arg8[%swap3A_860, %swap3A_861], %add3A_859 {strides = array<i32>} : memref<2048x768xf32, #tpu.memory_space<vmem>>, vector<1x768xf32>,
      %add3A_863 = arith.constant 15 : i32
      %add3A_864 = arith.addi %mul3A_15, %add3A_863 : i32
      %get3A_865 = arith.index_cast %add3A_864 : i32 to index
      %get3A_866 = memref.load %arg3[%get3A_865] : memref<8192xi32, #tpu.memory_space<smem>>
      %get3A_867 = arith.index_cast %get3A_866 : i32 to index
      %get3A_868 = arith.constant 0 : index
      %get3A_869 = vector.load %arg8[%get3A_867, %get3A_868] : memref<2048x768xf32, #tpu.memory_space<vmem>>, vector<1x768xf32>
      %slice3A_870 = vector.extract_strided_slice %mul3A_683 {offsets = [15, 0], sizes = [1, 768], strides = [1, 1]} : vector<64x768xf32> to vector<1x768xf32>
      %add3A_871 = arith.addf %get3A_869, %slice3A_870 : vector<1x768xf32>
      %swap3A_872 = arith.index_cast %get3A_866 : i32 to index
      %swap3A_873 = arith.constant 0 : index
      %swap3A_874 = vector.load %arg8[%swap3A_872, %swap3A_873] : memref<2048x768xf32, #tpu.memory_space<vmem>>, vector<1x768xf32>
      tpu.vector_store %arg8[%swap3A_872, %swap3A_873], %add3A_871 {strides = array<i32>} : memref<2048x768xf32, #tpu.memory_space<vmem>>, vector<1x768xf32>,
      %add3A_875 = arith.constant 16 : i32
      %add3A_876 = arith.addi %mul3A_15, %add3A_875 : i32
      %get3A_877 = arith.index_cast %add3A_876 : i32 to index
      %get3A_878 = memref.load %arg3[%get3A_877] : memref<8192xi32, #tpu.memory_space<smem>>
      %get3A_879 = arith.index_cast %get3A_878 : i32 to index
      %get3A_880 = arith.constant 0 : index
      %get3A_881 = vector.load %arg8[%get3A_879, %get3A_880] : memref<2048x768xf32, #tpu.memory_space<vmem>>, vector<1x768xf32>
      %slice3A_882 = vector.extract_strided_slice %mul3A_683 {offsets = [16, 0], sizes = [1, 768], strides = [1, 1]} : vector<64x768xf32> to vector<1x768xf32>
      %add3A_883 = arith.addf %get3A_881, %slice3A_882 : vector<1x768xf32>
      %swap3A_884 = arith.index_cast %get3A_878 : i32 to index
      %swap3A_885 = arith.constant 0 : index
      %swap3A_886 = vector.load %arg8[%swap3A_884, %swap3A_885] : memref<2048x768xf32, #tpu.memory_space<vmem>>, vector<1x768xf32>
      tpu.vector_store %arg8[%swap3A_884, %swap3A_885], %add3A_883 {strides = array<i32>} : memref<2048x768xf32, #tpu.memory_space<vmem>>, vector<1x768xf32>,
      %add3A_887 = arith.constant 17 : i32
      %add3A_888 = arith.addi %mul3A_15, %add3A_887 : i32
      %get3A_889 = arith.index_cast %add3A_888 : i32 to index
      %get3A_890 = memref.load %arg3[%get3A_889] : memref<8192xi32, #tpu.memory_space<smem>>
      %get3A_891 = arith.index_cast %get3A_890 : i32 to index
      %get3A_892 = arith.constant 0 : index
      %get3A_893 = vector.load %arg8[%get3A_891, %get3A_892] : memref<2048x768xf32, #tpu.memory_space<vmem>>, vector<1x768xf32>
      %slice3A_894 = vector.extract_strided_slice %mul3A_683 {offsets = [17, 0], sizes = [1, 768], strides = [1, 1]} : vector<64x768xf32> to vector<1x768xf32>
      %add3A_895 = arith.addf %get3A_893, %slice3A_894 : vector<1x768xf32>
      %swap3A_896 = arith.index_cast %get3A_890 : i32 to index
      %swap3A_897 = arith.constant 0 : index
      %swap3A_898 = vector.load %arg8[%swap3A_896, %swap3A_897] : memref<2048x768xf32, #tpu.memory_space<vmem>>, vector<1x768xf32>
      tpu.vector_store %arg8[%swap3A_896, %swap3A_897], %add3A_895 {strides = array<i32>} : memref<2048x768xf32, #tpu.memory_space<vmem>>, vector<1x768xf32>,
      %add3A_899 = arith.constant 18 : i32
      %add3A_900 = arith.addi %mul3A_15, %add3A_899 : i32
      %get3A_901 = arith.index_cast %add3A_900 : i32 to index
      %get3A_902 = memref.load %arg3[%get3A_901] : memref<8192xi32, #tpu.memory_space<smem>>
      %get3A_903 = arith.index_cast %get3A_902 : i32 to index
      %get3A_904 = arith.constant 0 : index
      %get3A_905 = vector.load %arg8[%get3A_903, %get3A_904] : memref<2048x768xf32, #tpu.memory_space<vmem>>, vector<1x768xf32>
      %slice3A_906 = vector.extract_strided_slice %mul3A_683 {offsets = [18, 0], sizes = [1, 768], strides = [1, 1]} : vector<64x768xf32> to vector<1x768xf32>
      %add3A_907 = arith.addf %get3A_905, %slice3A_906 : vector<1x768xf32>
      %swap3A_908 = arith.index_cast %get3A_902 : i32 to index
      %swap3A_909 = arith.constant 0 : index
      %swap3A_910 = vector.load %arg8[%swap3A_908, %swap3A_909] : memref<2048x768xf32, #tpu.memory_space<vmem>>, vector<1x768xf32>
      tpu.vector_store %arg8[%swap3A_908, %swap3A_909], %add3A_907 {strides = array<i32>} : memref<2048x768xf32, #tpu.memory_space<vmem>>, vector<1x768xf32>,
      %add3A_911 = arith.constant 19 : i32
      %add3A_912 = arith.addi %mul3A_15, %add3A_911 : i32
      %get3A_913 = arith.index_cast %add3A_912 : i32 to index
      %get3A_914 = memref.load %arg3[%get3A_913] : memref<8192xi32, #tpu.memory_space<smem>>
      %get3A_915 = arith.index_cast %get3A_914 : i32 to index
      %get3A_916 = arith.constant 0 : index
      %get3A_917 = vector.load %arg8[%get3A_915, %get3A_916] : memref<2048x768xf32, #tpu.memory_space<vmem>>, vector<1x768xf32>
      %slice3A_918 = vector.extract_strided_slice %mul3A_683 {offsets = [19, 0], sizes = [1, 768], strides = [1, 1]} : vector<64x768xf32> to vector<1x768xf32>
      %add3A_919 = arith.addf %get3A_917, %slice3A_918 : vector<1x768xf32>
      %swap3A_920 = arith.index_cast %get3A_914 : i32 to index
      %swap3A_921 = arith.constant 0 : index
      %swap3A_922 = vector.load %arg8[%swap3A_920, %swap3A_921] : memref<2048x768xf32, #tpu.memory_space<vmem>>, vector<1x768xf32>
      tpu.vector_store %arg8[%swap3A_920, %swap3A_921], %add3A_919 {strides = array<i32>} : memref<2048x768xf32, #tpu.memory_space<vmem>>, vector<1x768xf32>,
      %add3A_923 = arith.constant 20 : i32
      %add3A_924 = arith.addi %mul3A_15, %add3A_923 : i32
      %get3A_925 = arith.index_cast %add3A_924 : i32 to index
      %get3A_926 = memref.load %arg3[%get3A_925] : memref<8192xi32, #tpu.memory_space<smem>>
      %get3A_927 = arith.index_cast %get3A_926 : i32 to index
      %get3A_928 = arith.constant 0 : index
      %get3A_929 = vector.load %arg8[%get3A_927, %get3A_928] : memref<2048x768xf32, #tpu.memory_space<vmem>>, vector<1x768xf32>
      %slice3A_930 = vector.extract_strided_slice %mul3A_683 {offsets = [20, 0], sizes = [1, 768], strides = [1, 1]} : vector<64x768xf32> to vector<1x768xf32>
      %add3A_931 = arith.addf %get3A_929, %slice3A_930 : vector<1x768xf32>
      %swap3A_932 = arith.index_cast %get3A_926 : i32 to index
      %swap3A_933 = arith.constant 0 : index
      %swap3A_934 = vector.load %arg8[%swap3A_932, %swap3A_933] : memref<2048x768xf32, #tpu.memory_space<vmem>>, vector<1x768xf32>
      tpu.vector_store %arg8[%swap3A_932, %swap3A_933], %add3A_931 {strides = array<i32>} : memref<2048x768xf32, #tpu.memory_space<vmem>>, vector<1x768xf32>,
      %add3A_935 = arith.constant 21 : i32
      %add3A_936 = arith.addi %mul3A_15, %add3A_935 : i32
      %get3A_937 = arith.index_cast %add3A_936 : i32 to index
      %get3A_938 = memref.load %arg3[%get3A_937] : memref<8192xi32, #tpu.memory_space<smem>>
      %get3A_939 = arith.index_cast %get3A_938 : i32 to index
      %get3A_940 = arith.constant 0 : index
      %get3A_941 = vector.load %arg8[%get3A_939, %get3A_940] : memref<2048x768xf32, #tpu.memory_space<vmem>>, vector<1x768xf32>
      %slice3A_942 = vector.extract_strided_slice %mul3A_683 {offsets = [21, 0], sizes = [1, 768], strides = [1, 1]} : vector<64x768xf32> to vector<1x768xf32>
      %add3A_943 = arith.addf %get3A_941, %slice3A_942 : vector<1x768xf32>
      %swap3A_944 = arith.index_cast %get3A_938 : i32 to index
      %swap3A_945 = arith.constant 0 : index
      %swap3A_946 = vector.load %arg8[%swap3A_944, %swap3A_945] : memref<2048x768xf32, #tpu.memory_space<vmem>>, vector<1x768xf32>
      tpu.vector_store %arg8[%swap3A_944, %swap3A_945], %add3A_943 {strides = array<i32>} : memref<2048x768xf32, #tpu.memory_space<vmem>>, vector<1x768xf32>,
      %add3A_947 = arith.constant 22 : i32
      %add3A_948 = arith.addi %mul3A_15, %add3A_947 : i32
      %get3A_949 = arith.index_cast %add3A_948 : i32 to index
      %get3A_950 = memref.load %arg3[%get3A_949] : memref<8192xi32, #tpu.memory_space<smem>>
      %get3A_951 = arith.index_cast %get3A_950 : i32 to index
      %get3A_952 = arith.constant 0 : index
      %get3A_953 = vector.load %arg8[%get3A_951, %get3A_952] : memref<2048x768xf32, #tpu.memory_space<vmem>>, vector<1x768xf32>
      %slice3A_954 = vector.extract_strided_slice %mul3A_683 {offsets = [22, 0], sizes = [1, 768], strides = [1, 1]} : vector<64x768xf32> to vector<1x768xf32>
      %add3A_955 = arith.addf %get3A_953, %slice3A_954 : vector<1x768xf32>
      %swap3A_956 = arith.index_cast %get3A_950 : i32 to index
      %swap3A_957 = arith.constant 0 : index
      %swap3A_958 = vector.load %arg8[%swap3A_956, %swap3A_957] : memref<2048x768xf32, #tpu.memory_space<vmem>>, vector<1x768xf32>
      tpu.vector_store %arg8[%swap3A_956, %swap3A_957], %add3A_955 {strides = array<i32>} : memref<2048x768xf32, #tpu.memory_space<vmem>>, vector<1x768xf32>,
      %add3A_959 = arith.constant 23 : i32
      %add3A_960 = arith.addi %mul3A_15, %add3A_959 : i32
      %get3A_961 = arith.index_cast %add3A_960 : i32 to index
      %get3A_962 = memref.load %arg3[%get3A_961] : memref<8192xi32, #tpu.memory_space<smem>>
      %get3A_963 = arith.index_cast %get3A_962 : i32 to index
      %get3A_964 = arith.constant 0 : index
      %get3A_965 = vector.load %arg8[%get3A_963, %get3A_964] : memref<2048x768xf32, #tpu.memory_space<vmem>>, vector<1x768xf32>
      %slice3A_966 = vector.extract_strided_slice %mul3A_683 {offsets = [23, 0], sizes = [1, 768], strides = [1, 1]} : vector<64x768xf32> to vector<1x768xf32>
      %add3A_967 = arith.addf %get3A_965, %slice3A_966 : vector<1x768xf32>
      %swap3A_968 = arith.index_cast %get3A_962 : i32 to index
      %swap3A_969 = arith.constant 0 : index
      %swap3A_970 = vector.load %arg8[%swap3A_968, %swap3A_969] : memref<2048x768xf32, #tpu.memory_space<vmem>>, vector<1x768xf32>
      tpu.vector_store %arg8[%swap3A_968, %swap3A_969], %add3A_967 {strides = array<i32>} : memref<2048x768xf32, #tpu.memory_space<vmem>>, vector<1x768xf32>,
      %add3A_971 = arith.constant 24 : i32
      %add3A_972 = arith.addi %mul3A_15, %add3A_971 : i32
      %get3A_973 = arith.index_cast %add3A_972 : i32 to index
      %get3A_974 = memref.load %arg3[%get3A_973] : memref<8192xi32, #tpu.memory_space<smem>>
      %get3A_975 = arith.index_cast %get3A_974 : i32 to index
      %get3A_976 = arith.constant 0 : index
      %get3A_977 = vector.load %arg8[%get3A_975, %get3A_976] : memref<2048x768xf32, #tpu.memory_space<vmem>>, vector<1x768xf32>
      %slice3A_978 = vector.extract_strided_slice %mul3A_683 {offsets = [24, 0], sizes = [1, 768], strides = [1, 1]} : vector<64x768xf32> to vector<1x768xf32>
      %add3A_979 = arith.addf %get3A_977, %slice3A_978 : vector<1x768xf32>
      %swap3A_980 = arith.index_cast %get3A_974 : i32 to index
      %swap3A_981 = arith.constant 0 : index
      %swap3A_982 = vector.load %arg8[%swap3A_980, %swap3A_981] : memref<2048x768xf32, #tpu.memory_space<vmem>>, vector<1x768xf32>
      tpu.vector_store %arg8[%swap3A_980, %swap3A_981], %add3A_979 {strides = array<i32>} : memref<2048x768xf32, #tpu.memory_space<vmem>>, vector<1x768xf32>,
      %add3A_983 = arith.constant 25 : i32
      %add3A_984 = arith.addi %mul3A_15, %add3A_983 : i32
      %get3A_985 = arith.index_cast %add3A_984 : i32 to index
      %get3A_986 = memref.load %arg3[%get3A_985] : memref<8192xi32, #tpu.memory_space<smem>>
      %get3A_987 = arith.index_cast %get3A_986 : i32 to index
      %get3A_988 = arith.constant 0 : index
      %get3A_989 = vector.load %arg8[%get3A_987, %get3A_988] : memref<2048x768xf32, #tpu.memory_space<vmem>>, vector<1x768xf32>
      %slice3A_990 = vector.extract_strided_slice %mul3A_683 {offsets = [25, 0], sizes = [1, 768], strides = [1, 1]} : vector<64x768xf32> to vector<1x768xf32>
      %add3A_991 = arith.addf %get3A_989, %slice3A_990 : vector<1x768xf32>
      %swap3A_992 = arith.index_cast %get3A_986 : i32 to index
      %swap3A_993 = arith.constant 0 : index
      %swap3A_994 = vector.load %arg8[%swap3A_992, %swap3A_993] : memref<2048x768xf32, #tpu.memory_space<vmem>>, vector<1x768xf32>
      tpu.vector_store %arg8[%swap3A_992, %swap3A_993], %add3A_991 {strides = array<i32>} : memref<2048x768xf32, #tpu.memory_space<vmem>>, vector<1x768xf32>,
      %add3A_995 = arith.constant 26 : i32
      %add3A_996 = arith.addi %mul3A_15, %add3A_995 : i32
      %get3A_997 = arith.index_cast %add3A_996 : i32 to index
      %get3A_998 = memref.load %arg3[%get3A_997] : memref<8192xi32, #tpu.memory_space<smem>>
      %get3A_999 = arith.index_cast %get3A_998 : i32 to index
      %get3A_1000 = arith.constant 0 : index
      %get3A_1001 = vector.load %arg8[%get3A_999, %get3A_1000] : memref<2048x768xf32, #tpu.memory_space<vmem>>, vector<1x768xf32>
      %slice3A_1002 = vector.extract_strided_slice %mul3A_683 {offsets = [26, 0], sizes = [1, 768], strides = [1, 1]} : vector<64x768xf32> to vector<1x768xf32>
      %add3A_1003 = arith.addf %get3A_1001, %slice3A_1002 : vector<1x768xf32>
      %swap3A_1004 = arith.index_cast %get3A_998 : i32 to index
      %swap3A_1005 = arith.constant 0 : index
      %swap3A_1006 = vector.load %arg8[%swap3A_1004, %swap3A_1005] : memref<2048x768xf32, #tpu.memory_space<vmem>>, vector<1x768xf32>
      tpu.vector_store %arg8[%swap3A_1004, %swap3A_1005], %add3A_1003 {strides = array<i32>} : memref<2048x768xf32, #tpu.memory_space<vmem>>, vector<1x768xf32>,
      %add3A_1007 = arith.constant 27 : i32
      %add3A_1008 = arith.addi %mul3A_15, %add3A_1007 : i32
      %get3A_1009 = arith.index_cast %add3A_1008 : i32 to index
      %get3A_1010 = memref.load %arg3[%get3A_1009] : memref<8192xi32, #tpu.memory_space<smem>>
      %get3A_1011 = arith.index_cast %get3A_1010 : i32 to index
      %get3A_1012 = arith.constant 0 : index
      %get3A_1013 = vector.load %arg8[%get3A_1011, %get3A_1012] : memref<2048x768xf32, #tpu.memory_space<vmem>>, vector<1x768xf32>
      %slice3A_1014 = vector.extract_strided_slice %mul3A_683 {offsets = [27, 0], sizes = [1, 768], strides = [1, 1]} : vector<64x768xf32> to vector<1x768xf32>
      %add3A_1015 = arith.addf %get3A_1013, %slice3A_1014 : vector<1x768xf32>
      %swap3A_1016 = arith.index_cast %get3A_1010 : i32 to index
      %swap3A_1017 = arith.constant 0 : index
      %swap3A_1018 = vector.load %arg8[%swap3A_1016, %swap3A_1017] : memref<2048x768xf32, #tpu.memory_space<vmem>>, vector<1x768xf32>
      tpu.vector_store %arg8[%swap3A_1016, %swap3A_1017], %add3A_1015 {strides = array<i32>} : memref<2048x768xf32, #tpu.memory_space<vmem>>, vector<1x768xf32>,
      %add3A_1019 = arith.constant 28 : i32
      %add3A_1020 = arith.addi %mul3A_15, %add3A_1019 : i32
      %get3A_1021 = arith.index_cast %add3A_1020 : i32 to index
      %get3A_1022 = memref.load %arg3[%get3A_1021] : memref<8192xi32, #tpu.memory_space<smem>>
      %get3A_1023 = arith.index_cast %get3A_1022 : i32 to index
      %get3A_1024 = arith.constant 0 : index
      %get3A_1025 = vector.load %arg8[%get3A_1023, %get3A_1024] : memref<2048x768xf32, #tpu.memory_space<vmem>>, vector<1x768xf32>
      %slice3A_1026 = vector.extract_strided_slice %mul3A_683 {offsets = [28, 0], sizes = [1, 768], strides = [1, 1]} : vector<64x768xf32> to vector<1x768xf32>
      %add3A_1027 = arith.addf %get3A_1025, %slice3A_1026 : vector<1x768xf32>
      %swap3A_1028 = arith.index_cast %get3A_1022 : i32 to index
      %swap3A_1029 = arith.constant 0 : index
      %swap3A_1030 = vector.load %arg8[%swap3A_1028, %swap3A_1029] : memref<2048x768xf32, #tpu.memory_space<vmem>>, vector<1x768xf32>
      tpu.vector_store %arg8[%swap3A_1028, %swap3A_1029], %add3A_1027 {strides = array<i32>} : memref<2048x768xf32, #tpu.memory_space<vmem>>, vector<1x768xf32>,
      %add3A_1031 = arith.constant 29 : i32
      %add3A_1032 = arith.addi %mul3A_15, %add3A_1031 : i32
      %get3A_1033 = arith.index_cast %add3A_1032 : i32 to index
      %get3A_1034 = memref.load %arg3[%get3A_1033] : memref<8192xi32, #tpu.memory_space<smem>>
      %get3A_1035 = arith.index_cast %get3A_1034 : i32 to index
      %get3A_1036 = arith.constant 0 : index
      %get3A_1037 = vector.load %arg8[%get3A_1035, %get3A_1036] : memref<2048x768xf32, #tpu.memory_space<vmem>>, vector<1x768xf32>
      %slice3A_1038 = vector.extract_strided_slice %mul3A_683 {offsets = [29, 0], sizes = [1, 768], strides = [1, 1]} : vector<64x768xf32> to vector<1x768xf32>
      %add3A_1039 = arith.addf %get3A_1037, %slice3A_1038 : vector<1x768xf32>
      %swap3A_1040 = arith.index_cast %get3A_1034 : i32 to index
      %swap3A_1041 = arith.constant 0 : index
      %swap3A_1042 = vector.load %arg8[%swap3A_1040, %swap3A_1041] : memref<2048x768xf32, #tpu.memory_space<vmem>>, vector<1x768xf32>
      tpu.vector_store %arg8[%swap3A_1040, %swap3A_1041], %add3A_1039 {strides = array<i32>} : memref<2048x768xf32, #tpu.memory_space<vmem>>, vector<1x768xf32>,
      %add3A_1043 = arith.constant 30 : i32
      %add3A_1044 = arith.addi %mul3A_15, %add3A_1043 : i32
      %get3A_1045 = arith.index_cast %add3A_1044 : i32 to index
      %get3A_1046 = memref.load %arg3[%get3A_1045] : memref<8192xi32, #tpu.memory_space<smem>>
      %get3A_1047 = arith.index_cast %get3A_1046 : i32 to index
      %get3A_1048 = arith.constant 0 : index
      %get3A_1049 = vector.load %arg8[%get3A_1047, %get3A_1048] : memref<2048x768xf32, #tpu.memory_space<vmem>>, vector<1x768xf32>
      %slice3A_1050 = vector.extract_strided_slice %mul3A_683 {offsets = [30, 0], sizes = [1, 768], strides = [1, 1]} : vector<64x768xf32> to vector<1x768xf32>
      %add3A_1051 = arith.addf %get3A_1049, %slice3A_1050 : vector<1x768xf32>
      %swap3A_1052 = arith.index_cast %get3A_1046 : i32 to index
      %swap3A_1053 = arith.constant 0 : index
      %swap3A_1054 = vector.load %arg8[%swap3A_1052, %swap3A_1053] : memref<2048x768xf32, #tpu.memory_space<vmem>>, vector<1x768xf32>
      tpu.vector_store %arg8[%swap3A_1052, %swap3A_1053], %add3A_1051 {strides = array<i32>} : memref<2048x768xf32, #tpu.memory_space<vmem>>, vector<1x768xf32>,
      %add3A_1055 = arith.constant 31 : i32
      %add3A_1056 = arith.addi %mul3A_15, %add3A_1055 : i32
      %get3A_1057 = arith.index_cast %add3A_1056 : i32 to index
      %get3A_1058 = memref.load %arg3[%get3A_1057] : memref<8192xi32, #tpu.memory_space<smem>>
      %get3A_1059 = arith.index_cast %get3A_1058 : i32 to index
      %get3A_1060 = arith.constant 0 : index
      %get3A_1061 = vector.load %arg8[%get3A_1059, %get3A_1060] : memref<2048x768xf32, #tpu.memory_space<vmem>>, vector<1x768xf32>
      %slice3A_1062 = vector.extract_strided_slice %mul3A_683 {offsets = [31, 0], sizes = [1, 768], strides = [1, 1]} : vector<64x768xf32> to vector<1x768xf32>
      %add3A_1063 = arith.addf %get3A_1061, %slice3A_1062 : vector<1x768xf32>
      %swap3A_1064 = arith.index_cast %get3A_1058 : i32 to index
      %swap3A_1065 = arith.constant 0 : index
      %swap3A_1066 = vector.load %arg8[%swap3A_1064, %swap3A_1065] : memref<2048x768xf32, #tpu.memory_space<vmem>>, vector<1x768xf32>
      tpu.vector_store %arg8[%swap3A_1064, %swap3A_1065], %add3A_1063 {strides = array<i32>} : memref<2048x768xf32, #tpu.memory_space<vmem>>, vector<1x768xf32>,
      %add3A_1067 = arith.constant 32 : i32
      %add3A_1068 = arith.addi %mul3A_15, %add3A_1067 : i32
      %get3A_1069 = arith.index_cast %add3A_1068 : i32 to index
      %get3A_1070 = memref.load %arg3[%get3A_1069] : memref<8192xi32, #tpu.memory_space<smem>>
      %get3A_1071 = arith.index_cast %get3A_1070 : i32 to index
      %get3A_1072 = arith.constant 0 : index
      %get3A_1073 = vector.load %arg8[%get3A_1071, %get3A_1072] : memref<2048x768xf32, #tpu.memory_space<vmem>>, vector<1x768xf32>
      %slice3A_1074 = vector.extract_strided_slice %mul3A_683 {offsets = [32, 0], sizes = [1, 768], strides = [1, 1]} : vector<64x768xf32> to vector<1x768xf32>
      %add3A_1075 = arith.addf %get3A_1073, %slice3A_1074 : vector<1x768xf32>
      %swap3A_1076 = arith.index_cast %get3A_1070 : i32 to index
      %swap3A_1077 = arith.constant 0 : index
      %swap3A_1078 = vector.load %arg8[%swap3A_1076, %swap3A_1077] : memref<2048x768xf32, #tpu.memory_space<vmem>>, vector<1x768xf32>
      tpu.vector_store %arg8[%swap3A_1076, %swap3A_1077], %add3A_1075 {strides = array<i32>} : memref<2048x768xf32, #tpu.memory_space<vmem>>, vector<1x768xf32>,
      %add3A_1079 = arith.constant 33 : i32
      %add3A_1080 = arith.addi %mul3A_15, %add3A_1079 : i32
      %get3A_1081 = arith.index_cast %add3A_1080 : i32 to index
      %get3A_1082 = memref.load %arg3[%get3A_1081] : memref<8192xi32, #tpu.memory_space<smem>>
      %get3A_1083 = arith.index_cast %get3A_1082 : i32 to index
      %get3A_1084 = arith.constant 0 : index
      %get3A_1085 = vector.load %arg8[%get3A_1083, %get3A_1084] : memref<2048x768xf32, #tpu.memory_space<vmem>>, vector<1x768xf32>
      %slice3A_1086 = vector.extract_strided_slice %mul3A_683 {offsets = [33, 0], sizes = [1, 768], strides = [1, 1]} : vector<64x768xf32> to vector<1x768xf32>
      %add3A_1087 = arith.addf %get3A_1085, %slice3A_1086 : vector<1x768xf32>
      %swap3A_1088 = arith.index_cast %get3A_1082 : i32 to index
      %swap3A_1089 = arith.constant 0 : index
      %swap3A_1090 = vector.load %arg8[%swap3A_1088, %swap3A_1089] : memref<2048x768xf32, #tpu.memory_space<vmem>>, vector<1x768xf32>
      tpu.vector_store %arg8[%swap3A_1088, %swap3A_1089], %add3A_1087 {strides = array<i32>} : memref<2048x768xf32, #tpu.memory_space<vmem>>, vector<1x768xf32>,
      %add3A_1091 = arith.constant 34 : i32
      %add3A_1092 = arith.addi %mul3A_15, %add3A_1091 : i32
      %get3A_1093 = arith.index_cast %add3A_1092 : i32 to index
      %get3A_1094 = memref.load %arg3[%get3A_1093] : memref<8192xi32, #tpu.memory_space<smem>>
      %get3A_1095 = arith.index_cast %get3A_1094 : i32 to index
      %get3A_1096 = arith.constant 0 : index
      %get3A_1097 = vector.load %arg8[%get3A_1095, %get3A_1096] : memref<2048x768xf32, #tpu.memory_space<vmem>>, vector<1x768xf32>
      %slice3A_1098 = vector.extract_strided_slice %mul3A_683 {offsets = [34, 0], sizes = [1, 768], strides = [1, 1]} : vector<64x768xf32> to vector<1x768xf32>
      %add3A_1099 = arith.addf %get3A_1097, %slice3A_1098 : vector<1x768xf32>
      %swap3A_1100 = arith.index_cast %get3A_1094 : i32 to index
      %swap3A_1101 = arith.constant 0 : index
      %swap3A_1102 = vector.load %arg8[%swap3A_1100, %swap3A_1101] : memref<2048x768xf32, #tpu.memory_space<vmem>>, vector<1x768xf32>
      tpu.vector_store %arg8[%swap3A_1100, %swap3A_1101], %add3A_1099 {strides = array<i32>} : memref<2048x768xf32, #tpu.memory_space<vmem>>, vector<1x768xf32>,
      %add3A_1103 = arith.constant 35 : i32
      %add3A_1104 = arith.addi %mul3A_15, %add3A_1103 : i32
      %get3A_1105 = arith.index_cast %add3A_1104 : i32 to index
      %get3A_1106 = memref.load %arg3[%get3A_1105] : memref<8192xi32, #tpu.memory_space<smem>>
      %get3A_1107 = arith.index_cast %get3A_1106 : i32 to index
      %get3A_1108 = arith.constant 0 : index
      %get3A_1109 = vector.load %arg8[%get3A_1107, %get3A_1108] : memref<2048x768xf32, #tpu.memory_space<vmem>>, vector<1x768xf32>
      %slice3A_1110 = vector.extract_strided_slice %mul3A_683 {offsets = [35, 0], sizes = [1, 768], strides = [1, 1]} : vector<64x768xf32> to vector<1x768xf32>
      %add3A_1111 = arith.addf %get3A_1109, %slice3A_1110 : vector<1x768xf32>
      %swap3A_1112 = arith.index_cast %get3A_1106 : i32 to index
      %swap3A_1113 = arith.constant 0 : index
      %swap3A_1114 = vector.load %arg8[%swap3A_1112, %swap3A_1113] : memref<2048x768xf32, #tpu.memory_space<vmem>>, vector<1x768xf32>
      tpu.vector_store %arg8[%swap3A_1112, %swap3A_1113], %add3A_1111 {strides = array<i32>} : memref<2048x768xf32, #tpu.memory_space<vmem>>, vector<1x768xf32>,
      %add3A_1115 = arith.constant 36 : i32
      %add3A_1116 = arith.addi %mul3A_15, %add3A_1115 : i32
      %get3A_1117 = arith.index_cast %add3A_1116 : i32 to index
      %get3A_1118 = memref.load %arg3[%get3A_1117] : memref<8192xi32, #tpu.memory_space<smem>>
      %get3A_1119 = arith.index_cast %get3A_1118 : i32 to index
      %get3A_1120 = arith.constant 0 : index
      %get3A_1121 = vector.load %arg8[%get3A_1119, %get3A_1120] : memref<2048x768xf32, #tpu.memory_space<vmem>>, vector<1x768xf32>
      %slice3A_1122 = vector.extract_strided_slice %mul3A_683 {offsets = [36, 0], sizes = [1, 768], strides = [1, 1]} : vector<64x768xf32> to vector<1x768xf32>
      %add3A_1123 = arith.addf %get3A_1121, %slice3A_1122 : vector<1x768xf32>
      %swap3A_1124 = arith.index_cast %get3A_1118 : i32 to index
      %swap3A_1125 = arith.constant 0 : index
      %swap3A_1126 = vector.load %arg8[%swap3A_1124, %swap3A_1125] : memref<2048x768xf32, #tpu.memory_space<vmem>>, vector<1x768xf32>
      tpu.vector_store %arg8[%swap3A_1124, %swap3A_1125], %add3A_1123 {strides = array<i32>} : memref<2048x768xf32, #tpu.memory_space<vmem>>, vector<1x768xf32>,
      %add3A_1127 = arith.constant 37 : i32
      %add3A_1128 = arith.addi %mul3A_15, %add3A_1127 : i32
      %get3A_1129 = arith.index_cast %add3A_1128 : i32 to index
      %get3A_1130 = memref.load %arg3[%get3A_1129] : memref<8192xi32, #tpu.memory_space<smem>>
      %get3A_1131 = arith.index_cast %get3A_1130 : i32 to index
      %get3A_1132 = arith.constant 0 : index
      %get3A_1133 = vector.load %arg8[%get3A_1131, %get3A_1132] : memref<2048x768xf32, #tpu.memory_space<vmem>>, vector<1x768xf32>
      %slice3A_1134 = vector.extract_strided_slice %mul3A_683 {offsets = [37, 0], sizes = [1, 768], strides = [1, 1]} : vector<64x768xf32> to vector<1x768xf32>
      %add3A_1135 = arith.addf %get3A_1133, %slice3A_1134 : vector<1x768xf32>
      %swap3A_1136 = arith.index_cast %get3A_1130 : i32 to index
      %swap3A_1137 = arith.constant 0 : index
      %swap3A_1138 = vector.load %arg8[%swap3A_1136, %swap3A_1137] : memref<2048x768xf32, #tpu.memory_space<vmem>>, vector<1x768xf32>
      tpu.vector_store %arg8[%swap3A_1136, %swap3A_1137], %add3A_1135 {strides = array<i32>} : memref<2048x768xf32, #tpu.memory_space<vmem>>, vector<1x768xf32>,
      %add3A_1139 = arith.constant 38 : i32
      %add3A_1140 = arith.addi %mul3A_15, %add3A_1139 : i32
      %get3A_1141 = arith.index_cast %add3A_1140 : i32 to index
      %get3A_1142 = memref.load %arg3[%get3A_1141] : memref<8192xi32, #tpu.memory_space<smem>>
      %get3A_1143 = arith.index_cast %get3A_1142 : i32 to index
      %get3A_1144 = arith.constant 0 : index
      %get3A_1145 = vector.load %arg8[%get3A_1143, %get3A_1144] : memref<2048x768xf32, #tpu.memory_space<vmem>>, vector<1x768xf32>
      %slice3A_1146 = vector.extract_strided_slice %mul3A_683 {offsets = [38, 0], sizes = [1, 768], strides = [1, 1]} : vector<64x768xf32> to vector<1x768xf32>
      %add3A_1147 = arith.addf %get3A_1145, %slice3A_1146 : vector<1x768xf32>
      %swap3A_1148 = arith.index_cast %get3A_1142 : i32 to index
      %swap3A_1149 = arith.constant 0 : index
      %swap3A_1150 = vector.load %arg8[%swap3A_1148, %swap3A_1149] : memref<2048x768xf32, #tpu.memory_space<vmem>>, vector<1x768xf32>
      tpu.vector_store %arg8[%swap3A_1148, %swap3A_1149], %add3A_1147 {strides = array<i32>} : memref<2048x768xf32, #tpu.memory_space<vmem>>, vector<1x768xf32>,
      %add3A_1151 = arith.constant 39 : i32
      %add3A_1152 = arith.addi %mul3A_15, %add3A_1151 : i32
      %get3A_1153 = arith.index_cast %add3A_1152 : i32 to index
      %get3A_1154 = memref.load %arg3[%get3A_1153] : memref<8192xi32, #tpu.memory_space<smem>>
      %get3A_1155 = arith.index_cast %get3A_1154 : i32 to index
      %get3A_1156 = arith.constant 0 : index
      %get3A_1157 = vector.load %arg8[%get3A_1155, %get3A_1156] : memref<2048x768xf32, #tpu.memory_space<vmem>>, vector<1x768xf32>
      %slice3A_1158 = vector.extract_strided_slice %mul3A_683 {offsets = [39, 0], sizes = [1, 768], strides = [1, 1]} : vector<64x768xf32> to vector<1x768xf32>
      %add3A_1159 = arith.addf %get3A_1157, %slice3A_1158 : vector<1x768xf32>
      %swap3A_1160 = arith.index_cast %get3A_1154 : i32 to index
      %swap3A_1161 = arith.constant 0 : index
      %swap3A_1162 = vector.load %arg8[%swap3A_1160, %swap3A_1161] : memref<2048x768xf32, #tpu.memory_space<vmem>>, vector<1x768xf32>
      tpu.vector_store %arg8[%swap3A_1160, %swap3A_1161], %add3A_1159 {strides = array<i32>} : memref<2048x768xf32, #tpu.memory_space<vmem>>, vector<1x768xf32>,
      %add3A_1163 = arith.constant 40 : i32
      %add3A_1164 = arith.addi %mul3A_15, %add3A_1163 : i32
      %get3A_1165 = arith.index_cast %add3A_1164 : i32 to index
      %get3A_1166 = memref.load %arg3[%get3A_1165] : memref<8192xi32, #tpu.memory_space<smem>>
      %get3A_1167 = arith.index_cast %get3A_1166 : i32 to index
      %get3A_1168 = arith.constant 0 : index
      %get3A_1169 = vector.load %arg8[%get3A_1167, %get3A_1168] : memref<2048x768xf32, #tpu.memory_space<vmem>>, vector<1x768xf32>
      %slice3A_1170 = vector.extract_strided_slice %mul3A_683 {offsets = [40, 0], sizes = [1, 768], strides = [1, 1]} : vector<64x768xf32> to vector<1x768xf32>
      %add3A_1171 = arith.addf %get3A_1169, %slice3A_1170 : vector<1x768xf32>
      %swap3A_1172 = arith.index_cast %get3A_1166 : i32 to index
      %swap3A_1173 = arith.constant 0 : index
      %swap3A_1174 = vector.load %arg8[%swap3A_1172, %swap3A_1173] : memref<2048x768xf32, #tpu.memory_space<vmem>>, vector<1x768xf32>
      tpu.vector_store %arg8[%swap3A_1172, %swap3A_1173], %add3A_1171 {strides = array<i32>} : memref<2048x768xf32, #tpu.memory_space<vmem>>, vector<1x768xf32>,
      %add3A_1175 = arith.constant 41 : i32
      %add3A_1176 = arith.addi %mul3A_15, %add3A_1175 : i32
      %get3A_1177 = arith.index_cast %add3A_1176 : i32 to index
      %get3A_1178 = memref.load %arg3[%get3A_1177] : memref<8192xi32, #tpu.memory_space<smem>>
      %get3A_1179 = arith.index_cast %get3A_1178 : i32 to index
      %get3A_1180 = arith.constant 0 : index
      %get3A_1181 = vector.load %arg8[%get3A_1179, %get3A_1180] : memref<2048x768xf32, #tpu.memory_space<vmem>>, vector<1x768xf32>
      %slice3A_1182 = vector.extract_strided_slice %mul3A_683 {offsets = [41, 0], sizes = [1, 768], strides = [1, 1]} : vector<64x768xf32> to vector<1x768xf32>
      %add3A_1183 = arith.addf %get3A_1181, %slice3A_1182 : vector<1x768xf32>
      %swap3A_1184 = arith.index_cast %get3A_1178 : i32 to index
      %swap3A_1185 = arith.constant 0 : index
      %swap3A_1186 = vector.load %arg8[%swap3A_1184, %swap3A_1185] : memref<2048x768xf32, #tpu.memory_space<vmem>>, vector<1x768xf32>
      tpu.vector_store %arg8[%swap3A_1184, %swap3A_1185], %add3A_1183 {strides = array<i32>} : memref<2048x768xf32, #tpu.memory_space<vmem>>, vector<1x768xf32>,
      %add3A_1187 = arith.constant 42 : i32
      %add3A_1188 = arith.addi %mul3A_15, %add3A_1187 : i32
      %get3A_1189 = arith.index_cast %add3A_1188 : i32 to index
      %get3A_1190 = memref.load %arg3[%get3A_1189] : memref<8192xi32, #tpu.memory_space<smem>>
      %get3A_1191 = arith.index_cast %get3A_1190 : i32 to index
      %get3A_1192 = arith.constant 0 : index
      %get3A_1193 = vector.load %arg8[%get3A_1191, %get3A_1192] : memref<2048x768xf32, #tpu.memory_space<vmem>>, vector<1x768xf32>
      %slice3A_1194 = vector.extract_strided_slice %mul3A_683 {offsets = [42, 0], sizes = [1, 768], strides = [1, 1]} : vector<64x768xf32> to vector<1x768xf32>
      %add3A_1195 = arith.addf %get3A_1193, %slice3A_1194 : vector<1x768xf32>
      %swap3A_1196 = arith.index_cast %get3A_1190 : i32 to index
      %swap3A_1197 = arith.constant 0 : index
      %swap3A_1198 = vector.load %arg8[%swap3A_1196, %swap3A_1197] : memref<2048x768xf32, #tpu.memory_space<vmem>>, vector<1x768xf32>
      tpu.vector_store %arg8[%swap3A_1196, %swap3A_1197], %add3A_1195 {strides = array<i32>} : memref<2048x768xf32, #tpu.memory_space<vmem>>, vector<1x768xf32>,
      %add3A_1199 = arith.constant 43 : i32
      %add3A_1200 = arith.addi %mul3A_15, %add3A_1199 : i32
      %get3A_1201 = arith.index_cast %add3A_1200 : i32 to index
      %get3A_1202 = memref.load %arg3[%get3A_1201] : memref<8192xi32, #tpu.memory_space<smem>>
      %get3A_1203 = arith.index_cast %get3A_1202 : i32 to index
      %get3A_1204 = arith.constant 0 : index
      %get3A_1205 = vector.load %arg8[%get3A_1203, %get3A_1204] : memref<2048x768xf32, #tpu.memory_space<vmem>>, vector<1x768xf32>
      %slice3A_1206 = vector.extract_strided_slice %mul3A_683 {offsets = [43, 0], sizes = [1, 768], strides = [1, 1]} : vector<64x768xf32> to vector<1x768xf32>
      %add3A_1207 = arith.addf %get3A_1205, %slice3A_1206 : vector<1x768xf32>
      %swap3A_1208 = arith.index_cast %get3A_1202 : i32 to index
      %swap3A_1209 = arith.constant 0 : index
      %swap3A_1210 = vector.load %arg8[%swap3A_1208, %swap3A_1209] : memref<2048x768xf32, #tpu.memory_space<vmem>>, vector<1x768xf32>
      tpu.vector_store %arg8[%swap3A_1208, %swap3A_1209], %add3A_1207 {strides = array<i32>} : memref<2048x768xf32, #tpu.memory_space<vmem>>, vector<1x768xf32>,
      %add3A_1211 = arith.constant 44 : i32
      %add3A_1212 = arith.addi %mul3A_15, %add3A_1211 : i32
      %get3A_1213 = arith.index_cast %add3A_1212 : i32 to index
      %get3A_1214 = memref.load %arg3[%get3A_1213] : memref<8192xi32, #tpu.memory_space<smem>>
      %get3A_1215 = arith.index_cast %get3A_1214 : i32 to index
      %get3A_1216 = arith.constant 0 : index
      %get3A_1217 = vector.load %arg8[%get3A_1215, %get3A_1216] : memref<2048x768xf32, #tpu.memory_space<vmem>>, vector<1x768xf32>
      %slice3A_1218 = vector.extract_strided_slice %mul3A_683 {offsets = [44, 0], sizes = [1, 768], strides = [1, 1]} : vector<64x768xf32> to vector<1x768xf32>
      %add3A_1219 = arith.addf %get3A_1217, %slice3A_1218 : vector<1x768xf32>
      %swap3A_1220 = arith.index_cast %get3A_1214 : i32 to index
      %swap3A_1221 = arith.constant 0 : index
      %swap3A_1222 = vector.load %arg8[%swap3A_1220, %swap3A_1221] : memref<2048x768xf32, #tpu.memory_space<vmem>>, vector<1x768xf32>
      tpu.vector_store %arg8[%swap3A_1220, %swap3A_1221], %add3A_1219 {strides = array<i32>} : memref<2048x768xf32, #tpu.memory_space<vmem>>, vector<1x768xf32>,
      %add3A_1223 = arith.constant 45 : i32
      %add3A_1224 = arith.addi %mul3A_15, %add3A_1223 : i32
      %get3A_1225 = arith.index_cast %add3A_1224 : i32 to index
      %get3A_1226 = memref.load %arg3[%get3A_1225] : memref<8192xi32, #tpu.memory_space<smem>>
      %get3A_1227 = arith.index_cast %get3A_1226 : i32 to index
      %get3A_1228 = arith.constant 0 : index
      %get3A_1229 = vector.load %arg8[%get3A_1227, %get3A_1228] : memref<2048x768xf32, #tpu.memory_space<vmem>>, vector<1x768xf32>
      %slice3A_1230 = vector.extract_strided_slice %mul3A_683 {offsets = [45, 0], sizes = [1, 768], strides = [1, 1]} : vector<64x768xf32> to vector<1x768xf32>
      %add3A_1231 = arith.addf %get3A_1229, %slice3A_1230 : vector<1x768xf32>
      %swap3A_1232 = arith.index_cast %get3A_1226 : i32 to index
      %swap3A_1233 = arith.constant 0 : index
      %swap3A_1234 = vector.load %arg8[%swap3A_1232, %swap3A_1233] : memref<2048x768xf32, #tpu.memory_space<vmem>>, vector<1x768xf32>
      tpu.vector_store %arg8[%swap3A_1232, %swap3A_1233], %add3A_1231 {strides = array<i32>} : memref<2048x768xf32, #tpu.memory_space<vmem>>, vector<1x768xf32>,
      %add3A_1235 = arith.constant 46 : i32
      %add3A_1236 = arith.addi %mul3A_15, %add3A_1235 : i32
      %get3A_1237 = arith.index_cast %add3A_1236 : i32 to index
      %get3A_1238 = memref.load %arg3[%get3A_1237] : memref<8192xi32, #tpu.memory_space<smem>>
      %get3A_1239 = arith.index_cast %get3A_1238 : i32 to index
      %get3A_1240 = arith.constant 0 : index
      %get3A_1241 = vector.load %arg8[%get3A_1239, %get3A_1240] : memref<2048x768xf32, #tpu.memory_space<vmem>>, vector<1x768xf32>
      %slice3A_1242 = vector.extract_strided_slice %mul3A_683 {offsets = [46, 0], sizes = [1, 768], strides = [1, 1]} : vector<64x768xf32> to vector<1x768xf32>
      %add3A_1243 = arith.addf %get3A_1241, %slice3A_1242 : vector<1x768xf32>
      %swap3A_1244 = arith.index_cast %get3A_1238 : i32 to index
      %swap3A_1245 = arith.constant 0 : index
      %swap3A_1246 = vector.load %arg8[%swap3A_1244, %swap3A_1245] : memref<2048x768xf32, #tpu.memory_space<vmem>>, vector<1x768xf32>
      tpu.vector_store %arg8[%swap3A_1244, %swap3A_1245], %add3A_1243 {strides = array<i32>} : memref<2048x768xf32, #tpu.memory_space<vmem>>, vector<1x768xf32>,
      %add3A_1247 = arith.constant 47 : i32
      %add3A_1248 = arith.addi %mul3A_15, %add3A_1247 : i32
      %get3A_1249 = arith.index_cast %add3A_1248 : i32 to index
      %get3A_1250 = memref.load %arg3[%get3A_1249] : memref<8192xi32, #tpu.memory_space<smem>>
      %get3A_1251 = arith.index_cast %get3A_1250 : i32 to index
      %get3A_1252 = arith.constant 0 : index
      %get3A_1253 = vector.load %arg8[%get3A_1251, %get3A_1252] : memref<2048x768xf32, #tpu.memory_space<vmem>>, vector<1x768xf32>
      %slice3A_1254 = vector.extract_strided_slice %mul3A_683 {offsets = [47, 0], sizes = [1, 768], strides = [1, 1]} : vector<64x768xf32> to vector<1x768xf32>
      %add3A_1255 = arith.addf %get3A_1253, %slice3A_1254 : vector<1x768xf32>
      %swap3A_1256 = arith.index_cast %get3A_1250 : i32 to index
      %swap3A_1257 = arith.constant 0 : index
      %swap3A_1258 = vector.load %arg8[%swap3A_1256, %swap3A_1257] : memref<2048x768xf32, #tpu.memory_space<vmem>>, vector<1x768xf32>
      tpu.vector_store %arg8[%swap3A_1256, %swap3A_1257], %add3A_1255 {strides = array<i32>} : memref<2048x768xf32, #tpu.memory_space<vmem>>, vector<1x768xf32>,
      %add3A_1259 = arith.constant 48 : i32
      %add3A_1260 = arith.addi %mul3A_15, %add3A_1259 : i32
      %get3A_1261 = arith.index_cast %add3A_1260 : i32 to index
      %get3A_1262 = memref.load %arg3[%get3A_1261] : memref<8192xi32, #tpu.memory_space<smem>>
      %get3A_1263 = arith.index_cast %get3A_1262 : i32 to index
      %get3A_1264 = arith.constant 0 : index
      %get3A_1265 = vector.load %arg8[%get3A_1263, %get3A_1264] : memref<2048x768xf32, #tpu.memory_space<vmem>>, vector<1x768xf32>
      %slice3A_1266 = vector.extract_strided_slice %mul3A_683 {offsets = [48, 0], sizes = [1, 768], strides = [1, 1]} : vector<64x768xf32> to vector<1x768xf32>
      %add3A_1267 = arith.addf %get3A_1265, %slice3A_1266 : vector<1x768xf32>
      %swap3A_1268 = arith.index_cast %get3A_1262 : i32 to index
      %swap3A_1269 = arith.constant 0 : index
      %swap3A_1270 = vector.load %arg8[%swap3A_1268, %swap3A_1269] : memref<2048x768xf32, #tpu.memory_space<vmem>>, vector<1x768xf32>
      tpu.vector_store %arg8[%swap3A_1268, %swap3A_1269], %add3A_1267 {strides = array<i32>} : memref<2048x768xf32, #tpu.memory_space<vmem>>, vector<1x768xf32>,
      %add3A_1271 = arith.constant 49 : i32
      %add3A_1272 = arith.addi %mul3A_15, %add3A_1271 : i32
      %get3A_1273 = arith.index_cast %add3A_1272 : i32 to index
      %get3A_1274 = memref.load %arg3[%get3A_1273] : memref<8192xi32, #tpu.memory_space<smem>>
      %get3A_1275 = arith.index_cast %get3A_1274 : i32 to index
      %get3A_1276 = arith.constant 0 : index
      %get3A_1277 = vector.load %arg8[%get3A_1275, %get3A_1276] : memref<2048x768xf32, #tpu.memory_space<vmem>>, vector<1x768xf32>
      %slice3A_1278 = vector.extract_strided_slice %mul3A_683 {offsets = [49, 0], sizes = [1, 768], strides = [1, 1]} : vector<64x768xf32> to vector<1x768xf32>
      %add3A_1279 = arith.addf %get3A_1277, %slice3A_1278 : vector<1x768xf32>
      %swap3A_1280 = arith.index_cast %get3A_1274 : i32 to index
      %swap3A_1281 = arith.constant 0 : index
      %swap3A_1282 = vector.load %arg8[%swap3A_1280, %swap3A_1281] : memref<2048x768xf32, #tpu.memory_space<vmem>>, vector<1x768xf32>
      tpu.vector_store %arg8[%swap3A_1280, %swap3A_1281], %add3A_1279 {strides = array<i32>} : memref<2048x768xf32, #tpu.memory_space<vmem>>, vector<1x768xf32>,
      %add3A_1283 = arith.constant 50 : i32
      %add3A_1284 = arith.addi %mul3A_15, %add3A_1283 : i32
      %get3A_1285 = arith.index_cast %add3A_1284 : i32 to index
      %get3A_1286 = memref.load %arg3[%get3A_1285] : memref<8192xi32, #tpu.memory_space<smem>>
      %get3A_1287 = arith.index_cast %get3A_1286 : i32 to index
      %get3A_1288 = arith.constant 0 : index
      %get3A_1289 = vector.load %arg8[%get3A_1287, %get3A_1288] : memref<2048x768xf32, #tpu.memory_space<vmem>>, vector<1x768xf32>
      %slice3A_1290 = vector.extract_strided_slice %mul3A_683 {offsets = [50, 0], sizes = [1, 768], strides = [1, 1]} : vector<64x768xf32> to vector<1x768xf32>
      %add3A_1291 = arith.addf %get3A_1289, %slice3A_1290 : vector<1x768xf32>
      %swap3A_1292 = arith.index_cast %get3A_1286 : i32 to index
      %swap3A_1293 = arith.constant 0 : index
      %swap3A_1294 = vector.load %arg8[%swap3A_1292, %swap3A_1293] : memref<2048x768xf32, #tpu.memory_space<vmem>>, vector<1x768xf32>
      tpu.vector_store %arg8[%swap3A_1292, %swap3A_1293], %add3A_1291 {strides = array<i32>} : memref<2048x768xf32, #tpu.memory_space<vmem>>, vector<1x768xf32>,
      %add3A_1295 = arith.constant 51 : i32
      %add3A_1296 = arith.addi %mul3A_15, %add3A_1295 : i32
      %get3A_1297 = arith.index_cast %add3A_1296 : i32 to index
      %get3A_1298 = memref.load %arg3[%get3A_1297] : memref<8192xi32, #tpu.memory_space<smem>>
      %get3A_1299 = arith.index_cast %get3A_1298 : i32 to index
      %get3A_1300 = arith.constant 0 : index
      %get3A_1301 = vector.load %arg8[%get3A_1299, %get3A_1300] : memref<2048x768xf32, #tpu.memory_space<vmem>>, vector<1x768xf32>
      %slice3A_1302 = vector.extract_strided_slice %mul3A_683 {offsets = [51, 0], sizes = [1, 768], strides = [1, 1]} : vector<64x768xf32> to vector<1x768xf32>
      %add3A_1303 = arith.addf %get3A_1301, %slice3A_1302 : vector<1x768xf32>
      %swap3A_1304 = arith.index_cast %get3A_1298 : i32 to index
      %swap3A_1305 = arith.constant 0 : index
      %swap3A_1306 = vector.load %arg8[%swap3A_1304, %swap3A_1305] : memref<2048x768xf32, #tpu.memory_space<vmem>>, vector<1x768xf32>
      tpu.vector_store %arg8[%swap3A_1304, %swap3A_1305], %add3A_1303 {strides = array<i32>} : memref<2048x768xf32, #tpu.memory_space<vmem>>, vector<1x768xf32>,
      %add3A_1307 = arith.constant 52 : i32
      %add3A_1308 = arith.addi %mul3A_15, %add3A_1307 : i32
      %get3A_1309 = arith.index_cast %add3A_1308 : i32 to index
      %get3A_1310 = memref.load %arg3[%get3A_1309] : memref<8192xi32, #tpu.memory_space<smem>>
      %get3A_1311 = arith.index_cast %get3A_1310 : i32 to index
      %get3A_1312 = arith.constant 0 : index
      %get3A_1313 = vector.load %arg8[%get3A_1311, %get3A_1312] : memref<2048x768xf32, #tpu.memory_space<vmem>>, vector<1x768xf32>
      %slice3A_1314 = vector.extract_strided_slice %mul3A_683 {offsets = [52, 0], sizes = [1, 768], strides = [1, 1]} : vector<64x768xf32> to vector<1x768xf32>
      %add3A_1315 = arith.addf %get3A_1313, %slice3A_1314 : vector<1x768xf32>
      %swap3A_1316 = arith.index_cast %get3A_1310 : i32 to index
      %swap3A_1317 = arith.constant 0 : index
      %swap3A_1318 = vector.load %arg8[%swap3A_1316, %swap3A_1317] : memref<2048x768xf32, #tpu.memory_space<vmem>>, vector<1x768xf32>
      tpu.vector_store %arg8[%swap3A_1316, %swap3A_1317], %add3A_1315 {strides = array<i32>} : memref<2048x768xf32, #tpu.memory_space<vmem>>, vector<1x768xf32>,
      %add3A_1319 = arith.constant 53 : i32
      %add3A_1320 = arith.addi %mul3A_15, %add3A_1319 : i32
      %get3A_1321 = arith.index_cast %add3A_1320 : i32 to index
      %get3A_1322 = memref.load %arg3[%get3A_1321] : memref<8192xi32, #tpu.memory_space<smem>>
      %get3A_1323 = arith.index_cast %get3A_1322 : i32 to index
      %get3A_1324 = arith.constant 0 : index
      %get3A_1325 = vector.load %arg8[%get3A_1323, %get3A_1324] : memref<2048x768xf32, #tpu.memory_space<vmem>>, vector<1x768xf32>
      %slice3A_1326 = vector.extract_strided_slice %mul3A_683 {offsets = [53, 0], sizes = [1, 768], strides = [1, 1]} : vector<64x768xf32> to vector<1x768xf32>
      %add3A_1327 = arith.addf %get3A_1325, %slice3A_1326 : vector<1x768xf32>
      %swap3A_1328 = arith.index_cast %get3A_1322 : i32 to index
      %swap3A_1329 = arith.constant 0 : index
      %swap3A_1330 = vector.load %arg8[%swap3A_1328, %swap3A_1329] : memref<2048x768xf32, #tpu.memory_space<vmem>>, vector<1x768xf32>
      tpu.vector_store %arg8[%swap3A_1328, %swap3A_1329], %add3A_1327 {strides = array<i32>} : memref<2048x768xf32, #tpu.memory_space<vmem>>, vector<1x768xf32>,
      %add3A_1331 = arith.constant 54 : i32
      %add3A_1332 = arith.addi %mul3A_15, %add3A_1331 : i32
      %get3A_1333 = arith.index_cast %add3A_1332 : i32 to index
      %get3A_1334 = memref.load %arg3[%get3A_1333] : memref<8192xi32, #tpu.memory_space<smem>>
      %get3A_1335 = arith.index_cast %get3A_1334 : i32 to index
      %get3A_1336 = arith.constant 0 : index
      %get3A_1337 = vector.load %arg8[%get3A_1335, %get3A_1336] : memref<2048x768xf32, #tpu.memory_space<vmem>>, vector<1x768xf32>
      %slice3A_1338 = vector.extract_strided_slice %mul3A_683 {offsets = [54, 0], sizes = [1, 768], strides = [1, 1]} : vector<64x768xf32> to vector<1x768xf32>
      %add3A_1339 = arith.addf %get3A_1337, %slice3A_1338 : vector<1x768xf32>
      %swap3A_1340 = arith.index_cast %get3A_1334 : i32 to index
      %swap3A_1341 = arith.constant 0 : index
      %swap3A_1342 = vector.load %arg8[%swap3A_1340, %swap3A_1341] : memref<2048x768xf32, #tpu.memory_space<vmem>>, vector<1x768xf32>
      tpu.vector_store %arg8[%swap3A_1340, %swap3A_1341], %add3A_1339 {strides = array<i32>} : memref<2048x768xf32, #tpu.memory_space<vmem>>, vector<1x768xf32>,
      %add3A_1343 = arith.constant 55 : i32
      %add3A_1344 = arith.addi %mul3A_15, %add3A_1343 : i32
      %get3A_1345 = arith.index_cast %add3A_1344 : i32 to index
      %get3A_1346 = memref.load %arg3[%get3A_1345] : memref<8192xi32, #tpu.memory_space<smem>>
      %get3A_1347 = arith.index_cast %get3A_1346 : i32 to index
      %get3A_1348 = arith.constant 0 : index
      %get3A_1349 = vector.load %arg8[%get3A_1347, %get3A_1348] : memref<2048x768xf32, #tpu.memory_space<vmem>>, vector<1x768xf32>
      %slice3A_1350 = vector.extract_strided_slice %mul3A_683 {offsets = [55, 0], sizes = [1, 768], strides = [1, 1]} : vector<64x768xf32> to vector<1x768xf32>
      %add3A_1351 = arith.addf %get3A_1349, %slice3A_1350 : vector<1x768xf32>
      %swap3A_1352 = arith.index_cast %get3A_1346 : i32 to index
      %swap3A_1353 = arith.constant 0 : index
      %swap3A_1354 = vector.load %arg8[%swap3A_1352, %swap3A_1353] : memref<2048x768xf32, #tpu.memory_space<vmem>>, vector<1x768xf32>
      tpu.vector_store %arg8[%swap3A_1352, %swap3A_1353], %add3A_1351 {strides = array<i32>} : memref<2048x768xf32, #tpu.memory_space<vmem>>, vector<1x768xf32>,
      %add3A_1355 = arith.constant 56 : i32
      %add3A_1356 = arith.addi %mul3A_15, %add3A_1355 : i32
      %get3A_1357 = arith.index_cast %add3A_1356 : i32 to index
      %get3A_1358 = memref.load %arg3[%get3A_1357] : memref<8192xi32, #tpu.memory_space<smem>>
      %get3A_1359 = arith.index_cast %get3A_1358 : i32 to index
      %get3A_1360 = arith.constant 0 : index
      %get3A_1361 = vector.load %arg8[%get3A_1359, %get3A_1360] : memref<2048x768xf32, #tpu.memory_space<vmem>>, vector<1x768xf32>
      %slice3A_1362 = vector.extract_strided_slice %mul3A_683 {offsets = [56, 0], sizes = [1, 768], strides = [1, 1]} : vector<64x768xf32> to vector<1x768xf32>
      %add3A_1363 = arith.addf %get3A_1361, %slice3A_1362 : vector<1x768xf32>
      %swap3A_1364 = arith.index_cast %get3A_1358 : i32 to index
      %swap3A_1365 = arith.constant 0 : index
      %swap3A_1366 = vector.load %arg8[%swap3A_1364, %swap3A_1365] : memref<2048x768xf32, #tpu.memory_space<vmem>>, vector<1x768xf32>
      tpu.vector_store %arg8[%swap3A_1364, %swap3A_1365], %add3A_1363 {strides = array<i32>} : memref<2048x768xf32, #tpu.memory_space<vmem>>, vector<1x768xf32>,
      %add3A_1367 = arith.constant 57 : i32
      %add3A_1368 = arith.addi %mul3A_15, %add3A_1367 : i32
      %get3A_1369 = arith.index_cast %add3A_1368 : i32 to index
      %get3A_1370 = memref.load %arg3[%get3A_1369] : memref<8192xi32, #tpu.memory_space<smem>>
      %get3A_1371 = arith.index_cast %get3A_1370 : i32 to index
      %get3A_1372 = arith.constant 0 : index
      %get3A_1373 = vector.load %arg8[%get3A_1371, %get3A_1372] : memref<2048x768xf32, #tpu.memory_space<vmem>>, vector<1x768xf32>
      %slice3A_1374 = vector.extract_strided_slice %mul3A_683 {offsets = [57, 0], sizes = [1, 768], strides = [1, 1]} : vector<64x768xf32> to vector<1x768xf32>
      %add3A_1375 = arith.addf %get3A_1373, %slice3A_1374 : vector<1x768xf32>
      %swap3A_1376 = arith.index_cast %get3A_1370 : i32 to index
      %swap3A_1377 = arith.constant 0 : index
      %swap3A_1378 = vector.load %arg8[%swap3A_1376, %swap3A_1377] : memref<2048x768xf32, #tpu.memory_space<vmem>>, vector<1x768xf32>
      tpu.vector_store %arg8[%swap3A_1376, %swap3A_1377], %add3A_1375 {strides = array<i32>} : memref<2048x768xf32, #tpu.memory_space<vmem>>, vector<1x768xf32>,
      %add3A_1379 = arith.constant 58 : i32
      %add3A_1380 = arith.addi %mul3A_15, %add3A_1379 : i32
      %get3A_1381 = arith.index_cast %add3A_1380 : i32 to index
      %get3A_1382 = memref.load %arg3[%get3A_1381] : memref<8192xi32, #tpu.memory_space<smem>>
      %get3A_1383 = arith.index_cast %get3A_1382 : i32 to index
      %get3A_1384 = arith.constant 0 : index
      %get3A_1385 = vector.load %arg8[%get3A_1383, %get3A_1384] : memref<2048x768xf32, #tpu.memory_space<vmem>>, vector<1x768xf32>
      %slice3A_1386 = vector.extract_strided_slice %mul3A_683 {offsets = [58, 0], sizes = [1, 768], strides = [1, 1]} : vector<64x768xf32> to vector<1x768xf32>
      %add3A_1387 = arith.addf %get3A_1385, %slice3A_1386 : vector<1x768xf32>
      %swap3A_1388 = arith.index_cast %get3A_1382 : i32 to index
      %swap3A_1389 = arith.constant 0 : index
      %swap3A_1390 = vector.load %arg8[%swap3A_1388, %swap3A_1389] : memref<2048x768xf32, #tpu.memory_space<vmem>>, vector<1x768xf32>
      tpu.vector_store %arg8[%swap3A_1388, %swap3A_1389], %add3A_1387 {strides = array<i32>} : memref<2048x768xf32, #tpu.memory_space<vmem>>, vector<1x768xf32>,
      %add3A_1391 = arith.constant 59 : i32
      %add3A_1392 = arith.addi %mul3A_15, %add3A_1391 : i32
      %get3A_1393 = arith.index_cast %add3A_1392 : i32 to index
      %get3A_1394 = memref.load %arg3[%get3A_1393] : memref<8192xi32, #tpu.memory_space<smem>>
      %get3A_1395 = arith.index_cast %get3A_1394 : i32 to index
      %get3A_1396 = arith.constant 0 : index
      %get3A_1397 = vector.load %arg8[%get3A_1395, %get3A_1396] : memref<2048x768xf32, #tpu.memory_space<vmem>>, vector<1x768xf32>
      %slice3A_1398 = vector.extract_strided_slice %mul3A_683 {offsets = [59, 0], sizes = [1, 768], strides = [1, 1]} : vector<64x768xf32> to vector<1x768xf32>
      %add3A_1399 = arith.addf %get3A_1397, %slice3A_1398 : vector<1x768xf32>
      %swap3A_1400 = arith.index_cast %get3A_1394 : i32 to index
      %swap3A_1401 = arith.constant 0 : index
      %swap3A_1402 = vector.load %arg8[%swap3A_1400, %swap3A_1401] : memref<2048x768xf32, #tpu.memory_space<vmem>>, vector<1x768xf32>
      tpu.vector_store %arg8[%swap3A_1400, %swap3A_1401], %add3A_1399 {strides = array<i32>} : memref<2048x768xf32, #tpu.memory_space<vmem>>, vector<1x768xf32>,
      %add3A_1403 = arith.constant 60 : i32
      %add3A_1404 = arith.addi %mul3A_15, %add3A_1403 : i32
      %get3A_1405 = arith.index_cast %add3A_1404 : i32 to index
      %get3A_1406 = memref.load %arg3[%get3A_1405] : memref<8192xi32, #tpu.memory_space<smem>>
      %get3A_1407 = arith.index_cast %get3A_1406 : i32 to index
      %get3A_1408 = arith.constant 0 : index
      %get3A_1409 = vector.load %arg8[%get3A_1407, %get3A_1408] : memref<2048x768xf32, #tpu.memory_space<vmem>>, vector<1x768xf32>
      %slice3A_1410 = vector.extract_strided_slice %mul3A_683 {offsets = [60, 0], sizes = [1, 768], strides = [1, 1]} : vector<64x768xf32> to vector<1x768xf32>
      %add3A_1411 = arith.addf %get3A_1409, %slice3A_1410 : vector<1x768xf32>
      %swap3A_1412 = arith.index_cast %get3A_1406 : i32 to index
      %swap3A_1413 = arith.constant 0 : index
      %swap3A_1414 = vector.load %arg8[%swap3A_1412, %swap3A_1413] : memref<2048x768xf32, #tpu.memory_space<vmem>>, vector<1x768xf32>
      tpu.vector_store %arg8[%swap3A_1412, %swap3A_1413], %add3A_1411 {strides = array<i32>} : memref<2048x768xf32, #tpu.memory_space<vmem>>, vector<1x768xf32>,
      %add3A_1415 = arith.constant 61 : i32
      %add3A_1416 = arith.addi %mul3A_15, %add3A_1415 : i32
      %get3A_1417 = arith.index_cast %add3A_1416 : i32 to index
      %get3A_1418 = memref.load %arg3[%get3A_1417] : memref<8192xi32, #tpu.memory_space<smem>>
      %get3A_1419 = arith.index_cast %get3A_1418 : i32 to index
      %get3A_1420 = arith.constant 0 : index
      %get3A_1421 = vector.load %arg8[%get3A_1419, %get3A_1420] : memref<2048x768xf32, #tpu.memory_space<vmem>>, vector<1x768xf32>
      %slice3A_1422 = vector.extract_strided_slice %mul3A_683 {offsets = [61, 0], sizes = [1, 768], strides = [1, 1]} : vector<64x768xf32> to vector<1x768xf32>
      %add3A_1423 = arith.addf %get3A_1421, %slice3A_1422 : vector<1x768xf32>
      %swap3A_1424 = arith.index_cast %get3A_1418 : i32 to index
      %swap3A_1425 = arith.constant 0 : index
      %swap3A_1426 = vector.load %arg8[%swap3A_1424, %swap3A_1425] : memref<2048x768xf32, #tpu.memory_space<vmem>>, vector<1x768xf32>
      tpu.vector_store %arg8[%swap3A_1424, %swap3A_1425], %add3A_1423 {strides = array<i32>} : memref<2048x768xf32, #tpu.memory_space<vmem>>, vector<1x768xf32>,
      %add3A_1427 = arith.constant 62 : i32
      %add3A_1428 = arith.addi %mul3A_15, %add3A_1427 : i32
      %get3A_1429 = arith.index_cast %add3A_1428 : i32 to index
      %get3A_1430 = memref.load %arg3[%get3A_1429] : memref<8192xi32, #tpu.memory_space<smem>>
      %get3A_1431 = arith.index_cast %get3A_1430 : i32 to index
      %get3A_1432 = arith.constant 0 : index
      %get3A_1433 = vector.load %arg8[%get3A_1431, %get3A_1432] : memref<2048x768xf32, #tpu.memory_space<vmem>>, vector<1x768xf32>
      %slice3A_1434 = vector.extract_strided_slice %mul3A_683 {offsets = [62, 0], sizes = [1, 768], strides = [1, 1]} : vector<64x768xf32> to vector<1x768xf32>
      %add3A_1435 = arith.addf %get3A_1433, %slice3A_1434 : vector<1x768xf32>
      %swap3A_1436 = arith.index_cast %get3A_1430 : i32 to index
      %swap3A_1437 = arith.constant 0 : index
      %swap3A_1438 = vector.load %arg8[%swap3A_1436, %swap3A_1437] : memref<2048x768xf32, #tpu.memory_space<vmem>>, vector<1x768xf32>
      tpu.vector_store %arg8[%swap3A_1436, %swap3A_1437], %add3A_1435 {strides = array<i32>} : memref<2048x768xf32, #tpu.memory_space<vmem>>, vector<1x768xf32>,
      %add3A_1439 = arith.constant 63 : i32
      %add3A_1440 = arith.addi %mul3A_15, %add3A_1439 : i32
      %get3A_1441 = arith.index_cast %add3A_1440 : i32 to index
      %get3A_1442 = memref.load %arg3[%get3A_1441] : memref<8192xi32, #tpu.memory_space<smem>>
      %get3A_1443 = arith.index_cast %get3A_1442 : i32 to index
      %get3A_1444 = arith.constant 0 : index
      %get3A_1445 = vector.load %arg8[%get3A_1443, %get3A_1444] : memref<2048x768xf32, #tpu.memory_space<vmem>>, vector<1x768xf32>
      %slice3A_1446 = vector.extract_strided_slice %mul3A_683 {offsets = [63, 0], sizes = [1, 768], strides = [1, 1]} : vector<64x768xf32> to vector<1x768xf32>
      %add3A_1447 = arith.addf %get3A_1445, %slice3A_1446 : vector<1x768xf32>
      %swap3A_1448 = arith.index_cast %get3A_1442 : i32 to index
      %swap3A_1449 = arith.constant 0 : index
      %swap3A_1450 = vector.load %arg8[%swap3A_1448, %swap3A_1449] : memref<2048x768xf32, #tpu.memory_space<vmem>>, vector<1x768xf32>
      tpu.vector_store %arg8[%swap3A_1448, %swap3A_1449], %add3A_1447 {strides = array<i32>} : memref<2048x768xf32, #tpu.memory_space<vmem>>, vector<1x768xf32>,
    }
    %while3A_13 = arith.constant 1 : i32
    scf.for %while3A_14 = %while3A_11 to %while3A_7 step %while3A_13  : i32 {
      %add3A = arith.addi %get3A_2, %while3A_14 : i32
      %mul3A = arith.constant 64 : i32
      %mul3A_15 = arith.muli %add3A, %mul3A : i32
      %add3A_16 = arith.constant 0 : i32
      %add3A_17 = arith.addi %mul3A_15, %add3A_16 : i32
      %get3A_18 = arith.index_cast %add3A_17 : i32 to index
      %get3A_19 = memref.load %arg3[%get3A_18] : memref<8192xi32, #tpu.memory_space<smem>>
      %get3A_20 = arith.index_cast %get3A_19 : i32 to index
      %get3A_21 = arith.constant 0 : index
      %get3A_22 = vector.load %arg4[%get3A_20, %get3A_21] : memref<2048x768xf32, #tpu.memory_space<vmem>>, vector<1x768xf32>
      %swap3A = arith.constant 0 : index
      %swap3A_23 = arith.constant 0 : index
      %swap3A_24 = vector.load %arg9[%swap3A, %swap3A_23] : memref<64x768xf32, #tpu.memory_space<vmem>>, vector<1x768xf32>
      tpu.vector_store %arg9[%swap3A, %swap3A_23], %get3A_22 {strides = array<i32>} : memref<64x768xf32, #tpu.memory_space<vmem>>, vector<1x768xf32>,
      %add3A_25 = arith.constant 1 : i32
      %add3A_26 = arith.addi %mul3A_15, %add3A_25 : i32
      %get3A_27 = arith.index_cast %add3A_26 : i32 to index
      %get3A_28 = memref.load %arg3[%get3A_27] : memref<8192xi32, #tpu.memory_space<smem>>
      %get3A_29 = arith.index_cast %get3A_28 : i32 to index
      %get3A_30 = arith.constant 0 : index
      %get3A_31 = vector.load %arg4[%get3A_29, %get3A_30] : memref<2048x768xf32, #tpu.memory_space<vmem>>, vector<1x768xf32>
      %swap3A_32 = arith.constant 1 : index
      %swap3A_33 = arith.constant 0 : index
      %swap3A_34 = vector.load %arg9[%swap3A_32, %swap3A_33] : memref<64x768xf32, #tpu.memory_space<vmem>>, vector<1x768xf32>
      tpu.vector_store %arg9[%swap3A_32, %swap3A_33], %get3A_31 {strides = array<i32>} : memref<64x768xf32, #tpu.memory_space<vmem>>, vector<1x768xf32>,
      %add3A_35 = arith.constant 2 : i32
      %add3A_36 = arith.addi %mul3A_15, %add3A_35 : i32
      %get3A_37 = arith.index_cast %add3A_36 : i32 to index
      %get3A_38 = memref.load %arg3[%get3A_37] : memref<8192xi32, #tpu.memory_space<smem>>
      %get3A_39 = arith.index_cast %get3A_38 : i32 to index
      %get3A_40 = arith.constant 0 : index
      %get3A_41 = vector.load %arg4[%get3A_39, %get3A_40] : memref<2048x768xf32, #tpu.memory_space<vmem>>, vector<1x768xf32>
      %swap3A_42 = arith.constant 2 : index
      %swap3A_43 = arith.constant 0 : index
      %swap3A_44 = vector.load %arg9[%swap3A_42, %swap3A_43] : memref<64x768xf32, #tpu.memory_space<vmem>>, vector<1x768xf32>
      tpu.vector_store %arg9[%swap3A_42, %swap3A_43], %get3A_41 {strides = array<i32>} : memref<64x768xf32, #tpu.memory_space<vmem>>, vector<1x768xf32>,
      %add3A_45 = arith.constant 3 : i32
      %add3A_46 = arith.addi %mul3A_15, %add3A_45 : i32
      %get3A_47 = arith.index_cast %add3A_46 : i32 to index
      %get3A_48 = memref.load %arg3[%get3A_47] : memref<8192xi32, #tpu.memory_space<smem>>
      %get3A_49 = arith.index_cast %get3A_48 : i32 to index
      %get3A_50 = arith.constant 0 : index
      %get3A_51 = vector.load %arg4[%get3A_49, %get3A_50] : memref<2048x768xf32, #tpu.memory_space<vmem>>, vector<1x768xf32>
      %swap3A_52 = arith.constant 3 : index
      %swap3A_53 = arith.constant 0 : index
      %swap3A_54 = vector.load %arg9[%swap3A_52, %swap3A_53] : memref<64x768xf32, #tpu.memory_space<vmem>>, vector<1x768xf32>
      tpu.vector_store %arg9[%swap3A_52, %swap3A_53], %get3A_51 {strides = array<i32>} : memref<64x768xf32, #tpu.memory_space<vmem>>, vector<1x768xf32>,
      %add3A_55 = arith.constant 4 : i32
      %add3A_56 = arith.addi %mul3A_15, %add3A_55 : i32
      %get3A_57 = arith.index_cast %add3A_56 : i32 to index
      %get3A_58 = memref.load %arg3[%get3A_57] : memref<8192xi32, #tpu.memory_space<smem>>
      %get3A_59 = arith.index_cast %get3A_58 : i32 to index
      %get3A_60 = arith.constant 0 : index
      %get3A_61 = vector.load %arg4[%get3A_59, %get3A_60] : memref<2048x768xf32, #tpu.memory_space<vmem>>, vector<1x768xf32>
      %swap3A_62 = arith.constant 4 : index
      %swap3A_63 = arith.constant 0 : index
      %swap3A_64 = vector.load %arg9[%swap3A_62, %swap3A_63] : memref<64x768xf32, #tpu.memory_space<vmem>>, vector<1x768xf32>
      tpu.vector_store %arg9[%swap3A_62, %swap3A_63], %get3A_61 {strides = array<i32>} : memref<64x768xf32, #tpu.memory_space<vmem>>, vector<1x768xf32>,
      %add3A_65 = arith.constant 5 : i32
      %add3A_66 = arith.addi %mul3A_15, %add3A_65 : i32
      %get3A_67 = arith.index_cast %add3A_66 : i32 to index
      %get3A_68 = memref.load %arg3[%get3A_67] : memref<8192xi32, #tpu.memory_space<smem>>
      %get3A_69 = arith.index_cast %get3A_68 : i32 to index
      %get3A_70 = arith.constant 0 : index
      %get3A_71 = vector.load %arg4[%get3A_69, %get3A_70] : memref<2048x768xf32, #tpu.memory_space<vmem>>, vector<1x768xf32>
      %swap3A_72 = arith.constant 5 : index
      %swap3A_73 = arith.constant 0 : index
      %swap3A_74 = vector.load %arg9[%swap3A_72, %swap3A_73] : memref<64x768xf32, #tpu.memory_space<vmem>>, vector<1x768xf32>
      tpu.vector_store %arg9[%swap3A_72, %swap3A_73], %get3A_71 {strides = array<i32>} : memref<64x768xf32, #tpu.memory_space<vmem>>, vector<1x768xf32>,
      %add3A_75 = arith.constant 6 : i32
      %add3A_76 = arith.addi %mul3A_15, %add3A_75 : i32
      %get3A_77 = arith.index_cast %add3A_76 : i32 to index
      %get3A_78 = memref.load %arg3[%get3A_77] : memref<8192xi32, #tpu.memory_space<smem>>
      %get3A_79 = arith.index_cast %get3A_78 : i32 to index
      %get3A_80 = arith.constant 0 : index
      %get3A_81 = vector.load %arg4[%get3A_79, %get3A_80] : memref<2048x768xf32, #tpu.memory_space<vmem>>, vector<1x768xf32>
      %swap3A_82 = arith.constant 6 : index
      %swap3A_83 = arith.constant 0 : index
      %swap3A_84 = vector.load %arg9[%swap3A_82, %swap3A_83] : memref<64x768xf32, #tpu.memory_space<vmem>>, vector<1x768xf32>
      tpu.vector_store %arg9[%swap3A_82, %swap3A_83], %get3A_81 {strides = array<i32>} : memref<64x768xf32, #tpu.memory_space<vmem>>, vector<1x768xf32>,
      %add3A_85 = arith.constant 7 : i32
      %add3A_86 = arith.addi %mul3A_15, %add3A_85 : i32
      %get3A_87 = arith.index_cast %add3A_86 : i32 to index
      %get3A_88 = memref.load %arg3[%get3A_87] : memref<8192xi32, #tpu.memory_space<smem>>
      %get3A_89 = arith.index_cast %get3A_88 : i32 to index
      %get3A_90 = arith.constant 0 : index
      %get3A_91 = vector.load %arg4[%get3A_89, %get3A_90] : memref<2048x768xf32, #tpu.memory_space<vmem>>, vector<1x768xf32>
      %swap3A_92 = arith.constant 7 : index
      %swap3A_93 = arith.constant 0 : index
      %swap3A_94 = vector.load %arg9[%swap3A_92, %swap3A_93] : memref<64x768xf32, #tpu.memory_space<vmem>>, vector<1x768xf32>
      tpu.vector_store %arg9[%swap3A_92, %swap3A_93], %get3A_91 {strides = array<i32>} : memref<64x768xf32, #tpu.memory_space<vmem>>, vector<1x768xf32>,
      %add3A_95 = arith.constant 8 : i32
      %add3A_96 = arith.addi %mul3A_15, %add3A_95 : i32
      %get3A_97 = arith.index_cast %add3A_96 : i32 to index
      %get3A_98 = memref.load %arg3[%get3A_97] : memref<8192xi32, #tpu.memory_space<smem>>
      %get3A_99 = arith.index_cast %get3A_98 : i32 to index
      %get3A_100 = arith.constant 0 : index
      %get3A_101 = vector.load %arg4[%get3A_99, %get3A_100] : memref<2048x768xf32, #tpu.memory_space<vmem>>, vector<1x768xf32>
      %swap3A_102 = arith.constant 8 : index
      %swap3A_103 = arith.constant 0 : index
      %swap3A_104 = vector.load %arg9[%swap3A_102, %swap3A_103] : memref<64x768xf32, #tpu.memory_space<vmem>>, vector<1x768xf32>
      tpu.vector_store %arg9[%swap3A_102, %swap3A_103], %get3A_101 {strides = array<i32>} : memref<64x768xf32, #tpu.memory_space<vmem>>, vector<1x768xf32>,
      %add3A_105 = arith.constant 9 : i32
      %add3A_106 = arith.addi %mul3A_15, %add3A_105 : i32
      %get3A_107 = arith.index_cast %add3A_106 : i32 to index
      %get3A_108 = memref.load %arg3[%get3A_107] : memref<8192xi32, #tpu.memory_space<smem>>
      %get3A_109 = arith.index_cast %get3A_108 : i32 to index
      %get3A_110 = arith.constant 0 : index
      %get3A_111 = vector.load %arg4[%get3A_109, %get3A_110] : memref<2048x768xf32, #tpu.memory_space<vmem>>, vector<1x768xf32>
      %swap3A_112 = arith.constant 9 : index
      %swap3A_113 = arith.constant 0 : index
      %swap3A_114 = vector.load %arg9[%swap3A_112, %swap3A_113] : memref<64x768xf32, #tpu.memory_space<vmem>>, vector<1x768xf32>
      tpu.vector_store %arg9[%swap3A_112, %swap3A_113], %get3A_111 {strides = array<i32>} : memref<64x768xf32, #tpu.memory_space<vmem>>, vector<1x768xf32>,
      %add3A_115 = arith.constant 10 : i32
      %add3A_116 = arith.addi %mul3A_15, %add3A_115 : i32
      %get3A_117 = arith.index_cast %add3A_116 : i32 to index
      %get3A_118 = memref.load %arg3[%get3A_117] : memref<8192xi32, #tpu.memory_space<smem>>
      %get3A_119 = arith.index_cast %get3A_118 : i32 to index
      %get3A_120 = arith.constant 0 : index
      %get3A_121 = vector.load %arg4[%get3A_119, %get3A_120] : memref<2048x768xf32, #tpu.memory_space<vmem>>, vector<1x768xf32>
      %swap3A_122 = arith.constant 10 : index
      %swap3A_123 = arith.constant 0 : index
      %swap3A_124 = vector.load %arg9[%swap3A_122, %swap3A_123] : memref<64x768xf32, #tpu.memory_space<vmem>>, vector<1x768xf32>
      tpu.vector_store %arg9[%swap3A_122, %swap3A_123], %get3A_121 {strides = array<i32>} : memref<64x768xf32, #tpu.memory_space<vmem>>, vector<1x768xf32>,
      %add3A_125 = arith.constant 11 : i32
      %add3A_126 = arith.addi %mul3A_15, %add3A_125 : i32
      %get3A_127 = arith.index_cast %add3A_126 : i32 to index
      %get3A_128 = memref.load %arg3[%get3A_127] : memref<8192xi32, #tpu.memory_space<smem>>
      %get3A_129 = arith.index_cast %get3A_128 : i32 to index
      %get3A_130 = arith.constant 0 : index
      %get3A_131 = vector.load %arg4[%get3A_129, %get3A_130] : memref<2048x768xf32, #tpu.memory_space<vmem>>, vector<1x768xf32>
      %swap3A_132 = arith.constant 11 : index
      %swap3A_133 = arith.constant 0 : index
      %swap3A_134 = vector.load %arg9[%swap3A_132, %swap3A_133] : memref<64x768xf32, #tpu.memory_space<vmem>>, vector<1x768xf32>
      tpu.vector_store %arg9[%swap3A_132, %swap3A_133], %get3A_131 {strides = array<i32>} : memref<64x768xf32, #tpu.memory_space<vmem>>, vector<1x768xf32>,
      %add3A_135 = arith.constant 12 : i32
      %add3A_136 = arith.addi %mul3A_15, %add3A_135 : i32
      %get3A_137 = arith.index_cast %add3A_136 : i32 to index
      %get3A_138 = memref.load %arg3[%get3A_137] : memref<8192xi32, #tpu.memory_space<smem>>
      %get3A_139 = arith.index_cast %get3A_138 : i32 to index
      %get3A_140 = arith.constant 0 : index
      %get3A_141 = vector.load %arg4[%get3A_139, %get3A_140] : memref<2048x768xf32, #tpu.memory_space<vmem>>, vector<1x768xf32>
      %swap3A_142 = arith.constant 12 : index
      %swap3A_143 = arith.constant 0 : index
      %swap3A_144 = vector.load %arg9[%swap3A_142, %swap3A_143] : memref<64x768xf32, #tpu.memory_space<vmem>>, vector<1x768xf32>
      tpu.vector_store %arg9[%swap3A_142, %swap3A_143], %get3A_141 {strides = array<i32>} : memref<64x768xf32, #tpu.memory_space<vmem>>, vector<1x768xf32>,
      %add3A_145 = arith.constant 13 : i32
      %add3A_146 = arith.addi %mul3A_15, %add3A_145 : i32
      %get3A_147 = arith.index_cast %add3A_146 : i32 to index
      %get3A_148 = memref.load %arg3[%get3A_147] : memref<8192xi32, #tpu.memory_space<smem>>
      %get3A_149 = arith.index_cast %get3A_148 : i32 to index
      %get3A_150 = arith.constant 0 : index
      %get3A_151 = vector.load %arg4[%get3A_149, %get3A_150] : memref<2048x768xf32, #tpu.memory_space<vmem>>, vector<1x768xf32>
      %swap3A_152 = arith.constant 13 : index
      %swap3A_153 = arith.constant 0 : index
      %swap3A_154 = vector.load %arg9[%swap3A_152, %swap3A_153] : memref<64x768xf32, #tpu.memory_space<vmem>>, vector<1x768xf32>
      tpu.vector_store %arg9[%swap3A_152, %swap3A_153], %get3A_151 {strides = array<i32>} : memref<64x768xf32, #tpu.memory_space<vmem>>, vector<1x768xf32>,
      %add3A_155 = arith.constant 14 : i32
      %add3A_156 = arith.addi %mul3A_15, %add3A_155 : i32
      %get3A_157 = arith.index_cast %add3A_156 : i32 to index
      %get3A_158 = memref.load %arg3[%get3A_157] : memref<8192xi32, #tpu.memory_space<smem>>
      %get3A_159 = arith.index_cast %get3A_158 : i32 to index
      %get3A_160 = arith.constant 0 : index
      %get3A_161 = vector.load %arg4[%get3A_159, %get3A_160] : memref<2048x768xf32, #tpu.memory_space<vmem>>, vector<1x768xf32>
      %swap3A_162 = arith.constant 14 : index
      %swap3A_163 = arith.constant 0 : index
      %swap3A_164 = vector.load %arg9[%swap3A_162, %swap3A_163] : memref<64x768xf32, #tpu.memory_space<vmem>>, vector<1x768xf32>
      tpu.vector_store %arg9[%swap3A_162, %swap3A_163], %get3A_161 {strides = array<i32>} : memref<64x768xf32, #tpu.memory_space<vmem>>, vector<1x768xf32>,
      %add3A_165 = arith.constant 15 : i32
      %add3A_166 = arith.addi %mul3A_15, %add3A_165 : i32
      %get3A_167 = arith.index_cast %add3A_166 : i32 to index
      %get3A_168 = memref.load %arg3[%get3A_167] : memref<8192xi32, #tpu.memory_space<smem>>
      %get3A_169 = arith.index_cast %get3A_168 : i32 to index
      %get3A_170 = arith.constant 0 : index
      %get3A_171 = vector.load %arg4[%get3A_169, %get3A_170] : memref<2048x768xf32, #tpu.memory_space<vmem>>, vector<1x768xf32>
      %swap3A_172 = arith.constant 15 : index
      %swap3A_173 = arith.constant 0 : index
      %swap3A_174 = vector.load %arg9[%swap3A_172, %swap3A_173] : memref<64x768xf32, #tpu.memory_space<vmem>>, vector<1x768xf32>
      tpu.vector_store %arg9[%swap3A_172, %swap3A_173], %get3A_171 {strides = array<i32>} : memref<64x768xf32, #tpu.memory_space<vmem>>, vector<1x768xf32>,
      %add3A_175 = arith.constant 16 : i32
      %add3A_176 = arith.addi %mul3A_15, %add3A_175 : i32
      %get3A_177 = arith.index_cast %add3A_176 : i32 to index
      %get3A_178 = memref.load %arg3[%get3A_177] : memref<8192xi32, #tpu.memory_space<smem>>
      %get3A_179 = arith.index_cast %get3A_178 : i32 to index
      %get3A_180 = arith.constant 0 : index
      %get3A_181 = vector.load %arg4[%get3A_179, %get3A_180] : memref<2048x768xf32, #tpu.memory_space<vmem>>, vector<1x768xf32>
      %swap3A_182 = arith.constant 16 : index
      %swap3A_183 = arith.constant 0 : index
      %swap3A_184 = vector.load %arg9[%swap3A_182, %swap3A_183] : memref<64x768xf32, #tpu.memory_space<vmem>>, vector<1x768xf32>
      tpu.vector_store %arg9[%swap3A_182, %swap3A_183], %get3A_181 {strides = array<i32>} : memref<64x768xf32, #tpu.memory_space<vmem>>, vector<1x768xf32>,
      %add3A_185 = arith.constant 17 : i32
      %add3A_186 = arith.addi %mul3A_15, %add3A_185 : i32
      %get3A_187 = arith.index_cast %add3A_186 : i32 to index
      %get3A_188 = memref.load %arg3[%get3A_187] : memref<8192xi32, #tpu.memory_space<smem>>
      %get3A_189 = arith.index_cast %get3A_188 : i32 to index
      %get3A_190 = arith.constant 0 : index
      %get3A_191 = vector.load %arg4[%get3A_189, %get3A_190] : memref<2048x768xf32, #tpu.memory_space<vmem>>, vector<1x768xf32>
      %swap3A_192 = arith.constant 17 : index
      %swap3A_193 = arith.constant 0 : index
      %swap3A_194 = vector.load %arg9[%swap3A_192, %swap3A_193] : memref<64x768xf32, #tpu.memory_space<vmem>>, vector<1x768xf32>
      tpu.vector_store %arg9[%swap3A_192, %swap3A_193], %get3A_191 {strides = array<i32>} : memref<64x768xf32, #tpu.memory_space<vmem>>, vector<1x768xf32>,
      %add3A_195 = arith.constant 18 : i32
      %add3A_196 = arith.addi %mul3A_15, %add3A_195 : i32
      %get3A_197 = arith.index_cast %add3A_196 : i32 to index
      %get3A_198 = memref.load %arg3[%get3A_197] : memref<8192xi32, #tpu.memory_space<smem>>
      %get3A_199 = arith.index_cast %get3A_198 : i32 to index
      %get3A_200 = arith.constant 0 : index
      %get3A_201 = vector.load %arg4[%get3A_199, %get3A_200] : memref<2048x768xf32, #tpu.memory_space<vmem>>, vector<1x768xf32>
      %swap3A_202 = arith.constant 18 : index
      %swap3A_203 = arith.constant 0 : index
      %swap3A_204 = vector.load %arg9[%swap3A_202, %swap3A_203] : memref<64x768xf32, #tpu.memory_space<vmem>>, vector<1x768xf32>
      tpu.vector_store %arg9[%swap3A_202, %swap3A_203], %get3A_201 {strides = array<i32>} : memref<64x768xf32, #tpu.memory_space<vmem>>, vector<1x768xf32>,
      %add3A_205 = arith.constant 19 : i32
      %add3A_206 = arith.addi %mul3A_15, %add3A_205 : i32
      %get3A_207 = arith.index_cast %add3A_206 : i32 to index
      %get3A_208 = memref.load %arg3[%get3A_207] : memref<8192xi32, #tpu.memory_space<smem>>
      %get3A_209 = arith.index_cast %get3A_208 : i32 to index
      %get3A_210 = arith.constant 0 : index
      %get3A_211 = vector.load %arg4[%get3A_209, %get3A_210] : memref<2048x768xf32, #tpu.memory_space<vmem>>, vector<1x768xf32>
      %swap3A_212 = arith.constant 19 : index
      %swap3A_213 = arith.constant 0 : index
      %swap3A_214 = vector.load %arg9[%swap3A_212, %swap3A_213] : memref<64x768xf32, #tpu.memory_space<vmem>>, vector<1x768xf32>
      tpu.vector_store %arg9[%swap3A_212, %swap3A_213], %get3A_211 {strides = array<i32>} : memref<64x768xf32, #tpu.memory_space<vmem>>, vector<1x768xf32>,
      %add3A_215 = arith.constant 20 : i32
      %add3A_216 = arith.addi %mul3A_15, %add3A_215 : i32
      %get3A_217 = arith.index_cast %add3A_216 : i32 to index
      %get3A_218 = memref.load %arg3[%get3A_217] : memref<8192xi32, #tpu.memory_space<smem>>
      %get3A_219 = arith.index_cast %get3A_218 : i32 to index
      %get3A_220 = arith.constant 0 : index
      %get3A_221 = vector.load %arg4[%get3A_219, %get3A_220] : memref<2048x768xf32, #tpu.memory_space<vmem>>, vector<1x768xf32>
      %swap3A_222 = arith.constant 20 : index
      %swap3A_223 = arith.constant 0 : index
      %swap3A_224 = vector.load %arg9[%swap3A_222, %swap3A_223] : memref<64x768xf32, #tpu.memory_space<vmem>>, vector<1x768xf32>
      tpu.vector_store %arg9[%swap3A_222, %swap3A_223], %get3A_221 {strides = array<i32>} : memref<64x768xf32, #tpu.memory_space<vmem>>, vector<1x768xf32>,
      %add3A_225 = arith.constant 21 : i32
      %add3A_226 = arith.addi %mul3A_15, %add3A_225 : i32
      %get3A_227 = arith.index_cast %add3A_226 : i32 to index
      %get3A_228 = memref.load %arg3[%get3A_227] : memref<8192xi32, #tpu.memory_space<smem>>
      %get3A_229 = arith.index_cast %get3A_228 : i32 to index
      %get3A_230 = arith.constant 0 : index
      %get3A_231 = vector.load %arg4[%get3A_229, %get3A_230] : memref<2048x768xf32, #tpu.memory_space<vmem>>, vector<1x768xf32>
      %swap3A_232 = arith.constant 21 : index
      %swap3A_233 = arith.constant 0 : index
      %swap3A_234 = vector.load %arg9[%swap3A_232, %swap3A_233] : memref<64x768xf32, #tpu.memory_space<vmem>>, vector<1x768xf32>
      tpu.vector_store %arg9[%swap3A_232, %swap3A_233], %get3A_231 {strides = array<i32>} : memref<64x768xf32, #tpu.memory_space<vmem>>, vector<1x768xf32>,
      %add3A_235 = arith.constant 22 : i32
      %add3A_236 = arith.addi %mul3A_15, %add3A_235 : i32
      %get3A_237 = arith.index_cast %add3A_236 : i32 to index
      %get3A_238 = memref.load %arg3[%get3A_237] : memref<8192xi32, #tpu.memory_space<smem>>
      %get3A_239 = arith.index_cast %get3A_238 : i32 to index
      %get3A_240 = arith.constant 0 : index
      %get3A_241 = vector.load %arg4[%get3A_239, %get3A_240] : memref<2048x768xf32, #tpu.memory_space<vmem>>, vector<1x768xf32>
      %swap3A_242 = arith.constant 22 : index
      %swap3A_243 = arith.constant 0 : index
      %swap3A_244 = vector.load %arg9[%swap3A_242, %swap3A_243] : memref<64x768xf32, #tpu.memory_space<vmem>>, vector<1x768xf32>
      tpu.vector_store %arg9[%swap3A_242, %swap3A_243], %get3A_241 {strides = array<i32>} : memref<64x768xf32, #tpu.memory_space<vmem>>, vector<1x768xf32>,
      %add3A_245 = arith.constant 23 : i32
      %add3A_246 = arith.addi %mul3A_15, %add3A_245 : i32
      %get3A_247 = arith.index_cast %add3A_246 : i32 to index
      %get3A_248 = memref.load %arg3[%get3A_247] : memref<8192xi32, #tpu.memory_space<smem>>
      %get3A_249 = arith.index_cast %get3A_248 : i32 to index
      %get3A_250 = arith.constant 0 : index
      %get3A_251 = vector.load %arg4[%get3A_249, %get3A_250] : memref<2048x768xf32, #tpu.memory_space<vmem>>, vector<1x768xf32>
      %swap3A_252 = arith.constant 23 : index
      %swap3A_253 = arith.constant 0 : index
      %swap3A_254 = vector.load %arg9[%swap3A_252, %swap3A_253] : memref<64x768xf32, #tpu.memory_space<vmem>>, vector<1x768xf32>
      tpu.vector_store %arg9[%swap3A_252, %swap3A_253], %get3A_251 {strides = array<i32>} : memref<64x768xf32, #tpu.memory_space<vmem>>, vector<1x768xf32>,
      %add3A_255 = arith.constant 24 : i32
      %add3A_256 = arith.addi %mul3A_15, %add3A_255 : i32
      %get3A_257 = arith.index_cast %add3A_256 : i32 to index
      %get3A_258 = memref.load %arg3[%get3A_257] : memref<8192xi32, #tpu.memory_space<smem>>
      %get3A_259 = arith.index_cast %get3A_258 : i32 to index
      %get3A_260 = arith.constant 0 : index
      %get3A_261 = vector.load %arg4[%get3A_259, %get3A_260] : memref<2048x768xf32, #tpu.memory_space<vmem>>, vector<1x768xf32>
      %swap3A_262 = arith.constant 24 : index
      %swap3A_263 = arith.constant 0 : index
      %swap3A_264 = vector.load %arg9[%swap3A_262, %swap3A_263] : memref<64x768xf32, #tpu.memory_space<vmem>>, vector<1x768xf32>
      tpu.vector_store %arg9[%swap3A_262, %swap3A_263], %get3A_261 {strides = array<i32>} : memref<64x768xf32, #tpu.memory_space<vmem>>, vector<1x768xf32>,
      %add3A_265 = arith.constant 25 : i32
      %add3A_266 = arith.addi %mul3A_15, %add3A_265 : i32
      %get3A_267 = arith.index_cast %add3A_266 : i32 to index
      %get3A_268 = memref.load %arg3[%get3A_267] : memref<8192xi32, #tpu.memory_space<smem>>
      %get3A_269 = arith.index_cast %get3A_268 : i32 to index
      %get3A_270 = arith.constant 0 : index
      %get3A_271 = vector.load %arg4[%get3A_269, %get3A_270] : memref<2048x768xf32, #tpu.memory_space<vmem>>, vector<1x768xf32>
      %swap3A_272 = arith.constant 25 : index
      %swap3A_273 = arith.constant 0 : index
      %swap3A_274 = vector.load %arg9[%swap3A_272, %swap3A_273] : memref<64x768xf32, #tpu.memory_space<vmem>>, vector<1x768xf32>
      tpu.vector_store %arg9[%swap3A_272, %swap3A_273], %get3A_271 {strides = array<i32>} : memref<64x768xf32, #tpu.memory_space<vmem>>, vector<1x768xf32>,
      %add3A_275 = arith.constant 26 : i32
      %add3A_276 = arith.addi %mul3A_15, %add3A_275 : i32
      %get3A_277 = arith.index_cast %add3A_276 : i32 to index
      %get3A_278 = memref.load %arg3[%get3A_277] : memref<8192xi32, #tpu.memory_space<smem>>
      %get3A_279 = arith.index_cast %get3A_278 : i32 to index
      %get3A_280 = arith.constant 0 : index
      %get3A_281 = vector.load %arg4[%get3A_279, %get3A_280] : memref<2048x768xf32, #tpu.memory_space<vmem>>, vector<1x768xf32>
      %swap3A_282 = arith.constant 26 : index
      %swap3A_283 = arith.constant 0 : index
      %swap3A_284 = vector.load %arg9[%swap3A_282, %swap3A_283] : memref<64x768xf32, #tpu.memory_space<vmem>>, vector<1x768xf32>
      tpu.vector_store %arg9[%swap3A_282, %swap3A_283], %get3A_281 {strides = array<i32>} : memref<64x768xf32, #tpu.memory_space<vmem>>, vector<1x768xf32>,
      %add3A_285 = arith.constant 27 : i32
      %add3A_286 = arith.addi %mul3A_15, %add3A_285 : i32
      %get3A_287 = arith.index_cast %add3A_286 : i32 to index
      %get3A_288 = memref.load %arg3[%get3A_287] : memref<8192xi32, #tpu.memory_space<smem>>
      %get3A_289 = arith.index_cast %get3A_288 : i32 to index
      %get3A_290 = arith.constant 0 : index
      %get3A_291 = vector.load %arg4[%get3A_289, %get3A_290] : memref<2048x768xf32, #tpu.memory_space<vmem>>, vector<1x768xf32>
      %swap3A_292 = arith.constant 27 : index
      %swap3A_293 = arith.constant 0 : index
      %swap3A_294 = vector.load %arg9[%swap3A_292, %swap3A_293] : memref<64x768xf32, #tpu.memory_space<vmem>>, vector<1x768xf32>
      tpu.vector_store %arg9[%swap3A_292, %swap3A_293], %get3A_291 {strides = array<i32>} : memref<64x768xf32, #tpu.memory_space<vmem>>, vector<1x768xf32>,
      %add3A_295 = arith.constant 28 : i32
      %add3A_296 = arith.addi %mul3A_15, %add3A_295 : i32
      %get3A_297 = arith.index_cast %add3A_296 : i32 to index
      %get3A_298 = memref.load %arg3[%get3A_297] : memref<8192xi32, #tpu.memory_space<smem>>
      %get3A_299 = arith.index_cast %get3A_298 : i32 to index
      %get3A_300 = arith.constant 0 : index
      %get3A_301 = vector.load %arg4[%get3A_299, %get3A_300] : memref<2048x768xf32, #tpu.memory_space<vmem>>, vector<1x768xf32>
      %swap3A_302 = arith.constant 28 : index
      %swap3A_303 = arith.constant 0 : index
      %swap3A_304 = vector.load %arg9[%swap3A_302, %swap3A_303] : memref<64x768xf32, #tpu.memory_space<vmem>>, vector<1x768xf32>
      tpu.vector_store %arg9[%swap3A_302, %swap3A_303], %get3A_301 {strides = array<i32>} : memref<64x768xf32, #tpu.memory_space<vmem>>, vector<1x768xf32>,
      %add3A_305 = arith.constant 29 : i32
      %add3A_306 = arith.addi %mul3A_15, %add3A_305 : i32
      %get3A_307 = arith.index_cast %add3A_306 : i32 to index
      %get3A_308 = memref.load %arg3[%get3A_307] : memref<8192xi32, #tpu.memory_space<smem>>
      %get3A_309 = arith.index_cast %get3A_308 : i32 to index
      %get3A_310 = arith.constant 0 : index
      %get3A_311 = vector.load %arg4[%get3A_309, %get3A_310] : memref<2048x768xf32, #tpu.memory_space<vmem>>, vector<1x768xf32>
      %swap3A_312 = arith.constant 29 : index
      %swap3A_313 = arith.constant 0 : index
      %swap3A_314 = vector.load %arg9[%swap3A_312, %swap3A_313] : memref<64x768xf32, #tpu.memory_space<vmem>>, vector<1x768xf32>
      tpu.vector_store %arg9[%swap3A_312, %swap3A_313], %get3A_311 {strides = array<i32>} : memref<64x768xf32, #tpu.memory_space<vmem>>, vector<1x768xf32>,
      %add3A_315 = arith.constant 30 : i32
      %add3A_316 = arith.addi %mul3A_15, %add3A_315 : i32
      %get3A_317 = arith.index_cast %add3A_316 : i32 to index
      %get3A_318 = memref.load %arg3[%get3A_317] : memref<8192xi32, #tpu.memory_space<smem>>
      %get3A_319 = arith.index_cast %get3A_318 : i32 to index
      %get3A_320 = arith.constant 0 : index
      %get3A_321 = vector.load %arg4[%get3A_319, %get3A_320] : memref<2048x768xf32, #tpu.memory_space<vmem>>, vector<1x768xf32>
      %swap3A_322 = arith.constant 30 : index
      %swap3A_323 = arith.constant 0 : index
      %swap3A_324 = vector.load %arg9[%swap3A_322, %swap3A_323] : memref<64x768xf32, #tpu.memory_space<vmem>>, vector<1x768xf32>
      tpu.vector_store %arg9[%swap3A_322, %swap3A_323], %get3A_321 {strides = array<i32>} : memref<64x768xf32, #tpu.memory_space<vmem>>, vector<1x768xf32>,
      %add3A_325 = arith.constant 31 : i32
      %add3A_326 = arith.addi %mul3A_15, %add3A_325 : i32
      %get3A_327 = arith.index_cast %add3A_326 : i32 to index
      %get3A_328 = memref.load %arg3[%get3A_327] : memref<8192xi32, #tpu.memory_space<smem>>
      %get3A_329 = arith.index_cast %get3A_328 : i32 to index
      %get3A_330 = arith.constant 0 : index
      %get3A_331 = vector.load %arg4[%get3A_329, %get3A_330] : memref<2048x768xf32, #tpu.memory_space<vmem>>, vector<1x768xf32>
      %swap3A_332 = arith.constant 31 : index
      %swap3A_333 = arith.constant 0 : index
      %swap3A_334 = vector.load %arg9[%swap3A_332, %swap3A_333] : memref<64x768xf32, #tpu.memory_space<vmem>>, vector<1x768xf32>
      tpu.vector_store %arg9[%swap3A_332, %swap3A_333], %get3A_331 {strides = array<i32>} : memref<64x768xf32, #tpu.memory_space<vmem>>, vector<1x768xf32>,
      %add3A_335 = arith.constant 32 : i32
      %add3A_336 = arith.addi %mul3A_15, %add3A_335 : i32
      %get3A_337 = arith.index_cast %add3A_336 : i32 to index
      %get3A_338 = memref.load %arg3[%get3A_337] : memref<8192xi32, #tpu.memory_space<smem>>
      %get3A_339 = arith.index_cast %get3A_338 : i32 to index
      %get3A_340 = arith.constant 0 : index
      %get3A_341 = vector.load %arg4[%get3A_339, %get3A_340] : memref<2048x768xf32, #tpu.memory_space<vmem>>, vector<1x768xf32>
      %swap3A_342 = arith.constant 32 : index
      %swap3A_343 = arith.constant 0 : index
      %swap3A_344 = vector.load %arg9[%swap3A_342, %swap3A_343] : memref<64x768xf32, #tpu.memory_space<vmem>>, vector<1x768xf32>
      tpu.vector_store %arg9[%swap3A_342, %swap3A_343], %get3A_341 {strides = array<i32>} : memref<64x768xf32, #tpu.memory_space<vmem>>, vector<1x768xf32>,
      %add3A_345 = arith.constant 33 : i32
      %add3A_346 = arith.addi %mul3A_15, %add3A_345 : i32
      %get3A_347 = arith.index_cast %add3A_346 : i32 to index
      %get3A_348 = memref.load %arg3[%get3A_347] : memref<8192xi32, #tpu.memory_space<smem>>
      %get3A_349 = arith.index_cast %get3A_348 : i32 to index
      %get3A_350 = arith.constant 0 : index
      %get3A_351 = vector.load %arg4[%get3A_349, %get3A_350] : memref<2048x768xf32, #tpu.memory_space<vmem>>, vector<1x768xf32>
      %swap3A_352 = arith.constant 33 : index
      %swap3A_353 = arith.constant 0 : index
      %swap3A_354 = vector.load %arg9[%swap3A_352, %swap3A_353] : memref<64x768xf32, #tpu.memory_space<vmem>>, vector<1x768xf32>
      tpu.vector_store %arg9[%swap3A_352, %swap3A_353], %get3A_351 {strides = array<i32>} : memref<64x768xf32, #tpu.memory_space<vmem>>, vector<1x768xf32>,
      %add3A_355 = arith.constant 34 : i32
      %add3A_356 = arith.addi %mul3A_15, %add3A_355 : i32
      %get3A_357 = arith.index_cast %add3A_356 : i32 to index
      %get3A_358 = memref.load %arg3[%get3A_357] : memref<8192xi32, #tpu.memory_space<smem>>
      %get3A_359 = arith.index_cast %get3A_358 : i32 to index
      %get3A_360 = arith.constant 0 : index
      %get3A_361 = vector.load %arg4[%get3A_359, %get3A_360] : memref<2048x768xf32, #tpu.memory_space<vmem>>, vector<1x768xf32>
      %swap3A_362 = arith.constant 34 : index
      %swap3A_363 = arith.constant 0 : index
      %swap3A_364 = vector.load %arg9[%swap3A_362, %swap3A_363] : memref<64x768xf32, #tpu.memory_space<vmem>>, vector<1x768xf32>
      tpu.vector_store %arg9[%swap3A_362, %swap3A_363], %get3A_361 {strides = array<i32>} : memref<64x768xf32, #tpu.memory_space<vmem>>, vector<1x768xf32>,
      %add3A_365 = arith.constant 35 : i32
      %add3A_366 = arith.addi %mul3A_15, %add3A_365 : i32
      %get3A_367 = arith.index_cast %add3A_366 : i32 to index
      %get3A_368 = memref.load %arg3[%get3A_367] : memref<8192xi32, #tpu.memory_space<smem>>
      %get3A_369 = arith.index_cast %get3A_368 : i32 to index
      %get3A_370 = arith.constant 0 : index
      %get3A_371 = vector.load %arg4[%get3A_369, %get3A_370] : memref<2048x768xf32, #tpu.memory_space<vmem>>, vector<1x768xf32>
      %swap3A_372 = arith.constant 35 : index
      %swap3A_373 = arith.constant 0 : index
      %swap3A_374 = vector.load %arg9[%swap3A_372, %swap3A_373] : memref<64x768xf32, #tpu.memory_space<vmem>>, vector<1x768xf32>
      tpu.vector_store %arg9[%swap3A_372, %swap3A_373], %get3A_371 {strides = array<i32>} : memref<64x768xf32, #tpu.memory_space<vmem>>, vector<1x768xf32>,
      %add3A_375 = arith.constant 36 : i32
      %add3A_376 = arith.addi %mul3A_15, %add3A_375 : i32
      %get3A_377 = arith.index_cast %add3A_376 : i32 to index
      %get3A_378 = memref.load %arg3[%get3A_377] : memref<8192xi32, #tpu.memory_space<smem>>
      %get3A_379 = arith.index_cast %get3A_378 : i32 to index
      %get3A_380 = arith.constant 0 : index
      %get3A_381 = vector.load %arg4[%get3A_379, %get3A_380] : memref<2048x768xf32, #tpu.memory_space<vmem>>, vector<1x768xf32>
      %swap3A_382 = arith.constant 36 : index
      %swap3A_383 = arith.constant 0 : index
      %swap3A_384 = vector.load %arg9[%swap3A_382, %swap3A_383] : memref<64x768xf32, #tpu.memory_space<vmem>>, vector<1x768xf32>
      tpu.vector_store %arg9[%swap3A_382, %swap3A_383], %get3A_381 {strides = array<i32>} : memref<64x768xf32, #tpu.memory_space<vmem>>, vector<1x768xf32>,
      %add3A_385 = arith.constant 37 : i32
      %add3A_386 = arith.addi %mul3A_15, %add3A_385 : i32
      %get3A_387 = arith.index_cast %add3A_386 : i32 to index
      %get3A_388 = memref.load %arg3[%get3A_387] : memref<8192xi32, #tpu.memory_space<smem>>
      %get3A_389 = arith.index_cast %get3A_388 : i32 to index
      %get3A_390 = arith.constant 0 : index
      %get3A_391 = vector.load %arg4[%get3A_389, %get3A_390] : memref<2048x768xf32, #tpu.memory_space<vmem>>, vector<1x768xf32>
      %swap3A_392 = arith.constant 37 : index
      %swap3A_393 = arith.constant 0 : index
      %swap3A_394 = vector.load %arg9[%swap3A_392, %swap3A_393] : memref<64x768xf32, #tpu.memory_space<vmem>>, vector<1x768xf32>
      tpu.vector_store %arg9[%swap3A_392, %swap3A_393], %get3A_391 {strides = array<i32>} : memref<64x768xf32, #tpu.memory_space<vmem>>, vector<1x768xf32>,
      %add3A_395 = arith.constant 38 : i32
      %add3A_396 = arith.addi %mul3A_15, %add3A_395 : i32
      %get3A_397 = arith.index_cast %add3A_396 : i32 to index
      %get3A_398 = memref.load %arg3[%get3A_397] : memref<8192xi32, #tpu.memory_space<smem>>
      %get3A_399 = arith.index_cast %get3A_398 : i32 to index
      %get3A_400 = arith.constant 0 : index
      %get3A_401 = vector.load %arg4[%get3A_399, %get3A_400] : memref<2048x768xf32, #tpu.memory_space<vmem>>, vector<1x768xf32>
      %swap3A_402 = arith.constant 38 : index
      %swap3A_403 = arith.constant 0 : index
      %swap3A_404 = vector.load %arg9[%swap3A_402, %swap3A_403] : memref<64x768xf32, #tpu.memory_space<vmem>>, vector<1x768xf32>
      tpu.vector_store %arg9[%swap3A_402, %swap3A_403], %get3A_401 {strides = array<i32>} : memref<64x768xf32, #tpu.memory_space<vmem>>, vector<1x768xf32>,
      %add3A_405 = arith.constant 39 : i32
      %add3A_406 = arith.addi %mul3A_15, %add3A_405 : i32
      %get3A_407 = arith.index_cast %add3A_406 : i32 to index
      %get3A_408 = memref.load %arg3[%get3A_407] : memref<8192xi32, #tpu.memory_space<smem>>
      %get3A_409 = arith.index_cast %get3A_408 : i32 to index
      %get3A_410 = arith.constant 0 : index
      %get3A_411 = vector.load %arg4[%get3A_409, %get3A_410] : memref<2048x768xf32, #tpu.memory_space<vmem>>, vector<1x768xf32>
      %swap3A_412 = arith.constant 39 : index
      %swap3A_413 = arith.constant 0 : index
      %swap3A_414 = vector.load %arg9[%swap3A_412, %swap3A_413] : memref<64x768xf32, #tpu.memory_space<vmem>>, vector<1x768xf32>
      tpu.vector_store %arg9[%swap3A_412, %swap3A_413], %get3A_411 {strides = array<i32>} : memref<64x768xf32, #tpu.memory_space<vmem>>, vector<1x768xf32>,
      %add3A_415 = arith.constant 40 : i32
      %add3A_416 = arith.addi %mul3A_15, %add3A_415 : i32
      %get3A_417 = arith.index_cast %add3A_416 : i32 to index
      %get3A_418 = memref.load %arg3[%get3A_417] : memref<8192xi32, #tpu.memory_space<smem>>
      %get3A_419 = arith.index_cast %get3A_418 : i32 to index
      %get3A_420 = arith.constant 0 : index
      %get3A_421 = vector.load %arg4[%get3A_419, %get3A_420] : memref<2048x768xf32, #tpu.memory_space<vmem>>, vector<1x768xf32>
      %swap3A_422 = arith.constant 40 : index
      %swap3A_423 = arith.constant 0 : index
      %swap3A_424 = vector.load %arg9[%swap3A_422, %swap3A_423] : memref<64x768xf32, #tpu.memory_space<vmem>>, vector<1x768xf32>
      tpu.vector_store %arg9[%swap3A_422, %swap3A_423], %get3A_421 {strides = array<i32>} : memref<64x768xf32, #tpu.memory_space<vmem>>, vector<1x768xf32>,
      %add3A_425 = arith.constant 41 : i32
      %add3A_426 = arith.addi %mul3A_15, %add3A_425 : i32
      %get3A_427 = arith.index_cast %add3A_426 : i32 to index
      %get3A_428 = memref.load %arg3[%get3A_427] : memref<8192xi32, #tpu.memory_space<smem>>
      %get3A_429 = arith.index_cast %get3A_428 : i32 to index
      %get3A_430 = arith.constant 0 : index
      %get3A_431 = vector.load %arg4[%get3A_429, %get3A_430] : memref<2048x768xf32, #tpu.memory_space<vmem>>, vector<1x768xf32>
      %swap3A_432 = arith.constant 41 : index
      %swap3A_433 = arith.constant 0 : index
      %swap3A_434 = vector.load %arg9[%swap3A_432, %swap3A_433] : memref<64x768xf32, #tpu.memory_space<vmem>>, vector<1x768xf32>
      tpu.vector_store %arg9[%swap3A_432, %swap3A_433], %get3A_431 {strides = array<i32>} : memref<64x768xf32, #tpu.memory_space<vmem>>, vector<1x768xf32>,
      %add3A_435 = arith.constant 42 : i32
      %add3A_436 = arith.addi %mul3A_15, %add3A_435 : i32
      %get3A_437 = arith.index_cast %add3A_436 : i32 to index
      %get3A_438 = memref.load %arg3[%get3A_437] : memref<8192xi32, #tpu.memory_space<smem>>
      %get3A_439 = arith.index_cast %get3A_438 : i32 to index
      %get3A_440 = arith.constant 0 : index
      %get3A_441 = vector.load %arg4[%get3A_439, %get3A_440] : memref<2048x768xf32, #tpu.memory_space<vmem>>, vector<1x768xf32>
      %swap3A_442 = arith.constant 42 : index
      %swap3A_443 = arith.constant 0 : index
      %swap3A_444 = vector.load %arg9[%swap3A_442, %swap3A_443] : memref<64x768xf32, #tpu.memory_space<vmem>>, vector<1x768xf32>
      tpu.vector_store %arg9[%swap3A_442, %swap3A_443], %get3A_441 {strides = array<i32>} : memref<64x768xf32, #tpu.memory_space<vmem>>, vector<1x768xf32>,
      %add3A_445 = arith.constant 43 : i32
      %add3A_446 = arith.addi %mul3A_15, %add3A_445 : i32
      %get3A_447 = arith.index_cast %add3A_446 : i32 to index
      %get3A_448 = memref.load %arg3[%get3A_447] : memref<8192xi32, #tpu.memory_space<smem>>
      %get3A_449 = arith.index_cast %get3A_448 : i32 to index
      %get3A_450 = arith.constant 0 : index
      %get3A_451 = vector.load %arg4[%get3A_449, %get3A_450] : memref<2048x768xf32, #tpu.memory_space<vmem>>, vector<1x768xf32>
      %swap3A_452 = arith.constant 43 : index
      %swap3A_453 = arith.constant 0 : index
      %swap3A_454 = vector.load %arg9[%swap3A_452, %swap3A_453] : memref<64x768xf32, #tpu.memory_space<vmem>>, vector<1x768xf32>
      tpu.vector_store %arg9[%swap3A_452, %swap3A_453], %get3A_451 {strides = array<i32>} : memref<64x768xf32, #tpu.memory_space<vmem>>, vector<1x768xf32>,
      %add3A_455 = arith.constant 44 : i32
      %add3A_456 = arith.addi %mul3A_15, %add3A_455 : i32
      %get3A_457 = arith.index_cast %add3A_456 : i32 to index
      %get3A_458 = memref.load %arg3[%get3A_457] : memref<8192xi32, #tpu.memory_space<smem>>
      %get3A_459 = arith.index_cast %get3A_458 : i32 to index
      %get3A_460 = arith.constant 0 : index
      %get3A_461 = vector.load %arg4[%get3A_459, %get3A_460] : memref<2048x768xf32, #tpu.memory_space<vmem>>, vector<1x768xf32>
      %swap3A_462 = arith.constant 44 : index
      %swap3A_463 = arith.constant 0 : index
      %swap3A_464 = vector.load %arg9[%swap3A_462, %swap3A_463] : memref<64x768xf32, #tpu.memory_space<vmem>>, vector<1x768xf32>
      tpu.vector_store %arg9[%swap3A_462, %swap3A_463], %get3A_461 {strides = array<i32>} : memref<64x768xf32, #tpu.memory_space<vmem>>, vector<1x768xf32>,
      %add3A_465 = arith.constant 45 : i32
      %add3A_466 = arith.addi %mul3A_15, %add3A_465 : i32
      %get3A_467 = arith.index_cast %add3A_466 : i32 to index
      %get3A_468 = memref.load %arg3[%get3A_467] : memref<8192xi32, #tpu.memory_space<smem>>
      %get3A_469 = arith.index_cast %get3A_468 : i32 to index
      %get3A_470 = arith.constant 0 : index
      %get3A_471 = vector.load %arg4[%get3A_469, %get3A_470] : memref<2048x768xf32, #tpu.memory_space<vmem>>, vector<1x768xf32>
      %swap3A_472 = arith.constant 45 : index
      %swap3A_473 = arith.constant 0 : index
      %swap3A_474 = vector.load %arg9[%swap3A_472, %swap3A_473] : memref<64x768xf32, #tpu.memory_space<vmem>>, vector<1x768xf32>
      tpu.vector_store %arg9[%swap3A_472, %swap3A_473], %get3A_471 {strides = array<i32>} : memref<64x768xf32, #tpu.memory_space<vmem>>, vector<1x768xf32>,
      %add3A_475 = arith.constant 46 : i32
      %add3A_476 = arith.addi %mul3A_15, %add3A_475 : i32
      %get3A_477 = arith.index_cast %add3A_476 : i32 to index
      %get3A_478 = memref.load %arg3[%get3A_477] : memref<8192xi32, #tpu.memory_space<smem>>
      %get3A_479 = arith.index_cast %get3A_478 : i32 to index
      %get3A_480 = arith.constant 0 : index
      %get3A_481 = vector.load %arg4[%get3A_479, %get3A_480] : memref<2048x768xf32, #tpu.memory_space<vmem>>, vector<1x768xf32>
      %swap3A_482 = arith.constant 46 : index
      %swap3A_483 = arith.constant 0 : index
      %swap3A_484 = vector.load %arg9[%swap3A_482, %swap3A_483] : memref<64x768xf32, #tpu.memory_space<vmem>>, vector<1x768xf32>
      tpu.vector_store %arg9[%swap3A_482, %swap3A_483], %get3A_481 {strides = array<i32>} : memref<64x768xf32, #tpu.memory_space<vmem>>, vector<1x768xf32>,
      %add3A_485 = arith.constant 47 : i32
      %add3A_486 = arith.addi %mul3A_15, %add3A_485 : i32
      %get3A_487 = arith.index_cast %add3A_486 : i32 to index
      %get3A_488 = memref.load %arg3[%get3A_487] : memref<8192xi32, #tpu.memory_space<smem>>
      %get3A_489 = arith.index_cast %get3A_488 : i32 to index
      %get3A_490 = arith.constant 0 : index
      %get3A_491 = vector.load %arg4[%get3A_489, %get3A_490] : memref<2048x768xf32, #tpu.memory_space<vmem>>, vector<1x768xf32>
      %swap3A_492 = arith.constant 47 : index
      %swap3A_493 = arith.constant 0 : index
      %swap3A_494 = vector.load %arg9[%swap3A_492, %swap3A_493] : memref<64x768xf32, #tpu.memory_space<vmem>>, vector<1x768xf32>
      tpu.vector_store %arg9[%swap3A_492, %swap3A_493], %get3A_491 {strides = array<i32>} : memref<64x768xf32, #tpu.memory_space<vmem>>, vector<1x768xf32>,
      %add3A_495 = arith.constant 48 : i32
      %add3A_496 = arith.addi %mul3A_15, %add3A_495 : i32
      %get3A_497 = arith.index_cast %add3A_496 : i32 to index
      %get3A_498 = memref.load %arg3[%get3A_497] : memref<8192xi32, #tpu.memory_space<smem>>
      %get3A_499 = arith.index_cast %get3A_498 : i32 to index
      %get3A_500 = arith.constant 0 : index
      %get3A_501 = vector.load %arg4[%get3A_499, %get3A_500] : memref<2048x768xf32, #tpu.memory_space<vmem>>, vector<1x768xf32>
      %swap3A_502 = arith.constant 48 : index
      %swap3A_503 = arith.constant 0 : index
      %swap3A_504 = vector.load %arg9[%swap3A_502, %swap3A_503] : memref<64x768xf32, #tpu.memory_space<vmem>>, vector<1x768xf32>
      tpu.vector_store %arg9[%swap3A_502, %swap3A_503], %get3A_501 {strides = array<i32>} : memref<64x768xf32, #tpu.memory_space<vmem>>, vector<1x768xf32>,
      %add3A_505 = arith.constant 49 : i32
      %add3A_506 = arith.addi %mul3A_15, %add3A_505 : i32
      %get3A_507 = arith.index_cast %add3A_506 : i32 to index
      %get3A_508 = memref.load %arg3[%get3A_507] : memref<8192xi32, #tpu.memory_space<smem>>
      %get3A_509 = arith.index_cast %get3A_508 : i32 to index
      %get3A_510 = arith.constant 0 : index
      %get3A_511 = vector.load %arg4[%get3A_509, %get3A_510] : memref<2048x768xf32, #tpu.memory_space<vmem>>, vector<1x768xf32>
      %swap3A_512 = arith.constant 49 : index
      %swap3A_513 = arith.constant 0 : index
      %swap3A_514 = vector.load %arg9[%swap3A_512, %swap3A_513] : memref<64x768xf32, #tpu.memory_space<vmem>>, vector<1x768xf32>
      tpu.vector_store %arg9[%swap3A_512, %swap3A_513], %get3A_511 {strides = array<i32>} : memref<64x768xf32, #tpu.memory_space<vmem>>, vector<1x768xf32>,
      %add3A_515 = arith.constant 50 : i32
      %add3A_516 = arith.addi %mul3A_15, %add3A_515 : i32
      %get3A_517 = arith.index_cast %add3A_516 : i32 to index
      %get3A_518 = memref.load %arg3[%get3A_517] : memref<8192xi32, #tpu.memory_space<smem>>
      %get3A_519 = arith.index_cast %get3A_518 : i32 to index
      %get3A_520 = arith.constant 0 : index
      %get3A_521 = vector.load %arg4[%get3A_519, %get3A_520] : memref<2048x768xf32, #tpu.memory_space<vmem>>, vector<1x768xf32>
      %swap3A_522 = arith.constant 50 : index
      %swap3A_523 = arith.constant 0 : index
      %swap3A_524 = vector.load %arg9[%swap3A_522, %swap3A_523] : memref<64x768xf32, #tpu.memory_space<vmem>>, vector<1x768xf32>
      tpu.vector_store %arg9[%swap3A_522, %swap3A_523], %get3A_521 {strides = array<i32>} : memref<64x768xf32, #tpu.memory_space<vmem>>, vector<1x768xf32>,
      %add3A_525 = arith.constant 51 : i32
      %add3A_526 = arith.addi %mul3A_15, %add3A_525 : i32
      %get3A_527 = arith.index_cast %add3A_526 : i32 to index
      %get3A_528 = memref.load %arg3[%get3A_527] : memref<8192xi32, #tpu.memory_space<smem>>
      %get3A_529 = arith.index_cast %get3A_528 : i32 to index
      %get3A_530 = arith.constant 0 : index
      %get3A_531 = vector.load %arg4[%get3A_529, %get3A_530] : memref<2048x768xf32, #tpu.memory_space<vmem>>, vector<1x768xf32>
      %swap3A_532 = arith.constant 51 : index
      %swap3A_533 = arith.constant 0 : index
      %swap3A_534 = vector.load %arg9[%swap3A_532, %swap3A_533] : memref<64x768xf32, #tpu.memory_space<vmem>>, vector<1x768xf32>
      tpu.vector_store %arg9[%swap3A_532, %swap3A_533], %get3A_531 {strides = array<i32>} : memref<64x768xf32, #tpu.memory_space<vmem>>, vector<1x768xf32>,
      %add3A_535 = arith.constant 52 : i32
      %add3A_536 = arith.addi %mul3A_15, %add3A_535 : i32
      %get3A_537 = arith.index_cast %add3A_536 : i32 to index
      %get3A_538 = memref.load %arg3[%get3A_537] : memref<8192xi32, #tpu.memory_space<smem>>
      %get3A_539 = arith.index_cast %get3A_538 : i32 to index
      %get3A_540 = arith.constant 0 : index
      %get3A_541 = vector.load %arg4[%get3A_539, %get3A_540] : memref<2048x768xf32, #tpu.memory_space<vmem>>, vector<1x768xf32>
      %swap3A_542 = arith.constant 52 : index
      %swap3A_543 = arith.constant 0 : index
      %swap3A_544 = vector.load %arg9[%swap3A_542, %swap3A_543] : memref<64x768xf32, #tpu.memory_space<vmem>>, vector<1x768xf32>
      tpu.vector_store %arg9[%swap3A_542, %swap3A_543], %get3A_541 {strides = array<i32>} : memref<64x768xf32, #tpu.memory_space<vmem>>, vector<1x768xf32>,
      %add3A_545 = arith.constant 53 : i32
      %add3A_546 = arith.addi %mul3A_15, %add3A_545 : i32
      %get3A_547 = arith.index_cast %add3A_546 : i32 to index
      %get3A_548 = memref.load %arg3[%get3A_547] : memref<8192xi32, #tpu.memory_space<smem>>
      %get3A_549 = arith.index_cast %get3A_548 : i32 to index
      %get3A_550 = arith.constant 0 : index
      %get3A_551 = vector.load %arg4[%get3A_549, %get3A_550] : memref<2048x768xf32, #tpu.memory_space<vmem>>, vector<1x768xf32>
      %swap3A_552 = arith.constant 53 : index
      %swap3A_553 = arith.constant 0 : index
      %swap3A_554 = vector.load %arg9[%swap3A_552, %swap3A_553] : memref<64x768xf32, #tpu.memory_space<vmem>>, vector<1x768xf32>
      tpu.vector_store %arg9[%swap3A_552, %swap3A_553], %get3A_551 {strides = array<i32>} : memref<64x768xf32, #tpu.memory_space<vmem>>, vector<1x768xf32>,
      %add3A_555 = arith.constant 54 : i32
      %add3A_556 = arith.addi %mul3A_15, %add3A_555 : i32
      %get3A_557 = arith.index_cast %add3A_556 : i32 to index
      %get3A_558 = memref.load %arg3[%get3A_557] : memref<8192xi32, #tpu.memory_space<smem>>
      %get3A_559 = arith.index_cast %get3A_558 : i32 to index
      %get3A_560 = arith.constant 0 : index
      %get3A_561 = vector.load %arg4[%get3A_559, %get3A_560] : memref<2048x768xf32, #tpu.memory_space<vmem>>, vector<1x768xf32>
      %swap3A_562 = arith.constant 54 : index
      %swap3A_563 = arith.constant 0 : index
      %swap3A_564 = vector.load %arg9[%swap3A_562, %swap3A_563] : memref<64x768xf32, #tpu.memory_space<vmem>>, vector<1x768xf32>
      tpu.vector_store %arg9[%swap3A_562, %swap3A_563], %get3A_561 {strides = array<i32>} : memref<64x768xf32, #tpu.memory_space<vmem>>, vector<1x768xf32>,
      %add3A_565 = arith.constant 55 : i32
      %add3A_566 = arith.addi %mul3A_15, %add3A_565 : i32
      %get3A_567 = arith.index_cast %add3A_566 : i32 to index
      %get3A_568 = memref.load %arg3[%get3A_567] : memref<8192xi32, #tpu.memory_space<smem>>
      %get3A_569 = arith.index_cast %get3A_568 : i32 to index
      %get3A_570 = arith.constant 0 : index
      %get3A_571 = vector.load %arg4[%get3A_569, %get3A_570] : memref<2048x768xf32, #tpu.memory_space<vmem>>, vector<1x768xf32>
      %swap3A_572 = arith.constant 55 : index
      %swap3A_573 = arith.constant 0 : index
      %swap3A_574 = vector.load %arg9[%swap3A_572, %swap3A_573] : memref<64x768xf32, #tpu.memory_space<vmem>>, vector<1x768xf32>
      tpu.vector_store %arg9[%swap3A_572, %swap3A_573], %get3A_571 {strides = array<i32>} : memref<64x768xf32, #tpu.memory_space<vmem>>, vector<1x768xf32>,
      %add3A_575 = arith.constant 56 : i32
      %add3A_576 = arith.addi %mul3A_15, %add3A_575 : i32
      %get3A_577 = arith.index_cast %add3A_576 : i32 to index
      %get3A_578 = memref.load %arg3[%get3A_577] : memref<8192xi32, #tpu.memory_space<smem>>
      %get3A_579 = arith.index_cast %get3A_578 : i32 to index
      %get3A_580 = arith.constant 0 : index
      %get3A_581 = vector.load %arg4[%get3A_579, %get3A_580] : memref<2048x768xf32, #tpu.memory_space<vmem>>, vector<1x768xf32>
      %swap3A_582 = arith.constant 56 : index
      %swap3A_583 = arith.constant 0 : index
      %swap3A_584 = vector.load %arg9[%swap3A_582, %swap3A_583] : memref<64x768xf32, #tpu.memory_space<vmem>>, vector<1x768xf32>
      tpu.vector_store %arg9[%swap3A_582, %swap3A_583], %get3A_581 {strides = array<i32>} : memref<64x768xf32, #tpu.memory_space<vmem>>, vector<1x768xf32>,
      %add3A_585 = arith.constant 57 : i32
      %add3A_586 = arith.addi %mul3A_15, %add3A_585 : i32
      %get3A_587 = arith.index_cast %add3A_586 : i32 to index
      %get3A_588 = memref.load %arg3[%get3A_587] : memref<8192xi32, #tpu.memory_space<smem>>
      %get3A_589 = arith.index_cast %get3A_588 : i32 to index
      %get3A_590 = arith.constant 0 : index
      %get3A_591 = vector.load %arg4[%get3A_589, %get3A_590] : memref<2048x768xf32, #tpu.memory_space<vmem>>, vector<1x768xf32>
      %swap3A_592 = arith.constant 57 : index
      %swap3A_593 = arith.constant 0 : index
      %swap3A_594 = vector.load %arg9[%swap3A_592, %swap3A_593] : memref<64x768xf32, #tpu.memory_space<vmem>>, vector<1x768xf32>
      tpu.vector_store %arg9[%swap3A_592, %swap3A_593], %get3A_591 {strides = array<i32>} : memref<64x768xf32, #tpu.memory_space<vmem>>, vector<1x768xf32>,
      %add3A_595 = arith.constant 58 : i32
      %add3A_596 = arith.addi %mul3A_15, %add3A_595 : i32
      %get3A_597 = arith.index_cast %add3A_596 : i32 to index
      %get3A_598 = memref.load %arg3[%get3A_597] : memref<8192xi32, #tpu.memory_space<smem>>
      %get3A_599 = arith.index_cast %get3A_598 : i32 to index
      %get3A_600 = arith.constant 0 : index
      %get3A_601 = vector.load %arg4[%get3A_599, %get3A_600] : memref<2048x768xf32, #tpu.memory_space<vmem>>, vector<1x768xf32>
      %swap3A_602 = arith.constant 58 : index
      %swap3A_603 = arith.constant 0 : index
      %swap3A_604 = vector.load %arg9[%swap3A_602, %swap3A_603] : memref<64x768xf32, #tpu.memory_space<vmem>>, vector<1x768xf32>
      tpu.vector_store %arg9[%swap3A_602, %swap3A_603], %get3A_601 {strides = array<i32>} : memref<64x768xf32, #tpu.memory_space<vmem>>, vector<1x768xf32>,
      %add3A_605 = arith.constant 59 : i32
      %add3A_606 = arith.addi %mul3A_15, %add3A_605 : i32
      %get3A_607 = arith.index_cast %add3A_606 : i32 to index
      %get3A_608 = memref.load %arg3[%get3A_607] : memref<8192xi32, #tpu.memory_space<smem>>
      %get3A_609 = arith.index_cast %get3A_608 : i32 to index
      %get3A_610 = arith.constant 0 : index
      %get3A_611 = vector.load %arg4[%get3A_609, %get3A_610] : memref<2048x768xf32, #tpu.memory_space<vmem>>, vector<1x768xf32>
      %swap3A_612 = arith.constant 59 : index
      %swap3A_613 = arith.constant 0 : index
      %swap3A_614 = vector.load %arg9[%swap3A_612, %swap3A_613] : memref<64x768xf32, #tpu.memory_space<vmem>>, vector<1x768xf32>
      tpu.vector_store %arg9[%swap3A_612, %swap3A_613], %get3A_611 {strides = array<i32>} : memref<64x768xf32, #tpu.memory_space<vmem>>, vector<1x768xf32>,
      %add3A_615 = arith.constant 60 : i32
      %add3A_616 = arith.addi %mul3A_15, %add3A_615 : i32
      %get3A_617 = arith.index_cast %add3A_616 : i32 to index
      %get3A_618 = memref.load %arg3[%get3A_617] : memref<8192xi32, #tpu.memory_space<smem>>
      %get3A_619 = arith.index_cast %get3A_618 : i32 to index
      %get3A_620 = arith.constant 0 : index
      %get3A_621 = vector.load %arg4[%get3A_619, %get3A_620] : memref<2048x768xf32, #tpu.memory_space<vmem>>, vector<1x768xf32>
      %swap3A_622 = arith.constant 60 : index
      %swap3A_623 = arith.constant 0 : index
      %swap3A_624 = vector.load %arg9[%swap3A_622, %swap3A_623] : memref<64x768xf32, #tpu.memory_space<vmem>>, vector<1x768xf32>
      tpu.vector_store %arg9[%swap3A_622, %swap3A_623], %get3A_621 {strides = array<i32>} : memref<64x768xf32, #tpu.memory_space<vmem>>, vector<1x768xf32>,
      %add3A_625 = arith.constant 61 : i32
      %add3A_626 = arith.addi %mul3A_15, %add3A_625 : i32
      %get3A_627 = arith.index_cast %add3A_626 : i32 to index
      %get3A_628 = memref.load %arg3[%get3A_627] : memref<8192xi32, #tpu.memory_space<smem>>
      %get3A_629 = arith.index_cast %get3A_628 : i32 to index
      %get3A_630 = arith.constant 0 : index
      %get3A_631 = vector.load %arg4[%get3A_629, %get3A_630] : memref<2048x768xf32, #tpu.memory_space<vmem>>, vector<1x768xf32>
      %swap3A_632 = arith.constant 61 : index
      %swap3A_633 = arith.constant 0 : index
      %swap3A_634 = vector.load %arg9[%swap3A_632, %swap3A_633] : memref<64x768xf32, #tpu.memory_space<vmem>>, vector<1x768xf32>
      tpu.vector_store %arg9[%swap3A_632, %swap3A_633], %get3A_631 {strides = array<i32>} : memref<64x768xf32, #tpu.memory_space<vmem>>, vector<1x768xf32>,
      %add3A_635 = arith.constant 62 : i32
      %add3A_636 = arith.addi %mul3A_15, %add3A_635 : i32
      %get3A_637 = arith.index_cast %add3A_636 : i32 to index
      %get3A_638 = memref.load %arg3[%get3A_637] : memref<8192xi32, #tpu.memory_space<smem>>
      %get3A_639 = arith.index_cast %get3A_638 : i32 to index
      %get3A_640 = arith.constant 0 : index
      %get3A_641 = vector.load %arg4[%get3A_639, %get3A_640] : memref<2048x768xf32, #tpu.memory_space<vmem>>, vector<1x768xf32>
      %swap3A_642 = arith.constant 62 : index
      %swap3A_643 = arith.constant 0 : index
      %swap3A_644 = vector.load %arg9[%swap3A_642, %swap3A_643] : memref<64x768xf32, #tpu.memory_space<vmem>>, vector<1x768xf32>
      tpu.vector_store %arg9[%swap3A_642, %swap3A_643], %get3A_641 {strides = array<i32>} : memref<64x768xf32, #tpu.memory_space<vmem>>, vector<1x768xf32>,
      %add3A_645 = arith.constant 63 : i32
      %add3A_646 = arith.addi %mul3A_15, %add3A_645 : i32
      %get3A_647 = arith.index_cast %add3A_646 : i32 to index
      %get3A_648 = memref.load %arg3[%get3A_647] : memref<8192xi32, #tpu.memory_space<smem>>
      %get3A_649 = arith.index_cast %get3A_648 : i32 to index
      %get3A_650 = arith.constant 0 : index
      %get3A_651 = vector.load %arg4[%get3A_649, %get3A_650] : memref<2048x768xf32, #tpu.memory_space<vmem>>, vector<1x768xf32>
      %swap3A_652 = arith.constant 63 : index
      %swap3A_653 = arith.constant 0 : index
      %swap3A_654 = vector.load %arg9[%swap3A_652, %swap3A_653] : memref<64x768xf32, #tpu.memory_space<vmem>>, vector<1x768xf32>
      tpu.vector_store %arg9[%swap3A_652, %swap3A_653], %get3A_651 {strides = array<i32>} : memref<64x768xf32, #tpu.memory_space<vmem>>, vector<1x768xf32>,
      %get3A_655 = arith.constant 0 : index
      %get3A_656 = arith.constant 0 : index
      %get3A_657 = vector.load %arg9[%get3A_655, %get3A_656] : memref<64x768xf32, #tpu.memory_space<vmem>>, vector<64x768xf32>
      %get3A_658 = arith.constant 0 : index
      %get3A_659 = arith.constant 0 : index
      %get3A_660 = arith.constant 0 : index
      %get3A_661 = vector.load %arg6[%get3A_658, %get3A_659, %get3A_660] : memref<1x768x512xf32, #tpu.memory_space<vmem>>, vector<1x768x512xf32>
      %get3A_662 = vector.shape_cast %get3A_661 : vector<1x768x512xf32> to vector<768x512xf32>
      %dot_general3A = arith.constant dense<0.000000e+00> : vector<64x512xf32>
      %dot_general3A_663 = tpu.matmul %get3A_657, %get3A_662, %dot_general3A {dimension_numbers = #tpu.dot_dimension_numbers<[1], [0], [0], [1], [0, 0, 1, 1], [], []>, transpose_lhs_hint = false} : vector<64x768xf32>, vector<768x512xf32>, vector<64x512xf32> -> vector<64x512xf32>
      %logistic3A = arith.negf %dot_general3A_663 : vector<64x512xf32>
      %logistic3A_664 = math.exp %logistic3A : vector<64x512xf32>
      %logistic3A_665 = arith.constant 1.000000e+00 : f32
      %logistic3A_666 = vector.broadcast %logistic3A_665 : f32 to vector<64x512xf32>
      %logistic3A_667 = arith.addf %logistic3A_666, %logistic3A_664 : vector<64x512xf32>
      %logistic3A_668 = arith.divf %logistic3A_666, %logistic3A_667 : vector<64x512xf32>
      %mul3A_669 = arith.mulf %dot_general3A_663, %logistic3A_668 : vector<64x512xf32>
      %get3A_670 = arith.constant 0 : index
      %get3A_671 = arith.constant 0 : index
      %get3A_672 = arith.constant 0 : index
      %get3A_673 = vector.load %arg7[%get3A_670, %get3A_671, %get3A_672] : memref<1x512x768xf32, #tpu.memory_space<vmem>>, vector<1x512x768xf32>
      %get3A_674 = vector.shape_cast %get3A_673 : vector<1x512x768xf32> to vector<512x768xf32>
      %dot_general3A_675 = arith.constant dense<0.000000e+00> : vector<64x768xf32>
      %dot_general3A_676 = tpu.matmul %mul3A_669, %get3A_674, %dot_general3A_675 {dimension_numbers = #tpu.dot_dimension_numbers<[1], [0], [0], [1], [0, 0, 1, 1], [], []>, transpose_lhs_hint = false} : vector<64x512xf32>, vector<512x768xf32>, vector<64x768xf32> -> vector<64x768xf32>
      %add3A_677 = arith.addi %get3A_2, %while3A_14 : i32
      %get3A_678 = arith.index_cast %add3A_677 : i32 to index
      %get3A_679 = arith.constant 0 : index
      %get3A_680 = arith.constant 0 : index
      %get3A_681 = vector.load %arg5[%get3A_678, %get3A_679, %get3A_680] : memref<128x64x1xf32, #tpu.memory_space<vmem>>, vector<1x64x1xf32>
      %squeeze3A = vector.shape_cast %get3A_681 : vector<1x64x1xf32> to vector<64x1xf32>
      %mul3A_682 = vector.broadcast %squeeze3A : vector<64x1xf32> to vector<64x768xf32>
      %mul3A_683 = arith.mulf %dot_general3A_676, %mul3A_682 : vector<64x768xf32>
      %add3A_684 = arith.constant 0 : i32
      %add3A_685 = arith.addi %mul3A_15, %add3A_684 : i32
      %get3A_686 = arith.index_cast %add3A_685 : i32 to index
      %get3A_687 = memref.load %arg3[%get3A_686] : memref<8192xi32, #tpu.memory_space<smem>>
      %get3A_688 = arith.index_cast %get3A_687 : i32 to index
      %get3A_689 = arith.constant 0 : index
      %get3A_690 = vector.load %arg8[%get3A_688, %get3A_689] : memref<2048x768xf32, #tpu.memory_space<vmem>>, vector<1x768xf32>
      %slice3A = vector.extract_strided_slice %mul3A_683 {offsets = [0, 0], sizes = [1, 768], strides = [1, 1]} : vector<64x768xf32> to vector<1x768xf32>
      %add3A_691 = arith.addf %get3A_690, %slice3A : vector<1x768xf32>
      %swap3A_692 = arith.index_cast %get3A_687 : i32 to index
      %swap3A_693 = arith.constant 0 : index
      %swap3A_694 = vector.load %arg8[%swap3A_692, %swap3A_693] : memref<2048x768xf32, #tpu.memory_space<vmem>>, vector<1x768xf32>
      tpu.vector_store %arg8[%swap3A_692, %swap3A_693], %add3A_691 {strides = array<i32>} : memref<2048x768xf32, #tpu.memory_space<vmem>>, vector<1x768xf32>,
      %add3A_695 = arith.constant 1 : i32
      %add3A_696 = arith.addi %mul3A_15, %add3A_695 : i32
      %get3A_697 = arith.index_cast %add3A_696 : i32 to index
      %get3A_698 = memref.load %arg3[%get3A_697] : memref<8192xi32, #tpu.memory_space<smem>>
      %get3A_699 = arith.index_cast %get3A_698 : i32 to index
      %get3A_700 = arith.constant 0 : index
      %get3A_701 = vector.load %arg8[%get3A_699, %get3A_700] : memref<2048x768xf32, #tpu.memory_space<vmem>>, vector<1x768xf32>
      %slice3A_702 = vector.extract_strided_slice %mul3A_683 {offsets = [1, 0], sizes = [1, 768], strides = [1, 1]} : vector<64x768xf32> to vector<1x768xf32>
      %add3A_703 = arith.addf %get3A_701, %slice3A_702 : vector<1x768xf32>
      %swap3A_704 = arith.index_cast %get3A_698 : i32 to index
      %swap3A_705 = arith.constant 0 : index
      %swap3A_706 = vector.load %arg8[%swap3A_704, %swap3A_705] : memref<2048x768xf32, #tpu.memory_space<vmem>>, vector<1x768xf32>
      tpu.vector_store %arg8[%swap3A_704, %swap3A_705], %add3A_703 {strides = array<i32>} : memref<2048x768xf32, #tpu.memory_space<vmem>>, vector<1x768xf32>,
      %add3A_707 = arith.constant 2 : i32
      %add3A_708 = arith.addi %mul3A_15, %add3A_707 : i32
      %get3A_709 = arith.index_cast %add3A_708 : i32 to index
      %get3A_710 = memref.load %arg3[%get3A_709] : memref<8192xi32, #tpu.memory_space<smem>>
      %get3A_711 = arith.index_cast %get3A_710 : i32 to index
      %get3A_712 = arith.constant 0 : index
      %get3A_713 = vector.load %arg8[%get3A_711, %get3A_712] : memref<2048x768xf32, #tpu.memory_space<vmem>>, vector<1x768xf32>
      %slice3A_714 = vector.extract_strided_slice %mul3A_683 {offsets = [2, 0], sizes = [1, 768], strides = [1, 1]} : vector<64x768xf32> to vector<1x768xf32>
      %add3A_715 = arith.addf %get3A_713, %slice3A_714 : vector<1x768xf32>
      %swap3A_716 = arith.index_cast %get3A_710 : i32 to index
      %swap3A_717 = arith.constant 0 : index
      %swap3A_718 = vector.load %arg8[%swap3A_716, %swap3A_717] : memref<2048x768xf32, #tpu.memory_space<vmem>>, vector<1x768xf32>
      tpu.vector_store %arg8[%swap3A_716, %swap3A_717], %add3A_715 {strides = array<i32>} : memref<2048x768xf32, #tpu.memory_space<vmem>>, vector<1x768xf32>,
      %add3A_719 = arith.constant 3 : i32
      %add3A_720 = arith.addi %mul3A_15, %add3A_719 : i32
      %get3A_721 = arith.index_cast %add3A_720 : i32 to index
      %get3A_722 = memref.load %arg3[%get3A_721] : memref<8192xi32, #tpu.memory_space<smem>>
      %get3A_723 = arith.index_cast %get3A_722 : i32 to index
      %get3A_724 = arith.constant 0 : index
      %get3A_725 = vector.load %arg8[%get3A_723, %get3A_724] : memref<2048x768xf32, #tpu.memory_space<vmem>>, vector<1x768xf32>
      %slice3A_726 = vector.extract_strided_slice %mul3A_683 {offsets = [3, 0], sizes = [1, 768], strides = [1, 1]} : vector<64x768xf32> to vector<1x768xf32>
      %add3A_727 = arith.addf %get3A_725, %slice3A_726 : vector<1x768xf32>
      %swap3A_728 = arith.index_cast %get3A_722 : i32 to index
      %swap3A_729 = arith.constant 0 : index
      %swap3A_730 = vector.load %arg8[%swap3A_728, %swap3A_729] : memref<2048x768xf32, #tpu.memory_space<vmem>>, vector<1x768xf32>
      tpu.vector_store %arg8[%swap3A_728, %swap3A_729], %add3A_727 {strides = array<i32>} : memref<2048x768xf32, #tpu.memory_space<vmem>>, vector<1x768xf32>,
      %add3A_731 = arith.constant 4 : i32
      %add3A_732 = arith.addi %mul3A_15, %add3A_731 : i32
      %get3A_733 = arith.index_cast %add3A_732 : i32 to index
      %get3A_734 = memref.load %arg3[%get3A_733] : memref<8192xi32, #tpu.memory_space<smem>>
      %get3A_735 = arith.index_cast %get3A_734 : i32 to index
      %get3A_736 = arith.constant 0 : index
      %get3A_737 = vector.load %arg8[%get3A_735, %get3A_736] : memref<2048x768xf32, #tpu.memory_space<vmem>>, vector<1x768xf32>
      %slice3A_738 = vector.extract_strided_slice %mul3A_683 {offsets = [4, 0], sizes = [1, 768], strides = [1, 1]} : vector<64x768xf32> to vector<1x768xf32>
      %add3A_739 = arith.addf %get3A_737, %slice3A_738 : vector<1x768xf32>
      %swap3A_740 = arith.index_cast %get3A_734 : i32 to index
      %swap3A_741 = arith.constant 0 : index
      %swap3A_742 = vector.load %arg8[%swap3A_740, %swap3A_741] : memref<2048x768xf32, #tpu.memory_space<vmem>>, vector<1x768xf32>
      tpu.vector_store %arg8[%swap3A_740, %swap3A_741], %add3A_739 {strides = array<i32>} : memref<2048x768xf32, #tpu.memory_space<vmem>>, vector<1x768xf32>,
      %add3A_743 = arith.constant 5 : i32
      %add3A_744 = arith.addi %mul3A_15, %add3A_743 : i32
      %get3A_745 = arith.index_cast %add3A_744 : i32 to index
      %get3A_746 = memref.load %arg3[%get3A_745] : memref<8192xi32, #tpu.memory_space<smem>>
      %get3A_747 = arith.index_cast %get3A_746 : i32 to index
      %get3A_748 = arith.constant 0 : index
      %get3A_749 = vector.load %arg8[%get3A_747, %get3A_748] : memref<2048x768xf32, #tpu.memory_space<vmem>>, vector<1x768xf32>
      %slice3A_750 = vector.extract_strided_slice %mul3A_683 {offsets = [5, 0], sizes = [1, 768], strides = [1, 1]} : vector<64x768xf32> to vector<1x768xf32>
      %add3A_751 = arith.addf %get3A_749, %slice3A_750 : vector<1x768xf32>
      %swap3A_752 = arith.index_cast %get3A_746 : i32 to index
      %swap3A_753 = arith.constant 0 : index
      %swap3A_754 = vector.load %arg8[%swap3A_752, %swap3A_753] : memref<2048x768xf32, #tpu.memory_space<vmem>>, vector<1x768xf32>
      tpu.vector_store %arg8[%swap3A_752, %swap3A_753], %add3A_751 {strides = array<i32>} : memref<2048x768xf32, #tpu.memory_space<vmem>>, vector<1x768xf32>,
      %add3A_755 = arith.constant 6 : i32
      %add3A_756 = arith.addi %mul3A_15, %add3A_755 : i32
      %get3A_757 = arith.index_cast %add3A_756 : i32 to index
      %get3A_758 = memref.load %arg3[%get3A_757] : memref<8192xi32, #tpu.memory_space<smem>>
      %get3A_759 = arith.index_cast %get3A_758 : i32 to index
      %get3A_760 = arith.constant 0 : index
      %get3A_761 = vector.load %arg8[%get3A_759, %get3A_760] : memref<2048x768xf32, #tpu.memory_space<vmem>>, vector<1x768xf32>
      %slice3A_762 = vector.extract_strided_slice %mul3A_683 {offsets = [6, 0], sizes = [1, 768], strides = [1, 1]} : vector<64x768xf32> to vector<1x768xf32>
      %add3A_763 = arith.addf %get3A_761, %slice3A_762 : vector<1x768xf32>
      %swap3A_764 = arith.index_cast %get3A_758 : i32 to index
      %swap3A_765 = arith.constant 0 : index
      %swap3A_766 = vector.load %arg8[%swap3A_764, %swap3A_765] : memref<2048x768xf32, #tpu.memory_space<vmem>>, vector<1x768xf32>
      tpu.vector_store %arg8[%swap3A_764, %swap3A_765], %add3A_763 {strides = array<i32>} : memref<2048x768xf32, #tpu.memory_space<vmem>>, vector<1x768xf32>,
      %add3A_767 = arith.constant 7 : i32
      %add3A_768 = arith.addi %mul3A_15, %add3A_767 : i32
      %get3A_769 = arith.index_cast %add3A_768 : i32 to index
      %get3A_770 = memref.load %arg3[%get3A_769] : memref<8192xi32, #tpu.memory_space<smem>>
      %get3A_771 = arith.index_cast %get3A_770 : i32 to index
      %get3A_772 = arith.constant 0 : index
      %get3A_773 = vector.load %arg8[%get3A_771, %get3A_772] : memref<2048x768xf32, #tpu.memory_space<vmem>>, vector<1x768xf32>
      %slice3A_774 = vector.extract_strided_slice %mul3A_683 {offsets = [7, 0], sizes = [1, 768], strides = [1, 1]} : vector<64x768xf32> to vector<1x768xf32>
      %add3A_775 = arith.addf %get3A_773, %slice3A_774 : vector<1x768xf32>
      %swap3A_776 = arith.index_cast %get3A_770 : i32 to index
      %swap3A_777 = arith.constant 0 : index
      %swap3A_778 = vector.load %arg8[%swap3A_776, %swap3A_777] : memref<2048x768xf32, #tpu.memory_space<vmem>>, vector<1x768xf32>
      tpu.vector_store %arg8[%swap3A_776, %swap3A_777], %add3A_775 {strides = array<i32>} : memref<2048x768xf32, #tpu.memory_space<vmem>>, vector<1x768xf32>,
      %add3A_779 = arith.constant 8 : i32
      %add3A_780 = arith.addi %mul3A_15, %add3A_779 : i32
      %get3A_781 = arith.index_cast %add3A_780 : i32 to index
      %get3A_782 = memref.load %arg3[%get3A_781] : memref<8192xi32, #tpu.memory_space<smem>>
      %get3A_783 = arith.index_cast %get3A_782 : i32 to index
      %get3A_784 = arith.constant 0 : index
      %get3A_785 = vector.load %arg8[%get3A_783, %get3A_784] : memref<2048x768xf32, #tpu.memory_space<vmem>>, vector<1x768xf32>
      %slice3A_786 = vector.extract_strided_slice %mul3A_683 {offsets = [8, 0], sizes = [1, 768], strides = [1, 1]} : vector<64x768xf32> to vector<1x768xf32>
      %add3A_787 = arith.addf %get3A_785, %slice3A_786 : vector<1x768xf32>
      %swap3A_788 = arith.index_cast %get3A_782 : i32 to index
      %swap3A_789 = arith.constant 0 : index
      %swap3A_790 = vector.load %arg8[%swap3A_788, %swap3A_789] : memref<2048x768xf32, #tpu.memory_space<vmem>>, vector<1x768xf32>
      tpu.vector_store %arg8[%swap3A_788, %swap3A_789], %add3A_787 {strides = array<i32>} : memref<2048x768xf32, #tpu.memory_space<vmem>>, vector<1x768xf32>,
      %add3A_791 = arith.constant 9 : i32
      %add3A_792 = arith.addi %mul3A_15, %add3A_791 : i32
      %get3A_793 = arith.index_cast %add3A_792 : i32 to index
      %get3A_794 = memref.load %arg3[%get3A_793] : memref<8192xi32, #tpu.memory_space<smem>>
      %get3A_795 = arith.index_cast %get3A_794 : i32 to index
      %get3A_796 = arith.constant 0 : index
      %get3A_797 = vector.load %arg8[%get3A_795, %get3A_796] : memref<2048x768xf32, #tpu.memory_space<vmem>>, vector<1x768xf32>
      %slice3A_798 = vector.extract_strided_slice %mul3A_683 {offsets = [9, 0], sizes = [1, 768], strides = [1, 1]} : vector<64x768xf32> to vector<1x768xf32>
      %add3A_799 = arith.addf %get3A_797, %slice3A_798 : vector<1x768xf32>
      %swap3A_800 = arith.index_cast %get3A_794 : i32 to index
      %swap3A_801 = arith.constant 0 : index
      %swap3A_802 = vector.load %arg8[%swap3A_800, %swap3A_801] : memref<2048x768xf32, #tpu.memory_space<vmem>>, vector<1x768xf32>
      tpu.vector_store %arg8[%swap3A_800, %swap3A_801], %add3A_799 {strides = array<i32>} : memref<2048x768xf32, #tpu.memory_space<vmem>>, vector<1x768xf32>,
      %add3A_803 = arith.constant 10 : i32
      %add3A_804 = arith.addi %mul3A_15, %add3A_803 : i32
      %get3A_805 = arith.index_cast %add3A_804 : i32 to index
      %get3A_806 = memref.load %arg3[%get3A_805] : memref<8192xi32, #tpu.memory_space<smem>>
      %get3A_807 = arith.index_cast %get3A_806 : i32 to index
      %get3A_808 = arith.constant 0 : index
      %get3A_809 = vector.load %arg8[%get3A_807, %get3A_808] : memref<2048x768xf32, #tpu.memory_space<vmem>>, vector<1x768xf32>
      %slice3A_810 = vector.extract_strided_slice %mul3A_683 {offsets = [10, 0], sizes = [1, 768], strides = [1, 1]} : vector<64x768xf32> to vector<1x768xf32>
      %add3A_811 = arith.addf %get3A_809, %slice3A_810 : vector<1x768xf32>
      %swap3A_812 = arith.index_cast %get3A_806 : i32 to index
      %swap3A_813 = arith.constant 0 : index
      %swap3A_814 = vector.load %arg8[%swap3A_812, %swap3A_813] : memref<2048x768xf32, #tpu.memory_space<vmem>>, vector<1x768xf32>
      tpu.vector_store %arg8[%swap3A_812, %swap3A_813], %add3A_811 {strides = array<i32>} : memref<2048x768xf32, #tpu.memory_space<vmem>>, vector<1x768xf32>,
      %add3A_815 = arith.constant 11 : i32
      %add3A_816 = arith.addi %mul3A_15, %add3A_815 : i32
      %get3A_817 = arith.index_cast %add3A_816 : i32 to index
      %get3A_818 = memref.load %arg3[%get3A_817] : memref<8192xi32, #tpu.memory_space<smem>>
      %get3A_819 = arith.index_cast %get3A_818 : i32 to index
      %get3A_820 = arith.constant 0 : index
      %get3A_821 = vector.load %arg8[%get3A_819, %get3A_820] : memref<2048x768xf32, #tpu.memory_space<vmem>>, vector<1x768xf32>
      %slice3A_822 = vector.extract_strided_slice %mul3A_683 {offsets = [11, 0], sizes = [1, 768], strides = [1, 1]} : vector<64x768xf32> to vector<1x768xf32>
      %add3A_823 = arith.addf %get3A_821, %slice3A_822 : vector<1x768xf32>
      %swap3A_824 = arith.index_cast %get3A_818 : i32 to index
      %swap3A_825 = arith.constant 0 : index
      %swap3A_826 = vector.load %arg8[%swap3A_824, %swap3A_825] : memref<2048x768xf32, #tpu.memory_space<vmem>>, vector<1x768xf32>
      tpu.vector_store %arg8[%swap3A_824, %swap3A_825], %add3A_823 {strides = array<i32>} : memref<2048x768xf32, #tpu.memory_space<vmem>>, vector<1x768xf32>,
      %add3A_827 = arith.constant 12 : i32
      %add3A_828 = arith.addi %mul3A_15, %add3A_827 : i32
      %get3A_829 = arith.index_cast %add3A_828 : i32 to index
      %get3A_830 = memref.load %arg3[%get3A_829] : memref<8192xi32, #tpu.memory_space<smem>>
      %get3A_831 = arith.index_cast %get3A_830 : i32 to index
      %get3A_832 = arith.constant 0 : index
      %get3A_833 = vector.load %arg8[%get3A_831, %get3A_832] : memref<2048x768xf32, #tpu.memory_space<vmem>>, vector<1x768xf32>
      %slice3A_834 = vector.extract_strided_slice %mul3A_683 {offsets = [12, 0], sizes = [1, 768], strides = [1, 1]} : vector<64x768xf32> to vector<1x768xf32>
      %add3A_835 = arith.addf %get3A_833, %slice3A_834 : vector<1x768xf32>
      %swap3A_836 = arith.index_cast %get3A_830 : i32 to index
      %swap3A_837 = arith.constant 0 : index
      %swap3A_838 = vector.load %arg8[%swap3A_836, %swap3A_837] : memref<2048x768xf32, #tpu.memory_space<vmem>>, vector<1x768xf32>
      tpu.vector_store %arg8[%swap3A_836, %swap3A_837], %add3A_835 {strides = array<i32>} : memref<2048x768xf32, #tpu.memory_space<vmem>>, vector<1x768xf32>,
      %add3A_839 = arith.constant 13 : i32
      %add3A_840 = arith.addi %mul3A_15, %add3A_839 : i32
      %get3A_841 = arith.index_cast %add3A_840 : i32 to index
      %get3A_842 = memref.load %arg3[%get3A_841] : memref<8192xi32, #tpu.memory_space<smem>>
      %get3A_843 = arith.index_cast %get3A_842 : i32 to index
      %get3A_844 = arith.constant 0 : index
      %get3A_845 = vector.load %arg8[%get3A_843, %get3A_844] : memref<2048x768xf32, #tpu.memory_space<vmem>>, vector<1x768xf32>
      %slice3A_846 = vector.extract_strided_slice %mul3A_683 {offsets = [13, 0], sizes = [1, 768], strides = [1, 1]} : vector<64x768xf32> to vector<1x768xf32>
      %add3A_847 = arith.addf %get3A_845, %slice3A_846 : vector<1x768xf32>
      %swap3A_848 = arith.index_cast %get3A_842 : i32 to index
      %swap3A_849 = arith.constant 0 : index
      %swap3A_850 = vector.load %arg8[%swap3A_848, %swap3A_849] : memref<2048x768xf32, #tpu.memory_space<vmem>>, vector<1x768xf32>
      tpu.vector_store %arg8[%swap3A_848, %swap3A_849], %add3A_847 {strides = array<i32>} : memref<2048x768xf32, #tpu.memory_space<vmem>>, vector<1x768xf32>,
      %add3A_851 = arith.constant 14 : i32
      %add3A_852 = arith.addi %mul3A_15, %add3A_851 : i32
      %get3A_853 = arith.index_cast %add3A_852 : i32 to index
      %get3A_854 = memref.load %arg3[%get3A_853] : memref<8192xi32, #tpu.memory_space<smem>>
      %get3A_855 = arith.index_cast %get3A_854 : i32 to index
      %get3A_856 = arith.constant 0 : index
      %get3A_857 = vector.load %arg8[%get3A_855, %get3A_856] : memref<2048x768xf32, #tpu.memory_space<vmem>>, vector<1x768xf32>
      %slice3A_858 = vector.extract_strided_slice %mul3A_683 {offsets = [14, 0], sizes = [1, 768], strides = [1, 1]} : vector<64x768xf32> to vector<1x768xf32>
      %add3A_859 = arith.addf %get3A_857, %slice3A_858 : vector<1x768xf32>
      %swap3A_860 = arith.index_cast %get3A_854 : i32 to index
      %swap3A_861 = arith.constant 0 : index
      %swap3A_862 = vector.load %arg8[%swap3A_860, %swap3A_861] : memref<2048x768xf32, #tpu.memory_space<vmem>>, vector<1x768xf32>
      tpu.vector_store %arg8[%swap3A_860, %swap3A_861], %add3A_859 {strides = array<i32>} : memref<2048x768xf32, #tpu.memory_space<vmem>>, vector<1x768xf32>,
      %add3A_863 = arith.constant 15 : i32
      %add3A_864 = arith.addi %mul3A_15, %add3A_863 : i32
      %get3A_865 = arith.index_cast %add3A_864 : i32 to index
      %get3A_866 = memref.load %arg3[%get3A_865] : memref<8192xi32, #tpu.memory_space<smem>>
      %get3A_867 = arith.index_cast %get3A_866 : i32 to index
      %get3A_868 = arith.constant 0 : index
      %get3A_869 = vector.load %arg8[%get3A_867, %get3A_868] : memref<2048x768xf32, #tpu.memory_space<vmem>>, vector<1x768xf32>
      %slice3A_870 = vector.extract_strided_slice %mul3A_683 {offsets = [15, 0], sizes = [1, 768], strides = [1, 1]} : vector<64x768xf32> to vector<1x768xf32>
      %add3A_871 = arith.addf %get3A_869, %slice3A_870 : vector<1x768xf32>
      %swap3A_872 = arith.index_cast %get3A_866 : i32 to index
      %swap3A_873 = arith.constant 0 : index
      %swap3A_874 = vector.load %arg8[%swap3A_872, %swap3A_873] : memref<2048x768xf32, #tpu.memory_space<vmem>>, vector<1x768xf32>
      tpu.vector_store %arg8[%swap3A_872, %swap3A_873], %add3A_871 {strides = array<i32>} : memref<2048x768xf32, #tpu.memory_space<vmem>>, vector<1x768xf32>,
      %add3A_875 = arith.constant 16 : i32
      %add3A_876 = arith.addi %mul3A_15, %add3A_875 : i32
      %get3A_877 = arith.index_cast %add3A_876 : i32 to index
      %get3A_878 = memref.load %arg3[%get3A_877] : memref<8192xi32, #tpu.memory_space<smem>>
      %get3A_879 = arith.index_cast %get3A_878 : i32 to index
      %get3A_880 = arith.constant 0 : index
      %get3A_881 = vector.load %arg8[%get3A_879, %get3A_880] : memref<2048x768xf32, #tpu.memory_space<vmem>>, vector<1x768xf32>
      %slice3A_882 = vector.extract_strided_slice %mul3A_683 {offsets = [16, 0], sizes = [1, 768], strides = [1, 1]} : vector<64x768xf32> to vector<1x768xf32>
      %add3A_883 = arith.addf %get3A_881, %slice3A_882 : vector<1x768xf32>
      %swap3A_884 = arith.index_cast %get3A_878 : i32 to index
      %swap3A_885 = arith.constant 0 : index
      %swap3A_886 = vector.load %arg8[%swap3A_884, %swap3A_885] : memref<2048x768xf32, #tpu.memory_space<vmem>>, vector<1x768xf32>
      tpu.vector_store %arg8[%swap3A_884, %swap3A_885], %add3A_883 {strides = array<i32>} : memref<2048x768xf32, #tpu.memory_space<vmem>>, vector<1x768xf32>,
      %add3A_887 = arith.constant 17 : i32
      %add3A_888 = arith.addi %mul3A_15, %add3A_887 : i32
      %get3A_889 = arith.index_cast %add3A_888 : i32 to index
      %get3A_890 = memref.load %arg3[%get3A_889] : memref<8192xi32, #tpu.memory_space<smem>>
      %get3A_891 = arith.index_cast %get3A_890 : i32 to index
      %get3A_892 = arith.constant 0 : index
      %get3A_893 = vector.load %arg8[%get3A_891, %get3A_892] : memref<2048x768xf32, #tpu.memory_space<vmem>>, vector<1x768xf32>
      %slice3A_894 = vector.extract_strided_slice %mul3A_683 {offsets = [17, 0], sizes = [1, 768], strides = [1, 1]} : vector<64x768xf32> to vector<1x768xf32>
      %add3A_895 = arith.addf %get3A_893, %slice3A_894 : vector<1x768xf32>
      %swap3A_896 = arith.index_cast %get3A_890 : i32 to index
      %swap3A_897 = arith.constant 0 : index
      %swap3A_898 = vector.load %arg8[%swap3A_896, %swap3A_897] : memref<2048x768xf32, #tpu.memory_space<vmem>>, vector<1x768xf32>
      tpu.vector_store %arg8[%swap3A_896, %swap3A_897], %add3A_895 {strides = array<i32>} : memref<2048x768xf32, #tpu.memory_space<vmem>>, vector<1x768xf32>,
      %add3A_899 = arith.constant 18 : i32
      %add3A_900 = arith.addi %mul3A_15, %add3A_899 : i32
      %get3A_901 = arith.index_cast %add3A_900 : i32 to index
      %get3A_902 = memref.load %arg3[%get3A_901] : memref<8192xi32, #tpu.memory_space<smem>>
      %get3A_903 = arith.index_cast %get3A_902 : i32 to index
      %get3A_904 = arith.constant 0 : index
      %get3A_905 = vector.load %arg8[%get3A_903, %get3A_904] : memref<2048x768xf32, #tpu.memory_space<vmem>>, vector<1x768xf32>
      %slice3A_906 = vector.extract_strided_slice %mul3A_683 {offsets = [18, 0], sizes = [1, 768], strides = [1, 1]} : vector<64x768xf32> to vector<1x768xf32>
      %add3A_907 = arith.addf %get3A_905, %slice3A_906 : vector<1x768xf32>
      %swap3A_908 = arith.index_cast %get3A_902 : i32 to index
      %swap3A_909 = arith.constant 0 : index
      %swap3A_910 = vector.load %arg8[%swap3A_908, %swap3A_909] : memref<2048x768xf32, #tpu.memory_space<vmem>>, vector<1x768xf32>
      tpu.vector_store %arg8[%swap3A_908, %swap3A_909], %add3A_907 {strides = array<i32>} : memref<2048x768xf32, #tpu.memory_space<vmem>>, vector<1x768xf32>,
      %add3A_911 = arith.constant 19 : i32
      %add3A_912 = arith.addi %mul3A_15, %add3A_911 : i32
      %get3A_913 = arith.index_cast %add3A_912 : i32 to index
      %get3A_914 = memref.load %arg3[%get3A_913] : memref<8192xi32, #tpu.memory_space<smem>>
      %get3A_915 = arith.index_cast %get3A_914 : i32 to index
      %get3A_916 = arith.constant 0 : index
      %get3A_917 = vector.load %arg8[%get3A_915, %get3A_916] : memref<2048x768xf32, #tpu.memory_space<vmem>>, vector<1x768xf32>
      %slice3A_918 = vector.extract_strided_slice %mul3A_683 {offsets = [19, 0], sizes = [1, 768], strides = [1, 1]} : vector<64x768xf32> to vector<1x768xf32>
      %add3A_919 = arith.addf %get3A_917, %slice3A_918 : vector<1x768xf32>
      %swap3A_920 = arith.index_cast %get3A_914 : i32 to index
      %swap3A_921 = arith.constant 0 : index
      %swap3A_922 = vector.load %arg8[%swap3A_920, %swap3A_921] : memref<2048x768xf32, #tpu.memory_space<vmem>>, vector<1x768xf32>
      tpu.vector_store %arg8[%swap3A_920, %swap3A_921], %add3A_919 {strides = array<i32>} : memref<2048x768xf32, #tpu.memory_space<vmem>>, vector<1x768xf32>,
      %add3A_923 = arith.constant 20 : i32
      %add3A_924 = arith.addi %mul3A_15, %add3A_923 : i32
      %get3A_925 = arith.index_cast %add3A_924 : i32 to index
      %get3A_926 = memref.load %arg3[%get3A_925] : memref<8192xi32, #tpu.memory_space<smem>>
      %get3A_927 = arith.index_cast %get3A_926 : i32 to index
      %get3A_928 = arith.constant 0 : index
      %get3A_929 = vector.load %arg8[%get3A_927, %get3A_928] : memref<2048x768xf32, #tpu.memory_space<vmem>>, vector<1x768xf32>
      %slice3A_930 = vector.extract_strided_slice %mul3A_683 {offsets = [20, 0], sizes = [1, 768], strides = [1, 1]} : vector<64x768xf32> to vector<1x768xf32>
      %add3A_931 = arith.addf %get3A_929, %slice3A_930 : vector<1x768xf32>
      %swap3A_932 = arith.index_cast %get3A_926 : i32 to index
      %swap3A_933 = arith.constant 0 : index
      %swap3A_934 = vector.load %arg8[%swap3A_932, %swap3A_933] : memref<2048x768xf32, #tpu.memory_space<vmem>>, vector<1x768xf32>
      tpu.vector_store %arg8[%swap3A_932, %swap3A_933], %add3A_931 {strides = array<i32>} : memref<2048x768xf32, #tpu.memory_space<vmem>>, vector<1x768xf32>,
      %add3A_935 = arith.constant 21 : i32
      %add3A_936 = arith.addi %mul3A_15, %add3A_935 : i32
      %get3A_937 = arith.index_cast %add3A_936 : i32 to index
      %get3A_938 = memref.load %arg3[%get3A_937] : memref<8192xi32, #tpu.memory_space<smem>>
      %get3A_939 = arith.index_cast %get3A_938 : i32 to index
      %get3A_940 = arith.constant 0 : index
      %get3A_941 = vector.load %arg8[%get3A_939, %get3A_940] : memref<2048x768xf32, #tpu.memory_space<vmem>>, vector<1x768xf32>
      %slice3A_942 = vector.extract_strided_slice %mul3A_683 {offsets = [21, 0], sizes = [1, 768], strides = [1, 1]} : vector<64x768xf32> to vector<1x768xf32>
      %add3A_943 = arith.addf %get3A_941, %slice3A_942 : vector<1x768xf32>
      %swap3A_944 = arith.index_cast %get3A_938 : i32 to index
      %swap3A_945 = arith.constant 0 : index
      %swap3A_946 = vector.load %arg8[%swap3A_944, %swap3A_945] : memref<2048x768xf32, #tpu.memory_space<vmem>>, vector<1x768xf32>
      tpu.vector_store %arg8[%swap3A_944, %swap3A_945], %add3A_943 {strides = array<i32>} : memref<2048x768xf32, #tpu.memory_space<vmem>>, vector<1x768xf32>,
      %add3A_947 = arith.constant 22 : i32
      %add3A_948 = arith.addi %mul3A_15, %add3A_947 : i32
      %get3A_949 = arith.index_cast %add3A_948 : i32 to index
      %get3A_950 = memref.load %arg3[%get3A_949] : memref<8192xi32, #tpu.memory_space<smem>>
      %get3A_951 = arith.index_cast %get3A_950 : i32 to index
      %get3A_952 = arith.constant 0 : index
      %get3A_953 = vector.load %arg8[%get3A_951, %get3A_952] : memref<2048x768xf32, #tpu.memory_space<vmem>>, vector<1x768xf32>
      %slice3A_954 = vector.extract_strided_slice %mul3A_683 {offsets = [22, 0], sizes = [1, 768], strides = [1, 1]} : vector<64x768xf32> to vector<1x768xf32>
      %add3A_955 = arith.addf %get3A_953, %slice3A_954 : vector<1x768xf32>
      %swap3A_956 = arith.index_cast %get3A_950 : i32 to index
      %swap3A_957 = arith.constant 0 : index
      %swap3A_958 = vector.load %arg8[%swap3A_956, %swap3A_957] : memref<2048x768xf32, #tpu.memory_space<vmem>>, vector<1x768xf32>
      tpu.vector_store %arg8[%swap3A_956, %swap3A_957], %add3A_955 {strides = array<i32>} : memref<2048x768xf32, #tpu.memory_space<vmem>>, vector<1x768xf32>,
      %add3A_959 = arith.constant 23 : i32
      %add3A_960 = arith.addi %mul3A_15, %add3A_959 : i32
      %get3A_961 = arith.index_cast %add3A_960 : i32 to index
      %get3A_962 = memref.load %arg3[%get3A_961] : memref<8192xi32, #tpu.memory_space<smem>>
      %get3A_963 = arith.index_cast %get3A_962 : i32 to index
      %get3A_964 = arith.constant 0 : index
      %get3A_965 = vector.load %arg8[%get3A_963, %get3A_964] : memref<2048x768xf32, #tpu.memory_space<vmem>>, vector<1x768xf32>
      %slice3A_966 = vector.extract_strided_slice %mul3A_683 {offsets = [23, 0], sizes = [1, 768], strides = [1, 1]} : vector<64x768xf32> to vector<1x768xf32>
      %add3A_967 = arith.addf %get3A_965, %slice3A_966 : vector<1x768xf32>
      %swap3A_968 = arith.index_cast %get3A_962 : i32 to index
      %swap3A_969 = arith.constant 0 : index
      %swap3A_970 = vector.load %arg8[%swap3A_968, %swap3A_969] : memref<2048x768xf32, #tpu.memory_space<vmem>>, vector<1x768xf32>
      tpu.vector_store %arg8[%swap3A_968, %swap3A_969], %add3A_967 {strides = array<i32>} : memref<2048x768xf32, #tpu.memory_space<vmem>>, vector<1x768xf32>,
      %add3A_971 = arith.constant 24 : i32
      %add3A_972 = arith.addi %mul3A_15, %add3A_971 : i32
      %get3A_973 = arith.index_cast %add3A_972 : i32 to index
      %get3A_974 = memref.load %arg3[%get3A_973] : memref<8192xi32, #tpu.memory_space<smem>>
      %get3A_975 = arith.index_cast %get3A_974 : i32 to index
      %get3A_976 = arith.constant 0 : index
      %get3A_977 = vector.load %arg8[%get3A_975, %get3A_976] : memref<2048x768xf32, #tpu.memory_space<vmem>>, vector<1x768xf32>
      %slice3A_978 = vector.extract_strided_slice %mul3A_683 {offsets = [24, 0], sizes = [1, 768], strides = [1, 1]} : vector<64x768xf32> to vector<1x768xf32>
      %add3A_979 = arith.addf %get3A_977, %slice3A_978 : vector<1x768xf32>
      %swap3A_980 = arith.index_cast %get3A_974 : i32 to index
      %swap3A_981 = arith.constant 0 : index
      %swap3A_982 = vector.load %arg8[%swap3A_980, %swap3A_981] : memref<2048x768xf32, #tpu.memory_space<vmem>>, vector<1x768xf32>
      tpu.vector_store %arg8[%swap3A_980, %swap3A_981], %add3A_979 {strides = array<i32>} : memref<2048x768xf32, #tpu.memory_space<vmem>>, vector<1x768xf32>,
      %add3A_983 = arith.constant 25 : i32
      %add3A_984 = arith.addi %mul3A_15, %add3A_983 : i32
      %get3A_985 = arith.index_cast %add3A_984 : i32 to index
      %get3A_986 = memref.load %arg3[%get3A_985] : memref<8192xi32, #tpu.memory_space<smem>>
      %get3A_987 = arith.index_cast %get3A_986 : i32 to index
      %get3A_988 = arith.constant 0 : index
      %get3A_989 = vector.load %arg8[%get3A_987, %get3A_988] : memref<2048x768xf32, #tpu.memory_space<vmem>>, vector<1x768xf32>
      %slice3A_990 = vector.extract_strided_slice %mul3A_683 {offsets = [25, 0], sizes = [1, 768], strides = [1, 1]} : vector<64x768xf32> to vector<1x768xf32>
      %add3A_991 = arith.addf %get3A_989, %slice3A_990 : vector<1x768xf32>
      %swap3A_992 = arith.index_cast %get3A_986 : i32 to index
      %swap3A_993 = arith.constant 0 : index
      %swap3A_994 = vector.load %arg8[%swap3A_992, %swap3A_993] : memref<2048x768xf32, #tpu.memory_space<vmem>>, vector<1x768xf32>
      tpu.vector_store %arg8[%swap3A_992, %swap3A_993], %add3A_991 {strides = array<i32>} : memref<2048x768xf32, #tpu.memory_space<vmem>>, vector<1x768xf32>,
      %add3A_995 = arith.constant 26 : i32
      %add3A_996 = arith.addi %mul3A_15, %add3A_995 : i32
      %get3A_997 = arith.index_cast %add3A_996 : i32 to index
      %get3A_998 = memref.load %arg3[%get3A_997] : memref<8192xi32, #tpu.memory_space<smem>>
      %get3A_999 = arith.index_cast %get3A_998 : i32 to index
      %get3A_1000 = arith.constant 0 : index
      %get3A_1001 = vector.load %arg8[%get3A_999, %get3A_1000] : memref<2048x768xf32, #tpu.memory_space<vmem>>, vector<1x768xf32>
      %slice3A_1002 = vector.extract_strided_slice %mul3A_683 {offsets = [26, 0], sizes = [1, 768], strides = [1, 1]} : vector<64x768xf32> to vector<1x768xf32>
      %add3A_1003 = arith.addf %get3A_1001, %slice3A_1002 : vector<1x768xf32>
      %swap3A_1004 = arith.index_cast %get3A_998 : i32 to index
      %swap3A_1005 = arith.constant 0 : index
      %swap3A_1006 = vector.load %arg8[%swap3A_1004, %swap3A_1005] : memref<2048x768xf32, #tpu.memory_space<vmem>>, vector<1x768xf32>
      tpu.vector_store %arg8[%swap3A_1004, %swap3A_1005], %add3A_1003 {strides = array<i32>} : memref<2048x768xf32, #tpu.memory_space<vmem>>, vector<1x768xf32>,
      %add3A_1007 = arith.constant 27 : i32
      %add3A_1008 = arith.addi %mul3A_15, %add3A_1007 : i32
      %get3A_1009 = arith.index_cast %add3A_1008 : i32 to index
      %get3A_1010 = memref.load %arg3[%get3A_1009] : memref<8192xi32, #tpu.memory_space<smem>>
      %get3A_1011 = arith.index_cast %get3A_1010 : i32 to index
      %get3A_1012 = arith.constant 0 : index
      %get3A_1013 = vector.load %arg8[%get3A_1011, %get3A_1012] : memref<2048x768xf32, #tpu.memory_space<vmem>>, vector<1x768xf32>
      %slice3A_1014 = vector.extract_strided_slice %mul3A_683 {offsets = [27, 0], sizes = [1, 768], strides = [1, 1]} : vector<64x768xf32> to vector<1x768xf32>
      %add3A_1015 = arith.addf %get3A_1013, %slice3A_1014 : vector<1x768xf32>
      %swap3A_1016 = arith.index_cast %get3A_1010 : i32 to index
      %swap3A_1017 = arith.constant 0 : index
      %swap3A_1018 = vector.load %arg8[%swap3A_1016, %swap3A_1017] : memref<2048x768xf32, #tpu.memory_space<vmem>>, vector<1x768xf32>
      tpu.vector_store %arg8[%swap3A_1016, %swap3A_1017], %add3A_1015 {strides = array<i32>} : memref<2048x768xf32, #tpu.memory_space<vmem>>, vector<1x768xf32>,
      %add3A_1019 = arith.constant 28 : i32
      %add3A_1020 = arith.addi %mul3A_15, %add3A_1019 : i32
      %get3A_1021 = arith.index_cast %add3A_1020 : i32 to index
      %get3A_1022 = memref.load %arg3[%get3A_1021] : memref<8192xi32, #tpu.memory_space<smem>>
      %get3A_1023 = arith.index_cast %get3A_1022 : i32 to index
      %get3A_1024 = arith.constant 0 : index
      %get3A_1025 = vector.load %arg8[%get3A_1023, %get3A_1024] : memref<2048x768xf32, #tpu.memory_space<vmem>>, vector<1x768xf32>
      %slice3A_1026 = vector.extract_strided_slice %mul3A_683 {offsets = [28, 0], sizes = [1, 768], strides = [1, 1]} : vector<64x768xf32> to vector<1x768xf32>
      %add3A_1027 = arith.addf %get3A_1025, %slice3A_1026 : vector<1x768xf32>
      %swap3A_1028 = arith.index_cast %get3A_1022 : i32 to index
      %swap3A_1029 = arith.constant 0 : index
      %swap3A_1030 = vector.load %arg8[%swap3A_1028, %swap3A_1029] : memref<2048x768xf32, #tpu.memory_space<vmem>>, vector<1x768xf32>
      tpu.vector_store %arg8[%swap3A_1028, %swap3A_1029], %add3A_1027 {strides = array<i32>} : memref<2048x768xf32, #tpu.memory_space<vmem>>, vector<1x768xf32>,
      %add3A_1031 = arith.constant 29 : i32
      %add3A_1032 = arith.addi %mul3A_15, %add3A_1031 : i32
      %get3A_1033 = arith.index_cast %add3A_1032 : i32 to index
      %get3A_1034 = memref.load %arg3[%get3A_1033] : memref<8192xi32, #tpu.memory_space<smem>>
      %get3A_1035 = arith.index_cast %get3A_1034 : i32 to index
      %get3A_1036 = arith.constant 0 : index
      %get3A_1037 = vector.load %arg8[%get3A_1035, %get3A_1036] : memref<2048x768xf32, #tpu.memory_space<vmem>>, vector<1x768xf32>
      %slice3A_1038 = vector.extract_strided_slice %mul3A_683 {offsets = [29, 0], sizes = [1, 768], strides = [1, 1]} : vector<64x768xf32> to vector<1x768xf32>
      %add3A_1039 = arith.addf %get3A_1037, %slice3A_1038 : vector<1x768xf32>
      %swap3A_1040 = arith.index_cast %get3A_1034 : i32 to index
      %swap3A_1041 = arith.constant 0 : index
      %swap3A_1042 = vector.load %arg8[%swap3A_1040, %swap3A_1041] : memref<2048x768xf32, #tpu.memory_space<vmem>>, vector<1x768xf32>
      tpu.vector_store %arg8[%swap3A_1040, %swap3A_1041], %add3A_1039 {strides = array<i32>} : memref<2048x768xf32, #tpu.memory_space<vmem>>, vector<1x768xf32>,
      %add3A_1043 = arith.constant 30 : i32
      %add3A_1044 = arith.addi %mul3A_15, %add3A_1043 : i32
      %get3A_1045 = arith.index_cast %add3A_1044 : i32 to index
      %get3A_1046 = memref.load %arg3[%get3A_1045] : memref<8192xi32, #tpu.memory_space<smem>>
      %get3A_1047 = arith.index_cast %get3A_1046 : i32 to index
      %get3A_1048 = arith.constant 0 : index
      %get3A_1049 = vector.load %arg8[%get3A_1047, %get3A_1048] : memref<2048x768xf32, #tpu.memory_space<vmem>>, vector<1x768xf32>
      %slice3A_1050 = vector.extract_strided_slice %mul3A_683 {offsets = [30, 0], sizes = [1, 768], strides = [1, 1]} : vector<64x768xf32> to vector<1x768xf32>
      %add3A_1051 = arith.addf %get3A_1049, %slice3A_1050 : vector<1x768xf32>
      %swap3A_1052 = arith.index_cast %get3A_1046 : i32 to index
      %swap3A_1053 = arith.constant 0 : index
      %swap3A_1054 = vector.load %arg8[%swap3A_1052, %swap3A_1053] : memref<2048x768xf32, #tpu.memory_space<vmem>>, vector<1x768xf32>
      tpu.vector_store %arg8[%swap3A_1052, %swap3A_1053], %add3A_1051 {strides = array<i32>} : memref<2048x768xf32, #tpu.memory_space<vmem>>, vector<1x768xf32>,
      %add3A_1055 = arith.constant 31 : i32
      %add3A_1056 = arith.addi %mul3A_15, %add3A_1055 : i32
      %get3A_1057 = arith.index_cast %add3A_1056 : i32 to index
      %get3A_1058 = memref.load %arg3[%get3A_1057] : memref<8192xi32, #tpu.memory_space<smem>>
      %get3A_1059 = arith.index_cast %get3A_1058 : i32 to index
      %get3A_1060 = arith.constant 0 : index
      %get3A_1061 = vector.load %arg8[%get3A_1059, %get3A_1060] : memref<2048x768xf32, #tpu.memory_space<vmem>>, vector<1x768xf32>
      %slice3A_1062 = vector.extract_strided_slice %mul3A_683 {offsets = [31, 0], sizes = [1, 768], strides = [1, 1]} : vector<64x768xf32> to vector<1x768xf32>
      %add3A_1063 = arith.addf %get3A_1061, %slice3A_1062 : vector<1x768xf32>
      %swap3A_1064 = arith.index_cast %get3A_1058 : i32 to index
      %swap3A_1065 = arith.constant 0 : index
      %swap3A_1066 = vector.load %arg8[%swap3A_1064, %swap3A_1065] : memref<2048x768xf32, #tpu.memory_space<vmem>>, vector<1x768xf32>
      tpu.vector_store %arg8[%swap3A_1064, %swap3A_1065], %add3A_1063 {strides = array<i32>} : memref<2048x768xf32, #tpu.memory_space<vmem>>, vector<1x768xf32>,
      %add3A_1067 = arith.constant 32 : i32
      %add3A_1068 = arith.addi %mul3A_15, %add3A_1067 : i32
      %get3A_1069 = arith.index_cast %add3A_1068 : i32 to index
      %get3A_1070 = memref.load %arg3[%get3A_1069] : memref<8192xi32, #tpu.memory_space<smem>>
      %get3A_1071 = arith.index_cast %get3A_1070 : i32 to index
      %get3A_1072 = arith.constant 0 : index
      %get3A_1073 = vector.load %arg8[%get3A_1071, %get3A_1072] : memref<2048x768xf32, #tpu.memory_space<vmem>>, vector<1x768xf32>
      %slice3A_1074 = vector.extract_strided_slice %mul3A_683 {offsets = [32, 0], sizes = [1, 768], strides = [1, 1]} : vector<64x768xf32> to vector<1x768xf32>
      %add3A_1075 = arith.addf %get3A_1073, %slice3A_1074 : vector<1x768xf32>
      %swap3A_1076 = arith.index_cast %get3A_1070 : i32 to index
      %swap3A_1077 = arith.constant 0 : index
      %swap3A_1078 = vector.load %arg8[%swap3A_1076, %swap3A_1077] : memref<2048x768xf32, #tpu.memory_space<vmem>>, vector<1x768xf32>
      tpu.vector_store %arg8[%swap3A_1076, %swap3A_1077], %add3A_1075 {strides = array<i32>} : memref<2048x768xf32, #tpu.memory_space<vmem>>, vector<1x768xf32>,
      %add3A_1079 = arith.constant 33 : i32
      %add3A_1080 = arith.addi %mul3A_15, %add3A_1079 : i32
      %get3A_1081 = arith.index_cast %add3A_1080 : i32 to index
      %get3A_1082 = memref.load %arg3[%get3A_1081] : memref<8192xi32, #tpu.memory_space<smem>>
      %get3A_1083 = arith.index_cast %get3A_1082 : i32 to index
      %get3A_1084 = arith.constant 0 : index
      %get3A_1085 = vector.load %arg8[%get3A_1083, %get3A_1084] : memref<2048x768xf32, #tpu.memory_space<vmem>>, vector<1x768xf32>
      %slice3A_1086 = vector.extract_strided_slice %mul3A_683 {offsets = [33, 0], sizes = [1, 768], strides = [1, 1]} : vector<64x768xf32> to vector<1x768xf32>
      %add3A_1087 = arith.addf %get3A_1085, %slice3A_1086 : vector<1x768xf32>
      %swap3A_1088 = arith.index_cast %get3A_1082 : i32 to index
      %swap3A_1089 = arith.constant 0 : index
      %swap3A_1090 = vector.load %arg8[%swap3A_1088, %swap3A_1089] : memref<2048x768xf32, #tpu.memory_space<vmem>>, vector<1x768xf32>
      tpu.vector_store %arg8[%swap3A_1088, %swap3A_1089], %add3A_1087 {strides = array<i32>} : memref<2048x768xf32, #tpu.memory_space<vmem>>, vector<1x768xf32>,
      %add3A_1091 = arith.constant 34 : i32
      %add3A_1092 = arith.addi %mul3A_15, %add3A_1091 : i32
      %get3A_1093 = arith.index_cast %add3A_1092 : i32 to index
      %get3A_1094 = memref.load %arg3[%get3A_1093] : memref<8192xi32, #tpu.memory_space<smem>>
      %get3A_1095 = arith.index_cast %get3A_1094 : i32 to index
      %get3A_1096 = arith.constant 0 : index
      %get3A_1097 = vector.load %arg8[%get3A_1095, %get3A_1096] : memref<2048x768xf32, #tpu.memory_space<vmem>>, vector<1x768xf32>
      %slice3A_1098 = vector.extract_strided_slice %mul3A_683 {offsets = [34, 0], sizes = [1, 768], strides = [1, 1]} : vector<64x768xf32> to vector<1x768xf32>
      %add3A_1099 = arith.addf %get3A_1097, %slice3A_1098 : vector<1x768xf32>
      %swap3A_1100 = arith.index_cast %get3A_1094 : i32 to index
      %swap3A_1101 = arith.constant 0 : index
      %swap3A_1102 = vector.load %arg8[%swap3A_1100, %swap3A_1101] : memref<2048x768xf32, #tpu.memory_space<vmem>>, vector<1x768xf32>
      tpu.vector_store %arg8[%swap3A_1100, %swap3A_1101], %add3A_1099 {strides = array<i32>} : memref<2048x768xf32, #tpu.memory_space<vmem>>, vector<1x768xf32>,
      %add3A_1103 = arith.constant 35 : i32
      %add3A_1104 = arith.addi %mul3A_15, %add3A_1103 : i32
      %get3A_1105 = arith.index_cast %add3A_1104 : i32 to index
      %get3A_1106 = memref.load %arg3[%get3A_1105] : memref<8192xi32, #tpu.memory_space<smem>>
      %get3A_1107 = arith.index_cast %get3A_1106 : i32 to index
      %get3A_1108 = arith.constant 0 : index
      %get3A_1109 = vector.load %arg8[%get3A_1107, %get3A_1108] : memref<2048x768xf32, #tpu.memory_space<vmem>>, vector<1x768xf32>
      %slice3A_1110 = vector.extract_strided_slice %mul3A_683 {offsets = [35, 0], sizes = [1, 768], strides = [1, 1]} : vector<64x768xf32> to vector<1x768xf32>
      %add3A_1111 = arith.addf %get3A_1109, %slice3A_1110 : vector<1x768xf32>
      %swap3A_1112 = arith.index_cast %get3A_1106 : i32 to index
      %swap3A_1113 = arith.constant 0 : index
      %swap3A_1114 = vector.load %arg8[%swap3A_1112, %swap3A_1113] : memref<2048x768xf32, #tpu.memory_space<vmem>>, vector<1x768xf32>
      tpu.vector_store %arg8[%swap3A_1112, %swap3A_1113], %add3A_1111 {strides = array<i32>} : memref<2048x768xf32, #tpu.memory_space<vmem>>, vector<1x768xf32>,
      %add3A_1115 = arith.constant 36 : i32
      %add3A_1116 = arith.addi %mul3A_15, %add3A_1115 : i32
      %get3A_1117 = arith.index_cast %add3A_1116 : i32 to index
      %get3A_1118 = memref.load %arg3[%get3A_1117] : memref<8192xi32, #tpu.memory_space<smem>>
      %get3A_1119 = arith.index_cast %get3A_1118 : i32 to index
      %get3A_1120 = arith.constant 0 : index
      %get3A_1121 = vector.load %arg8[%get3A_1119, %get3A_1120] : memref<2048x768xf32, #tpu.memory_space<vmem>>, vector<1x768xf32>
      %slice3A_1122 = vector.extract_strided_slice %mul3A_683 {offsets = [36, 0], sizes = [1, 768], strides = [1, 1]} : vector<64x768xf32> to vector<1x768xf32>
      %add3A_1123 = arith.addf %get3A_1121, %slice3A_1122 : vector<1x768xf32>
      %swap3A_1124 = arith.index_cast %get3A_1118 : i32 to index
      %swap3A_1125 = arith.constant 0 : index
      %swap3A_1126 = vector.load %arg8[%swap3A_1124, %swap3A_1125] : memref<2048x768xf32, #tpu.memory_space<vmem>>, vector<1x768xf32>
      tpu.vector_store %arg8[%swap3A_1124, %swap3A_1125], %add3A_1123 {strides = array<i32>} : memref<2048x768xf32, #tpu.memory_space<vmem>>, vector<1x768xf32>,
      %add3A_1127 = arith.constant 37 : i32
      %add3A_1128 = arith.addi %mul3A_15, %add3A_1127 : i32
      %get3A_1129 = arith.index_cast %add3A_1128 : i32 to index
      %get3A_1130 = memref.load %arg3[%get3A_1129] : memref<8192xi32, #tpu.memory_space<smem>>
      %get3A_1131 = arith.index_cast %get3A_1130 : i32 to index
      %get3A_1132 = arith.constant 0 : index
      %get3A_1133 = vector.load %arg8[%get3A_1131, %get3A_1132] : memref<2048x768xf32, #tpu.memory_space<vmem>>, vector<1x768xf32>
      %slice3A_1134 = vector.extract_strided_slice %mul3A_683 {offsets = [37, 0], sizes = [1, 768], strides = [1, 1]} : vector<64x768xf32> to vector<1x768xf32>
      %add3A_1135 = arith.addf %get3A_1133, %slice3A_1134 : vector<1x768xf32>
      %swap3A_1136 = arith.index_cast %get3A_1130 : i32 to index
      %swap3A_1137 = arith.constant 0 : index
      %swap3A_1138 = vector.load %arg8[%swap3A_1136, %swap3A_1137] : memref<2048x768xf32, #tpu.memory_space<vmem>>, vector<1x768xf32>
      tpu.vector_store %arg8[%swap3A_1136, %swap3A_1137], %add3A_1135 {strides = array<i32>} : memref<2048x768xf32, #tpu.memory_space<vmem>>, vector<1x768xf32>,
      %add3A_1139 = arith.constant 38 : i32
      %add3A_1140 = arith.addi %mul3A_15, %add3A_1139 : i32
      %get3A_1141 = arith.index_cast %add3A_1140 : i32 to index
      %get3A_1142 = memref.load %arg3[%get3A_1141] : memref<8192xi32, #tpu.memory_space<smem>>
      %get3A_1143 = arith.index_cast %get3A_1142 : i32 to index
      %get3A_1144 = arith.constant 0 : index
      %get3A_1145 = vector.load %arg8[%get3A_1143, %get3A_1144] : memref<2048x768xf32, #tpu.memory_space<vmem>>, vector<1x768xf32>
      %slice3A_1146 = vector.extract_strided_slice %mul3A_683 {offsets = [38, 0], sizes = [1, 768], strides = [1, 1]} : vector<64x768xf32> to vector<1x768xf32>
      %add3A_1147 = arith.addf %get3A_1145, %slice3A_1146 : vector<1x768xf32>
      %swap3A_1148 = arith.index_cast %get3A_1142 : i32 to index
      %swap3A_1149 = arith.constant 0 : index
      %swap3A_1150 = vector.load %arg8[%swap3A_1148, %swap3A_1149] : memref<2048x768xf32, #tpu.memory_space<vmem>>, vector<1x768xf32>
      tpu.vector_store %arg8[%swap3A_1148, %swap3A_1149], %add3A_1147 {strides = array<i32>} : memref<2048x768xf32, #tpu.memory_space<vmem>>, vector<1x768xf32>,
      %add3A_1151 = arith.constant 39 : i32
      %add3A_1152 = arith.addi %mul3A_15, %add3A_1151 : i32
      %get3A_1153 = arith.index_cast %add3A_1152 : i32 to index
      %get3A_1154 = memref.load %arg3[%get3A_1153] : memref<8192xi32, #tpu.memory_space<smem>>
      %get3A_1155 = arith.index_cast %get3A_1154 : i32 to index
      %get3A_1156 = arith.constant 0 : index
      %get3A_1157 = vector.load %arg8[%get3A_1155, %get3A_1156] : memref<2048x768xf32, #tpu.memory_space<vmem>>, vector<1x768xf32>
      %slice3A_1158 = vector.extract_strided_slice %mul3A_683 {offsets = [39, 0], sizes = [1, 768], strides = [1, 1]} : vector<64x768xf32> to vector<1x768xf32>
      %add3A_1159 = arith.addf %get3A_1157, %slice3A_1158 : vector<1x768xf32>
      %swap3A_1160 = arith.index_cast %get3A_1154 : i32 to index
      %swap3A_1161 = arith.constant 0 : index
      %swap3A_1162 = vector.load %arg8[%swap3A_1160, %swap3A_1161] : memref<2048x768xf32, #tpu.memory_space<vmem>>, vector<1x768xf32>
      tpu.vector_store %arg8[%swap3A_1160, %swap3A_1161], %add3A_1159 {strides = array<i32>} : memref<2048x768xf32, #tpu.memory_space<vmem>>, vector<1x768xf32>,
      %add3A_1163 = arith.constant 40 : i32
      %add3A_1164 = arith.addi %mul3A_15, %add3A_1163 : i32
      %get3A_1165 = arith.index_cast %add3A_1164 : i32 to index
      %get3A_1166 = memref.load %arg3[%get3A_1165] : memref<8192xi32, #tpu.memory_space<smem>>
      %get3A_1167 = arith.index_cast %get3A_1166 : i32 to index
      %get3A_1168 = arith.constant 0 : index
      %get3A_1169 = vector.load %arg8[%get3A_1167, %get3A_1168] : memref<2048x768xf32, #tpu.memory_space<vmem>>, vector<1x768xf32>
      %slice3A_1170 = vector.extract_strided_slice %mul3A_683 {offsets = [40, 0], sizes = [1, 768], strides = [1, 1]} : vector<64x768xf32> to vector<1x768xf32>
      %add3A_1171 = arith.addf %get3A_1169, %slice3A_1170 : vector<1x768xf32>
      %swap3A_1172 = arith.index_cast %get3A_1166 : i32 to index
      %swap3A_1173 = arith.constant 0 : index
      %swap3A_1174 = vector.load %arg8[%swap3A_1172, %swap3A_1173] : memref<2048x768xf32, #tpu.memory_space<vmem>>, vector<1x768xf32>
      tpu.vector_store %arg8[%swap3A_1172, %swap3A_1173], %add3A_1171 {strides = array<i32>} : memref<2048x768xf32, #tpu.memory_space<vmem>>, vector<1x768xf32>,
      %add3A_1175 = arith.constant 41 : i32
      %add3A_1176 = arith.addi %mul3A_15, %add3A_1175 : i32
      %get3A_1177 = arith.index_cast %add3A_1176 : i32 to index
      %get3A_1178 = memref.load %arg3[%get3A_1177] : memref<8192xi32, #tpu.memory_space<smem>>
      %get3A_1179 = arith.index_cast %get3A_1178 : i32 to index
      %get3A_1180 = arith.constant 0 : index
      %get3A_1181 = vector.load %arg8[%get3A_1179, %get3A_1180] : memref<2048x768xf32, #tpu.memory_space<vmem>>, vector<1x768xf32>
      %slice3A_1182 = vector.extract_strided_slice %mul3A_683 {offsets = [41, 0], sizes = [1, 768], strides = [1, 1]} : vector<64x768xf32> to vector<1x768xf32>
      %add3A_1183 = arith.addf %get3A_1181, %slice3A_1182 : vector<1x768xf32>
      %swap3A_1184 = arith.index_cast %get3A_1178 : i32 to index
      %swap3A_1185 = arith.constant 0 : index
      %swap3A_1186 = vector.load %arg8[%swap3A_1184, %swap3A_1185] : memref<2048x768xf32, #tpu.memory_space<vmem>>, vector<1x768xf32>
      tpu.vector_store %arg8[%swap3A_1184, %swap3A_1185], %add3A_1183 {strides = array<i32>} : memref<2048x768xf32, #tpu.memory_space<vmem>>, vector<1x768xf32>,
      %add3A_1187 = arith.constant 42 : i32
      %add3A_1188 = arith.addi %mul3A_15, %add3A_1187 : i32
      %get3A_1189 = arith.index_cast %add3A_1188 : i32 to index
      %get3A_1190 = memref.load %arg3[%get3A_1189] : memref<8192xi32, #tpu.memory_space<smem>>
      %get3A_1191 = arith.index_cast %get3A_1190 : i32 to index
      %get3A_1192 = arith.constant 0 : index
      %get3A_1193 = vector.load %arg8[%get3A_1191, %get3A_1192] : memref<2048x768xf32, #tpu.memory_space<vmem>>, vector<1x768xf32>
      %slice3A_1194 = vector.extract_strided_slice %mul3A_683 {offsets = [42, 0], sizes = [1, 768], strides = [1, 1]} : vector<64x768xf32> to vector<1x768xf32>
      %add3A_1195 = arith.addf %get3A_1193, %slice3A_1194 : vector<1x768xf32>
      %swap3A_1196 = arith.index_cast %get3A_1190 : i32 to index
      %swap3A_1197 = arith.constant 0 : index
      %swap3A_1198 = vector.load %arg8[%swap3A_1196, %swap3A_1197] : memref<2048x768xf32, #tpu.memory_space<vmem>>, vector<1x768xf32>
      tpu.vector_store %arg8[%swap3A_1196, %swap3A_1197], %add3A_1195 {strides = array<i32>} : memref<2048x768xf32, #tpu.memory_space<vmem>>, vector<1x768xf32>,
      %add3A_1199 = arith.constant 43 : i32
      %add3A_1200 = arith.addi %mul3A_15, %add3A_1199 : i32
      %get3A_1201 = arith.index_cast %add3A_1200 : i32 to index
      %get3A_1202 = memref.load %arg3[%get3A_1201] : memref<8192xi32, #tpu.memory_space<smem>>
      %get3A_1203 = arith.index_cast %get3A_1202 : i32 to index
      %get3A_1204 = arith.constant 0 : index
      %get3A_1205 = vector.load %arg8[%get3A_1203, %get3A_1204] : memref<2048x768xf32, #tpu.memory_space<vmem>>, vector<1x768xf32>
      %slice3A_1206 = vector.extract_strided_slice %mul3A_683 {offsets = [43, 0], sizes = [1, 768], strides = [1, 1]} : vector<64x768xf32> to vector<1x768xf32>
      %add3A_1207 = arith.addf %get3A_1205, %slice3A_1206 : vector<1x768xf32>
      %swap3A_1208 = arith.index_cast %get3A_1202 : i32 to index
      %swap3A_1209 = arith.constant 0 : index
      %swap3A_1210 = vector.load %arg8[%swap3A_1208, %swap3A_1209] : memref<2048x768xf32, #tpu.memory_space<vmem>>, vector<1x768xf32>
      tpu.vector_store %arg8[%swap3A_1208, %swap3A_1209], %add3A_1207 {strides = array<i32>} : memref<2048x768xf32, #tpu.memory_space<vmem>>, vector<1x768xf32>,
      %add3A_1211 = arith.constant 44 : i32
      %add3A_1212 = arith.addi %mul3A_15, %add3A_1211 : i32
      %get3A_1213 = arith.index_cast %add3A_1212 : i32 to index
      %get3A_1214 = memref.load %arg3[%get3A_1213] : memref<8192xi32, #tpu.memory_space<smem>>
      %get3A_1215 = arith.index_cast %get3A_1214 : i32 to index
      %get3A_1216 = arith.constant 0 : index
      %get3A_1217 = vector.load %arg8[%get3A_1215, %get3A_1216] : memref<2048x768xf32, #tpu.memory_space<vmem>>, vector<1x768xf32>
      %slice3A_1218 = vector.extract_strided_slice %mul3A_683 {offsets = [44, 0], sizes = [1, 768], strides = [1, 1]} : vector<64x768xf32> to vector<1x768xf32>
      %add3A_1219 = arith.addf %get3A_1217, %slice3A_1218 : vector<1x768xf32>
      %swap3A_1220 = arith.index_cast %get3A_1214 : i32 to index
      %swap3A_1221 = arith.constant 0 : index
      %swap3A_1222 = vector.load %arg8[%swap3A_1220, %swap3A_1221] : memref<2048x768xf32, #tpu.memory_space<vmem>>, vector<1x768xf32>
      tpu.vector_store %arg8[%swap3A_1220, %swap3A_1221], %add3A_1219 {strides = array<i32>} : memref<2048x768xf32, #tpu.memory_space<vmem>>, vector<1x768xf32>,
      %add3A_1223 = arith.constant 45 : i32
      %add3A_1224 = arith.addi %mul3A_15, %add3A_1223 : i32
      %get3A_1225 = arith.index_cast %add3A_1224 : i32 to index
      %get3A_1226 = memref.load %arg3[%get3A_1225] : memref<8192xi32, #tpu.memory_space<smem>>
      %get3A_1227 = arith.index_cast %get3A_1226 : i32 to index
      %get3A_1228 = arith.constant 0 : index
      %get3A_1229 = vector.load %arg8[%get3A_1227, %get3A_1228] : memref<2048x768xf32, #tpu.memory_space<vmem>>, vector<1x768xf32>
      %slice3A_1230 = vector.extract_strided_slice %mul3A_683 {offsets = [45, 0], sizes = [1, 768], strides = [1, 1]} : vector<64x768xf32> to vector<1x768xf32>
      %add3A_1231 = arith.addf %get3A_1229, %slice3A_1230 : vector<1x768xf32>
      %swap3A_1232 = arith.index_cast %get3A_1226 : i32 to index
      %swap3A_1233 = arith.constant 0 : index
      %swap3A_1234 = vector.load %arg8[%swap3A_1232, %swap3A_1233] : memref<2048x768xf32, #tpu.memory_space<vmem>>, vector<1x768xf32>
      tpu.vector_store %arg8[%swap3A_1232, %swap3A_1233], %add3A_1231 {strides = array<i32>} : memref<2048x768xf32, #tpu.memory_space<vmem>>, vector<1x768xf32>,
      %add3A_1235 = arith.constant 46 : i32
      %add3A_1236 = arith.addi %mul3A_15, %add3A_1235 : i32
      %get3A_1237 = arith.index_cast %add3A_1236 : i32 to index
      %get3A_1238 = memref.load %arg3[%get3A_1237] : memref<8192xi32, #tpu.memory_space<smem>>
      %get3A_1239 = arith.index_cast %get3A_1238 : i32 to index
      %get3A_1240 = arith.constant 0 : index
      %get3A_1241 = vector.load %arg8[%get3A_1239, %get3A_1240] : memref<2048x768xf32, #tpu.memory_space<vmem>>, vector<1x768xf32>
      %slice3A_1242 = vector.extract_strided_slice %mul3A_683 {offsets = [46, 0], sizes = [1, 768], strides = [1, 1]} : vector<64x768xf32> to vector<1x768xf32>
      %add3A_1243 = arith.addf %get3A_1241, %slice3A_1242 : vector<1x768xf32>
      %swap3A_1244 = arith.index_cast %get3A_1238 : i32 to index
      %swap3A_1245 = arith.constant 0 : index
      %swap3A_1246 = vector.load %arg8[%swap3A_1244, %swap3A_1245] : memref<2048x768xf32, #tpu.memory_space<vmem>>, vector<1x768xf32>
      tpu.vector_store %arg8[%swap3A_1244, %swap3A_1245], %add3A_1243 {strides = array<i32>} : memref<2048x768xf32, #tpu.memory_space<vmem>>, vector<1x768xf32>,
      %add3A_1247 = arith.constant 47 : i32
      %add3A_1248 = arith.addi %mul3A_15, %add3A_1247 : i32
      %get3A_1249 = arith.index_cast %add3A_1248 : i32 to index
      %get3A_1250 = memref.load %arg3[%get3A_1249] : memref<8192xi32, #tpu.memory_space<smem>>
      %get3A_1251 = arith.index_cast %get3A_1250 : i32 to index
      %get3A_1252 = arith.constant 0 : index
      %get3A_1253 = vector.load %arg8[%get3A_1251, %get3A_1252] : memref<2048x768xf32, #tpu.memory_space<vmem>>, vector<1x768xf32>
      %slice3A_1254 = vector.extract_strided_slice %mul3A_683 {offsets = [47, 0], sizes = [1, 768], strides = [1, 1]} : vector<64x768xf32> to vector<1x768xf32>
      %add3A_1255 = arith.addf %get3A_1253, %slice3A_1254 : vector<1x768xf32>
      %swap3A_1256 = arith.index_cast %get3A_1250 : i32 to index
      %swap3A_1257 = arith.constant 0 : index
      %swap3A_1258 = vector.load %arg8[%swap3A_1256, %swap3A_1257] : memref<2048x768xf32, #tpu.memory_space<vmem>>, vector<1x768xf32>
      tpu.vector_store %arg8[%swap3A_1256, %swap3A_1257], %add3A_1255 {strides = array<i32>} : memref<2048x768xf32, #tpu.memory_space<vmem>>, vector<1x768xf32>,
      %add3A_1259 = arith.constant 48 : i32
      %add3A_1260 = arith.addi %mul3A_15, %add3A_1259 : i32
      %get3A_1261 = arith.index_cast %add3A_1260 : i32 to index
      %get3A_1262 = memref.load %arg3[%get3A_1261] : memref<8192xi32, #tpu.memory_space<smem>>
      %get3A_1263 = arith.index_cast %get3A_1262 : i32 to index
      %get3A_1264 = arith.constant 0 : index
      %get3A_1265 = vector.load %arg8[%get3A_1263, %get3A_1264] : memref<2048x768xf32, #tpu.memory_space<vmem>>, vector<1x768xf32>
      %slice3A_1266 = vector.extract_strided_slice %mul3A_683 {offsets = [48, 0], sizes = [1, 768], strides = [1, 1]} : vector<64x768xf32> to vector<1x768xf32>
      %add3A_1267 = arith.addf %get3A_1265, %slice3A_1266 : vector<1x768xf32>
      %swap3A_1268 = arith.index_cast %get3A_1262 : i32 to index
      %swap3A_1269 = arith.constant 0 : index
      %swap3A_1270 = vector.load %arg8[%swap3A_1268, %swap3A_1269] : memref<2048x768xf32, #tpu.memory_space<vmem>>, vector<1x768xf32>
      tpu.vector_store %arg8[%swap3A_1268, %swap3A_1269], %add3A_1267 {strides = array<i32>} : memref<2048x768xf32, #tpu.memory_space<vmem>>, vector<1x768xf32>,
      %add3A_1271 = arith.constant 49 : i32
      %add3A_1272 = arith.addi %mul3A_15, %add3A_1271 : i32
      %get3A_1273 = arith.index_cast %add3A_1272 : i32 to index
      %get3A_1274 = memref.load %arg3[%get3A_1273] : memref<8192xi32, #tpu.memory_space<smem>>
      %get3A_1275 = arith.index_cast %get3A_1274 : i32 to index
      %get3A_1276 = arith.constant 0 : index
      %get3A_1277 = vector.load %arg8[%get3A_1275, %get3A_1276] : memref<2048x768xf32, #tpu.memory_space<vmem>>, vector<1x768xf32>
      %slice3A_1278 = vector.extract_strided_slice %mul3A_683 {offsets = [49, 0], sizes = [1, 768], strides = [1, 1]} : vector<64x768xf32> to vector<1x768xf32>
      %add3A_1279 = arith.addf %get3A_1277, %slice3A_1278 : vector<1x768xf32>
      %swap3A_1280 = arith.index_cast %get3A_1274 : i32 to index
      %swap3A_1281 = arith.constant 0 : index
      %swap3A_1282 = vector.load %arg8[%swap3A_1280, %swap3A_1281] : memref<2048x768xf32, #tpu.memory_space<vmem>>, vector<1x768xf32>
      tpu.vector_store %arg8[%swap3A_1280, %swap3A_1281], %add3A_1279 {strides = array<i32>} : memref<2048x768xf32, #tpu.memory_space<vmem>>, vector<1x768xf32>,
      %add3A_1283 = arith.constant 50 : i32
      %add3A_1284 = arith.addi %mul3A_15, %add3A_1283 : i32
      %get3A_1285 = arith.index_cast %add3A_1284 : i32 to index
      %get3A_1286 = memref.load %arg3[%get3A_1285] : memref<8192xi32, #tpu.memory_space<smem>>
      %get3A_1287 = arith.index_cast %get3A_1286 : i32 to index
      %get3A_1288 = arith.constant 0 : index
      %get3A_1289 = vector.load %arg8[%get3A_1287, %get3A_1288] : memref<2048x768xf32, #tpu.memory_space<vmem>>, vector<1x768xf32>
      %slice3A_1290 = vector.extract_strided_slice %mul3A_683 {offsets = [50, 0], sizes = [1, 768], strides = [1, 1]} : vector<64x768xf32> to vector<1x768xf32>
      %add3A_1291 = arith.addf %get3A_1289, %slice3A_1290 : vector<1x768xf32>
      %swap3A_1292 = arith.index_cast %get3A_1286 : i32 to index
      %swap3A_1293 = arith.constant 0 : index
      %swap3A_1294 = vector.load %arg8[%swap3A_1292, %swap3A_1293] : memref<2048x768xf32, #tpu.memory_space<vmem>>, vector<1x768xf32>
      tpu.vector_store %arg8[%swap3A_1292, %swap3A_1293], %add3A_1291 {strides = array<i32>} : memref<2048x768xf32, #tpu.memory_space<vmem>>, vector<1x768xf32>,
      %add3A_1295 = arith.constant 51 : i32
      %add3A_1296 = arith.addi %mul3A_15, %add3A_1295 : i32
      %get3A_1297 = arith.index_cast %add3A_1296 : i32 to index
      %get3A_1298 = memref.load %arg3[%get3A_1297] : memref<8192xi32, #tpu.memory_space<smem>>
      %get3A_1299 = arith.index_cast %get3A_1298 : i32 to index
      %get3A_1300 = arith.constant 0 : index
      %get3A_1301 = vector.load %arg8[%get3A_1299, %get3A_1300] : memref<2048x768xf32, #tpu.memory_space<vmem>>, vector<1x768xf32>
      %slice3A_1302 = vector.extract_strided_slice %mul3A_683 {offsets = [51, 0], sizes = [1, 768], strides = [1, 1]} : vector<64x768xf32> to vector<1x768xf32>
      %add3A_1303 = arith.addf %get3A_1301, %slice3A_1302 : vector<1x768xf32>
      %swap3A_1304 = arith.index_cast %get3A_1298 : i32 to index
      %swap3A_1305 = arith.constant 0 : index
      %swap3A_1306 = vector.load %arg8[%swap3A_1304, %swap3A_1305] : memref<2048x768xf32, #tpu.memory_space<vmem>>, vector<1x768xf32>
      tpu.vector_store %arg8[%swap3A_1304, %swap3A_1305], %add3A_1303 {strides = array<i32>} : memref<2048x768xf32, #tpu.memory_space<vmem>>, vector<1x768xf32>,
      %add3A_1307 = arith.constant 52 : i32
      %add3A_1308 = arith.addi %mul3A_15, %add3A_1307 : i32
      %get3A_1309 = arith.index_cast %add3A_1308 : i32 to index
      %get3A_1310 = memref.load %arg3[%get3A_1309] : memref<8192xi32, #tpu.memory_space<smem>>
      %get3A_1311 = arith.index_cast %get3A_1310 : i32 to index
      %get3A_1312 = arith.constant 0 : index
      %get3A_1313 = vector.load %arg8[%get3A_1311, %get3A_1312] : memref<2048x768xf32, #tpu.memory_space<vmem>>, vector<1x768xf32>
      %slice3A_1314 = vector.extract_strided_slice %mul3A_683 {offsets = [52, 0], sizes = [1, 768], strides = [1, 1]} : vector<64x768xf32> to vector<1x768xf32>
      %add3A_1315 = arith.addf %get3A_1313, %slice3A_1314 : vector<1x768xf32>
      %swap3A_1316 = arith.index_cast %get3A_1310 : i32 to index
      %swap3A_1317 = arith.constant 0 : index
      %swap3A_1318 = vector.load %arg8[%swap3A_1316, %swap3A_1317] : memref<2048x768xf32, #tpu.memory_space<vmem>>, vector<1x768xf32>
      tpu.vector_store %arg8[%swap3A_1316, %swap3A_1317], %add3A_1315 {strides = array<i32>} : memref<2048x768xf32, #tpu.memory_space<vmem>>, vector<1x768xf32>,
      %add3A_1319 = arith.constant 53 : i32
      %add3A_1320 = arith.addi %mul3A_15, %add3A_1319 : i32
      %get3A_1321 = arith.index_cast %add3A_1320 : i32 to index
      %get3A_1322 = memref.load %arg3[%get3A_1321] : memref<8192xi32, #tpu.memory_space<smem>>
      %get3A_1323 = arith.index_cast %get3A_1322 : i32 to index
      %get3A_1324 = arith.constant 0 : index
      %get3A_1325 = vector.load %arg8[%get3A_1323, %get3A_1324] : memref<2048x768xf32, #tpu.memory_space<vmem>>, vector<1x768xf32>
      %slice3A_1326 = vector.extract_strided_slice %mul3A_683 {offsets = [53, 0], sizes = [1, 768], strides = [1, 1]} : vector<64x768xf32> to vector<1x768xf32>
      %add3A_1327 = arith.addf %get3A_1325, %slice3A_1326 : vector<1x768xf32>
      %swap3A_1328 = arith.index_cast %get3A_1322 : i32 to index
      %swap3A_1329 = arith.constant 0 : index
      %swap3A_1330 = vector.load %arg8[%swap3A_1328, %swap3A_1329] : memref<2048x768xf32, #tpu.memory_space<vmem>>, vector<1x768xf32>
      tpu.vector_store %arg8[%swap3A_1328, %swap3A_1329], %add3A_1327 {strides = array<i32>} : memref<2048x768xf32, #tpu.memory_space<vmem>>, vector<1x768xf32>,
      %add3A_1331 = arith.constant 54 : i32
      %add3A_1332 = arith.addi %mul3A_15, %add3A_1331 : i32
      %get3A_1333 = arith.index_cast %add3A_1332 : i32 to index
      %get3A_1334 = memref.load %arg3[%get3A_1333] : memref<8192xi32, #tpu.memory_space<smem>>
      %get3A_1335 = arith.index_cast %get3A_1334 : i32 to index
      %get3A_1336 = arith.constant 0 : index
      %get3A_1337 = vector.load %arg8[%get3A_1335, %get3A_1336] : memref<2048x768xf32, #tpu.memory_space<vmem>>, vector<1x768xf32>
      %slice3A_1338 = vector.extract_strided_slice %mul3A_683 {offsets = [54, 0], sizes = [1, 768], strides = [1, 1]} : vector<64x768xf32> to vector<1x768xf32>
      %add3A_1339 = arith.addf %get3A_1337, %slice3A_1338 : vector<1x768xf32>
      %swap3A_1340 = arith.index_cast %get3A_1334 : i32 to index
      %swap3A_1341 = arith.constant 0 : index
      %swap3A_1342 = vector.load %arg8[%swap3A_1340, %swap3A_1341] : memref<2048x768xf32, #tpu.memory_space<vmem>>, vector<1x768xf32>
      tpu.vector_store %arg8[%swap3A_1340, %swap3A_1341], %add3A_1339 {strides = array<i32>} : memref<2048x768xf32, #tpu.memory_space<vmem>>, vector<1x768xf32>,
      %add3A_1343 = arith.constant 55 : i32
      %add3A_1344 = arith.addi %mul3A_15, %add3A_1343 : i32
      %get3A_1345 = arith.index_cast %add3A_1344 : i32 to index
      %get3A_1346 = memref.load %arg3[%get3A_1345] : memref<8192xi32, #tpu.memory_space<smem>>
      %get3A_1347 = arith.index_cast %get3A_1346 : i32 to index
      %get3A_1348 = arith.constant 0 : index
      %get3A_1349 = vector.load %arg8[%get3A_1347, %get3A_1348] : memref<2048x768xf32, #tpu.memory_space<vmem>>, vector<1x768xf32>
      %slice3A_1350 = vector.extract_strided_slice %mul3A_683 {offsets = [55, 0], sizes = [1, 768], strides = [1, 1]} : vector<64x768xf32> to vector<1x768xf32>
      %add3A_1351 = arith.addf %get3A_1349, %slice3A_1350 : vector<1x768xf32>
      %swap3A_1352 = arith.index_cast %get3A_1346 : i32 to index
      %swap3A_1353 = arith.constant 0 : index
      %swap3A_1354 = vector.load %arg8[%swap3A_1352, %swap3A_1353] : memref<2048x768xf32, #tpu.memory_space<vmem>>, vector<1x768xf32>
      tpu.vector_store %arg8[%swap3A_1352, %swap3A_1353], %add3A_1351 {strides = array<i32>} : memref<2048x768xf32, #tpu.memory_space<vmem>>, vector<1x768xf32>,
      %add3A_1355 = arith.constant 56 : i32
      %add3A_1356 = arith.addi %mul3A_15, %add3A_1355 : i32
      %get3A_1357 = arith.index_cast %add3A_1356 : i32 to index
      %get3A_1358 = memref.load %arg3[%get3A_1357] : memref<8192xi32, #tpu.memory_space<smem>>
      %get3A_1359 = arith.index_cast %get3A_1358 : i32 to index
      %get3A_1360 = arith.constant 0 : index
      %get3A_1361 = vector.load %arg8[%get3A_1359, %get3A_1360] : memref<2048x768xf32, #tpu.memory_space<vmem>>, vector<1x768xf32>
      %slice3A_1362 = vector.extract_strided_slice %mul3A_683 {offsets = [56, 0], sizes = [1, 768], strides = [1, 1]} : vector<64x768xf32> to vector<1x768xf32>
      %add3A_1363 = arith.addf %get3A_1361, %slice3A_1362 : vector<1x768xf32>
      %swap3A_1364 = arith.index_cast %get3A_1358 : i32 to index
      %swap3A_1365 = arith.constant 0 : index
      %swap3A_1366 = vector.load %arg8[%swap3A_1364, %swap3A_1365] : memref<2048x768xf32, #tpu.memory_space<vmem>>, vector<1x768xf32>
      tpu.vector_store %arg8[%swap3A_1364, %swap3A_1365], %add3A_1363 {strides = array<i32>} : memref<2048x768xf32, #tpu.memory_space<vmem>>, vector<1x768xf32>,
      %add3A_1367 = arith.constant 57 : i32
      %add3A_1368 = arith.addi %mul3A_15, %add3A_1367 : i32
      %get3A_1369 = arith.index_cast %add3A_1368 : i32 to index
      %get3A_1370 = memref.load %arg3[%get3A_1369] : memref<8192xi32, #tpu.memory_space<smem>>
      %get3A_1371 = arith.index_cast %get3A_1370 : i32 to index
      %get3A_1372 = arith.constant 0 : index
      %get3A_1373 = vector.load %arg8[%get3A_1371, %get3A_1372] : memref<2048x768xf32, #tpu.memory_space<vmem>>, vector<1x768xf32>
      %slice3A_1374 = vector.extract_strided_slice %mul3A_683 {offsets = [57, 0], sizes = [1, 768], strides = [1, 1]} : vector<64x768xf32> to vector<1x768xf32>
      %add3A_1375 = arith.addf %get3A_1373, %slice3A_1374 : vector<1x768xf32>
      %swap3A_1376 = arith.index_cast %get3A_1370 : i32 to index
      %swap3A_1377 = arith.constant 0 : index
      %swap3A_1378 = vector.load %arg8[%swap3A_1376, %swap3A_1377] : memref<2048x768xf32, #tpu.memory_space<vmem>>, vector<1x768xf32>
      tpu.vector_store %arg8[%swap3A_1376, %swap3A_1377], %add3A_1375 {strides = array<i32>} : memref<2048x768xf32, #tpu.memory_space<vmem>>, vector<1x768xf32>,
      %add3A_1379 = arith.constant 58 : i32
      %add3A_1380 = arith.addi %mul3A_15, %add3A_1379 : i32
      %get3A_1381 = arith.index_cast %add3A_1380 : i32 to index
      %get3A_1382 = memref.load %arg3[%get3A_1381] : memref<8192xi32, #tpu.memory_space<smem>>
      %get3A_1383 = arith.index_cast %get3A_1382 : i32 to index
      %get3A_1384 = arith.constant 0 : index
      %get3A_1385 = vector.load %arg8[%get3A_1383, %get3A_1384] : memref<2048x768xf32, #tpu.memory_space<vmem>>, vector<1x768xf32>
      %slice3A_1386 = vector.extract_strided_slice %mul3A_683 {offsets = [58, 0], sizes = [1, 768], strides = [1, 1]} : vector<64x768xf32> to vector<1x768xf32>
      %add3A_1387 = arith.addf %get3A_1385, %slice3A_1386 : vector<1x768xf32>
      %swap3A_1388 = arith.index_cast %get3A_1382 : i32 to index
      %swap3A_1389 = arith.constant 0 : index
      %swap3A_1390 = vector.load %arg8[%swap3A_1388, %swap3A_1389] : memref<2048x768xf32, #tpu.memory_space<vmem>>, vector<1x768xf32>
      tpu.vector_store %arg8[%swap3A_1388, %swap3A_1389], %add3A_1387 {strides = array<i32>} : memref<2048x768xf32, #tpu.memory_space<vmem>>, vector<1x768xf32>,
      %add3A_1391 = arith.constant 59 : i32
      %add3A_1392 = arith.addi %mul3A_15, %add3A_1391 : i32
      %get3A_1393 = arith.index_cast %add3A_1392 : i32 to index
      %get3A_1394 = memref.load %arg3[%get3A_1393] : memref<8192xi32, #tpu.memory_space<smem>>
      %get3A_1395 = arith.index_cast %get3A_1394 : i32 to index
      %get3A_1396 = arith.constant 0 : index
      %get3A_1397 = vector.load %arg8[%get3A_1395, %get3A_1396] : memref<2048x768xf32, #tpu.memory_space<vmem>>, vector<1x768xf32>
      %slice3A_1398 = vector.extract_strided_slice %mul3A_683 {offsets = [59, 0], sizes = [1, 768], strides = [1, 1]} : vector<64x768xf32> to vector<1x768xf32>
      %add3A_1399 = arith.addf %get3A_1397, %slice3A_1398 : vector<1x768xf32>
      %swap3A_1400 = arith.index_cast %get3A_1394 : i32 to index
      %swap3A_1401 = arith.constant 0 : index
      %swap3A_1402 = vector.load %arg8[%swap3A_1400, %swap3A_1401] : memref<2048x768xf32, #tpu.memory_space<vmem>>, vector<1x768xf32>
      tpu.vector_store %arg8[%swap3A_1400, %swap3A_1401], %add3A_1399 {strides = array<i32>} : memref<2048x768xf32, #tpu.memory_space<vmem>>, vector<1x768xf32>,
      %add3A_1403 = arith.constant 60 : i32
      %add3A_1404 = arith.addi %mul3A_15, %add3A_1403 : i32
      %get3A_1405 = arith.index_cast %add3A_1404 : i32 to index
      %get3A_1406 = memref.load %arg3[%get3A_1405] : memref<8192xi32, #tpu.memory_space<smem>>
      %get3A_1407 = arith.index_cast %get3A_1406 : i32 to index
      %get3A_1408 = arith.constant 0 : index
      %get3A_1409 = vector.load %arg8[%get3A_1407, %get3A_1408] : memref<2048x768xf32, #tpu.memory_space<vmem>>, vector<1x768xf32>
      %slice3A_1410 = vector.extract_strided_slice %mul3A_683 {offsets = [60, 0], sizes = [1, 768], strides = [1, 1]} : vector<64x768xf32> to vector<1x768xf32>
      %add3A_1411 = arith.addf %get3A_1409, %slice3A_1410 : vector<1x768xf32>
      %swap3A_1412 = arith.index_cast %get3A_1406 : i32 to index
      %swap3A_1413 = arith.constant 0 : index
      %swap3A_1414 = vector.load %arg8[%swap3A_1412, %swap3A_1413] : memref<2048x768xf32, #tpu.memory_space<vmem>>, vector<1x768xf32>
      tpu.vector_store %arg8[%swap3A_1412, %swap3A_1413], %add3A_1411 {strides = array<i32>} : memref<2048x768xf32, #tpu.memory_space<vmem>>, vector<1x768xf32>,
      %add3A_1415 = arith.constant 61 : i32
      %add3A_1416 = arith.addi %mul3A_15, %add3A_1415 : i32
      %get3A_1417 = arith.index_cast %add3A_1416 : i32 to index
      %get3A_1418 = memref.load %arg3[%get3A_1417] : memref<8192xi32, #tpu.memory_space<smem>>
      %get3A_1419 = arith.index_cast %get3A_1418 : i32 to index
      %get3A_1420 = arith.constant 0 : index
      %get3A_1421 = vector.load %arg8[%get3A_1419, %get3A_1420] : memref<2048x768xf32, #tpu.memory_space<vmem>>, vector<1x768xf32>
      %slice3A_1422 = vector.extract_strided_slice %mul3A_683 {offsets = [61, 0], sizes = [1, 768], strides = [1, 1]} : vector<64x768xf32> to vector<1x768xf32>
      %add3A_1423 = arith.addf %get3A_1421, %slice3A_1422 : vector<1x768xf32>
      %swap3A_1424 = arith.index_cast %get3A_1418 : i32 to index
      %swap3A_1425 = arith.constant 0 : index
      %swap3A_1426 = vector.load %arg8[%swap3A_1424, %swap3A_1425] : memref<2048x768xf32, #tpu.memory_space<vmem>>, vector<1x768xf32>
      tpu.vector_store %arg8[%swap3A_1424, %swap3A_1425], %add3A_1423 {strides = array<i32>} : memref<2048x768xf32, #tpu.memory_space<vmem>>, vector<1x768xf32>,
      %add3A_1427 = arith.constant 62 : i32
      %add3A_1428 = arith.addi %mul3A_15, %add3A_1427 : i32
      %get3A_1429 = arith.index_cast %add3A_1428 : i32 to index
      %get3A_1430 = memref.load %arg3[%get3A_1429] : memref<8192xi32, #tpu.memory_space<smem>>
      %get3A_1431 = arith.index_cast %get3A_1430 : i32 to index
      %get3A_1432 = arith.constant 0 : index
      %get3A_1433 = vector.load %arg8[%get3A_1431, %get3A_1432] : memref<2048x768xf32, #tpu.memory_space<vmem>>, vector<1x768xf32>
      %slice3A_1434 = vector.extract_strided_slice %mul3A_683 {offsets = [62, 0], sizes = [1, 768], strides = [1, 1]} : vector<64x768xf32> to vector<1x768xf32>
      %add3A_1435 = arith.addf %get3A_1433, %slice3A_1434 : vector<1x768xf32>
      %swap3A_1436 = arith.index_cast %get3A_1430 : i32 to index
      %swap3A_1437 = arith.constant 0 : index
      %swap3A_1438 = vector.load %arg8[%swap3A_1436, %swap3A_1437] : memref<2048x768xf32, #tpu.memory_space<vmem>>, vector<1x768xf32>
      tpu.vector_store %arg8[%swap3A_1436, %swap3A_1437], %add3A_1435 {strides = array<i32>} : memref<2048x768xf32, #tpu.memory_space<vmem>>, vector<1x768xf32>,
      %add3A_1439 = arith.constant 63 : i32
      %add3A_1440 = arith.addi %mul3A_15, %add3A_1439 : i32
      %get3A_1441 = arith.index_cast %add3A_1440 : i32 to index
      %get3A_1442 = memref.load %arg3[%get3A_1441] : memref<8192xi32, #tpu.memory_space<smem>>
      %get3A_1443 = arith.index_cast %get3A_1442 : i32 to index
      %get3A_1444 = arith.constant 0 : index
      %get3A_1445 = vector.load %arg8[%get3A_1443, %get3A_1444] : memref<2048x768xf32, #tpu.memory_space<vmem>>, vector<1x768xf32>
      %slice3A_1446 = vector.extract_strided_slice %mul3A_683 {offsets = [63, 0], sizes = [1, 768], strides = [1, 1]} : vector<64x768xf32> to vector<1x768xf32>
      %add3A_1447 = arith.addf %get3A_1445, %slice3A_1446 : vector<1x768xf32>
      %swap3A_1448 = arith.index_cast %get3A_1442 : i32 to index
      %swap3A_1449 = arith.constant 0 : index
      %swap3A_1450 = vector.load %arg8[%swap3A_1448, %swap3A_1449] : memref<2048x768xf32, #tpu.memory_space<vmem>>, vector<1x768xf32>
      tpu.vector_store %arg8[%swap3A_1448, %swap3A_1449], %add3A_1447 {strides = array<i32>} : memref<2048x768xf32, #tpu.memory_space<vmem>>, vector<1x768xf32>,
    }
    return
  }
  func.func @transform_0(%arg0: i32, %arg1: memref<64xi32, #tpu.memory_space<smem>>, %arg2: memref<64xi32, #tpu.memory_space<smem>>, %arg3: memref<8192xi32, #tpu.memory_space<smem>>) -> (i32, i32) {
    %c0_i32 = arith.constant 0 : i32
    %c0_i32_0 = arith.constant 0 : i32
    %c0_i32_1 = arith.constant 0 : i32
    return %c0_i32, %c0_i32_0 : i32, i32
  }
  func.func @transform_1(%arg0: i32, %arg1: memref<64xi32, #tpu.memory_space<smem>>, %arg2: memref<64xi32, #tpu.memory_space<smem>>, %arg3: memref<8192xi32, #tpu.memory_space<smem>>) -> (i32, i32, i32) {
    %c0_i32 = arith.constant 0 : i32
    %c0_i32_0 = arith.constant 0 : i32
    %c0_i32_1 = arith.constant 0 : i32
    %c0_i32_2 = arith.constant 0 : i32
    return %c0_i32, %c0_i32_0, %c0_i32_1 : i32, i32, i32
  }
  func.func @transform_2(%arg0: i32, %arg1: memref<64xi32, #tpu.memory_space<smem>>, %arg2: memref<64xi32, #tpu.memory_space<smem>>, %arg3: memref<8192xi32, #tpu.memory_space<smem>>) -> (i32, i32, i32) {
    %c0_i32 = arith.constant 0 : i32
    %c0_i32_0 = arith.constant 0 : i32
    %c0_i32_1 = arith.constant 0 : i32
    return %arg0, %c0_i32, %c0_i32_0 : i32, i32, i32
  }
  func.func @transform_3(%arg0: i32, %arg1: memref<64xi32, #tpu.memory_space<smem>>, %arg2: memref<64xi32, #tpu.memory_space<smem>>, %arg3: memref<8192xi32, #tpu.memory_space<smem>>) -> (i32, i32, i32) {
    %c0_i32 = arith.constant 0 : i32
    %c0_i32_0 = arith.constant 0 : i32
    %c0_i32_1 = arith.constant 0 : i32
    return %arg0, %c0_i32, %c0_i32_0 : i32, i32, i32
  }
  func.func @transform_4(%arg0: i32, %arg1: memref<64xi32, #tpu.memory_space<smem>>, %arg2: memref<64xi32, #tpu.memory_space<smem>>, %arg3: memref<8192xi32, #tpu.memory_space<smem>>) -> (i32, i32) {
    %c0_i32 = arith.constant 0 : i32
    %c0_i32_0 = arith.constant 0 : i32
    %c0_i32_1 = arith.constant 0 : i32
    return %c0_i32, %c0_i32_0 : i32, i32
  }
}

</mosaic_0001>

<sc_bundles>
// kernel: _run.5.cloned.1.call-start
scs
__scs_entry_jumppad:
0x0: {  	(pc) =	sbr.rel $0x88, $3  }
0x1: {  	(tag) =	ssettag $0x0;
	lr =	simm.s32 $0x1  }
0x2: {  	[smem:$0x3F9D] =	sst lr;
	_ =	strace $0xD0000000  }
0x3: {  	_ = 	snop  }
0x4: {  	_ = 	snop  }
0x5: {  	_ = 	snop  }
0x6: {  	_ = 	snop  }
0x7: {  	_ = 	snop  }
__scs_overlays_trampoline_lowered:
0x8: {  	[smem:$0x3FAC] =	sst s0  }
0x9: {  	[smem:$0x3FAD] =	sst s1  }
0xa: {  	[smem:$0x3FAE] =	sst s2  }
0xb: {  	[smem:$0x3FAF] =	sst s3  }
0xc: {  	[smem:$0x3FB0] =	sst s4  }
0xd: {  	[smem:$0x3FB1] =	sst s5  }
0xe: {  	[smem:$0x3FB2] =	sst s6  }
0xf: {  	[smem:$0x3FB3] =	sst s7  }
0x10: {  	[smem:$0x3FB4] =	sst s8  }
0x11: {  	[smem:$0x3FB5] =	sst s9;
	s0 =	simm.s32 @!p0 $0x0  }
0x12: {  	s1 =	sld [smem:$0x3F9B];
	s0 =	simm.s32 @p0 $0x1  }
0x13: {  	[smem:$0x3FB6] =	sst s0;
	s0 =	simm.s32 @!p1 $0x0  }
0x14: {  	s2 =	sld [smem:$0x3F9A];
	s0 =	simm.s32 @p1 $0x1  }
0x15: {  	[smem:$0x3FB7] =	sst s0;
	s0 =	simm.s32 @!p2 $0x0  }
0x16: {  	s3 =	sld [smem:$0x3FDB];
	s0 =	simm.s32 @p2 $0x1  }
0x17: {  	s4 =	simm.s32 $0x1BF5;
	[smem:$0x3FB9] =	sst s0  }
0x18: {  	s0 =	sld [smem:$0x3F9C];
	_ =	swait.ge [sflag:s4], $0x0  }
0x19: {  	s7 =	sld [smem:$0x3F9D]  }
0x1a: {  	s8 =	sadd.s32 $0xFFFFE003, lr  }
0x1b: {  	s9 =	sadd.s32 $0xFFFFFEF7, lr;
	s5 =	simm.s32 $0xFFFFFFFF;
	p2 =	slt.u32 s8, $0xFFFFF086  }
0x1c: {  	p1 =	slt.u32 s9, $0xF7A;
	s5 =	simm.s32 @!p2 $0x0  }
0x1d: {  	s5 =	simm.s32 @p1 $0x1;
	p0 =	seq.s32 s7, s2  }
0x1e: {  	s7 =	smul.u32 @!p0 $0xF7A, s2;
	p2 =	seq.s32 @!p0 s5, $0x0  }
0x1f: {  	s9 =	smul.u32 $0xF7A, s1;
	s8 =	simm.s32 @!p0 $0x1BF5;
	p2 =	por !p2, p0  }
0x20: {  	[sflag:s8] =	ssyncset.s32 @!p0 $0xFFFFF086;
	s6 =	sadd.s32 @!p0 s3, s7;
	s7 =	simm.s32 @!p0 $0x108  }
0x21: {  	s3 =	sadd.s32 s3, s9;
	s6 =	sadd.s32 @!p0 $0x88, s6;
	s7 =	simm.s32 @p2 $0x1082  }
0x22: {  	[simem:s7], [sflag:s8] =	dma.local @!p0 [hbm:s6], $0xF7A  }
0x23: {  	s9 =	sor.u32 $0xD0000000, s2;
	s6 =	simm.s32 $0x108;
	_ =	swait.ge @!p0 [sflag:s8], $0x0  }
0x24: {  	s3 =	sadd.s32 $0x88, s3;
	s6 =	simm.s32 @!p1 $0x1082;
	[sflag:s4] =	ssyncset.s32 $0xFFFFF086  }
0x25: {  	[simem:s6], [sflag:s4] =	dma.local [hbm:s3], $0xF7A  }
0x26: {  	[smem:$0x3F9D] =	sst s1;
	(tag) =	ssettag s2;
	_ =	strace s9  }
0x27: {  	s1 =	sld [smem:$0x3FAD]  }
0x28: {  	s2 =	sld [smem:$0x3FAE]  }
0x29: {  	s4 =	sld [smem:$0x3FB0]  }
0x2a: {  	p0 =	seq.s32 s5, $0x0;
	s5 =	sld [smem:$0x3FB1]  }
0x2b: {  	s6 =	sld [smem:$0x3FB2]  }
0x2c: {  	s7 =	sld [smem:$0x3FB3]  }
0x2d: {  	s3 =	simm.s32 $0x108;
	s8 =	sld [smem:$0x3FB4]  }
0x2e: {  	s3 =	simm.s32 @!p0 $0x1082;
	s9 =	sld [smem:$0x3FB5]  }
0x2f: {  	lr =	sadd.s32 s0, s3;
	s0 =	sld [smem:$0x3FAC]  }
0x30: {  	s3 =	sld [smem:$0x3FAF]  }
0x31: {  	[smem:$0x3FB8] =	sst s10  }
0x32: {  	s10 =	sld [smem:$0x3FB6];
	_ =	sdelay $0x3  }
0x33: {  	p0 =	seq.s32 s10, $0x1;
	s10 =	sld [smem:$0x3FB8];
	_ =	sdelay $0x3  }
0x34: {  	[smem:$0x3FB8] =	sst s10  }
0x35: {  	s10 =	sld [smem:$0x3FB7];
	_ =	sdelay $0x3  }
0x36: {  	p1 =	seq.s32 s10, $0x1;
	s10 =	sld [smem:$0x3FB8];
	_ =	sdelay $0x3  }
0x37: {  	[smem:$0x3FB8] =	sst s10  }
0x38: {  	s10 =	sld [smem:$0x3FB9]  }
0x39: {  	_ = 	snop;
	(pc) =	sbr.ind lr, $3  }
0x3a: {  	_ = 	snop  }
0x3b: {  	_ = 	snop  }
0x3c: {  	p2 =	seq.s32 s10, $0x1;
	s10 =	sld [smem:$0x3FB8]  }
0x3d: {  	_ =	shalt  }
0x3e: {  	_ =	shalt  }
0x3f: {  	_ =	shalt  }
0x40: {  	_ =	shalt  }
0x41: {  	_ =	shalt  }
0x42: {  	_ =	shalt  }
0x43: {  	_ =	shalt  }
0x44: {  	_ =	shalt  }
0x45: {  	_ =	shalt  }
0x46: {  	_ =	shalt  }
0x47: {  	_ =	shalt  }
0x48: {  	_ =	shalt  }
0x49: {  	_ =	shalt  }
0x4a: {  	_ =	shalt  }
0x4b: {  	_ =	shalt  }
0x4c: {  	_ =	shalt  }
0x4d: {  	_ =	shalt  }
0x4e: {  	_ =	shalt  }
0x4f: {  	_ =	shalt  }
0x50: {  	_ =	shalt  }
0x51: {  	_ =	shalt  }
0x52: {  	_ =	shalt  }
0x53: {  	_ =	shalt  }
0x54: {  	_ =	shalt  }
0x55: {  	_ =	shalt  }
0x56: {  	_ =	shalt  }
0x57: {  	_ =	shalt  }
0x58: {  	_ =	shalt  }
0x59: {  	_ =	shalt  }
0x5a: {  	_ =	shalt  }
0x5b: {  	_ =	shalt  }
0x5c: {  	_ =	shalt  }
0x5d: {  	_ =	shalt  }
0x5e: {  	_ =	shalt  }
0x5f: {  	_ =	shalt  }
0x60: {  	_ =	shalt  }
0x61: {  	_ =	shalt  }
0x62: {  	_ =	shalt  }
0x63: {  	_ =	shalt  }
0x64: {  	_ =	shalt  }
0x65: {  	_ =	shalt  }
0x66: {  	_ =	shalt  }
0x67: {  	_ =	shalt  }
0x68: {  	_ =	shalt  }
0x69: {  	_ =	shalt  }
0x6a: {  	_ =	shalt  }
0x6b: {  	_ =	shalt  }
0x6c: {  	_ =	shalt  }
0x6d: {  	_ =	shalt  }
0x6e: {  	_ =	shalt  }
0x6f: {  	_ =	shalt  }
0x70: {  	_ =	shalt  }
0x71: {  	_ =	shalt  }
0x72: {  	_ =	shalt  }
0x73: {  	_ =	shalt  }
0x74: {  	_ =	shalt  }
0x75: {  	_ =	shalt  }
0x76: {  	_ =	shalt  }
0x77: {  	_ =	shalt  }
0x78: {  	_ =	shalt  }
0x79: {  	_ =	shalt  }
0x7a: {  	_ =	shalt  }
0x7b: {  	_ =	shalt  }
0x7c: {  	_ =	shalt  }
0x7d: {  	_ =	shalt  }
0x7e: {  	_ =	shalt  }
0x7f: {  	_ =	shalt  }
0x80: {  	_ =	shalt  }
0x81: {  	_ =	shalt  }
0x82: {  	_ =	shalt  }
0x83: {  	_ =	shalt  }
0x84: {  	_ =	shalt  }
0x85: {  	_ =	shalt  }
0x86: {  	_ =	shalt  }
0x87: {  	_ =	shalt  }
.Lfunc_end0:
.L_simem_size_0:
called_computation_lowered:
.L_overlay_start_0:
0x88: {  	s2 =	sld [smem:$0x3FD9]  }
0x89: {  	s3 =	sld [smem:$0x3FFE];
	_ =	sdelay $0x1  }
0x8a: {  	s1 =	srdreg.scid  }
0x8b: {  	s0 =	sand.u32 $0x1, s1  }
0x8c: {  	s17 =	sshll.u32 s0, $0xA;
	s2 =	sadd.s32 s3, s2  }
0x8d: {  	s2 =	sadd.s32 s2, s17  }
0x8e: {  	[smem:$0x3FC4] =	sst s2  }
0x8f: {  	_ = 	snop  }
0x90: {  	s2 =	sld [smem:$0x3FD0];
	(tm) =	ssettm $0x1  }
0x91: {  	s18 =	sld [smem:$0x3FFB];
	_ =	sdelay $0x3  }
0x92: {  	_ =	strace s18  }
0x93: {  	s3 =	sld [smem:$0x3FFC];
	_ =	sdelay $0x3  }
0x94: {  	_ =	strace s3  }
0x95: {  	s3 =	sld [smem:$0x3FFD];
	_ =	sdelay $0x3  }
0x96: {  	_ =	strace s3  }
0x97: {  	_ =	strace $0x8FFFFFFF  }
0x98: {  	s19 =	sld [smem:$0x3FDB];
	_ =	sdelay $0x1  }
0x99: {  	s4 =	simm.s32 $_scs_section_size  }
0x9a: {  	s5 =	simm.s32 $_size__tile_overlayer_lowered;
	s6 =	simm.s32 $_tile_overlayer_lowered  }
0x9b: {  	s22 =	simm.s32 $0x1BFF;
	s21 =	sshll.u32 s6, $0x1;
	s3 =	sadd.s32 s4, s19  }
0x9c: {  	s7 =	simm.s32 $0x0;
	s20 =	sshll.u32 s5, $0x1;
	s5 =	sadd.s32 s21, s3  }
0x9d: {  	[timem:s7], [sflag:s22] =	dma.local [hbm:s5], s20  }
0x9e: {  	_ =	swait.ge [sflag:s22], s20  }
0x9f: {  	s4 =	ssub.s32 $0x0, s20;
	[sflag:s22] =	ssyncset.done $0x0  }
0xa0: {  	[sflag:s22] =	ssyncadd.s32 s4;
	_ =	sdelay $0x1  }
0xa1: {  	s23 =	simm.s32 $0x1B8B  }
0xa2: {  	_ =	swait.ge [sflag:s23], $0x1  }
0xa3: {  	[sflag:s23] =	ssyncset.done $0x0  }
0xa4: {  	s25 =	simm.s32 $0x1B8E;
	s24 =	sld [smem:$0x3FFE];
	[sflag:s23] =	ssyncadd.s32 $0xFFFFFFFF  }
0xa5: {  	s26 =	simm.s32 $execute0_lowered;
	[smem:$0x3FD2] =	sst s25  }
0xa6: {  	s5 =	sshll.u32 s26, $0x1;
	_ =	strace $0x80000046;
	[dreg:$0x1] =	wrdreg $0xFFFFFFFF  }
0xa7: {  	s28 =	simm.s32 $_size_execute0_lowered;
	s3 =	sadd.s32 s3, s5;
	[dreg:$0x0] =	wrdreg $0x0  }
0xa8: {  	s5 =	sshll.u32 s28, $0x1;
	[dreg:$0x2] =	wrdreg s3  }
0xa9: {  	[dreg:$0x3] =	wrdreg s5  }
0xaa: {  	[dreg:$0x4] =	wrdreg $0xC0  }
0xab: {  	_ =	task [dreg:s7], $0x5FFFF  }
0xac: {  	[dreg:$0x1] =	wrdreg $0xFFFFFFFF  }
0xad: {  	[dreg:$0x0] =	wrdreg $0x60  }
0xae: {  	[dreg:$0x2] =	wrdreg s24  }
0xaf: {  	[dreg:$0x3] =	wrdreg s2  }
0xb0: {  	[dreg:$0x4] =	wrdreg $0x9  }
0xb1: {  	_ =	task.clear_ibuf [dreg:s7], $0x5FFFF;
	_ =	strace $0x90000046  }
0xb2: {  	s29 =	simm.s32 $0x9;
	_ =	strace $0x80000048  }
0xb3: {  	_ =	swait.ge [sflag:s29], $0x1  }
0xb4: {  	[sflag:s29] =	ssyncadd.s32 $0xFFFFFFFF  }
0xb5: {  	_ =	strace $0x90000048  }
0xb6: {  	_ =	sfence  }
0xb7: {  	s30 =	sld [smem:$0x0];
	_ =	sdelay $0x2  }
0xb8: {  	s31 =	sshll.u32 s1, $0xD;
	s1 =	sshrl.u32 s1, $0x2  }
0xb9: {  	s3 =	sand.u32 $0x4000, s31;
	s1 =	sadd.s32 s1, s30  }
0xba: {  	s0 =	sor.u32 s3, s0;
	s1 =	sshll.u32 s1, $0x11  }
0xbb: {  	s0 =	sor.u32 s1, s0  }
0xbc: {  	s0 =	sadd.s32 $0x8F2B, s0  }
0xbd: {  	[sflag:s0] =	ssyncadd.remote.s32 $0x1  }
0xbe: {  	_ =	sfence.sel $0xFFFF  }
0xbf: {  	[dreg:$0x0] =	wrdreg $0xFFFFFFFF;
	(pc) =	sbr.abs _section_cstart, $3  }
0xc0: {  	[dreg:$0x1] =	wrdreg $0xFFFFFFFF  }
0xc1: {  	_ =	task.clear_ibuf [dreg:s7], $0x2FFFF;
	_ =	strace $0x9FFFFFFF  }
0xc2: {  	(tm) =	ssettm $0x7FFFFFFF  }
0xc3: {  	_ =	shalt  }
tec
execute0_lowered:
.L_overlay_start_1:
0x0: {  	(tag) =	ssettag $0x1  }
0x1: {  	s1 =	srdreg.scid  }
0x2: {  	s0 =	stileid.u32;
	s10 =	sand.u32 $0x1, s1  }
0x3: {  	s22 =	sshll.u32 s0, $0x8;
	s3 =	sshll.u32 s10, $0x7  }
0x4: {  	s12 =	rddreg [dreg:$0x0];
	s11 =	sor.u32 s3, s22  }
0x5: {  	s2 =	rddreg [dreg:$0x1];
	s3 =	simm.s32 $0x0;
	s4 =	sshrl.u32 s11, $0x3  }
0x6: {  	s7 =	simm.s32 $0x2;
	[smem:$0x7FF] =	sst s3;
	s5 =	sadd.s32 s4, s12  }
0x7: {  	s1 =	rddreg [dreg:$0x2];
	_ =	strace $0x80000047;
	s6 =	sadd.s32 $0xE00, s5  }
0x8: {  	[tilespmem:s3], [sflag:$0x2] =	stream.linear.gather [hbm4b:s6+s3], $0x80, $0x38;
	[tilespmem:$0x300] =	vst v63  }
0x9: {  	_ =	swait.ge [sflag:s7], $0x80  }
0xa: {  	[sflag:s7] =	ssyncset.done $0x0  }
0xb: {  	s4 =	simm.s32 $0x80;
	s8 =	sadd.s32 $0xC00, s5;
	[sflag:s7] =	ssyncadd.s32 $0xFFFFFF80  }
0xc: {  	[tilespmem:s4], [sflag:$0x2] =	stream.linear.gather [hbm4b:s8+s3], $0x80, $0x38;
	[tilespmem:$0x300] =	vst v63  }
0xd: {  	_ =	swait.ge [sflag:s7], $0x80  }
0xe: {  	[sflag:s7] =	ssyncset.done $0x0  }
0xf: {  	s9 =	sadd.s32 $0x1000, s5;
	s5 =	simm.s32 $0x180;
	[sflag:s7] =	ssyncadd.s32 $0xFFFFFF80  }
0x10: {  	[tilespmem:s5], [sflag:$0x2] =	stream.linear.gather [hbm4b:s9+s3], $0x80, $0x38;
	[tilespmem:$0x300] =	vst v63  }
0x11: {  	_ =	swait.ge [sflag:s7], $0x80  }
0x12: {  	[sflag:s7] =	ssyncset.done $0x0  }
0x13: {  	v7 =	vlaneseq.u32;
	v0 =	vimm.f32 $0.0e+00;
	s13 =	sor.u32 $0x70, s11;
	[sflag:s7] =	ssyncadd.s32 $0xFFFFFF80  }
0x14: {  	v1 =	vimm.s32 $0x0;
	v2 =	vor.u32 s13, v7;
	[tilespmem:$0x2F0] =	vst v0  }
0x15: {  	v2 =	vand.u32 $0x7FF, v2;
	[tilespmem:$0x270] =	vst v1  }
0x16: {  	s23 =	sor.u32 $0x60, s11;
	[tilespmem:$0x170] =	vst v2  }
0x17: {  	v3 =	vor.u32 s23, v7;
	[tilespmem:$0x2E0] =	vst v0  }
0x18: {  	v3 =	vand.u32 $0x7EF, v3;
	[tilespmem:$0x260] =	vst v1  }
0x19: {  	s24 =	sor.u32 $0x50, s11;
	[tilespmem:$0x160] =	vst v3  }
0x1a: {  	s26 =	ssub.s32 $0x2, s10;
	v4 =	vor.u32 s24, v7;
	[tilespmem:$0x2D0] =	vst v0  }
0x1b: {  	s14 =	sshrl.u32 s26, $0x1;
	v4 =	vand.u32 $0x7DF, v4;
	[tilespmem:$0x250] =	vst v1  }
0x1c: {  	s25 =	sor.u32 $0x40, s11;
	s28 =	ssub.s32 s26, s14;
	[tilespmem:$0x150] =	vst v4  }
0x1d: {  	v5 =	vor.u32 s25, v7;
	s31 =	smax.u32 s28, $0x1;
	[tilespmem:$0x2C0] =	vst v0  }
0x1e: {  	v5 =	vand.u32 $0x7CF, v5;
	p0 =	sne.s32 s31, $0x1;
	[tilespmem:$0x240] =	vst v1  }
.Ltmp0:
0x1f: {  	s15 =	sor.u32 $0x30, s11;
	[tilespmem:$0x140] =	vst v5;
	(pc) =	sbr.rel @!p0 .LBB2_2-.Ltmp0, $4  }
0x20: {  	v6 =	vor.u32 s15, v7;
	[tilespmem:$0x2B0] =	vst v0  }
0x21: {  	s29 =	sor.u32 $0x10, s11;
	s30 =	sor.u32 $0x20, s11;
	v6 =	vand.u32 $0x7BF, v6;
	[tilespmem:$0x230] =	vst v1  }
0x22: {  	s10 =	sadd.s32 $0x1200, s12;
	v8 =	vor.u32 s11, v7;
	s14 =	simm.s32 $0x100;
	s11 =	simm.s32 $0x1;
	v9 =	vor.u32 s29, v7;
	v10 =	vor.u32 s30, v7;
	[tilespmem:$0x130] =	vst v6  }
0x23: {  	v7 =	vand.u32 $0x78F, v8;
	s13 =	simm.s32 $0x200;
	s12 =	simm.s32 $0x280;
	v8 =	vand.u32 $0x79F, v9;
	v9 =	vand.u32 $0x7AF, v10;
	s15 =	sadd.s32 $0xFFFFFFFF, s31;
	[tilespmem:$0x2A0] =	vst v0  }
.LBB2_1:
0x24: {  	p0 =	sne.s32 s15, $0x1;
	s15 =	sadd.s32 $0xFFFFFFFF, s15;
	[tilespmem:$0x220] =	vst v1  }
0x25: {  	[tilespmem:$0x120] =	vst v9  }
0x26: {  	[tilespmem:$0x290] =	vst v0  }
0x27: {  	[tilespmem:$0x210] =	vst v1  }
0x28: {  	[tilespmem:$0x110] =	vst v8  }
0x29: {  	[tilespmem:$0x280] =	vst v0  }
0x2a: {  	[tilespmem:$0x100] =	vst v7  }
0x2b: {  	[tilespmem:$0x200] =	vst v1  }
0x2c: {  	[hbm4b:s2+s4] =	stream.indirect.scatter [tilespmem:s14], [sflag:$0x1], $0x1, s3, s4, $0xb8;
	[tilespmem:$0x300] =	vst v63  }
0x2d: {  	_ =	swait.ge [sflag:s11], $0x80  }
0x2e: {  	[sflag:s11] =	ssyncset.done $0x0  }
0x2f: {  	[sflag:s11] =	ssyncadd.s32 $0xFFFFFF80  }
0x30: {  	[hbm4b:s10+s4] =	stream.indirect.scatter [tilespmem:s5], [sflag:$0x1], $0x1, s3, s4, $0xb8;
	[tilespmem:$0x300] =	vst v63  }
0x31: {  	_ =	swait.ge [sflag:s11], $0x80  }
0x32: {  	[sflag:s11] =	ssyncset.done $0x0  }
0x33: {  	[sflag:s11] =	ssyncadd.s32 $0xFFFFFF80  }
0x34: {  	[hbm4b:s2+s4] =	stream.indirect.scatter [tilespmem:s13], [sflag:$0x1], $0x1, s4, s4, $0xb8;
	[tilespmem:$0x300] =	vst v63  }
0x35: {  	_ =	swait.ge [sflag:s11], $0x80  }
0x36: {  	[sflag:s11] =	ssyncset.done $0x0  }
0x37: {  	[sflag:s11] =	ssyncadd.s32 $0xFFFFFF80  }
0x38: {  	[hbm4b:s10+s4] =	stream.indirect.scatter [tilespmem:s12], [sflag:$0x1], $0x1, s4, s4, $0xb8;
	[tilespmem:$0x300] =	vst v63  }
0x39: {  	_ =	swait.ge [sflag:s11], $0x80  }
0x3a: {  	[sflag:s11] =	ssyncset.done $0x0  }
0x3b: {  	[sflag:s11] =	ssyncadd.s32 $0xFFFFFF80  }
0x3c: {  	[tilespmem:s3], [sflag:$0x2] =	stream.linear.gather [hbm4b:s6+s3], $0x80, $0x38;
	[tilespmem:$0x300] =	vst v63  }
0x3d: {  	_ =	swait.ge [sflag:s7], $0x80  }
0x3e: {  	[sflag:s7] =	ssyncset.done $0x0  }
0x3f: {  	[sflag:s7] =	ssyncadd.s32 $0xFFFFFF80  }
0x40: {  	[tilespmem:s4], [sflag:$0x2] =	stream.linear.gather [hbm4b:s8+s3], $0x80, $0x38;
	[tilespmem:$0x300] =	vst v63  }
0x41: {  	_ =	swait.ge [sflag:s7], $0x80  }
0x42: {  	[sflag:s7] =	ssyncset.done $0x0  }
0x43: {  	[sflag:s7] =	ssyncadd.s32 $0xFFFFFF80  }
0x44: {  	[tilespmem:s5], [sflag:$0x2] =	stream.linear.gather [hbm4b:s9+s3], $0x80, $0x38;
	[tilespmem:$0x300] =	vst v63  }
0x45: {  	_ =	swait.ge [sflag:s7], $0x80  }
0x46: {  	[sflag:s7] =	ssyncset.done $0x0  }
0x47: {  	[sflag:s7] =	ssyncadd.s32 $0xFFFFFF80  }
0x48: {  	[tilespmem:$0x2F0] =	vst v0  }
0x49: {  	[tilespmem:$0x270] =	vst v1  }
0x4a: {  	[tilespmem:$0x170] =	vst v2  }
0x4b: {  	[tilespmem:$0x2E0] =	vst v0  }
0x4c: {  	[tilespmem:$0x260] =	vst v1  }
0x4d: {  	[tilespmem:$0x160] =	vst v3  }
0x4e: {  	[tilespmem:$0x2D0] =	vst v0  }
0x4f: {  	[tilespmem:$0x250] =	vst v1  }
0x50: {  	[tilespmem:$0x150] =	vst v4  }
0x51: {  	[tilespmem:$0x2C0] =	vst v0  }
0x52: {  	[tilespmem:$0x240] =	vst v1  }
.Ltmp1:
0x53: {  	[tilespmem:$0x140] =	vst v5;
	(pc) =	sbr.rel @p0 .LBB2_1-.Ltmp1, $4  }
0x54: {  	[tilespmem:$0x2B0] =	vst v0  }
0x55: {  	[tilespmem:$0x230] =	vst v1  }
0x56: {  	[tilespmem:$0x130] =	vst v6  }
0x57: {  	[tilespmem:$0x2A0] =	vst v0  }
.LBB2_2:
0x58: {  	[tilespmem:$0x220] =	vst v1  }
0x59: {  	[tilespmem:$0x120] =	vst v9  }
0x5a: {  	[tilespmem:$0x290] =	vst v0  }
0x5b: {  	[tilespmem:$0x210] =	vst v1  }
0x5c: {  	[tilespmem:$0x110] =	vst v8  }
0x5d: {  	[tilespmem:$0x280] =	vst v0  }
0x5e: {  	[tilespmem:$0x100] =	vst v7  }
0x5f: {  	[tilespmem:$0x200] =	vst v1  }
0x60: {  	[hbm4b:s2+s4] =	stream.indirect.scatter [tilespmem:s14], [sflag:$0x1], $0x1, s3, s4, $0xb8;
	[tilespmem:$0x300] =	vst v63  }
0x61: {  	_ =	swait.ge [sflag:s11], $0x80  }
0x62: {  	[sflag:s11] =	ssyncset.done $0x0  }
0x63: {  	[sflag:s11] =	ssyncadd.s32 $0xFFFFFF80  }
0x64: {  	[hbm4b:s10+s4] =	stream.indirect.scatter [tilespmem:s5], [sflag:$0x1], $0x1, s3, s4, $0xb8;
	[tilespmem:$0x300] =	vst v63  }
0x65: {  	_ =	swait.ge [sflag:s11], $0x80  }
0x66: {  	[sflag:s11] =	ssyncset.done $0x0  }
0x67: {  	[sflag:s11] =	ssyncadd.s32 $0xFFFFFF80  }
0x68: {  	[hbm4b:s2+s4] =	stream.indirect.scatter [tilespmem:s13], [sflag:$0x1], $0x1, s4, s4, $0xb8;
	[tilespmem:$0x300] =	vst v63  }
0x69: {  	_ =	swait.ge [sflag:s11], $0x80  }
0x6a: {  	[sflag:s11] =	ssyncset.done $0x0  }
0x6b: {  	[sflag:s11] =	ssyncadd.s32 $0xFFFFFF80  }
0x6c: {  	[hbm4b:s10+s4] =	stream.indirect.scatter [tilespmem:s12], [sflag:$0x1], $0x1, s4, s4, $0xb8;
	[tilespmem:$0x300] =	vst v63  }
0x6d: {  	_ =	swait.ge [sflag:s11], $0x80  }
0x6e: {  	[sflag:s11] =	ssyncset.done $0x0  }
0x6f: {  	[sflag:s11] =	ssyncadd.s32 $0xFFFFFF80  }
0x70: {  	_ =	sfence.sel $0x180000  }
0x71: {  	[bflag:$0x0] =	sbarrier.arrive $0xFFFF  }
0x72: {  	p0 =	sne.s32 s0, $0x0;
	_ =	strace $0x90000047  }
0x73: {  	s0 =	sadd.s32 @!p0 $0x100000, s1;
	[bflag:$0x2] =	sbarrier.arrive $0xFFFF  }
0x74: {  	[sflag:s0] =	ssyncadd.tile.s32 @!p0 $0x1;
	_ =	shalt  }
.Lfunc_end2:
_tile_overlayer_lowered:
.L_overlay_start_2:
0x75: {  	(tag) =	ssettag $0x2  }
0x76: {  	s0 =	rddreg [dreg:$0x0];
	s2 =	stileid.u32  }
0x77: {  	s1 =	rddreg [dreg:$0x1];
	p0 =	sne.s32 s2, $0x0  }
0x78: {  	s3 =	rddreg [dreg:$0x2];
	[bflag:$0x3] =	sbarrier.arrive $0xFFFF;
	s2 =	simm.s32 @!p0 $0x1C02  }
0x79: {  	[timem:s3], [sflag:s2] =	dma.local @!p0 [hbm:s0], s1  }
0x7a: {  	s0 =	simm.s32 @!p0 $0x2  }
0x7b: {  	_ =	swait.ge @!p0 [sflag:s0], s1  }
0x7c: {  	s1 =	ssub.s32 @!p0 $0x0, s1;
	[sflag:s0] =	ssyncset.done @!p0 $0x0  }
0x7d: {  	[sflag:s0] =	ssyncadd.s32 @!p0 s1  }
0x7e: {  	[bflag:$0x3] =	sbarrier.arrive $0xFFFF  }
0x7f: {  	_ =	shalt  }

</sc_bundles>
